<compile_context>
chip_gen: v7x
topology: tpu7x:2x2x1
jax: 0.10.2.dev20260603
libtpu: 0.0.44.dev20260713+nightly
codegen_flags: <defaults>
</compile_context>

<pallas_src>
import functools

import jax
import jax.numpy as jnp
from jax import lax
from jax.experimental import pallas as pl
from jax.experimental.pallas import tpu as pltpu
from jax.experimental.pallas import tpu_sc as plsc

B = 1024
NBUF = 2


@functools.cache
def _sc_upsample():
    info = plsc.get_sparse_core_info()
    num_cores, num_subcores = info.num_cores, info.num_subcores
    num_workers = num_cores * num_subcores
    b_per_w = B // num_workers
    mesh = plsc.VectorSubcoreMesh(core_axis_name="c", subcore_axis_name="s")

    @functools.partial(
        pl.kernel,
        mesh=mesh,
        out_type=jax.ShapeDtypeStruct((B, 8, 6, 8, 128), jnp.float32),
        scratch_types=[
            [pltpu.VMEM((4, 6, 4, 128), jnp.float32) for _ in range(NBUF)],
            [pltpu.VMEM((4, 6, 8, 128), jnp.float32) for _ in range(NBUF)],
            [pltpu.SemaphoreType.DMA for _ in range(NBUF)],
            [pltpu.SemaphoreType.DMA for _ in range(NBUF)],
        ],
    )
    def upsample(in_hbm, out_hbm, in_bufs, st_bufs, in_sems, out_sems):
        wid = lax.axis_index("s") * num_cores + lax.axis_index("c")
        b0 = wid * b_per_w

        def in_copy(b, buf):
            return pltpu.make_async_copy(in_hbm.at[b], in_bufs[buf], in_sems[buf])

        def out_copies(b, buf):
            return [
                pltpu.make_async_copy(
                    st_bufs[buf].at[ip // 2],
                    out_hbm.at[b, ip],
                    out_sems[buf],
                )
                for ip in range(8)
            ]

        for buf in range(NBUF):
            in_copy(b0 + buf, buf).start()

        def body(k, carry):
            b = b0 + k * NBUF
            for buf in range(NBUF):
                in_copy(b + buf, buf).wait()

                @pl.when(k > 0)
                def _():
                    for cp in out_copies(b + buf - NBUF, buf):
                        cp.wait()

                @plsc.parallel_loop(0, 24, unroll=4)
                def _rows(r):
                    i = r // 6
                    ct = r % 6
                    for j in range(4):
                        for l in range(8):
                            v = in_bufs[buf][i, ct, j, pl.ds(l * 16, 16)]
                            st_bufs[buf][i, ct, 2 * j, pl.ds(l * 16, 16)] = v
                            st_bufs[buf][i, ct, 2 * j + 1, pl.ds(l * 16, 16)] = v

                for cp in out_copies(b + buf, buf):
                    cp.start()

                @pl.when(k < b_per_w // NBUF - 1)
                def _():
                    in_copy(b + buf + NBUF, buf).start()
            return carry

        lax.fori_loop(0, b_per_w // NBUF, body, 0)
        for buf in range(NBUF):
            for cp in out_copies(b0 + b_per_w - NBUF + buf, buf):
                cp.wait()

    return upsample


def kernel(arg0_1):
    x5 = arg0_1.reshape(B, 6, 128, 4, 4).transpose(0, 3, 1, 4, 2)
    o5 = _sc_upsample()(x5)
    out = o5.transpose(0, 2, 4, 1, 3).reshape(B, 768, 8, 8)
    return (out,)

# --- scband reference (transcript-rebuilt; emitter-appended) ---
"""Pipeline reference for scband-repro-30623116820491 (READ-ONLY COPY).

The authoritative reference and input builder live on the scoring server;
editing this copy changes nothing except your own understanding.
"""

import jax, jax.numpy as jnp
import numpy as np


def _nn_idx(n):
    # faithful to the traced graph: iota -> f64 -> *1 +0 -> f32 -> +0.0 -> *0.5 -> int
    i = jnp.arange(n)
    idx = ((i.astype(jnp.float32) * 1.0 + 0.0) + 0.0) * 0.5
    return idx.astype(jnp.int32)


def setup_inputs(seed: int = 0) -> dict:
    key = jax.random.key(seed)
    arg0_1 = jax.random.normal(key, (1024, 768, 4, 4), dtype=jnp.float32)
    return {"arg0_1": arg0_1}


def reference(arg0_1):
    row = _nn_idx(8)
    col = _nn_idx(8)
    # torch.ops.aten._unsafe_index with [None, None, row[:, None], col]
    out = arg0_1[:, :, row[:, None], col[None, :]]
    return (out,)

if __name__ == "__main__":
    import jax
    _d = setup_inputs()
    print(jax.jit(kernel)(*tuple(_d.values())))

</pallas_src>

<mosaic_0001>
#map = affine_map<(d0, d1) -> (0, 0, 0, 0, 0)>
module attributes {stable_mosaic.version = 14 : i64} {
  func.func @upsample(%arg0: i32, %arg1: i32, %arg2: memref<1024x4x6x4x128xf32, #tpu.memory_space<hbm>>, %arg3: memref<1024x8x6x8x128xf32, #tpu.memory_space<hbm>>, %arg4: memref<4x6x4x128xf32, #tpu.memory_space<vmem>>, %arg5: memref<4x6x4x128xf32, #tpu.memory_space<vmem>>, %arg6: memref<4x6x8x128xf32, #tpu.memory_space<vmem>>, %arg7: memref<4x6x8x128xf32, #tpu.memory_space<vmem>>, %arg8: memref<!tpu.dma_semaphore, #tpu.memory_space<semaphore_mem>>, %arg9: memref<!tpu.dma_semaphore, #tpu.memory_space<semaphore_mem>>, %arg10: memref<!tpu.dma_semaphore, #tpu.memory_space<semaphore_mem>>, %arg11: memref<!tpu.dma_semaphore, #tpu.memory_space<semaphore_mem>>) attributes {dimension_semantics = [#tpu.dimension_semantics<core_parallel>, #tpu.dimension_semantics<subcore_parallel>], iteration_bounds = array<i64: 2, 16>, scalar_prefetch = 0 : i64, scratch_operands = 8 : i64, tpu.core_type = #tpu.core_type<sc_vector_subcore>, window_params = [{transform_indices = #map}, {transform_indices = #map}]} {
    %mul3A = arith.constant 2 : i32
    %mul3A_0 = arith.muli %arg1, %mul3A : i32
    %add3A = arith.addi %mul3A_0, %arg0 : i32
    %mul3A_1 = arith.constant 32 : i32
    %mul3A_2 = arith.muli %add3A, %mul3A_1 : i32
    %add3A_3 = arith.constant 0 : i32
    %add3A_4 = arith.addi %mul3A_2, %add3A_3 : i32
    %dma_start3A = arith.constant 0 : i32
    %dma_start3A_5 = arith.constant 0 : i32
    %dma_start3A_6 = arith.constant 0 : i32
    %dma_start3A_7 = arith.constant 0 : i32
    %dma_start3A_8 = tpu.memref_slice %arg2[%add3A_4, %dma_start3A, %dma_start3A_5, %dma_start3A_6, %dma_start3A_7] : memref<1024x4x6x4x128xf32, #tpu.memory_space<hbm>> -> memref<1x4x6x4x128xf32, #tpu.memory_space<hbm>>
    %dma_start3A_9 = tpu.memref_squeeze %dma_start3A_8 : memref<1x4x6x4x128xf32, #tpu.memory_space<hbm>> -> memref<4x6x4x128xf32, #tpu.memory_space<hbm>>
    %dma_start3A_10 = arith.constant 0 : i32
    %dma_start3A_11 = arith.constant 0 : i32
    %dma_start3A_12 = arith.constant 0 : i32
    %dma_start3A_13 = arith.constant 0 : i32
    %dma_start3A_14 = tpu.memref_slice %arg2[%add3A_4, %dma_start3A_10, %dma_start3A_11, %dma_start3A_12, %dma_start3A_13] : memref<1024x4x6x4x128xf32, #tpu.memory_space<hbm>> -> memref<1x4x6x4x128xf32, #tpu.memory_space<hbm>>
    %dma_start3A_15 = tpu.memref_squeeze %dma_start3A_14 : memref<1x4x6x4x128xf32, #tpu.memory_space<hbm>> -> memref<4x6x4x128xf32, #tpu.memory_space<hbm>>
    tpu.enqueue_dma source(%dma_start3A_15 : memref<4x6x4x128xf32, #tpu.memory_space<hbm>>) target(%arg4 : memref<4x6x4x128xf32, #tpu.memory_space<vmem>>) target_semaphore(%arg8 : memref<!tpu.dma_semaphore, #tpu.memory_space<semaphore_mem>>)
    %add3A_16 = arith.constant 1 : i32
    %add3A_17 = arith.addi %mul3A_2, %add3A_16 : i32
    %dma_start3A_18 = arith.constant 0 : i32
    %dma_start3A_19 = arith.constant 0 : i32
    %dma_start3A_20 = arith.constant 0 : i32
    %dma_start3A_21 = arith.constant 0 : i32
    %dma_start3A_22 = tpu.memref_slice %arg2[%add3A_17, %dma_start3A_18, %dma_start3A_19, %dma_start3A_20, %dma_start3A_21] : memref<1024x4x6x4x128xf32, #tpu.memory_space<hbm>> -> memref<1x4x6x4x128xf32, #tpu.memory_space<hbm>>
    %dma_start3A_23 = tpu.memref_squeeze %dma_start3A_22 : memref<1x4x6x4x128xf32, #tpu.memory_space<hbm>> -> memref<4x6x4x128xf32, #tpu.memory_space<hbm>>
    %dma_start3A_24 = arith.constant 0 : i32
    %dma_start3A_25 = arith.constant 0 : i32
    %dma_start3A_26 = arith.constant 0 : i32
    %dma_start3A_27 = arith.constant 0 : i32
    %dma_start3A_28 = tpu.memref_slice %arg2[%add3A_17, %dma_start3A_24, %dma_start3A_25, %dma_start3A_26, %dma_start3A_27] : memref<1024x4x6x4x128xf32, #tpu.memory_space<hbm>> -> memref<1x4x6x4x128xf32, #tpu.memory_space<hbm>>
    %dma_start3A_29 = tpu.memref_squeeze %dma_start3A_28 : memref<1x4x6x4x128xf32, #tpu.memory_space<hbm>> -> memref<4x6x4x128xf32, #tpu.memory_space<hbm>>
    tpu.enqueue_dma source(%dma_start3A_29 : memref<4x6x4x128xf32, #tpu.memory_space<hbm>>) target(%arg5 : memref<4x6x4x128xf32, #tpu.memory_space<vmem>>) target_semaphore(%arg9 : memref<!tpu.dma_semaphore, #tpu.memory_space<semaphore_mem>>)
    %scan3A = arith.constant 0 : i32
    %scan3A_30 = arith.constant 0 : i32
    %scan3A_31 = arith.constant 16 : i32
    %scan3A_32 = arith.addi %scan3A_30, %scan3A_31 : i32
    %scan3A_33 = arith.constant 1 : i32
    scf.for %scan3A_397 = %scan3A_30 to %scan3A_32 step %scan3A_33  : i32 {
      %mul3A_398 = arith.constant 2 : i32
      %mul3A_399 = arith.muli %scan3A_397, %mul3A_398 : i32
      %add3A_400 = arith.addi %mul3A_2, %mul3A_399 : i32
      %add3A_401 = arith.constant 0 : i32
      %add3A_402 = arith.addi %add3A_400, %add3A_401 : i32
      %dma_wait3A_403 = arith.constant 0 : i32
      %dma_wait3A_404 = arith.constant 0 : i32
      %dma_wait3A_405 = arith.constant 0 : i32
      %dma_wait3A_406 = arith.constant 0 : i32
      %dma_wait3A_407 = tpu.memref_slice %arg2[%add3A_402, %dma_wait3A_403, %dma_wait3A_404, %dma_wait3A_405, %dma_wait3A_406] : memref<1024x4x6x4x128xf32, #tpu.memory_space<hbm>> -> memref<1x4x6x4x128xf32, #tpu.memory_space<hbm>>
      %dma_wait3A_408 = tpu.memref_squeeze %dma_wait3A_407 : memref<1x4x6x4x128xf32, #tpu.memory_space<hbm>> -> memref<4x6x4x128xf32, #tpu.memory_space<hbm>>
      %dma_wait3A_409 = arith.constant 0 : i32
      %dma_wait3A_410 = arith.constant 0 : i32
      %dma_wait3A_411 = arith.constant 0 : i32
      %dma_wait3A_412 = arith.constant 0 : i32
      %dma_wait3A_413 = tpu.memref_slice %arg2[%add3A_402, %dma_wait3A_409, %dma_wait3A_410, %dma_wait3A_411, %dma_wait3A_412] : memref<1024x4x6x4x128xf32, #tpu.memory_space<hbm>> -> memref<1x4x6x4x128xf32, #tpu.memory_space<hbm>>
      %dma_wait3A_414 = tpu.memref_squeeze %dma_wait3A_413 : memref<1x4x6x4x128xf32, #tpu.memory_space<hbm>> -> memref<4x6x4x128xf32, #tpu.memory_space<hbm>>
      tpu.wait_dma2 semaphore(%arg8 : memref<!tpu.dma_semaphore, #tpu.memory_space<semaphore_mem>>) src(%dma_wait3A_414 : memref<4x6x4x128xf32, #tpu.memory_space<hbm>>) dst(%arg4 : memref<4x6x4x128xf32, #tpu.memory_space<vmem>>)
      %gt3A = arith.constant 0 : i32
      %gt3A_415 = arith.cmpi sgt, %scan3A_397, %gt3A : i32
      %convert_element_type3A = arith.extui %gt3A_415 : i1 to i32
      %cond3A = arith.constant 0 : i32
      %cond3A_416 = arith.cmpi ne, %convert_element_type3A, %cond3A : i32
      scf.if %cond3A_416 {
        %add3A_806 = arith.constant 0 : i32
        %add3A_807 = arith.addi %add3A_400, %add3A_806 : i32
        %sub3A_808 = arith.constant 2 : i32
        %sub3A_809 = arith.subi %add3A_807, %sub3A_808 : i32
        %dma_wait3A_810 = arith.constant 0 : i32
        %dma_wait3A_811 = arith.constant 0 : i32
        %dma_wait3A_812 = arith.constant 0 : i32
        %dma_wait3A_813 = arith.constant 0 : i32
        %dma_wait3A_814 = arith.constant 0 : i32
        %dma_wait3A_815 = tpu.memref_slice %arg6[%dma_wait3A_810, %dma_wait3A_812, %dma_wait3A_813, %dma_wait3A_814] : memref<4x6x8x128xf32, #tpu.memory_space<vmem>> -> memref<1x6x8x128xf32, #tpu.memory_space<vmem>>
        %dma_wait3A_816 = tpu.memref_squeeze %dma_wait3A_815 : memref<1x6x8x128xf32, #tpu.memory_space<vmem>> -> memref<6x8x128xf32, #tpu.memory_space<vmem>>
        %dma_wait3A_817 = arith.constant 0 : i32
        %dma_wait3A_818 = arith.constant 0 : i32
        %dma_wait3A_819 = arith.constant 0 : i32
        %dma_wait3A_820 = tpu.memref_slice %arg3[%sub3A_809, %dma_wait3A_811, %dma_wait3A_817, %dma_wait3A_818, %dma_wait3A_819] : memref<1024x8x6x8x128xf32, #tpu.memory_space<hbm>> -> memref<1x1x6x8x128xf32, #tpu.memory_space<hbm>>
        %dma_wait3A_821 = tpu.memref_squeeze %dma_wait3A_820 : memref<1x1x6x8x128xf32, #tpu.memory_space<hbm>> -> memref<6x8x128xf32, #tpu.memory_space<hbm>>
        %dma_wait3A_822 = arith.constant 0 : i32
        %dma_wait3A_823 = arith.constant 0 : i32
        %dma_wait3A_824 = arith.constant 0 : i32
        %dma_wait3A_825 = tpu.memref_slice %arg3[%sub3A_809, %dma_wait3A_811, %dma_wait3A_822, %dma_wait3A_823, %dma_wait3A_824] : memref<1024x8x6x8x128xf32, #tpu.memory_space<hbm>> -> memref<1x1x6x8x128xf32, #tpu.memory_space<hbm>>
        %dma_wait3A_826 = tpu.memref_squeeze %dma_wait3A_825 : memref<1x1x6x8x128xf32, #tpu.memory_space<hbm>> -> memref<6x8x128xf32, #tpu.memory_space<hbm>>
        %dma_wait3A_827 = arith.constant 0 : i32
        %dma_wait3A_828 = arith.constant 0 : i32
        %dma_wait3A_829 = arith.constant 0 : i32
        %dma_wait3A_830 = tpu.memref_slice %arg6[%dma_wait3A_810, %dma_wait3A_827, %dma_wait3A_828, %dma_wait3A_829] : memref<4x6x8x128xf32, #tpu.memory_space<vmem>> -> memref<1x6x8x128xf32, #tpu.memory_space<vmem>>
        %dma_wait3A_831 = tpu.memref_squeeze %dma_wait3A_830 : memref<1x6x8x128xf32, #tpu.memory_space<vmem>> -> memref<6x8x128xf32, #tpu.memory_space<vmem>>
        tpu.wait_dma2 semaphore(%arg10 : memref<!tpu.dma_semaphore, #tpu.memory_space<semaphore_mem>>) src(%dma_wait3A_831 : memref<6x8x128xf32, #tpu.memory_space<vmem>>) dst(%dma_wait3A_826 : memref<6x8x128xf32, #tpu.memory_space<hbm>>)
        %dma_wait3A_832 = arith.constant 0 : i32
        %dma_wait3A_833 = arith.constant 1 : i32
        %dma_wait3A_834 = arith.constant 0 : i32
        %dma_wait3A_835 = arith.constant 0 : i32
        %dma_wait3A_836 = arith.constant 0 : i32
        %dma_wait3A_837 = tpu.memref_slice %arg6[%dma_wait3A_832, %dma_wait3A_834, %dma_wait3A_835, %dma_wait3A_836] : memref<4x6x8x128xf32, #tpu.memory_space<vmem>> -> memref<1x6x8x128xf32, #tpu.memory_space<vmem>>
        %dma_wait3A_838 = tpu.memref_squeeze %dma_wait3A_837 : memref<1x6x8x128xf32, #tpu.memory_space<vmem>> -> memref<6x8x128xf32, #tpu.memory_space<vmem>>
        %dma_wait3A_839 = arith.constant 0 : i32
        %dma_wait3A_840 = arith.constant 0 : i32
        %dma_wait3A_841 = arith.constant 0 : i32
        %dma_wait3A_842 = tpu.memref_slice %arg3[%sub3A_809, %dma_wait3A_833, %dma_wait3A_839, %dma_wait3A_840, %dma_wait3A_841] : memref<1024x8x6x8x128xf32, #tpu.memory_space<hbm>> -> memref<1x1x6x8x128xf32, #tpu.memory_space<hbm>>
        %dma_wait3A_843 = tpu.memref_squeeze %dma_wait3A_842 : memref<1x1x6x8x128xf32, #tpu.memory_space<hbm>> -> memref<6x8x128xf32, #tpu.memory_space<hbm>>
        %dma_wait3A_844 = arith.constant 0 : i32
        %dma_wait3A_845 = arith.constant 0 : i32
        %dma_wait3A_846 = arith.constant 0 : i32
        %dma_wait3A_847 = tpu.memref_slice %arg3[%sub3A_809, %dma_wait3A_833, %dma_wait3A_844, %dma_wait3A_845, %dma_wait3A_846] : memref<1024x8x6x8x128xf32, #tpu.memory_space<hbm>> -> memref<1x1x6x8x128xf32, #tpu.memory_space<hbm>>
        %dma_wait3A_848 = tpu.memref_squeeze %dma_wait3A_847 : memref<1x1x6x8x128xf32, #tpu.memory_space<hbm>> -> memref<6x8x128xf32, #tpu.memory_space<hbm>>
        %dma_wait3A_849 = arith.constant 0 : i32
        %dma_wait3A_850 = arith.constant 0 : i32
        %dma_wait3A_851 = arith.constant 0 : i32
        %dma_wait3A_852 = tpu.memref_slice %arg6[%dma_wait3A_832, %dma_wait3A_849, %dma_wait3A_850, %dma_wait3A_851] : memref<4x6x8x128xf32, #tpu.memory_space<vmem>> -> memref<1x6x8x128xf32, #tpu.memory_space<vmem>>
        %dma_wait3A_853 = tpu.memref_squeeze %dma_wait3A_852 : memref<1x6x8x128xf32, #tpu.memory_space<vmem>> -> memref<6x8x128xf32, #tpu.memory_space<vmem>>
        tpu.wait_dma2 semaphore(%arg10 : memref<!tpu.dma_semaphore, #tpu.memory_space<semaphore_mem>>) src(%dma_wait3A_853 : memref<6x8x128xf32, #tpu.memory_space<vmem>>) dst(%dma_wait3A_848 : memref<6x8x128xf32, #tpu.memory_space<hbm>>)
        %dma_wait3A_854 = arith.constant 1 : i32
        %dma_wait3A_855 = arith.constant 2 : i32
        %dma_wait3A_856 = arith.constant 0 : i32
        %dma_wait3A_857 = arith.constant 0 : i32
        %dma_wait3A_858 = arith.constant 0 : i32
        %dma_wait3A_859 = tpu.memref_slice %arg6[%dma_wait3A_854, %dma_wait3A_856, %dma_wait3A_857, %dma_wait3A_858] : memref<4x6x8x128xf32, #tpu.memory_space<vmem>> -> memref<1x6x8x128xf32, #tpu.memory_space<vmem>>
        %dma_wait3A_860 = tpu.memref_squeeze %dma_wait3A_859 : memref<1x6x8x128xf32, #tpu.memory_space<vmem>> -> memref<6x8x128xf32, #tpu.memory_space<vmem>>
        %dma_wait3A_861 = arith.constant 0 : i32
        %dma_wait3A_862 = arith.constant 0 : i32
        %dma_wait3A_863 = arith.constant 0 : i32
        %dma_wait3A_864 = tpu.memref_slice %arg3[%sub3A_809, %dma_wait3A_855, %dma_wait3A_861, %dma_wait3A_862, %dma_wait3A_863] : memref<1024x8x6x8x128xf32, #tpu.memory_space<hbm>> -> memref<1x1x6x8x128xf32, #tpu.memory_space<hbm>>
        %dma_wait3A_865 = tpu.memref_squeeze %dma_wait3A_864 : memref<1x1x6x8x128xf32, #tpu.memory_space<hbm>> -> memref<6x8x128xf32, #tpu.memory_space<hbm>>
        %dma_wait3A_866 = arith.constant 0 : i32
        %dma_wait3A_867 = arith.constant 0 : i32
        %dma_wait3A_868 = arith.constant 0 : i32
        %dma_wait3A_869 = tpu.memref_slice %arg3[%sub3A_809, %dma_wait3A_855, %dma_wait3A_866, %dma_wait3A_867, %dma_wait3A_868] : memref<1024x8x6x8x128xf32, #tpu.memory_space<hbm>> -> memref<1x1x6x8x128xf32, #tpu.memory_space<hbm>>
        %dma_wait3A_870 = tpu.memref_squeeze %dma_wait3A_869 : memref<1x1x6x8x128xf32, #tpu.memory_space<hbm>> -> memref<6x8x128xf32, #tpu.memory_space<hbm>>
        %dma_wait3A_871 = arith.constant 0 : i32
        %dma_wait3A_872 = arith.constant 0 : i32
        %dma_wait3A_873 = arith.constant 0 : i32
        %dma_wait3A_874 = tpu.memref_slice %arg6[%dma_wait3A_854, %dma_wait3A_871, %dma_wait3A_872, %dma_wait3A_873] : memref<4x6x8x128xf32, #tpu.memory_space<vmem>> -> memref<1x6x8x128xf32, #tpu.memory_space<vmem>>
        %dma_wait3A_875 = tpu.memref_squeeze %dma_wait3A_874 : memref<1x6x8x128xf32, #tpu.memory_space<vmem>> -> memref<6x8x128xf32, #tpu.memory_space<vmem>>
        tpu.wait_dma2 semaphore(%arg10 : memref<!tpu.dma_semaphore, #tpu.memory_space<semaphore_mem>>) src(%dma_wait3A_875 : memref<6x8x128xf32, #tpu.memory_space<vmem>>) dst(%dma_wait3A_870 : memref<6x8x128xf32, #tpu.memory_space<hbm>>)
        %dma_wait3A_876 = arith.constant 1 : i32
        %dma_wait3A_877 = arith.constant 3 : i32
        %dma_wait3A_878 = arith.constant 0 : i32
        %dma_wait3A_879 = arith.constant 0 : i32
        %dma_wait3A_880 = arith.constant 0 : i32
        %dma_wait3A_881 = tpu.memref_slice %arg6[%dma_wait3A_876, %dma_wait3A_878, %dma_wait3A_879, %dma_wait3A_880] : memref<4x6x8x128xf32, #tpu.memory_space<vmem>> -> memref<1x6x8x128xf32, #tpu.memory_space<vmem>>
        %dma_wait3A_882 = tpu.memref_squeeze %dma_wait3A_881 : memref<1x6x8x128xf32, #tpu.memory_space<vmem>> -> memref<6x8x128xf32, #tpu.memory_space<vmem>>
        %dma_wait3A_883 = arith.constant 0 : i32
        %dma_wait3A_884 = arith.constant 0 : i32
        %dma_wait3A_885 = arith.constant 0 : i32
        %dma_wait3A_886 = tpu.memref_slice %arg3[%sub3A_809, %dma_wait3A_877, %dma_wait3A_883, %dma_wait3A_884, %dma_wait3A_885] : memref<1024x8x6x8x128xf32, #tpu.memory_space<hbm>> -> memref<1x1x6x8x128xf32, #tpu.memory_space<hbm>>
        %dma_wait3A_887 = tpu.memref_squeeze %dma_wait3A_886 : memref<1x1x6x8x128xf32, #tpu.memory_space<hbm>> -> memref<6x8x128xf32, #tpu.memory_space<hbm>>
        %dma_wait3A_888 = arith.constant 0 : i32
        %dma_wait3A_889 = arith.constant 0 : i32
        %dma_wait3A_890 = arith.constant 0 : i32
        %dma_wait3A_891 = tpu.memref_slice %arg3[%sub3A_809, %dma_wait3A_877, %dma_wait3A_888, %dma_wait3A_889, %dma_wait3A_890] : memref<1024x8x6x8x128xf32, #tpu.memory_space<hbm>> -> memref<1x1x6x8x128xf32, #tpu.memory_space<hbm>>
        %dma_wait3A_892 = tpu.memref_squeeze %dma_wait3A_891 : memref<1x1x6x8x128xf32, #tpu.memory_space<hbm>> -> memref<6x8x128xf32, #tpu.memory_space<hbm>>
        %dma_wait3A_893 = arith.constant 0 : i32
        %dma_wait3A_894 = arith.constant 0 : i32
        %dma_wait3A_895 = arith.constant 0 : i32
        %dma_wait3A_896 = tpu.memref_slice %arg6[%dma_wait3A_876, %dma_wait3A_893, %dma_wait3A_894, %dma_wait3A_895] : memref<4x6x8x128xf32, #tpu.memory_space<vmem>> -> memref<1x6x8x128xf32, #tpu.memory_space<vmem>>
        %dma_wait3A_897 = tpu.memref_squeeze %dma_wait3A_896 : memref<1x6x8x128xf32, #tpu.memory_space<vmem>> -> memref<6x8x128xf32, #tpu.memory_space<vmem>>
        tpu.wait_dma2 semaphore(%arg10 : memref<!tpu.dma_semaphore, #tpu.memory_space<semaphore_mem>>) src(%dma_wait3A_897 : memref<6x8x128xf32, #tpu.memory_space<vmem>>) dst(%dma_wait3A_892 : memref<6x8x128xf32, #tpu.memory_space<hbm>>)
        %dma_wait3A_898 = arith.constant 2 : i32
        %dma_wait3A_899 = arith.constant 4 : i32
        %dma_wait3A_900 = arith.constant 0 : i32
        %dma_wait3A_901 = arith.constant 0 : i32
        %dma_wait3A_902 = arith.constant 0 : i32
        %dma_wait3A_903 = tpu.memref_slice %arg6[%dma_wait3A_898, %dma_wait3A_900, %dma_wait3A_901, %dma_wait3A_902] : memref<4x6x8x128xf32, #tpu.memory_space<vmem>> -> memref<1x6x8x128xf32, #tpu.memory_space<vmem>>
        %dma_wait3A_904 = tpu.memref_squeeze %dma_wait3A_903 : memref<1x6x8x128xf32, #tpu.memory_space<vmem>> -> memref<6x8x128xf32, #tpu.memory_space<vmem>>
        %dma_wait3A_905 = arith.constant 0 : i32
        %dma_wait3A_906 = arith.constant 0 : i32
        %dma_wait3A_907 = arith.constant 0 : i32
        %dma_wait3A_908 = tpu.memref_slice %arg3[%sub3A_809, %dma_wait3A_899, %dma_wait3A_905, %dma_wait3A_906, %dma_wait3A_907] : memref<1024x8x6x8x128xf32, #tpu.memory_space<hbm>> -> memref<1x1x6x8x128xf32, #tpu.memory_space<hbm>>
        %dma_wait3A_909 = tpu.memref_squeeze %dma_wait3A_908 : memref<1x1x6x8x128xf32, #tpu.memory_space<hbm>> -> memref<6x8x128xf32, #tpu.memory_space<hbm>>
        %dma_wait3A_910 = arith.constant 0 : i32
        %dma_wait3A_911 = arith.constant 0 : i32
        %dma_wait3A_912 = arith.constant 0 : i32
        %dma_wait3A_913 = tpu.memref_slice %arg3[%sub3A_809, %dma_wait3A_899, %dma_wait3A_910, %dma_wait3A_911, %dma_wait3A_912] : memref<1024x8x6x8x128xf32, #tpu.memory_space<hbm>> -> memref<1x1x6x8x128xf32, #tpu.memory_space<hbm>>
        %dma_wait3A_914 = tpu.memref_squeeze %dma_wait3A_913 : memref<1x1x6x8x128xf32, #tpu.memory_space<hbm>> -> memref<6x8x128xf32, #tpu.memory_space<hbm>>
        %dma_wait3A_915 = arith.constant 0 : i32
        %dma_wait3A_916 = arith.constant 0 : i32
        %dma_wait3A_917 = arith.constant 0 : i32
        %dma_wait3A_918 = tpu.memref_slice %arg6[%dma_wait3A_898, %dma_wait3A_915, %dma_wait3A_916, %dma_wait3A_917] : memref<4x6x8x128xf32, #tpu.memory_space<vmem>> -> memref<1x6x8x128xf32, #tpu.memory_space<vmem>>
        %dma_wait3A_919 = tpu.memref_squeeze %dma_wait3A_918 : memref<1x6x8x128xf32, #tpu.memory_space<vmem>> -> memref<6x8x128xf32, #tpu.memory_space<vmem>>
        tpu.wait_dma2 semaphore(%arg10 : memref<!tpu.dma_semaphore, #tpu.memory_space<semaphore_mem>>) src(%dma_wait3A_919 : memref<6x8x128xf32, #tpu.memory_space<vmem>>) dst(%dma_wait3A_914 : memref<6x8x128xf32, #tpu.memory_space<hbm>>)
        %dma_wait3A_920 = arith.constant 2 : i32
        %dma_wait3A_921 = arith.constant 5 : i32
        %dma_wait3A_922 = arith.constant 0 : i32
        %dma_wait3A_923 = arith.constant 0 : i32
        %dma_wait3A_924 = arith.constant 0 : i32
        %dma_wait3A_925 = tpu.memref_slice %arg6[%dma_wait3A_920, %dma_wait3A_922, %dma_wait3A_923, %dma_wait3A_924] : memref<4x6x8x128xf32, #tpu.memory_space<vmem>> -> memref<1x6x8x128xf32, #tpu.memory_space<vmem>>
        %dma_wait3A_926 = tpu.memref_squeeze %dma_wait3A_925 : memref<1x6x8x128xf32, #tpu.memory_space<vmem>> -> memref<6x8x128xf32, #tpu.memory_space<vmem>>
        %dma_wait3A_927 = arith.constant 0 : i32
        %dma_wait3A_928 = arith.constant 0 : i32
        %dma_wait3A_929 = arith.constant 0 : i32
        %dma_wait3A_930 = tpu.memref_slice %arg3[%sub3A_809, %dma_wait3A_921, %dma_wait3A_927, %dma_wait3A_928, %dma_wait3A_929] : memref<1024x8x6x8x128xf32, #tpu.memory_space<hbm>> -> memref<1x1x6x8x128xf32, #tpu.memory_space<hbm>>
        %dma_wait3A_931 = tpu.memref_squeeze %dma_wait3A_930 : memref<1x1x6x8x128xf32, #tpu.memory_space<hbm>> -> memref<6x8x128xf32, #tpu.memory_space<hbm>>
        %dma_wait3A_932 = arith.constant 0 : i32
        %dma_wait3A_933 = arith.constant 0 : i32
        %dma_wait3A_934 = arith.constant 0 : i32
        %dma_wait3A_935 = tpu.memref_slice %arg3[%sub3A_809, %dma_wait3A_921, %dma_wait3A_932, %dma_wait3A_933, %dma_wait3A_934] : memref<1024x8x6x8x128xf32, #tpu.memory_space<hbm>> -> memref<1x1x6x8x128xf32, #tpu.memory_space<hbm>>
        %dma_wait3A_936 = tpu.memref_squeeze %dma_wait3A_935 : memref<1x1x6x8x128xf32, #tpu.memory_space<hbm>> -> memref<6x8x128xf32, #tpu.memory_space<hbm>>
        %dma_wait3A_937 = arith.constant 0 : i32
        %dma_wait3A_938 = arith.constant 0 : i32
        %dma_wait3A_939 = arith.constant 0 : i32
        %dma_wait3A_940 = tpu.memref_slice %arg6[%dma_wait3A_920, %dma_wait3A_937, %dma_wait3A_938, %dma_wait3A_939] : memref<4x6x8x128xf32, #tpu.memory_space<vmem>> -> memref<1x6x8x128xf32, #tpu.memory_space<vmem>>
        %dma_wait3A_941 = tpu.memref_squeeze %dma_wait3A_940 : memref<1x6x8x128xf32, #tpu.memory_space<vmem>> -> memref<6x8x128xf32, #tpu.memory_space<vmem>>
        tpu.wait_dma2 semaphore(%arg10 : memref<!tpu.dma_semaphore, #tpu.memory_space<semaphore_mem>>) src(%dma_wait3A_941 : memref<6x8x128xf32, #tpu.memory_space<vmem>>) dst(%dma_wait3A_936 : memref<6x8x128xf32, #tpu.memory_space<hbm>>)
        %dma_wait3A_942 = arith.constant 3 : i32
        %dma_wait3A_943 = arith.constant 6 : i32
        %dma_wait3A_944 = arith.constant 0 : i32
        %dma_wait3A_945 = arith.constant 0 : i32
        %dma_wait3A_946 = arith.constant 0 : i32
        %dma_wait3A_947 = tpu.memref_slice %arg6[%dma_wait3A_942, %dma_wait3A_944, %dma_wait3A_945, %dma_wait3A_946] : memref<4x6x8x128xf32, #tpu.memory_space<vmem>> -> memref<1x6x8x128xf32, #tpu.memory_space<vmem>>
        %dma_wait3A_948 = tpu.memref_squeeze %dma_wait3A_947 : memref<1x6x8x128xf32, #tpu.memory_space<vmem>> -> memref<6x8x128xf32, #tpu.memory_space<vmem>>
        %dma_wait3A_949 = arith.constant 0 : i32
        %dma_wait3A_950 = arith.constant 0 : i32
        %dma_wait3A_951 = arith.constant 0 : i32
        %dma_wait3A_952 = tpu.memref_slice %arg3[%sub3A_809, %dma_wait3A_943, %dma_wait3A_949, %dma_wait3A_950, %dma_wait3A_951] : memref<1024x8x6x8x128xf32, #tpu.memory_space<hbm>> -> memref<1x1x6x8x128xf32, #tpu.memory_space<hbm>>
        %dma_wait3A_953 = tpu.memref_squeeze %dma_wait3A_952 : memref<1x1x6x8x128xf32, #tpu.memory_space<hbm>> -> memref<6x8x128xf32, #tpu.memory_space<hbm>>
        %dma_wait3A_954 = arith.constant 0 : i32
        %dma_wait3A_955 = arith.constant 0 : i32
        %dma_wait3A_956 = arith.constant 0 : i32
        %dma_wait3A_957 = tpu.memref_slice %arg3[%sub3A_809, %dma_wait3A_943, %dma_wait3A_954, %dma_wait3A_955, %dma_wait3A_956] : memref<1024x8x6x8x128xf32, #tpu.memory_space<hbm>> -> memref<1x1x6x8x128xf32, #tpu.memory_space<hbm>>
        %dma_wait3A_958 = tpu.memref_squeeze %dma_wait3A_957 : memref<1x1x6x8x128xf32, #tpu.memory_space<hbm>> -> memref<6x8x128xf32, #tpu.memory_space<hbm>>
        %dma_wait3A_959 = arith.constant 0 : i32
        %dma_wait3A_960 = arith.constant 0 : i32
        %dma_wait3A_961 = arith.constant 0 : i32
        %dma_wait3A_962 = tpu.memref_slice %arg6[%dma_wait3A_942, %dma_wait3A_959, %dma_wait3A_960, %dma_wait3A_961] : memref<4x6x8x128xf32, #tpu.memory_space<vmem>> -> memref<1x6x8x128xf32, #tpu.memory_space<vmem>>
        %dma_wait3A_963 = tpu.memref_squeeze %dma_wait3A_962 : memref<1x6x8x128xf32, #tpu.memory_space<vmem>> -> memref<6x8x128xf32, #tpu.memory_space<vmem>>
        tpu.wait_dma2 semaphore(%arg10 : memref<!tpu.dma_semaphore, #tpu.memory_space<semaphore_mem>>) src(%dma_wait3A_963 : memref<6x8x128xf32, #tpu.memory_space<vmem>>) dst(%dma_wait3A_958 : memref<6x8x128xf32, #tpu.memory_space<hbm>>)
        %dma_wait3A_964 = arith.constant 3 : i32
        %dma_wait3A_965 = arith.constant 7 : i32
        %dma_wait3A_966 = arith.constant 0 : i32
        %dma_wait3A_967 = arith.constant 0 : i32
        %dma_wait3A_968 = arith.constant 0 : i32
        %dma_wait3A_969 = tpu.memref_slice %arg6[%dma_wait3A_964, %dma_wait3A_966, %dma_wait3A_967, %dma_wait3A_968] : memref<4x6x8x128xf32, #tpu.memory_space<vmem>> -> memref<1x6x8x128xf32, #tpu.memory_space<vmem>>
        %dma_wait3A_970 = tpu.memref_squeeze %dma_wait3A_969 : memref<1x6x8x128xf32, #tpu.memory_space<vmem>> -> memref<6x8x128xf32, #tpu.memory_space<vmem>>
        %dma_wait3A_971 = arith.constant 0 : i32
        %dma_wait3A_972 = arith.constant 0 : i32
        %dma_wait3A_973 = arith.constant 0 : i32
        %dma_wait3A_974 = tpu.memref_slice %arg3[%sub3A_809, %dma_wait3A_965, %dma_wait3A_971, %dma_wait3A_972, %dma_wait3A_973] : memref<1024x8x6x8x128xf32, #tpu.memory_space<hbm>> -> memref<1x1x6x8x128xf32, #tpu.memory_space<hbm>>
        %dma_wait3A_975 = tpu.memref_squeeze %dma_wait3A_974 : memref<1x1x6x8x128xf32, #tpu.memory_space<hbm>> -> memref<6x8x128xf32, #tpu.memory_space<hbm>>
        %dma_wait3A_976 = arith.constant 0 : i32
        %dma_wait3A_977 = arith.constant 0 : i32
        %dma_wait3A_978 = arith.constant 0 : i32
        %dma_wait3A_979 = tpu.memref_slice %arg3[%sub3A_809, %dma_wait3A_965, %dma_wait3A_976, %dma_wait3A_977, %dma_wait3A_978] : memref<1024x8x6x8x128xf32, #tpu.memory_space<hbm>> -> memref<1x1x6x8x128xf32, #tpu.memory_space<hbm>>
        %dma_wait3A_980 = tpu.memref_squeeze %dma_wait3A_979 : memref<1x1x6x8x128xf32, #tpu.memory_space<hbm>> -> memref<6x8x128xf32, #tpu.memory_space<hbm>>
        %dma_wait3A_981 = arith.constant 0 : i32
        %dma_wait3A_982 = arith.constant 0 : i32
        %dma_wait3A_983 = arith.constant 0 : i32
        %dma_wait3A_984 = tpu.memref_slice %arg6[%dma_wait3A_964, %dma_wait3A_981, %dma_wait3A_982, %dma_wait3A_983] : memref<4x6x8x128xf32, #tpu.memory_space<vmem>> -> memref<1x6x8x128xf32, #tpu.memory_space<vmem>>
        %dma_wait3A_985 = tpu.memref_squeeze %dma_wait3A_984 : memref<1x6x8x128xf32, #tpu.memory_space<vmem>> -> memref<6x8x128xf32, #tpu.memory_space<vmem>>
        tpu.wait_dma2 semaphore(%arg10 : memref<!tpu.dma_semaphore, #tpu.memory_space<semaphore_mem>>) src(%dma_wait3A_985 : memref<6x8x128xf32, #tpu.memory_space<vmem>>) dst(%dma_wait3A_980 : memref<6x8x128xf32, #tpu.memory_space<hbm>>)
      } else {
      }
      %parallel_loop3A = arith.constant 0 : i32
      %parallel_loop3A_417 = arith.constant 24 : i32
      %parallel_loop3A_418 = arith.constant 1 : i32
      scf.for %parallel_loop3A_806 = %parallel_loop3A to %parallel_loop3A_417 step %parallel_loop3A_418  : i32 {
        %parallel_loop3A_807 = arith.constant 6 : i32
        %parallel_loop3A_808 = arith.divsi %parallel_loop3A_806, %parallel_loop3A_807 : i32
        %parallel_loop3A_809 = arith.constant 0 : i32
        %parallel_loop3A_810 = arith.cmpi sgt, %parallel_loop3A_806, %parallel_loop3A_809 : i32
        %parallel_loop3A_811 = arith.extui %parallel_loop3A_810 : i1 to i32
        %parallel_loop3A_812 = arith.constant 0 : i32
        %parallel_loop3A_813 = arith.cmpi slt, %parallel_loop3A_806, %parallel_loop3A_812 : i32
        %parallel_loop3A_814 = arith.extui %parallel_loop3A_813 : i1 to i32
        %parallel_loop3A_815 = arith.subi %parallel_loop3A_811, %parallel_loop3A_814 : i32
        %parallel_loop3A_816 = arith.constant 0 : i32
        %parallel_loop3A_817 = arith.cmpi sgt, %parallel_loop3A_807, %parallel_loop3A_816 : i32
        %parallel_loop3A_818 = arith.extui %parallel_loop3A_817 : i1 to i32
        %parallel_loop3A_819 = arith.constant 0 : i32
        %parallel_loop3A_820 = arith.cmpi slt, %parallel_loop3A_807, %parallel_loop3A_819 : i32
        %parallel_loop3A_821 = arith.extui %parallel_loop3A_820 : i1 to i32
        %parallel_loop3A_822 = arith.subi %parallel_loop3A_818, %parallel_loop3A_821 : i32
        %parallel_loop3A_823 = arith.cmpi ne, %parallel_loop3A_815, %parallel_loop3A_822 : i32
        %parallel_loop3A_824 = arith.remsi %parallel_loop3A_806, %parallel_loop3A_807 : i32
        %parallel_loop3A_825 = arith.constant 0 : i32
        %parallel_loop3A_826 = arith.cmpi ne, %parallel_loop3A_824, %parallel_loop3A_825 : i32
        %parallel_loop3A_827 = arith.andi %parallel_loop3A_823, %parallel_loop3A_826 : i1
        %parallel_loop3A_828 = arith.constant 1 : i32
        %parallel_loop3A_829 = arith.subi %parallel_loop3A_808, %parallel_loop3A_828 : i32
        %parallel_loop3A_830 = arith.select %parallel_loop3A_827, %parallel_loop3A_829, %parallel_loop3A_808 : i32
        %parallel_loop3A_831 = arith.constant 6 : i32
        %parallel_loop3A_832 = arith.constant 0 : i32
        %parallel_loop3A_833 = arith.cmpi eq, %parallel_loop3A_831, %parallel_loop3A_832 : i32
        %parallel_loop3A_834 = arith.constant 1 : i32
        %parallel_loop3A_835 = arith.select %parallel_loop3A_833, %parallel_loop3A_834, %parallel_loop3A_831 : i32
        %parallel_loop3A_836 = arith.remsi %parallel_loop3A_806, %parallel_loop3A_835 : i32
        %parallel_loop3A_837 = arith.constant 0 : i32
        %parallel_loop3A_838 = arith.cmpi ne, %parallel_loop3A_836, %parallel_loop3A_837 : i32
        %parallel_loop3A_839 = arith.constant 0 : i32
        %parallel_loop3A_840 = arith.cmpi slt, %parallel_loop3A_836, %parallel_loop3A_839 : i32
        %parallel_loop3A_841 = arith.constant 0 : i32
        %parallel_loop3A_842 = arith.cmpi slt, %parallel_loop3A_835, %parallel_loop3A_841 : i32
        %parallel_loop3A_843 = arith.xori %parallel_loop3A_840, %parallel_loop3A_842 : i1
        %parallel_loop3A_844 = arith.andi %parallel_loop3A_843, %parallel_loop3A_838 : i1
        %parallel_loop3A_845 = arith.addi %parallel_loop3A_836, %parallel_loop3A_835 : i32
        %parallel_loop3A_846 = arith.select %parallel_loop3A_844, %parallel_loop3A_845, %parallel_loop3A_836 : i32
        %parallel_loop3A_847 = arith.constant 0 : i32
        %parallel_loop3A_848 = arith.index_cast %parallel_loop3A_830 : i32 to index
        %parallel_loop3A_849 = arith.index_cast %parallel_loop3A_846 : i32 to index
        %parallel_loop3A_850 = arith.index_cast %parallel_loop3A_847 : i32 to index
        %parallel_loop3A_851 = arith.constant 0 : index
        %parallel_loop3A_852 = tpu.vector_load %arg4[%parallel_loop3A_848, %parallel_loop3A_849, %parallel_loop3A_850, %parallel_loop3A_851] {strides = array<i32>} : memref<4x6x4x128xf32, #tpu.memory_space<vmem>>, vector<1x1x1x16xf32>,
        %parallel_loop3A_853 = vector.shape_cast %parallel_loop3A_852 : vector<1x1x1x16xf32> to vector<16xf32>
        %parallel_loop3A_854 = arith.constant 0 : i32
        %parallel_loop3A_855 = arith.index_cast %parallel_loop3A_830 : i32 to index
        %parallel_loop3A_856 = arith.index_cast %parallel_loop3A_846 : i32 to index
        %parallel_loop3A_857 = arith.index_cast %parallel_loop3A_854 : i32 to index
        %parallel_loop3A_858 = arith.constant 0 : index
        %parallel_loop3A_859 = tpu.vector_load %arg6[%parallel_loop3A_855, %parallel_loop3A_856, %parallel_loop3A_857, %parallel_loop3A_858] {strides = array<i32>} : memref<4x6x8x128xf32, #tpu.memory_space<vmem>>, vector<1x1x1x16xf32>,
        %parallel_loop3A_860 = vector.shape_cast %parallel_loop3A_859 : vector<1x1x1x16xf32> to vector<16xf32>
        %parallel_loop3A_861 = vector.shape_cast %parallel_loop3A_853 : vector<16xf32> to vector<1x1x1x16xf32>
        tpu.vector_store %arg6[%parallel_loop3A_855, %parallel_loop3A_856, %parallel_loop3A_857, %parallel_loop3A_858], %parallel_loop3A_861 {strides = array<i32>} : memref<4x6x8x128xf32, #tpu.memory_space<vmem>>, vector<1x1x1x16xf32>,
        %parallel_loop3A_862 = arith.constant 1 : i32
        %parallel_loop3A_863 = arith.index_cast %parallel_loop3A_830 : i32 to index
        %parallel_loop3A_864 = arith.index_cast %parallel_loop3A_846 : i32 to index
        %parallel_loop3A_865 = arith.index_cast %parallel_loop3A_862 : i32 to index
        %parallel_loop3A_866 = arith.constant 0 : index
        %parallel_loop3A_867 = tpu.vector_load %arg6[%parallel_loop3A_863, %parallel_loop3A_864, %parallel_loop3A_865, %parallel_loop3A_866] {strides = array<i32>} : memref<4x6x8x128xf32, #tpu.memory_space<vmem>>, vector<1x1x1x16xf32>,
        %parallel_loop3A_868 = vector.shape_cast %parallel_loop3A_867 : vector<1x1x1x16xf32> to vector<16xf32>
        %parallel_loop3A_869 = vector.shape_cast %parallel_loop3A_853 : vector<16xf32> to vector<1x1x1x16xf32>
        tpu.vector_store %arg6[%parallel_loop3A_863, %parallel_loop3A_864, %parallel_loop3A_865, %parallel_loop3A_866], %parallel_loop3A_869 {strides = array<i32>} : memref<4x6x8x128xf32, #tpu.memory_space<vmem>>, vector<1x1x1x16xf32>,
        %parallel_loop3A_870 = arith.constant 0 : i32
        %parallel_loop3A_871 = arith.index_cast %parallel_loop3A_830 : i32 to index
        %parallel_loop3A_872 = arith.index_cast %parallel_loop3A_846 : i32 to index
        %parallel_loop3A_873 = arith.index_cast %parallel_loop3A_870 : i32 to index
        %parallel_loop3A_874 = arith.constant 16 : index
        %parallel_loop3A_875 = tpu.vector_load %arg4[%parallel_loop3A_871, %parallel_loop3A_872, %parallel_loop3A_873, %parallel_loop3A_874] {strides = array<i32>} : memref<4x6x4x128xf32, #tpu.memory_space<vmem>>, vector<1x1x1x16xf32>,
        %parallel_loop3A_876 = vector.shape_cast %parallel_loop3A_875 : vector<1x1x1x16xf32> to vector<16xf32>
        %parallel_loop3A_877 = arith.constant 0 : i32
        %parallel_loop3A_878 = arith.index_cast %parallel_loop3A_830 : i32 to index
        %parallel_loop3A_879 = arith.index_cast %parallel_loop3A_846 : i32 to index
        %parallel_loop3A_880 = arith.index_cast %parallel_loop3A_877 : i32 to index
        %parallel_loop3A_881 = arith.constant 16 : index
        %parallel_loop3A_882 = tpu.vector_load %arg6[%parallel_loop3A_878, %parallel_loop3A_879, %parallel_loop3A_880, %parallel_loop3A_881] {strides = array<i32>} : memref<4x6x8x128xf32, #tpu.memory_space<vmem>>, vector<1x1x1x16xf32>,
        %parallel_loop3A_883 = vector.shape_cast %parallel_loop3A_882 : vector<1x1x1x16xf32> to vector<16xf32>
        %parallel_loop3A_884 = vector.shape_cast %parallel_loop3A_876 : vector<16xf32> to vector<1x1x1x16xf32>
        tpu.vector_store %arg6[%parallel_loop3A_878, %parallel_loop3A_879, %parallel_loop3A_880, %parallel_loop3A_881], %parallel_loop3A_884 {strides = array<i32>} : memref<4x6x8x128xf32, #tpu.memory_space<vmem>>, vector<1x1x1x16xf32>,
        %parallel_loop3A_885 = arith.constant 1 : i32
        %parallel_loop3A_886 = arith.index_cast %parallel_loop3A_830 : i32 to index
        %parallel_loop3A_887 = arith.index_cast %parallel_loop3A_846 : i32 to index
        %parallel_loop3A_888 = arith.index_cast %parallel_loop3A_885 : i32 to index
        %parallel_loop3A_889 = arith.constant 16 : index
        %parallel_loop3A_890 = tpu.vector_load %arg6[%parallel_loop3A_886, %parallel_loop3A_887, %parallel_loop3A_888, %parallel_loop3A_889] {strides = array<i32>} : memref<4x6x8x128xf32, #tpu.memory_space<vmem>>, vector<1x1x1x16xf32>,
        %parallel_loop3A_891 = vector.shape_cast %parallel_loop3A_890 : vector<1x1x1x16xf32> to vector<16xf32>
        %parallel_loop3A_892 = vector.shape_cast %parallel_loop3A_876 : vector<16xf32> to vector<1x1x1x16xf32>
        tpu.vector_store %arg6[%parallel_loop3A_886, %parallel_loop3A_887, %parallel_loop3A_888, %parallel_loop3A_889], %parallel_loop3A_892 {strides = array<i32>} : memref<4x6x8x128xf32, #tpu.memory_space<vmem>>, vector<1x1x1x16xf32>,
        %parallel_loop3A_893 = arith.constant 0 : i32
        %parallel_loop3A_894 = arith.index_cast %parallel_loop3A_830 : i32 to index
        %parallel_loop3A_895 = arith.index_cast %parallel_loop3A_846 : i32 to index
        %parallel_loop3A_896 = arith.index_cast %parallel_loop3A_893 : i32 to index
        %parallel_loop3A_897 = arith.constant 32 : index
        %parallel_loop3A_898 = tpu.vector_load %arg4[%parallel_loop3A_894, %parallel_loop3A_895, %parallel_loop3A_896, %parallel_loop3A_897] {strides = array<i32>} : memref<4x6x4x128xf32, #tpu.memory_space<vmem>>, vector<1x1x1x16xf32>,
        %parallel_loop3A_899 = vector.shape_cast %parallel_loop3A_898 : vector<1x1x1x16xf32> to vector<16xf32>
        %parallel_loop3A_900 = arith.constant 0 : i32
        %parallel_loop3A_901 = arith.index_cast %parallel_loop3A_830 : i32 to index
        %parallel_loop3A_902 = arith.index_cast %parallel_loop3A_846 : i32 to index
        %parallel_loop3A_903 = arith.index_cast %parallel_loop3A_900 : i32 to index
        %parallel_loop3A_904 = arith.constant 32 : index
        %parallel_loop3A_905 = tpu.vector_load %arg6[%parallel_loop3A_901, %parallel_loop3A_902, %parallel_loop3A_903, %parallel_loop3A_904] {strides = array<i32>} : memref<4x6x8x128xf32, #tpu.memory_space<vmem>>, vector<1x1x1x16xf32>,
        %parallel_loop3A_906 = vector.shape_cast %parallel_loop3A_905 : vector<1x1x1x16xf32> to vector<16xf32>
        %parallel_loop3A_907 = vector.shape_cast %parallel_loop3A_899 : vector<16xf32> to vector<1x1x1x16xf32>
        tpu.vector_store %arg6[%parallel_loop3A_901, %parallel_loop3A_902, %parallel_loop3A_903, %parallel_loop3A_904], %parallel_loop3A_907 {strides = array<i32>} : memref<4x6x8x128xf32, #tpu.memory_space<vmem>>, vector<1x1x1x16xf32>,
        %parallel_loop3A_908 = arith.constant 1 : i32
        %parallel_loop3A_909 = arith.index_cast %parallel_loop3A_830 : i32 to index
        %parallel_loop3A_910 = arith.index_cast %parallel_loop3A_846 : i32 to index
        %parallel_loop3A_911 = arith.index_cast %parallel_loop3A_908 : i32 to index
        %parallel_loop3A_912 = arith.constant 32 : index
        %parallel_loop3A_913 = tpu.vector_load %arg6[%parallel_loop3A_909, %parallel_loop3A_910, %parallel_loop3A_911, %parallel_loop3A_912] {strides = array<i32>} : memref<4x6x8x128xf32, #tpu.memory_space<vmem>>, vector<1x1x1x16xf32>,
        %parallel_loop3A_914 = vector.shape_cast %parallel_loop3A_913 : vector<1x1x1x16xf32> to vector<16xf32>
        %parallel_loop3A_915 = vector.shape_cast %parallel_loop3A_899 : vector<16xf32> to vector<1x1x1x16xf32>
        tpu.vector_store %arg6[%parallel_loop3A_909, %parallel_loop3A_910, %parallel_loop3A_911, %parallel_loop3A_912], %parallel_loop3A_915 {strides = array<i32>} : memref<4x6x8x128xf32, #tpu.memory_space<vmem>>, vector<1x1x1x16xf32>,
        %parallel_loop3A_916 = arith.constant 0 : i32
        %parallel_loop3A_917 = arith.index_cast %parallel_loop3A_830 : i32 to index
        %parallel_loop3A_918 = arith.index_cast %parallel_loop3A_846 : i32 to index
        %parallel_loop3A_919 = arith.index_cast %parallel_loop3A_916 : i32 to index
        %parallel_loop3A_920 = arith.constant 48 : index
        %parallel_loop3A_921 = tpu.vector_load %arg4[%parallel_loop3A_917, %parallel_loop3A_918, %parallel_loop3A_919, %parallel_loop3A_920] {strides = array<i32>} : memref<4x6x4x128xf32, #tpu.memory_space<vmem>>, vector<1x1x1x16xf32>,
        %parallel_loop3A_922 = vector.shape_cast %parallel_loop3A_921 : vector<1x1x1x16xf32> to vector<16xf32>
        %parallel_loop3A_923 = arith.constant 0 : i32
        %parallel_loop3A_924 = arith.index_cast %parallel_loop3A_830 : i32 to index
        %parallel_loop3A_925 = arith.index_cast %parallel_loop3A_846 : i32 to index
        %parallel_loop3A_926 = arith.index_cast %parallel_loop3A_923 : i32 to index
        %parallel_loop3A_927 = arith.constant 48 : index
        %parallel_loop3A_928 = tpu.vector_load %arg6[%parallel_loop3A_924, %parallel_loop3A_925, %parallel_loop3A_926, %parallel_loop3A_927] {strides = array<i32>} : memref<4x6x8x128xf32, #tpu.memory_space<vmem>>, vector<1x1x1x16xf32>,
        %parallel_loop3A_929 = vector.shape_cast %parallel_loop3A_928 : vector<1x1x1x16xf32> to vector<16xf32>
        %parallel_loop3A_930 = vector.shape_cast %parallel_loop3A_922 : vector<16xf32> to vector<1x1x1x16xf32>
        tpu.vector_store %arg6[%parallel_loop3A_924, %parallel_loop3A_925, %parallel_loop3A_926, %parallel_loop3A_927], %parallel_loop3A_930 {strides = array<i32>} : memref<4x6x8x128xf32, #tpu.memory_space<vmem>>, vector<1x1x1x16xf32>,
        %parallel_loop3A_931 = arith.constant 1 : i32
        %parallel_loop3A_932 = arith.index_cast %parallel_loop3A_830 : i32 to index
        %parallel_loop3A_933 = arith.index_cast %parallel_loop3A_846 : i32 to index
        %parallel_loop3A_934 = arith.index_cast %parallel_loop3A_931 : i32 to index
        %parallel_loop3A_935 = arith.constant 48 : index
        %parallel_loop3A_936 = tpu.vector_load %arg6[%parallel_loop3A_932, %parallel_loop3A_933, %parallel_loop3A_934, %parallel_loop3A_935] {strides = array<i32>} : memref<4x6x8x128xf32, #tpu.memory_space<vmem>>, vector<1x1x1x16xf32>,
        %parallel_loop3A_937 = vector.shape_cast %parallel_loop3A_936 : vector<1x1x1x16xf32> to vector<16xf32>
        %parallel_loop3A_938 = vector.shape_cast %parallel_loop3A_922 : vector<16xf32> to vector<1x1x1x16xf32>
        tpu.vector_store %arg6[%parallel_loop3A_932, %parallel_loop3A_933, %parallel_loop3A_934, %parallel_loop3A_935], %parallel_loop3A_938 {strides = array<i32>} : memref<4x6x8x128xf32, #tpu.memory_space<vmem>>, vector<1x1x1x16xf32>,
        %parallel_loop3A_939 = arith.constant 0 : i32
        %parallel_loop3A_940 = arith.index_cast %parallel_loop3A_830 : i32 to index
        %parallel_loop3A_941 = arith.index_cast %parallel_loop3A_846 : i32 to index
        %parallel_loop3A_942 = arith.index_cast %parallel_loop3A_939 : i32 to index
        %parallel_loop3A_943 = arith.constant 64 : index
        %parallel_loop3A_944 = tpu.vector_load %arg4[%parallel_loop3A_940, %parallel_loop3A_941, %parallel_loop3A_942, %parallel_loop3A_943] {strides = array<i32>} : memref<4x6x4x128xf32, #tpu.memory_space<vmem>>, vector<1x1x1x16xf32>,
        %parallel_loop3A_945 = vector.shape_cast %parallel_loop3A_944 : vector<1x1x1x16xf32> to vector<16xf32>
        %parallel_loop3A_946 = arith.constant 0 : i32
        %parallel_loop3A_947 = arith.index_cast %parallel_loop3A_830 : i32 to index
        %parallel_loop3A_948 = arith.index_cast %parallel_loop3A_846 : i32 to index
        %parallel_loop3A_949 = arith.index_cast %parallel_loop3A_946 : i32 to index
        %parallel_loop3A_950 = arith.constant 64 : index
        %parallel_loop3A_951 = tpu.vector_load %arg6[%parallel_loop3A_947, %parallel_loop3A_948, %parallel_loop3A_949, %parallel_loop3A_950] {strides = array<i32>} : memref<4x6x8x128xf32, #tpu.memory_space<vmem>>, vector<1x1x1x16xf32>,
        %parallel_loop3A_952 = vector.shape_cast %parallel_loop3A_951 : vector<1x1x1x16xf32> to vector<16xf32>
        %parallel_loop3A_953 = vector.shape_cast %parallel_loop3A_945 : vector<16xf32> to vector<1x1x1x16xf32>
        tpu.vector_store %arg6[%parallel_loop3A_947, %parallel_loop3A_948, %parallel_loop3A_949, %parallel_loop3A_950], %parallel_loop3A_953 {strides = array<i32>} : memref<4x6x8x128xf32, #tpu.memory_space<vmem>>, vector<1x1x1x16xf32>,
        %parallel_loop3A_954 = arith.constant 1 : i32
        %parallel_loop3A_955 = arith.index_cast %parallel_loop3A_830 : i32 to index
        %parallel_loop3A_956 = arith.index_cast %parallel_loop3A_846 : i32 to index
        %parallel_loop3A_957 = arith.index_cast %parallel_loop3A_954 : i32 to index
        %parallel_loop3A_958 = arith.constant 64 : index
        %parallel_loop3A_959 = tpu.vector_load %arg6[%parallel_loop3A_955, %parallel_loop3A_956, %parallel_loop3A_957, %parallel_loop3A_958] {strides = array<i32>} : memref<4x6x8x128xf32, #tpu.memory_space<vmem>>, vector<1x1x1x16xf32>,
        %parallel_loop3A_960 = vector.shape_cast %parallel_loop3A_959 : vector<1x1x1x16xf32> to vector<16xf32>
        %parallel_loop3A_961 = vector.shape_cast %parallel_loop3A_945 : vector<16xf32> to vector<1x1x1x16xf32>
        tpu.vector_store %arg6[%parallel_loop3A_955, %parallel_loop3A_956, %parallel_loop3A_957, %parallel_loop3A_958], %parallel_loop3A_961 {strides = array<i32>} : memref<4x6x8x128xf32, #tpu.memory_space<vmem>>, vector<1x1x1x16xf32>,
        %parallel_loop3A_962 = arith.constant 0 : i32
        %parallel_loop3A_963 = arith.index_cast %parallel_loop3A_830 : i32 to index
        %parallel_loop3A_964 = arith.index_cast %parallel_loop3A_846 : i32 to index
        %parallel_loop3A_965 = arith.index_cast %parallel_loop3A_962 : i32 to index
        %parallel_loop3A_966 = arith.constant 80 : index
        %parallel_loop3A_967 = tpu.vector_load %arg4[%parallel_loop3A_963, %parallel_loop3A_964, %parallel_loop3A_965, %parallel_loop3A_966] {strides = array<i32>} : memref<4x6x4x128xf32, #tpu.memory_space<vmem>>, vector<1x1x1x16xf32>,
        %parallel_loop3A_968 = vector.shape_cast %parallel_loop3A_967 : vector<1x1x1x16xf32> to vector<16xf32>
        %parallel_loop3A_969 = arith.constant 0 : i32
        %parallel_loop3A_970 = arith.index_cast %parallel_loop3A_830 : i32 to index
        %parallel_loop3A_971 = arith.index_cast %parallel_loop3A_846 : i32 to index
        %parallel_loop3A_972 = arith.index_cast %parallel_loop3A_969 : i32 to index
        %parallel_loop3A_973 = arith.constant 80 : index
        %parallel_loop3A_974 = tpu.vector_load %arg6[%parallel_loop3A_970, %parallel_loop3A_971, %parallel_loop3A_972, %parallel_loop3A_973] {strides = array<i32>} : memref<4x6x8x128xf32, #tpu.memory_space<vmem>>, vector<1x1x1x16xf32>,
        %parallel_loop3A_975 = vector.shape_cast %parallel_loop3A_974 : vector<1x1x1x16xf32> to vector<16xf32>
        %parallel_loop3A_976 = vector.shape_cast %parallel_loop3A_968 : vector<16xf32> to vector<1x1x1x16xf32>
        tpu.vector_store %arg6[%parallel_loop3A_970, %parallel_loop3A_971, %parallel_loop3A_972, %parallel_loop3A_973], %parallel_loop3A_976 {strides = array<i32>} : memref<4x6x8x128xf32, #tpu.memory_space<vmem>>, vector<1x1x1x16xf32>,
        %parallel_loop3A_977 = arith.constant 1 : i32
        %parallel_loop3A_978 = arith.index_cast %parallel_loop3A_830 : i32 to index
        %parallel_loop3A_979 = arith.index_cast %parallel_loop3A_846 : i32 to index
        %parallel_loop3A_980 = arith.index_cast %parallel_loop3A_977 : i32 to index
        %parallel_loop3A_981 = arith.constant 80 : index
        %parallel_loop3A_982 = tpu.vector_load %arg6[%parallel_loop3A_978, %parallel_loop3A_979, %parallel_loop3A_980, %parallel_loop3A_981] {strides = array<i32>} : memref<4x6x8x128xf32, #tpu.memory_space<vmem>>, vector<1x1x1x16xf32>,
        %parallel_loop3A_983 = vector.shape_cast %parallel_loop3A_982 : vector<1x1x1x16xf32> to vector<16xf32>
        %parallel_loop3A_984 = vector.shape_cast %parallel_loop3A_968 : vector<16xf32> to vector<1x1x1x16xf32>
        tpu.vector_store %arg6[%parallel_loop3A_978, %parallel_loop3A_979, %parallel_loop3A_980, %parallel_loop3A_981], %parallel_loop3A_984 {strides = array<i32>} : memref<4x6x8x128xf32, #tpu.memory_space<vmem>>, vector<1x1x1x16xf32>,
        %parallel_loop3A_985 = arith.constant 0 : i32
        %parallel_loop3A_986 = arith.index_cast %parallel_loop3A_830 : i32 to index
        %parallel_loop3A_987 = arith.index_cast %parallel_loop3A_846 : i32 to index
        %parallel_loop3A_988 = arith.index_cast %parallel_loop3A_985 : i32 to index
        %parallel_loop3A_989 = arith.constant 96 : index
        %parallel_loop3A_990 = tpu.vector_load %arg4[%parallel_loop3A_986, %parallel_loop3A_987, %parallel_loop3A_988, %parallel_loop3A_989] {strides = array<i32>} : memref<4x6x4x128xf32, #tpu.memory_space<vmem>>, vector<1x1x1x16xf32>,
        %parallel_loop3A_991 = vector.shape_cast %parallel_loop3A_990 : vector<1x1x1x16xf32> to vector<16xf32>
        %parallel_loop3A_992 = arith.constant 0 : i32
        %parallel_loop3A_993 = arith.index_cast %parallel_loop3A_830 : i32 to index
        %parallel_loop3A_994 = arith.index_cast %parallel_loop3A_846 : i32 to index
        %parallel_loop3A_995 = arith.index_cast %parallel_loop3A_992 : i32 to index
        %parallel_loop3A_996 = arith.constant 96 : index
        %parallel_loop3A_997 = tpu.vector_load %arg6[%parallel_loop3A_993, %parallel_loop3A_994, %parallel_loop3A_995, %parallel_loop3A_996] {strides = array<i32>} : memref<4x6x8x128xf32, #tpu.memory_space<vmem>>, vector<1x1x1x16xf32>,
        %parallel_loop3A_998 = vector.shape_cast %parallel_loop3A_997 : vector<1x1x1x16xf32> to vector<16xf32>
        %parallel_loop3A_999 = vector.shape_cast %parallel_loop3A_991 : vector<16xf32> to vector<1x1x1x16xf32>
        tpu.vector_store %arg6[%parallel_loop3A_993, %parallel_loop3A_994, %parallel_loop3A_995, %parallel_loop3A_996], %parallel_loop3A_999 {strides = array<i32>} : memref<4x6x8x128xf32, #tpu.memory_space<vmem>>, vector<1x1x1x16xf32>,
        %parallel_loop3A_1000 = arith.constant 1 : i32
        %parallel_loop3A_1001 = arith.index_cast %parallel_loop3A_830 : i32 to index
        %parallel_loop3A_1002 = arith.index_cast %parallel_loop3A_846 : i32 to index
        %parallel_loop3A_1003 = arith.index_cast %parallel_loop3A_1000 : i32 to index
        %parallel_loop3A_1004 = arith.constant 96 : index
        %parallel_loop3A_1005 = tpu.vector_load %arg6[%parallel_loop3A_1001, %parallel_loop3A_1002, %parallel_loop3A_1003, %parallel_loop3A_1004] {strides = array<i32>} : memref<4x6x8x128xf32, #tpu.memory_space<vmem>>, vector<1x1x1x16xf32>,
        %parallel_loop3A_1006 = vector.shape_cast %parallel_loop3A_1005 : vector<1x1x1x16xf32> to vector<16xf32>
        %parallel_loop3A_1007 = vector.shape_cast %parallel_loop3A_991 : vector<16xf32> to vector<1x1x1x16xf32>
        tpu.vector_store %arg6[%parallel_loop3A_1001, %parallel_loop3A_1002, %parallel_loop3A_1003, %parallel_loop3A_1004], %parallel_loop3A_1007 {strides = array<i32>} : memref<4x6x8x128xf32, #tpu.memory_space<vmem>>, vector<1x1x1x16xf32>,
        %parallel_loop3A_1008 = arith.constant 0 : i32
        %parallel_loop3A_1009 = arith.index_cast %parallel_loop3A_830 : i32 to index
        %parallel_loop3A_1010 = arith.index_cast %parallel_loop3A_846 : i32 to index
        %parallel_loop3A_1011 = arith.index_cast %parallel_loop3A_1008 : i32 to index
        %parallel_loop3A_1012 = arith.constant 112 : index
        %parallel_loop3A_1013 = tpu.vector_load %arg4[%parallel_loop3A_1009, %parallel_loop3A_1010, %parallel_loop3A_1011, %parallel_loop3A_1012] {strides = array<i32>} : memref<4x6x4x128xf32, #tpu.memory_space<vmem>>, vector<1x1x1x16xf32>,
        %parallel_loop3A_1014 = vector.shape_cast %parallel_loop3A_1013 : vector<1x1x1x16xf32> to vector<16xf32>
        %parallel_loop3A_1015 = arith.constant 0 : i32
        %parallel_loop3A_1016 = arith.index_cast %parallel_loop3A_830 : i32 to index
        %parallel_loop3A_1017 = arith.index_cast %parallel_loop3A_846 : i32 to index
        %parallel_loop3A_1018 = arith.index_cast %parallel_loop3A_1015 : i32 to index
        %parallel_loop3A_1019 = arith.constant 112 : index
        %parallel_loop3A_1020 = tpu.vector_load %arg6[%parallel_loop3A_1016, %parallel_loop3A_1017, %parallel_loop3A_1018, %parallel_loop3A_1019] {strides = array<i32>} : memref<4x6x8x128xf32, #tpu.memory_space<vmem>>, vector<1x1x1x16xf32>,
        %parallel_loop3A_1021 = vector.shape_cast %parallel_loop3A_1020 : vector<1x1x1x16xf32> to vector<16xf32>
        %parallel_loop3A_1022 = vector.shape_cast %parallel_loop3A_1014 : vector<16xf32> to vector<1x1x1x16xf32>
        tpu.vector_store %arg6[%parallel_loop3A_1016, %parallel_loop3A_1017, %parallel_loop3A_1018, %parallel_loop3A_1019], %parallel_loop3A_1022 {strides = array<i32>} : memref<4x6x8x128xf32, #tpu.memory_space<vmem>>, vector<1x1x1x16xf32>,
        %parallel_loop3A_1023 = arith.constant 1 : i32
        %parallel_loop3A_1024 = arith.index_cast %parallel_loop3A_830 : i32 to index
        %parallel_loop3A_1025 = arith.index_cast %parallel_loop3A_846 : i32 to index
        %parallel_loop3A_1026 = arith.index_cast %parallel_loop3A_1023 : i32 to index
        %parallel_loop3A_1027 = arith.constant 112 : index
        %parallel_loop3A_1028 = tpu.vector_load %arg6[%parallel_loop3A_1024, %parallel_loop3A_1025, %parallel_loop3A_1026, %parallel_loop3A_1027] {strides = array<i32>} : memref<4x6x8x128xf32, #tpu.memory_space<vmem>>, vector<1x1x1x16xf32>,
        %parallel_loop3A_1029 = vector.shape_cast %parallel_loop3A_1028 : vector<1x1x1x16xf32> to vector<16xf32>
        %parallel_loop3A_1030 = vector.shape_cast %parallel_loop3A_1014 : vector<16xf32> to vector<1x1x1x16xf32>
        tpu.vector_store %arg6[%parallel_loop3A_1024, %parallel_loop3A_1025, %parallel_loop3A_1026, %parallel_loop3A_1027], %parallel_loop3A_1030 {strides = array<i32>} : memref<4x6x8x128xf32, #tpu.memory_space<vmem>>, vector<1x1x1x16xf32>,
        %parallel_loop3A_1031 = arith.constant 1 : i32
        %parallel_loop3A_1032 = arith.index_cast %parallel_loop3A_830 : i32 to index
        %parallel_loop3A_1033 = arith.index_cast %parallel_loop3A_846 : i32 to index
        %parallel_loop3A_1034 = arith.index_cast %parallel_loop3A_1031 : i32 to index
        %parallel_loop3A_1035 = arith.constant 0 : index
        %parallel_loop3A_1036 = tpu.vector_load %arg4[%parallel_loop3A_1032, %parallel_loop3A_1033, %parallel_loop3A_1034, %parallel_loop3A_1035] {strides = array<i32>} : memref<4x6x4x128xf32, #tpu.memory_space<vmem>>, vector<1x1x1x16xf32>,
        %parallel_loop3A_1037 = vector.shape_cast %parallel_loop3A_1036 : vector<1x1x1x16xf32> to vector<16xf32>
        %parallel_loop3A_1038 = arith.constant 2 : i32
        %parallel_loop3A_1039 = arith.index_cast %parallel_loop3A_830 : i32 to index
        %parallel_loop3A_1040 = arith.index_cast %parallel_loop3A_846 : i32 to index
        %parallel_loop3A_1041 = arith.index_cast %parallel_loop3A_1038 : i32 to index
        %parallel_loop3A_1042 = arith.constant 0 : index
        %parallel_loop3A_1043 = tpu.vector_load %arg6[%parallel_loop3A_1039, %parallel_loop3A_1040, %parallel_loop3A_1041, %parallel_loop3A_1042] {strides = array<i32>} : memref<4x6x8x128xf32, #tpu.memory_space<vmem>>, vector<1x1x1x16xf32>,
        %parallel_loop3A_1044 = vector.shape_cast %parallel_loop3A_1043 : vector<1x1x1x16xf32> to vector<16xf32>
        %parallel_loop3A_1045 = vector.shape_cast %parallel_loop3A_1037 : vector<16xf32> to vector<1x1x1x16xf32>
        tpu.vector_store %arg6[%parallel_loop3A_1039, %parallel_loop3A_1040, %parallel_loop3A_1041, %parallel_loop3A_1042], %parallel_loop3A_1045 {strides = array<i32>} : memref<4x6x8x128xf32, #tpu.memory_space<vmem>>, vector<1x1x1x16xf32>,
        %parallel_loop3A_1046 = arith.constant 3 : i32
        %parallel_loop3A_1047 = arith.index_cast %parallel_loop3A_830 : i32 to index
        %parallel_loop3A_1048 = arith.index_cast %parallel_loop3A_846 : i32 to index
        %parallel_loop3A_1049 = arith.index_cast %parallel_loop3A_1046 : i32 to index
        %parallel_loop3A_1050 = arith.constant 0 : index
        %parallel_loop3A_1051 = tpu.vector_load %arg6[%parallel_loop3A_1047, %parallel_loop3A_1048, %parallel_loop3A_1049, %parallel_loop3A_1050] {strides = array<i32>} : memref<4x6x8x128xf32, #tpu.memory_space<vmem>>, vector<1x1x1x16xf32>,
        %parallel_loop3A_1052 = vector.shape_cast %parallel_loop3A_1051 : vector<1x1x1x16xf32> to vector<16xf32>
        %parallel_loop3A_1053 = vector.shape_cast %parallel_loop3A_1037 : vector<16xf32> to vector<1x1x1x16xf32>
        tpu.vector_store %arg6[%parallel_loop3A_1047, %parallel_loop3A_1048, %parallel_loop3A_1049, %parallel_loop3A_1050], %parallel_loop3A_1053 {strides = array<i32>} : memref<4x6x8x128xf32, #tpu.memory_space<vmem>>, vector<1x1x1x16xf32>,
        %parallel_loop3A_1054 = arith.constant 1 : i32
        %parallel_loop3A_1055 = arith.index_cast %parallel_loop3A_830 : i32 to index
        %parallel_loop3A_1056 = arith.index_cast %parallel_loop3A_846 : i32 to index
        %parallel_loop3A_1057 = arith.index_cast %parallel_loop3A_1054 : i32 to index
        %parallel_loop3A_1058 = arith.constant 16 : index
        %parallel_loop3A_1059 = tpu.vector_load %arg4[%parallel_loop3A_1055, %parallel_loop3A_1056, %parallel_loop3A_1057, %parallel_loop3A_1058] {strides = array<i32>} : memref<4x6x4x128xf32, #tpu.memory_space<vmem>>, vector<1x1x1x16xf32>,
        %parallel_loop3A_1060 = vector.shape_cast %parallel_loop3A_1059 : vector<1x1x1x16xf32> to vector<16xf32>
        %parallel_loop3A_1061 = arith.constant 2 : i32
        %parallel_loop3A_1062 = arith.index_cast %parallel_loop3A_830 : i32 to index
        %parallel_loop3A_1063 = arith.index_cast %parallel_loop3A_846 : i32 to index
        %parallel_loop3A_1064 = arith.index_cast %parallel_loop3A_1061 : i32 to index
        %parallel_loop3A_1065 = arith.constant 16 : index
        %parallel_loop3A_1066 = tpu.vector_load %arg6[%parallel_loop3A_1062, %parallel_loop3A_1063, %parallel_loop3A_1064, %parallel_loop3A_1065] {strides = array<i32>} : memref<4x6x8x128xf32, #tpu.memory_space<vmem>>, vector<1x1x1x16xf32>,
        %parallel_loop3A_1067 = vector.shape_cast %parallel_loop3A_1066 : vector<1x1x1x16xf32> to vector<16xf32>
        %parallel_loop3A_1068 = vector.shape_cast %parallel_loop3A_1060 : vector<16xf32> to vector<1x1x1x16xf32>
        tpu.vector_store %arg6[%parallel_loop3A_1062, %parallel_loop3A_1063, %parallel_loop3A_1064, %parallel_loop3A_1065], %parallel_loop3A_1068 {strides = array<i32>} : memref<4x6x8x128xf32, #tpu.memory_space<vmem>>, vector<1x1x1x16xf32>,
        %parallel_loop3A_1069 = arith.constant 3 : i32
        %parallel_loop3A_1070 = arith.index_cast %parallel_loop3A_830 : i32 to index
        %parallel_loop3A_1071 = arith.index_cast %parallel_loop3A_846 : i32 to index
        %parallel_loop3A_1072 = arith.index_cast %parallel_loop3A_1069 : i32 to index
        %parallel_loop3A_1073 = arith.constant 16 : index
        %parallel_loop3A_1074 = tpu.vector_load %arg6[%parallel_loop3A_1070, %parallel_loop3A_1071, %parallel_loop3A_1072, %parallel_loop3A_1073] {strides = array<i32>} : memref<4x6x8x128xf32, #tpu.memory_space<vmem>>, vector<1x1x1x16xf32>,
        %parallel_loop3A_1075 = vector.shape_cast %parallel_loop3A_1074 : vector<1x1x1x16xf32> to vector<16xf32>
        %parallel_loop3A_1076 = vector.shape_cast %parallel_loop3A_1060 : vector<16xf32> to vector<1x1x1x16xf32>
        tpu.vector_store %arg6[%parallel_loop3A_1070, %parallel_loop3A_1071, %parallel_loop3A_1072, %parallel_loop3A_1073], %parallel_loop3A_1076 {strides = array<i32>} : memref<4x6x8x128xf32, #tpu.memory_space<vmem>>, vector<1x1x1x16xf32>,
        %parallel_loop3A_1077 = arith.constant 1 : i32
        %parallel_loop3A_1078 = arith.index_cast %parallel_loop3A_830 : i32 to index
        %parallel_loop3A_1079 = arith.index_cast %parallel_loop3A_846 : i32 to index
        %parallel_loop3A_1080 = arith.index_cast %parallel_loop3A_1077 : i32 to index
        %parallel_loop3A_1081 = arith.constant 32 : index
        %parallel_loop3A_1082 = tpu.vector_load %arg4[%parallel_loop3A_1078, %parallel_loop3A_1079, %parallel_loop3A_1080, %parallel_loop3A_1081] {strides = array<i32>} : memref<4x6x4x128xf32, #tpu.memory_space<vmem>>, vector<1x1x1x16xf32>,
        %parallel_loop3A_1083 = vector.shape_cast %parallel_loop3A_1082 : vector<1x1x1x16xf32> to vector<16xf32>
        %parallel_loop3A_1084 = arith.constant 2 : i32
        %parallel_loop3A_1085 = arith.index_cast %parallel_loop3A_830 : i32 to index
        %parallel_loop3A_1086 = arith.index_cast %parallel_loop3A_846 : i32 to index
        %parallel_loop3A_1087 = arith.index_cast %parallel_loop3A_1084 : i32 to index
        %parallel_loop3A_1088 = arith.constant 32 : index
        %parallel_loop3A_1089 = tpu.vector_load %arg6[%parallel_loop3A_1085, %parallel_loop3A_1086, %parallel_loop3A_1087, %parallel_loop3A_1088] {strides = array<i32>} : memref<4x6x8x128xf32, #tpu.memory_space<vmem>>, vector<1x1x1x16xf32>,
        %parallel_loop3A_1090 = vector.shape_cast %parallel_loop3A_1089 : vector<1x1x1x16xf32> to vector<16xf32>
        %parallel_loop3A_1091 = vector.shape_cast %parallel_loop3A_1083 : vector<16xf32> to vector<1x1x1x16xf32>
        tpu.vector_store %arg6[%parallel_loop3A_1085, %parallel_loop3A_1086, %parallel_loop3A_1087, %parallel_loop3A_1088], %parallel_loop3A_1091 {strides = array<i32>} : memref<4x6x8x128xf32, #tpu.memory_space<vmem>>, vector<1x1x1x16xf32>,
        %parallel_loop3A_1092 = arith.constant 3 : i32
        %parallel_loop3A_1093 = arith.index_cast %parallel_loop3A_830 : i32 to index
        %parallel_loop3A_1094 = arith.index_cast %parallel_loop3A_846 : i32 to index
        %parallel_loop3A_1095 = arith.index_cast %parallel_loop3A_1092 : i32 to index
        %parallel_loop3A_1096 = arith.constant 32 : index
        %parallel_loop3A_1097 = tpu.vector_load %arg6[%parallel_loop3A_1093, %parallel_loop3A_1094, %parallel_loop3A_1095, %parallel_loop3A_1096] {strides = array<i32>} : memref<4x6x8x128xf32, #tpu.memory_space<vmem>>, vector<1x1x1x16xf32>,
        %parallel_loop3A_1098 = vector.shape_cast %parallel_loop3A_1097 : vector<1x1x1x16xf32> to vector<16xf32>
        %parallel_loop3A_1099 = vector.shape_cast %parallel_loop3A_1083 : vector<16xf32> to vector<1x1x1x16xf32>
        tpu.vector_store %arg6[%parallel_loop3A_1093, %parallel_loop3A_1094, %parallel_loop3A_1095, %parallel_loop3A_1096], %parallel_loop3A_1099 {strides = array<i32>} : memref<4x6x8x128xf32, #tpu.memory_space<vmem>>, vector<1x1x1x16xf32>,
        %parallel_loop3A_1100 = arith.constant 1 : i32
        %parallel_loop3A_1101 = arith.index_cast %parallel_loop3A_830 : i32 to index
        %parallel_loop3A_1102 = arith.index_cast %parallel_loop3A_846 : i32 to index
        %parallel_loop3A_1103 = arith.index_cast %parallel_loop3A_1100 : i32 to index
        %parallel_loop3A_1104 = arith.constant 48 : index
        %parallel_loop3A_1105 = tpu.vector_load %arg4[%parallel_loop3A_1101, %parallel_loop3A_1102, %parallel_loop3A_1103, %parallel_loop3A_1104] {strides = array<i32>} : memref<4x6x4x128xf32, #tpu.memory_space<vmem>>, vector<1x1x1x16xf32>,
        %parallel_loop3A_1106 = vector.shape_cast %parallel_loop3A_1105 : vector<1x1x1x16xf32> to vector<16xf32>
        %parallel_loop3A_1107 = arith.constant 2 : i32
        %parallel_loop3A_1108 = arith.index_cast %parallel_loop3A_830 : i32 to index
        %parallel_loop3A_1109 = arith.index_cast %parallel_loop3A_846 : i32 to index
        %parallel_loop3A_1110 = arith.index_cast %parallel_loop3A_1107 : i32 to index
        %parallel_loop3A_1111 = arith.constant 48 : index
        %parallel_loop3A_1112 = tpu.vector_load %arg6[%parallel_loop3A_1108, %parallel_loop3A_1109, %parallel_loop3A_1110, %parallel_loop3A_1111] {strides = array<i32>} : memref<4x6x8x128xf32, #tpu.memory_space<vmem>>, vector<1x1x1x16xf32>,
        %parallel_loop3A_1113 = vector.shape_cast %parallel_loop3A_1112 : vector<1x1x1x16xf32> to vector<16xf32>
        %parallel_loop3A_1114 = vector.shape_cast %parallel_loop3A_1106 : vector<16xf32> to vector<1x1x1x16xf32>
        tpu.vector_store %arg6[%parallel_loop3A_1108, %parallel_loop3A_1109, %parallel_loop3A_1110, %parallel_loop3A_1111], %parallel_loop3A_1114 {strides = array<i32>} : memref<4x6x8x128xf32, #tpu.memory_space<vmem>>, vector<1x1x1x16xf32>,
        %parallel_loop3A_1115 = arith.constant 3 : i32
        %parallel_loop3A_1116 = arith.index_cast %parallel_loop3A_830 : i32 to index
        %parallel_loop3A_1117 = arith.index_cast %parallel_loop3A_846 : i32 to index
        %parallel_loop3A_1118 = arith.index_cast %parallel_loop3A_1115 : i32 to index
        %parallel_loop3A_1119 = arith.constant 48 : index
        %parallel_loop3A_1120 = tpu.vector_load %arg6[%parallel_loop3A_1116, %parallel_loop3A_1117, %parallel_loop3A_1118, %parallel_loop3A_1119] {strides = array<i32>} : memref<4x6x8x128xf32, #tpu.memory_space<vmem>>, vector<1x1x1x16xf32>,
        %parallel_loop3A_1121 = vector.shape_cast %parallel_loop3A_1120 : vector<1x1x1x16xf32> to vector<16xf32>
        %parallel_loop3A_1122 = vector.shape_cast %parallel_loop3A_1106 : vector<16xf32> to vector<1x1x1x16xf32>
        tpu.vector_store %arg6[%parallel_loop3A_1116, %parallel_loop3A_1117, %parallel_loop3A_1118, %parallel_loop3A_1119], %parallel_loop3A_1122 {strides = array<i32>} : memref<4x6x8x128xf32, #tpu.memory_space<vmem>>, vector<1x1x1x16xf32>,
        %parallel_loop3A_1123 = arith.constant 1 : i32
        %parallel_loop3A_1124 = arith.index_cast %parallel_loop3A_830 : i32 to index
        %parallel_loop3A_1125 = arith.index_cast %parallel_loop3A_846 : i32 to index
        %parallel_loop3A_1126 = arith.index_cast %parallel_loop3A_1123 : i32 to index
        %parallel_loop3A_1127 = arith.constant 64 : index
        %parallel_loop3A_1128 = tpu.vector_load %arg4[%parallel_loop3A_1124, %parallel_loop3A_1125, %parallel_loop3A_1126, %parallel_loop3A_1127] {strides = array<i32>} : memref<4x6x4x128xf32, #tpu.memory_space<vmem>>, vector<1x1x1x16xf32>,
        %parallel_loop3A_1129 = vector.shape_cast %parallel_loop3A_1128 : vector<1x1x1x16xf32> to vector<16xf32>
        %parallel_loop3A_1130 = arith.constant 2 : i32
        %parallel_loop3A_1131 = arith.index_cast %parallel_loop3A_830 : i32 to index
        %parallel_loop3A_1132 = arith.index_cast %parallel_loop3A_846 : i32 to index
        %parallel_loop3A_1133 = arith.index_cast %parallel_loop3A_1130 : i32 to index
        %parallel_loop3A_1134 = arith.constant 64 : index
        %parallel_loop3A_1135 = tpu.vector_load %arg6[%parallel_loop3A_1131, %parallel_loop3A_1132, %parallel_loop3A_1133, %parallel_loop3A_1134] {strides = array<i32>} : memref<4x6x8x128xf32, #tpu.memory_space<vmem>>, vector<1x1x1x16xf32>,
        %parallel_loop3A_1136 = vector.shape_cast %parallel_loop3A_1135 : vector<1x1x1x16xf32> to vector<16xf32>
        %parallel_loop3A_1137 = vector.shape_cast %parallel_loop3A_1129 : vector<16xf32> to vector<1x1x1x16xf32>
        tpu.vector_store %arg6[%parallel_loop3A_1131, %parallel_loop3A_1132, %parallel_loop3A_1133, %parallel_loop3A_1134], %parallel_loop3A_1137 {strides = array<i32>} : memref<4x6x8x128xf32, #tpu.memory_space<vmem>>, vector<1x1x1x16xf32>,
        %parallel_loop3A_1138 = arith.constant 3 : i32
        %parallel_loop3A_1139 = arith.index_cast %parallel_loop3A_830 : i32 to index
        %parallel_loop3A_1140 = arith.index_cast %parallel_loop3A_846 : i32 to index
        %parallel_loop3A_1141 = arith.index_cast %parallel_loop3A_1138 : i32 to index
        %parallel_loop3A_1142 = arith.constant 64 : index
        %parallel_loop3A_1143 = tpu.vector_load %arg6[%parallel_loop3A_1139, %parallel_loop3A_1140, %parallel_loop3A_1141, %parallel_loop3A_1142] {strides = array<i32>} : memref<4x6x8x128xf32, #tpu.memory_space<vmem>>, vector<1x1x1x16xf32>,
        %parallel_loop3A_1144 = vector.shape_cast %parallel_loop3A_1143 : vector<1x1x1x16xf32> to vector<16xf32>
        %parallel_loop3A_1145 = vector.shape_cast %parallel_loop3A_1129 : vector<16xf32> to vector<1x1x1x16xf32>
        tpu.vector_store %arg6[%parallel_loop3A_1139, %parallel_loop3A_1140, %parallel_loop3A_1141, %parallel_loop3A_1142], %parallel_loop3A_1145 {strides = array<i32>} : memref<4x6x8x128xf32, #tpu.memory_space<vmem>>, vector<1x1x1x16xf32>,
        %parallel_loop3A_1146 = arith.constant 1 : i32
        %parallel_loop3A_1147 = arith.index_cast %parallel_loop3A_830 : i32 to index
        %parallel_loop3A_1148 = arith.index_cast %parallel_loop3A_846 : i32 to index
        %parallel_loop3A_1149 = arith.index_cast %parallel_loop3A_1146 : i32 to index
        %parallel_loop3A_1150 = arith.constant 80 : index
        %parallel_loop3A_1151 = tpu.vector_load %arg4[%parallel_loop3A_1147, %parallel_loop3A_1148, %parallel_loop3A_1149, %parallel_loop3A_1150] {strides = array<i32>} : memref<4x6x4x128xf32, #tpu.memory_space<vmem>>, vector<1x1x1x16xf32>,
        %parallel_loop3A_1152 = vector.shape_cast %parallel_loop3A_1151 : vector<1x1x1x16xf32> to vector<16xf32>
        %parallel_loop3A_1153 = arith.constant 2 : i32
        %parallel_loop3A_1154 = arith.index_cast %parallel_loop3A_830 : i32 to index
        %parallel_loop3A_1155 = arith.index_cast %parallel_loop3A_846 : i32 to index
        %parallel_loop3A_1156 = arith.index_cast %parallel_loop3A_1153 : i32 to index
        %parallel_loop3A_1157 = arith.constant 80 : index
        %parallel_loop3A_1158 = tpu.vector_load %arg6[%parallel_loop3A_1154, %parallel_loop3A_1155, %parallel_loop3A_1156, %parallel_loop3A_1157] {strides = array<i32>} : memref<4x6x8x128xf32, #tpu.memory_space<vmem>>, vector<1x1x1x16xf32>,
        %parallel_loop3A_1159 = vector.shape_cast %parallel_loop3A_1158 : vector<1x1x1x16xf32> to vector<16xf32>
        %parallel_loop3A_1160 = vector.shape_cast %parallel_loop3A_1152 : vector<16xf32> to vector<1x1x1x16xf32>
        tpu.vector_store %arg6[%parallel_loop3A_1154, %parallel_loop3A_1155, %parallel_loop3A_1156, %parallel_loop3A_1157], %parallel_loop3A_1160 {strides = array<i32>} : memref<4x6x8x128xf32, #tpu.memory_space<vmem>>, vector<1x1x1x16xf32>,
        %parallel_loop3A_1161 = arith.constant 3 : i32
        %parallel_loop3A_1162 = arith.index_cast %parallel_loop3A_830 : i32 to index
        %parallel_loop3A_1163 = arith.index_cast %parallel_loop3A_846 : i32 to index
        %parallel_loop3A_1164 = arith.index_cast %parallel_loop3A_1161 : i32 to index
        %parallel_loop3A_1165 = arith.constant 80 : index
        %parallel_loop3A_1166 = tpu.vector_load %arg6[%parallel_loop3A_1162, %parallel_loop3A_1163, %parallel_loop3A_1164, %parallel_loop3A_1165] {strides = array<i32>} : memref<4x6x8x128xf32, #tpu.memory_space<vmem>>, vector<1x1x1x16xf32>,
        %parallel_loop3A_1167 = vector.shape_cast %parallel_loop3A_1166 : vector<1x1x1x16xf32> to vector<16xf32>
        %parallel_loop3A_1168 = vector.shape_cast %parallel_loop3A_1152 : vector<16xf32> to vector<1x1x1x16xf32>
        tpu.vector_store %arg6[%parallel_loop3A_1162, %parallel_loop3A_1163, %parallel_loop3A_1164, %parallel_loop3A_1165], %parallel_loop3A_1168 {strides = array<i32>} : memref<4x6x8x128xf32, #tpu.memory_space<vmem>>, vector<1x1x1x16xf32>,
        %parallel_loop3A_1169 = arith.constant 1 : i32
        %parallel_loop3A_1170 = arith.index_cast %parallel_loop3A_830 : i32 to index
        %parallel_loop3A_1171 = arith.index_cast %parallel_loop3A_846 : i32 to index
        %parallel_loop3A_1172 = arith.index_cast %parallel_loop3A_1169 : i32 to index
        %parallel_loop3A_1173 = arith.constant 96 : index
        %parallel_loop3A_1174 = tpu.vector_load %arg4[%parallel_loop3A_1170, %parallel_loop3A_1171, %parallel_loop3A_1172, %parallel_loop3A_1173] {strides = array<i32>} : memref<4x6x4x128xf32, #tpu.memory_space<vmem>>, vector<1x1x1x16xf32>,
        %parallel_loop3A_1175 = vector.shape_cast %parallel_loop3A_1174 : vector<1x1x1x16xf32> to vector<16xf32>
        %parallel_loop3A_1176 = arith.constant 2 : i32
        %parallel_loop3A_1177 = arith.index_cast %parallel_loop3A_830 : i32 to index
        %parallel_loop3A_1178 = arith.index_cast %parallel_loop3A_846 : i32 to index
        %parallel_loop3A_1179 = arith.index_cast %parallel_loop3A_1176 : i32 to index
        %parallel_loop3A_1180 = arith.constant 96 : index
        %parallel_loop3A_1181 = tpu.vector_load %arg6[%parallel_loop3A_1177, %parallel_loop3A_1178, %parallel_loop3A_1179, %parallel_loop3A_1180] {strides = array<i32>} : memref<4x6x8x128xf32, #tpu.memory_space<vmem>>, vector<1x1x1x16xf32>,
        %parallel_loop3A_1182 = vector.shape_cast %parallel_loop3A_1181 : vector<1x1x1x16xf32> to vector<16xf32>
        %parallel_loop3A_1183 = vector.shape_cast %parallel_loop3A_1175 : vector<16xf32> to vector<1x1x1x16xf32>
        tpu.vector_store %arg6[%parallel_loop3A_1177, %parallel_loop3A_1178, %parallel_loop3A_1179, %parallel_loop3A_1180], %parallel_loop3A_1183 {strides = array<i32>} : memref<4x6x8x128xf32, #tpu.memory_space<vmem>>, vector<1x1x1x16xf32>,
        %parallel_loop3A_1184 = arith.constant 3 : i32
        %parallel_loop3A_1185 = arith.index_cast %parallel_loop3A_830 : i32 to index
        %parallel_loop3A_1186 = arith.index_cast %parallel_loop3A_846 : i32 to index
        %parallel_loop3A_1187 = arith.index_cast %parallel_loop3A_1184 : i32 to index
        %parallel_loop3A_1188 = arith.constant 96 : index
        %parallel_loop3A_1189 = tpu.vector_load %arg6[%parallel_loop3A_1185, %parallel_loop3A_1186, %parallel_loop3A_1187, %parallel_loop3A_1188] {strides = array<i32>} : memref<4x6x8x128xf32, #tpu.memory_space<vmem>>, vector<1x1x1x16xf32>,
        %parallel_loop3A_1190 = vector.shape_cast %parallel_loop3A_1189 : vector<1x1x1x16xf32> to vector<16xf32>
        %parallel_loop3A_1191 = vector.shape_cast %parallel_loop3A_1175 : vector<16xf32> to vector<1x1x1x16xf32>
        tpu.vector_store %arg6[%parallel_loop3A_1185, %parallel_loop3A_1186, %parallel_loop3A_1187, %parallel_loop3A_1188], %parallel_loop3A_1191 {strides = array<i32>} : memref<4x6x8x128xf32, #tpu.memory_space<vmem>>, vector<1x1x1x16xf32>,
        %parallel_loop3A_1192 = arith.constant 1 : i32
        %parallel_loop3A_1193 = arith.index_cast %parallel_loop3A_830 : i32 to index
        %parallel_loop3A_1194 = arith.index_cast %parallel_loop3A_846 : i32 to index
        %parallel_loop3A_1195 = arith.index_cast %parallel_loop3A_1192 : i32 to index
        %parallel_loop3A_1196 = arith.constant 112 : index
        %parallel_loop3A_1197 = tpu.vector_load %arg4[%parallel_loop3A_1193, %parallel_loop3A_1194, %parallel_loop3A_1195, %parallel_loop3A_1196] {strides = array<i32>} : memref<4x6x4x128xf32, #tpu.memory_space<vmem>>, vector<1x1x1x16xf32>,
        %parallel_loop3A_1198 = vector.shape_cast %parallel_loop3A_1197 : vector<1x1x1x16xf32> to vector<16xf32>
        %parallel_loop3A_1199 = arith.constant 2 : i32
        %parallel_loop3A_1200 = arith.index_cast %parallel_loop3A_830 : i32 to index
        %parallel_loop3A_1201 = arith.index_cast %parallel_loop3A_846 : i32 to index
        %parallel_loop3A_1202 = arith.index_cast %parallel_loop3A_1199 : i32 to index
        %parallel_loop3A_1203 = arith.constant 112 : index
        %parallel_loop3A_1204 = tpu.vector_load %arg6[%parallel_loop3A_1200, %parallel_loop3A_1201, %parallel_loop3A_1202, %parallel_loop3A_1203] {strides = array<i32>} : memref<4x6x8x128xf32, #tpu.memory_space<vmem>>, vector<1x1x1x16xf32>,
        %parallel_loop3A_1205 = vector.shape_cast %parallel_loop3A_1204 : vector<1x1x1x16xf32> to vector<16xf32>
        %parallel_loop3A_1206 = vector.shape_cast %parallel_loop3A_1198 : vector<16xf32> to vector<1x1x1x16xf32>
        tpu.vector_store %arg6[%parallel_loop3A_1200, %parallel_loop3A_1201, %parallel_loop3A_1202, %parallel_loop3A_1203], %parallel_loop3A_1206 {strides = array<i32>} : memref<4x6x8x128xf32, #tpu.memory_space<vmem>>, vector<1x1x1x16xf32>,
        %parallel_loop3A_1207 = arith.constant 3 : i32
        %parallel_loop3A_1208 = arith.index_cast %parallel_loop3A_830 : i32 to index
        %parallel_loop3A_1209 = arith.index_cast %parallel_loop3A_846 : i32 to index
        %parallel_loop3A_1210 = arith.index_cast %parallel_loop3A_1207 : i32 to index
        %parallel_loop3A_1211 = arith.constant 112 : index
        %parallel_loop3A_1212 = tpu.vector_load %arg6[%parallel_loop3A_1208, %parallel_loop3A_1209, %parallel_loop3A_1210, %parallel_loop3A_1211] {strides = array<i32>} : memref<4x6x8x128xf32, #tpu.memory_space<vmem>>, vector<1x1x1x16xf32>,
        %parallel_loop3A_1213 = vector.shape_cast %parallel_loop3A_1212 : vector<1x1x1x16xf32> to vector<16xf32>
        %parallel_loop3A_1214 = vector.shape_cast %parallel_loop3A_1198 : vector<16xf32> to vector<1x1x1x16xf32>
        tpu.vector_store %arg6[%parallel_loop3A_1208, %parallel_loop3A_1209, %parallel_loop3A_1210, %parallel_loop3A_1211], %parallel_loop3A_1214 {strides = array<i32>} : memref<4x6x8x128xf32, #tpu.memory_space<vmem>>, vector<1x1x1x16xf32>,
        %parallel_loop3A_1215 = arith.constant 2 : i32
        %parallel_loop3A_1216 = arith.index_cast %parallel_loop3A_830 : i32 to index
        %parallel_loop3A_1217 = arith.index_cast %parallel_loop3A_846 : i32 to index
        %parallel_loop3A_1218 = arith.index_cast %parallel_loop3A_1215 : i32 to index
        %parallel_loop3A_1219 = arith.constant 0 : index
        %parallel_loop3A_1220 = tpu.vector_load %arg4[%parallel_loop3A_1216, %parallel_loop3A_1217, %parallel_loop3A_1218, %parallel_loop3A_1219] {strides = array<i32>} : memref<4x6x4x128xf32, #tpu.memory_space<vmem>>, vector<1x1x1x16xf32>,
        %parallel_loop3A_1221 = vector.shape_cast %parallel_loop3A_1220 : vector<1x1x1x16xf32> to vector<16xf32>
        %parallel_loop3A_1222 = arith.constant 4 : i32
        %parallel_loop3A_1223 = arith.index_cast %parallel_loop3A_830 : i32 to index
        %parallel_loop3A_1224 = arith.index_cast %parallel_loop3A_846 : i32 to index
        %parallel_loop3A_1225 = arith.index_cast %parallel_loop3A_1222 : i32 to index
        %parallel_loop3A_1226 = arith.constant 0 : index
        %parallel_loop3A_1227 = tpu.vector_load %arg6[%parallel_loop3A_1223, %parallel_loop3A_1224, %parallel_loop3A_1225, %parallel_loop3A_1226] {strides = array<i32>} : memref<4x6x8x128xf32, #tpu.memory_space<vmem>>, vector<1x1x1x16xf32>,
        %parallel_loop3A_1228 = vector.shape_cast %parallel_loop3A_1227 : vector<1x1x1x16xf32> to vector<16xf32>
        %parallel_loop3A_1229 = vector.shape_cast %parallel_loop3A_1221 : vector<16xf32> to vector<1x1x1x16xf32>
        tpu.vector_store %arg6[%parallel_loop3A_1223, %parallel_loop3A_1224, %parallel_loop3A_1225, %parallel_loop3A_1226], %parallel_loop3A_1229 {strides = array<i32>} : memref<4x6x8x128xf32, #tpu.memory_space<vmem>>, vector<1x1x1x16xf32>,
        %parallel_loop3A_1230 = arith.constant 5 : i32
        %parallel_loop3A_1231 = arith.index_cast %parallel_loop3A_830 : i32 to index
        %parallel_loop3A_1232 = arith.index_cast %parallel_loop3A_846 : i32 to index
        %parallel_loop3A_1233 = arith.index_cast %parallel_loop3A_1230 : i32 to index
        %parallel_loop3A_1234 = arith.constant 0 : index
        %parallel_loop3A_1235 = tpu.vector_load %arg6[%parallel_loop3A_1231, %parallel_loop3A_1232, %parallel_loop3A_1233, %parallel_loop3A_1234] {strides = array<i32>} : memref<4x6x8x128xf32, #tpu.memory_space<vmem>>, vector<1x1x1x16xf32>,
        %parallel_loop3A_1236 = vector.shape_cast %parallel_loop3A_1235 : vector<1x1x1x16xf32> to vector<16xf32>
        %parallel_loop3A_1237 = vector.shape_cast %parallel_loop3A_1221 : vector<16xf32> to vector<1x1x1x16xf32>
        tpu.vector_store %arg6[%parallel_loop3A_1231, %parallel_loop3A_1232, %parallel_loop3A_1233, %parallel_loop3A_1234], %parallel_loop3A_1237 {strides = array<i32>} : memref<4x6x8x128xf32, #tpu.memory_space<vmem>>, vector<1x1x1x16xf32>,
        %parallel_loop3A_1238 = arith.constant 2 : i32
        %parallel_loop3A_1239 = arith.index_cast %parallel_loop3A_830 : i32 to index
        %parallel_loop3A_1240 = arith.index_cast %parallel_loop3A_846 : i32 to index
        %parallel_loop3A_1241 = arith.index_cast %parallel_loop3A_1238 : i32 to index
        %parallel_loop3A_1242 = arith.constant 16 : index
        %parallel_loop3A_1243 = tpu.vector_load %arg4[%parallel_loop3A_1239, %parallel_loop3A_1240, %parallel_loop3A_1241, %parallel_loop3A_1242] {strides = array<i32>} : memref<4x6x4x128xf32, #tpu.memory_space<vmem>>, vector<1x1x1x16xf32>,
        %parallel_loop3A_1244 = vector.shape_cast %parallel_loop3A_1243 : vector<1x1x1x16xf32> to vector<16xf32>
        %parallel_loop3A_1245 = arith.constant 4 : i32
        %parallel_loop3A_1246 = arith.index_cast %parallel_loop3A_830 : i32 to index
        %parallel_loop3A_1247 = arith.index_cast %parallel_loop3A_846 : i32 to index
        %parallel_loop3A_1248 = arith.index_cast %parallel_loop3A_1245 : i32 to index
        %parallel_loop3A_1249 = arith.constant 16 : index
        %parallel_loop3A_1250 = tpu.vector_load %arg6[%parallel_loop3A_1246, %parallel_loop3A_1247, %parallel_loop3A_1248, %parallel_loop3A_1249] {strides = array<i32>} : memref<4x6x8x128xf32, #tpu.memory_space<vmem>>, vector<1x1x1x16xf32>,
        %parallel_loop3A_1251 = vector.shape_cast %parallel_loop3A_1250 : vector<1x1x1x16xf32> to vector<16xf32>
        %parallel_loop3A_1252 = vector.shape_cast %parallel_loop3A_1244 : vector<16xf32> to vector<1x1x1x16xf32>
        tpu.vector_store %arg6[%parallel_loop3A_1246, %parallel_loop3A_1247, %parallel_loop3A_1248, %parallel_loop3A_1249], %parallel_loop3A_1252 {strides = array<i32>} : memref<4x6x8x128xf32, #tpu.memory_space<vmem>>, vector<1x1x1x16xf32>,
        %parallel_loop3A_1253 = arith.constant 5 : i32
        %parallel_loop3A_1254 = arith.index_cast %parallel_loop3A_830 : i32 to index
        %parallel_loop3A_1255 = arith.index_cast %parallel_loop3A_846 : i32 to index
        %parallel_loop3A_1256 = arith.index_cast %parallel_loop3A_1253 : i32 to index
        %parallel_loop3A_1257 = arith.constant 16 : index
        %parallel_loop3A_1258 = tpu.vector_load %arg6[%parallel_loop3A_1254, %parallel_loop3A_1255, %parallel_loop3A_1256, %parallel_loop3A_1257] {strides = array<i32>} : memref<4x6x8x128xf32, #tpu.memory_space<vmem>>, vector<1x1x1x16xf32>,
        %parallel_loop3A_1259 = vector.shape_cast %parallel_loop3A_1258 : vector<1x1x1x16xf32> to vector<16xf32>
        %parallel_loop3A_1260 = vector.shape_cast %parallel_loop3A_1244 : vector<16xf32> to vector<1x1x1x16xf32>
        tpu.vector_store %arg6[%parallel_loop3A_1254, %parallel_loop3A_1255, %parallel_loop3A_1256, %parallel_loop3A_1257], %parallel_loop3A_1260 {strides = array<i32>} : memref<4x6x8x128xf32, #tpu.memory_space<vmem>>, vector<1x1x1x16xf32>,
        %parallel_loop3A_1261 = arith.constant 2 : i32
        %parallel_loop3A_1262 = arith.index_cast %parallel_loop3A_830 : i32 to index
        %parallel_loop3A_1263 = arith.index_cast %parallel_loop3A_846 : i32 to index
        %parallel_loop3A_1264 = arith.index_cast %parallel_loop3A_1261 : i32 to index
        %parallel_loop3A_1265 = arith.constant 32 : index
        %parallel_loop3A_1266 = tpu.vector_load %arg4[%parallel_loop3A_1262, %parallel_loop3A_1263, %parallel_loop3A_1264, %parallel_loop3A_1265] {strides = array<i32>} : memref<4x6x4x128xf32, #tpu.memory_space<vmem>>, vector<1x1x1x16xf32>,
        %parallel_loop3A_1267 = vector.shape_cast %parallel_loop3A_1266 : vector<1x1x1x16xf32> to vector<16xf32>
        %parallel_loop3A_1268 = arith.constant 4 : i32
        %parallel_loop3A_1269 = arith.index_cast %parallel_loop3A_830 : i32 to index
        %parallel_loop3A_1270 = arith.index_cast %parallel_loop3A_846 : i32 to index
        %parallel_loop3A_1271 = arith.index_cast %parallel_loop3A_1268 : i32 to index
        %parallel_loop3A_1272 = arith.constant 32 : index
        %parallel_loop3A_1273 = tpu.vector_load %arg6[%parallel_loop3A_1269, %parallel_loop3A_1270, %parallel_loop3A_1271, %parallel_loop3A_1272] {strides = array<i32>} : memref<4x6x8x128xf32, #tpu.memory_space<vmem>>, vector<1x1x1x16xf32>,
        %parallel_loop3A_1274 = vector.shape_cast %parallel_loop3A_1273 : vector<1x1x1x16xf32> to vector<16xf32>
        %parallel_loop3A_1275 = vector.shape_cast %parallel_loop3A_1267 : vector<16xf32> to vector<1x1x1x16xf32>
        tpu.vector_store %arg6[%parallel_loop3A_1269, %parallel_loop3A_1270, %parallel_loop3A_1271, %parallel_loop3A_1272], %parallel_loop3A_1275 {strides = array<i32>} : memref<4x6x8x128xf32, #tpu.memory_space<vmem>>, vector<1x1x1x16xf32>,
        %parallel_loop3A_1276 = arith.constant 5 : i32
        %parallel_loop3A_1277 = arith.index_cast %parallel_loop3A_830 : i32 to index
        %parallel_loop3A_1278 = arith.index_cast %parallel_loop3A_846 : i32 to index
        %parallel_loop3A_1279 = arith.index_cast %parallel_loop3A_1276 : i32 to index
        %parallel_loop3A_1280 = arith.constant 32 : index
        %parallel_loop3A_1281 = tpu.vector_load %arg6[%parallel_loop3A_1277, %parallel_loop3A_1278, %parallel_loop3A_1279, %parallel_loop3A_1280] {strides = array<i32>} : memref<4x6x8x128xf32, #tpu.memory_space<vmem>>, vector<1x1x1x16xf32>,
        %parallel_loop3A_1282 = vector.shape_cast %parallel_loop3A_1281 : vector<1x1x1x16xf32> to vector<16xf32>
        %parallel_loop3A_1283 = vector.shape_cast %parallel_loop3A_1267 : vector<16xf32> to vector<1x1x1x16xf32>
        tpu.vector_store %arg6[%parallel_loop3A_1277, %parallel_loop3A_1278, %parallel_loop3A_1279, %parallel_loop3A_1280], %parallel_loop3A_1283 {strides = array<i32>} : memref<4x6x8x128xf32, #tpu.memory_space<vmem>>, vector<1x1x1x16xf32>,
        %parallel_loop3A_1284 = arith.constant 2 : i32
        %parallel_loop3A_1285 = arith.index_cast %parallel_loop3A_830 : i32 to index
        %parallel_loop3A_1286 = arith.index_cast %parallel_loop3A_846 : i32 to index
        %parallel_loop3A_1287 = arith.index_cast %parallel_loop3A_1284 : i32 to index
        %parallel_loop3A_1288 = arith.constant 48 : index
        %parallel_loop3A_1289 = tpu.vector_load %arg4[%parallel_loop3A_1285, %parallel_loop3A_1286, %parallel_loop3A_1287, %parallel_loop3A_1288] {strides = array<i32>} : memref<4x6x4x128xf32, #tpu.memory_space<vmem>>, vector<1x1x1x16xf32>,
        %parallel_loop3A_1290 = vector.shape_cast %parallel_loop3A_1289 : vector<1x1x1x16xf32> to vector<16xf32>
        %parallel_loop3A_1291 = arith.constant 4 : i32
        %parallel_loop3A_1292 = arith.index_cast %parallel_loop3A_830 : i32 to index
        %parallel_loop3A_1293 = arith.index_cast %parallel_loop3A_846 : i32 to index
        %parallel_loop3A_1294 = arith.index_cast %parallel_loop3A_1291 : i32 to index
        %parallel_loop3A_1295 = arith.constant 48 : index
        %parallel_loop3A_1296 = tpu.vector_load %arg6[%parallel_loop3A_1292, %parallel_loop3A_1293, %parallel_loop3A_1294, %parallel_loop3A_1295] {strides = array<i32>} : memref<4x6x8x128xf32, #tpu.memory_space<vmem>>, vector<1x1x1x16xf32>,
        %parallel_loop3A_1297 = vector.shape_cast %parallel_loop3A_1296 : vector<1x1x1x16xf32> to vector<16xf32>
        %parallel_loop3A_1298 = vector.shape_cast %parallel_loop3A_1290 : vector<16xf32> to vector<1x1x1x16xf32>
        tpu.vector_store %arg6[%parallel_loop3A_1292, %parallel_loop3A_1293, %parallel_loop3A_1294, %parallel_loop3A_1295], %parallel_loop3A_1298 {strides = array<i32>} : memref<4x6x8x128xf32, #tpu.memory_space<vmem>>, vector<1x1x1x16xf32>,
        %parallel_loop3A_1299 = arith.constant 5 : i32
        %parallel_loop3A_1300 = arith.index_cast %parallel_loop3A_830 : i32 to index
        %parallel_loop3A_1301 = arith.index_cast %parallel_loop3A_846 : i32 to index
        %parallel_loop3A_1302 = arith.index_cast %parallel_loop3A_1299 : i32 to index
        %parallel_loop3A_1303 = arith.constant 48 : index
        %parallel_loop3A_1304 = tpu.vector_load %arg6[%parallel_loop3A_1300, %parallel_loop3A_1301, %parallel_loop3A_1302, %parallel_loop3A_1303] {strides = array<i32>} : memref<4x6x8x128xf32, #tpu.memory_space<vmem>>, vector<1x1x1x16xf32>,
        %parallel_loop3A_1305 = vector.shape_cast %parallel_loop3A_1304 : vector<1x1x1x16xf32> to vector<16xf32>
        %parallel_loop3A_1306 = vector.shape_cast %parallel_loop3A_1290 : vector<16xf32> to vector<1x1x1x16xf32>
        tpu.vector_store %arg6[%parallel_loop3A_1300, %parallel_loop3A_1301, %parallel_loop3A_1302, %parallel_loop3A_1303], %parallel_loop3A_1306 {strides = array<i32>} : memref<4x6x8x128xf32, #tpu.memory_space<vmem>>, vector<1x1x1x16xf32>,
        %parallel_loop3A_1307 = arith.constant 2 : i32
        %parallel_loop3A_1308 = arith.index_cast %parallel_loop3A_830 : i32 to index
        %parallel_loop3A_1309 = arith.index_cast %parallel_loop3A_846 : i32 to index
        %parallel_loop3A_1310 = arith.index_cast %parallel_loop3A_1307 : i32 to index
        %parallel_loop3A_1311 = arith.constant 64 : index
        %parallel_loop3A_1312 = tpu.vector_load %arg4[%parallel_loop3A_1308, %parallel_loop3A_1309, %parallel_loop3A_1310, %parallel_loop3A_1311] {strides = array<i32>} : memref<4x6x4x128xf32, #tpu.memory_space<vmem>>, vector<1x1x1x16xf32>,
        %parallel_loop3A_1313 = vector.shape_cast %parallel_loop3A_1312 : vector<1x1x1x16xf32> to vector<16xf32>
        %parallel_loop3A_1314 = arith.constant 4 : i32
        %parallel_loop3A_1315 = arith.index_cast %parallel_loop3A_830 : i32 to index
        %parallel_loop3A_1316 = arith.index_cast %parallel_loop3A_846 : i32 to index
        %parallel_loop3A_1317 = arith.index_cast %parallel_loop3A_1314 : i32 to index
        %parallel_loop3A_1318 = arith.constant 64 : index
        %parallel_loop3A_1319 = tpu.vector_load %arg6[%parallel_loop3A_1315, %parallel_loop3A_1316, %parallel_loop3A_1317, %parallel_loop3A_1318] {strides = array<i32>} : memref<4x6x8x128xf32, #tpu.memory_space<vmem>>, vector<1x1x1x16xf32>,
        %parallel_loop3A_1320 = vector.shape_cast %parallel_loop3A_1319 : vector<1x1x1x16xf32> to vector<16xf32>
        %parallel_loop3A_1321 = vector.shape_cast %parallel_loop3A_1313 : vector<16xf32> to vector<1x1x1x16xf32>
        tpu.vector_store %arg6[%parallel_loop3A_1315, %parallel_loop3A_1316, %parallel_loop3A_1317, %parallel_loop3A_1318], %parallel_loop3A_1321 {strides = array<i32>} : memref<4x6x8x128xf32, #tpu.memory_space<vmem>>, vector<1x1x1x16xf32>,
        %parallel_loop3A_1322 = arith.constant 5 : i32
        %parallel_loop3A_1323 = arith.index_cast %parallel_loop3A_830 : i32 to index
        %parallel_loop3A_1324 = arith.index_cast %parallel_loop3A_846 : i32 to index
        %parallel_loop3A_1325 = arith.index_cast %parallel_loop3A_1322 : i32 to index
        %parallel_loop3A_1326 = arith.constant 64 : index
        %parallel_loop3A_1327 = tpu.vector_load %arg6[%parallel_loop3A_1323, %parallel_loop3A_1324, %parallel_loop3A_1325, %parallel_loop3A_1326] {strides = array<i32>} : memref<4x6x8x128xf32, #tpu.memory_space<vmem>>, vector<1x1x1x16xf32>,
        %parallel_loop3A_1328 = vector.shape_cast %parallel_loop3A_1327 : vector<1x1x1x16xf32> to vector<16xf32>
        %parallel_loop3A_1329 = vector.shape_cast %parallel_loop3A_1313 : vector<16xf32> to vector<1x1x1x16xf32>
        tpu.vector_store %arg6[%parallel_loop3A_1323, %parallel_loop3A_1324, %parallel_loop3A_1325, %parallel_loop3A_1326], %parallel_loop3A_1329 {strides = array<i32>} : memref<4x6x8x128xf32, #tpu.memory_space<vmem>>, vector<1x1x1x16xf32>,
        %parallel_loop3A_1330 = arith.constant 2 : i32
        %parallel_loop3A_1331 = arith.index_cast %parallel_loop3A_830 : i32 to index
        %parallel_loop3A_1332 = arith.index_cast %parallel_loop3A_846 : i32 to index
        %parallel_loop3A_1333 = arith.index_cast %parallel_loop3A_1330 : i32 to index
        %parallel_loop3A_1334 = arith.constant 80 : index
        %parallel_loop3A_1335 = tpu.vector_load %arg4[%parallel_loop3A_1331, %parallel_loop3A_1332, %parallel_loop3A_1333, %parallel_loop3A_1334] {strides = array<i32>} : memref<4x6x4x128xf32, #tpu.memory_space<vmem>>, vector<1x1x1x16xf32>,
        %parallel_loop3A_1336 = vector.shape_cast %parallel_loop3A_1335 : vector<1x1x1x16xf32> to vector<16xf32>
        %parallel_loop3A_1337 = arith.constant 4 : i32
        %parallel_loop3A_1338 = arith.index_cast %parallel_loop3A_830 : i32 to index
        %parallel_loop3A_1339 = arith.index_cast %parallel_loop3A_846 : i32 to index
        %parallel_loop3A_1340 = arith.index_cast %parallel_loop3A_1337 : i32 to index
        %parallel_loop3A_1341 = arith.constant 80 : index
        %parallel_loop3A_1342 = tpu.vector_load %arg6[%parallel_loop3A_1338, %parallel_loop3A_1339, %parallel_loop3A_1340, %parallel_loop3A_1341] {strides = array<i32>} : memref<4x6x8x128xf32, #tpu.memory_space<vmem>>, vector<1x1x1x16xf32>,
        %parallel_loop3A_1343 = vector.shape_cast %parallel_loop3A_1342 : vector<1x1x1x16xf32> to vector<16xf32>
        %parallel_loop3A_1344 = vector.shape_cast %parallel_loop3A_1336 : vector<16xf32> to vector<1x1x1x16xf32>
        tpu.vector_store %arg6[%parallel_loop3A_1338, %parallel_loop3A_1339, %parallel_loop3A_1340, %parallel_loop3A_1341], %parallel_loop3A_1344 {strides = array<i32>} : memref<4x6x8x128xf32, #tpu.memory_space<vmem>>, vector<1x1x1x16xf32>,
        %parallel_loop3A_1345 = arith.constant 5 : i32
        %parallel_loop3A_1346 = arith.index_cast %parallel_loop3A_830 : i32 to index
        %parallel_loop3A_1347 = arith.index_cast %parallel_loop3A_846 : i32 to index
        %parallel_loop3A_1348 = arith.index_cast %parallel_loop3A_1345 : i32 to index
        %parallel_loop3A_1349 = arith.constant 80 : index
        %parallel_loop3A_1350 = tpu.vector_load %arg6[%parallel_loop3A_1346, %parallel_loop3A_1347, %parallel_loop3A_1348, %parallel_loop3A_1349] {strides = array<i32>} : memref<4x6x8x128xf32, #tpu.memory_space<vmem>>, vector<1x1x1x16xf32>,
        %parallel_loop3A_1351 = vector.shape_cast %parallel_loop3A_1350 : vector<1x1x1x16xf32> to vector<16xf32>
        %parallel_loop3A_1352 = vector.shape_cast %parallel_loop3A_1336 : vector<16xf32> to vector<1x1x1x16xf32>
        tpu.vector_store %arg6[%parallel_loop3A_1346, %parallel_loop3A_1347, %parallel_loop3A_1348, %parallel_loop3A_1349], %parallel_loop3A_1352 {strides = array<i32>} : memref<4x6x8x128xf32, #tpu.memory_space<vmem>>, vector<1x1x1x16xf32>,
        %parallel_loop3A_1353 = arith.constant 2 : i32
        %parallel_loop3A_1354 = arith.index_cast %parallel_loop3A_830 : i32 to index
        %parallel_loop3A_1355 = arith.index_cast %parallel_loop3A_846 : i32 to index
        %parallel_loop3A_1356 = arith.index_cast %parallel_loop3A_1353 : i32 to index
        %parallel_loop3A_1357 = arith.constant 96 : index
        %parallel_loop3A_1358 = tpu.vector_load %arg4[%parallel_loop3A_1354, %parallel_loop3A_1355, %parallel_loop3A_1356, %parallel_loop3A_1357] {strides = array<i32>} : memref<4x6x4x128xf32, #tpu.memory_space<vmem>>, vector<1x1x1x16xf32>,
        %parallel_loop3A_1359 = vector.shape_cast %parallel_loop3A_1358 : vector<1x1x1x16xf32> to vector<16xf32>
        %parallel_loop3A_1360 = arith.constant 4 : i32
        %parallel_loop3A_1361 = arith.index_cast %parallel_loop3A_830 : i32 to index
        %parallel_loop3A_1362 = arith.index_cast %parallel_loop3A_846 : i32 to index
        %parallel_loop3A_1363 = arith.index_cast %parallel_loop3A_1360 : i32 to index
        %parallel_loop3A_1364 = arith.constant 96 : index
        %parallel_loop3A_1365 = tpu.vector_load %arg6[%parallel_loop3A_1361, %parallel_loop3A_1362, %parallel_loop3A_1363, %parallel_loop3A_1364] {strides = array<i32>} : memref<4x6x8x128xf32, #tpu.memory_space<vmem>>, vector<1x1x1x16xf32>,
        %parallel_loop3A_1366 = vector.shape_cast %parallel_loop3A_1365 : vector<1x1x1x16xf32> to vector<16xf32>
        %parallel_loop3A_1367 = vector.shape_cast %parallel_loop3A_1359 : vector<16xf32> to vector<1x1x1x16xf32>
        tpu.vector_store %arg6[%parallel_loop3A_1361, %parallel_loop3A_1362, %parallel_loop3A_1363, %parallel_loop3A_1364], %parallel_loop3A_1367 {strides = array<i32>} : memref<4x6x8x128xf32, #tpu.memory_space<vmem>>, vector<1x1x1x16xf32>,
        %parallel_loop3A_1368 = arith.constant 5 : i32
        %parallel_loop3A_1369 = arith.index_cast %parallel_loop3A_830 : i32 to index
        %parallel_loop3A_1370 = arith.index_cast %parallel_loop3A_846 : i32 to index
        %parallel_loop3A_1371 = arith.index_cast %parallel_loop3A_1368 : i32 to index
        %parallel_loop3A_1372 = arith.constant 96 : index
        %parallel_loop3A_1373 = tpu.vector_load %arg6[%parallel_loop3A_1369, %parallel_loop3A_1370, %parallel_loop3A_1371, %parallel_loop3A_1372] {strides = array<i32>} : memref<4x6x8x128xf32, #tpu.memory_space<vmem>>, vector<1x1x1x16xf32>,
        %parallel_loop3A_1374 = vector.shape_cast %parallel_loop3A_1373 : vector<1x1x1x16xf32> to vector<16xf32>
        %parallel_loop3A_1375 = vector.shape_cast %parallel_loop3A_1359 : vector<16xf32> to vector<1x1x1x16xf32>
        tpu.vector_store %arg6[%parallel_loop3A_1369, %parallel_loop3A_1370, %parallel_loop3A_1371, %parallel_loop3A_1372], %parallel_loop3A_1375 {strides = array<i32>} : memref<4x6x8x128xf32, #tpu.memory_space<vmem>>, vector<1x1x1x16xf32>,
        %parallel_loop3A_1376 = arith.constant 2 : i32
        %parallel_loop3A_1377 = arith.index_cast %parallel_loop3A_830 : i32 to index
        %parallel_loop3A_1378 = arith.index_cast %parallel_loop3A_846 : i32 to index
        %parallel_loop3A_1379 = arith.index_cast %parallel_loop3A_1376 : i32 to index
        %parallel_loop3A_1380 = arith.constant 112 : index
        %parallel_loop3A_1381 = tpu.vector_load %arg4[%parallel_loop3A_1377, %parallel_loop3A_1378, %parallel_loop3A_1379, %parallel_loop3A_1380] {strides = array<i32>} : memref<4x6x4x128xf32, #tpu.memory_space<vmem>>, vector<1x1x1x16xf32>,
        %parallel_loop3A_1382 = vector.shape_cast %parallel_loop3A_1381 : vector<1x1x1x16xf32> to vector<16xf32>
        %parallel_loop3A_1383 = arith.constant 4 : i32
        %parallel_loop3A_1384 = arith.index_cast %parallel_loop3A_830 : i32 to index
        %parallel_loop3A_1385 = arith.index_cast %parallel_loop3A_846 : i32 to index
        %parallel_loop3A_1386 = arith.index_cast %parallel_loop3A_1383 : i32 to index
        %parallel_loop3A_1387 = arith.constant 112 : index
        %parallel_loop3A_1388 = tpu.vector_load %arg6[%parallel_loop3A_1384, %parallel_loop3A_1385, %parallel_loop3A_1386, %parallel_loop3A_1387] {strides = array<i32>} : memref<4x6x8x128xf32, #tpu.memory_space<vmem>>, vector<1x1x1x16xf32>,
        %parallel_loop3A_1389 = vector.shape_cast %parallel_loop3A_1388 : vector<1x1x1x16xf32> to vector<16xf32>
        %parallel_loop3A_1390 = vector.shape_cast %parallel_loop3A_1382 : vector<16xf32> to vector<1x1x1x16xf32>
        tpu.vector_store %arg6[%parallel_loop3A_1384, %parallel_loop3A_1385, %parallel_loop3A_1386, %parallel_loop3A_1387], %parallel_loop3A_1390 {strides = array<i32>} : memref<4x6x8x128xf32, #tpu.memory_space<vmem>>, vector<1x1x1x16xf32>,
        %parallel_loop3A_1391 = arith.constant 5 : i32
        %parallel_loop3A_1392 = arith.index_cast %parallel_loop3A_830 : i32 to index
        %parallel_loop3A_1393 = arith.index_cast %parallel_loop3A_846 : i32 to index
        %parallel_loop3A_1394 = arith.index_cast %parallel_loop3A_1391 : i32 to index
        %parallel_loop3A_1395 = arith.constant 112 : index
        %parallel_loop3A_1396 = tpu.vector_load %arg6[%parallel_loop3A_1392, %parallel_loop3A_1393, %parallel_loop3A_1394, %parallel_loop3A_1395] {strides = array<i32>} : memref<4x6x8x128xf32, #tpu.memory_space<vmem>>, vector<1x1x1x16xf32>,
        %parallel_loop3A_1397 = vector.shape_cast %parallel_loop3A_1396 : vector<1x1x1x16xf32> to vector<16xf32>
        %parallel_loop3A_1398 = vector.shape_cast %parallel_loop3A_1382 : vector<16xf32> to vector<1x1x1x16xf32>
        tpu.vector_store %arg6[%parallel_loop3A_1392, %parallel_loop3A_1393, %parallel_loop3A_1394, %parallel_loop3A_1395], %parallel_loop3A_1398 {strides = array<i32>} : memref<4x6x8x128xf32, #tpu.memory_space<vmem>>, vector<1x1x1x16xf32>,
        %parallel_loop3A_1399 = arith.constant 3 : i32
        %parallel_loop3A_1400 = arith.index_cast %parallel_loop3A_830 : i32 to index
        %parallel_loop3A_1401 = arith.index_cast %parallel_loop3A_846 : i32 to index
        %parallel_loop3A_1402 = arith.index_cast %parallel_loop3A_1399 : i32 to index
        %parallel_loop3A_1403 = arith.constant 0 : index
        %parallel_loop3A_1404 = tpu.vector_load %arg4[%parallel_loop3A_1400, %parallel_loop3A_1401, %parallel_loop3A_1402, %parallel_loop3A_1403] {strides = array<i32>} : memref<4x6x4x128xf32, #tpu.memory_space<vmem>>, vector<1x1x1x16xf32>,
        %parallel_loop3A_1405 = vector.shape_cast %parallel_loop3A_1404 : vector<1x1x1x16xf32> to vector<16xf32>
        %parallel_loop3A_1406 = arith.constant 6 : i32
        %parallel_loop3A_1407 = arith.index_cast %parallel_loop3A_830 : i32 to index
        %parallel_loop3A_1408 = arith.index_cast %parallel_loop3A_846 : i32 to index
        %parallel_loop3A_1409 = arith.index_cast %parallel_loop3A_1406 : i32 to index
        %parallel_loop3A_1410 = arith.constant 0 : index
        %parallel_loop3A_1411 = tpu.vector_load %arg6[%parallel_loop3A_1407, %parallel_loop3A_1408, %parallel_loop3A_1409, %parallel_loop3A_1410] {strides = array<i32>} : memref<4x6x8x128xf32, #tpu.memory_space<vmem>>, vector<1x1x1x16xf32>,
        %parallel_loop3A_1412 = vector.shape_cast %parallel_loop3A_1411 : vector<1x1x1x16xf32> to vector<16xf32>
        %parallel_loop3A_1413 = vector.shape_cast %parallel_loop3A_1405 : vector<16xf32> to vector<1x1x1x16xf32>
        tpu.vector_store %arg6[%parallel_loop3A_1407, %parallel_loop3A_1408, %parallel_loop3A_1409, %parallel_loop3A_1410], %parallel_loop3A_1413 {strides = array<i32>} : memref<4x6x8x128xf32, #tpu.memory_space<vmem>>, vector<1x1x1x16xf32>,
        %parallel_loop3A_1414 = arith.constant 7 : i32
        %parallel_loop3A_1415 = arith.index_cast %parallel_loop3A_830 : i32 to index
        %parallel_loop3A_1416 = arith.index_cast %parallel_loop3A_846 : i32 to index
        %parallel_loop3A_1417 = arith.index_cast %parallel_loop3A_1414 : i32 to index
        %parallel_loop3A_1418 = arith.constant 0 : index
        %parallel_loop3A_1419 = tpu.vector_load %arg6[%parallel_loop3A_1415, %parallel_loop3A_1416, %parallel_loop3A_1417, %parallel_loop3A_1418] {strides = array<i32>} : memref<4x6x8x128xf32, #tpu.memory_space<vmem>>, vector<1x1x1x16xf32>,
        %parallel_loop3A_1420 = vector.shape_cast %parallel_loop3A_1419 : vector<1x1x1x16xf32> to vector<16xf32>
        %parallel_loop3A_1421 = vector.shape_cast %parallel_loop3A_1405 : vector<16xf32> to vector<1x1x1x16xf32>
        tpu.vector_store %arg6[%parallel_loop3A_1415, %parallel_loop3A_1416, %parallel_loop3A_1417, %parallel_loop3A_1418], %parallel_loop3A_1421 {strides = array<i32>} : memref<4x6x8x128xf32, #tpu.memory_space<vmem>>, vector<1x1x1x16xf32>,
        %parallel_loop3A_1422 = arith.constant 3 : i32
        %parallel_loop3A_1423 = arith.index_cast %parallel_loop3A_830 : i32 to index
        %parallel_loop3A_1424 = arith.index_cast %parallel_loop3A_846 : i32 to index
        %parallel_loop3A_1425 = arith.index_cast %parallel_loop3A_1422 : i32 to index
        %parallel_loop3A_1426 = arith.constant 16 : index
        %parallel_loop3A_1427 = tpu.vector_load %arg4[%parallel_loop3A_1423, %parallel_loop3A_1424, %parallel_loop3A_1425, %parallel_loop3A_1426] {strides = array<i32>} : memref<4x6x4x128xf32, #tpu.memory_space<vmem>>, vector<1x1x1x16xf32>,
        %parallel_loop3A_1428 = vector.shape_cast %parallel_loop3A_1427 : vector<1x1x1x16xf32> to vector<16xf32>
        %parallel_loop3A_1429 = arith.constant 6 : i32
        %parallel_loop3A_1430 = arith.index_cast %parallel_loop3A_830 : i32 to index
        %parallel_loop3A_1431 = arith.index_cast %parallel_loop3A_846 : i32 to index
        %parallel_loop3A_1432 = arith.index_cast %parallel_loop3A_1429 : i32 to index
        %parallel_loop3A_1433 = arith.constant 16 : index
        %parallel_loop3A_1434 = tpu.vector_load %arg6[%parallel_loop3A_1430, %parallel_loop3A_1431, %parallel_loop3A_1432, %parallel_loop3A_1433] {strides = array<i32>} : memref<4x6x8x128xf32, #tpu.memory_space<vmem>>, vector<1x1x1x16xf32>,
        %parallel_loop3A_1435 = vector.shape_cast %parallel_loop3A_1434 : vector<1x1x1x16xf32> to vector<16xf32>
        %parallel_loop3A_1436 = vector.shape_cast %parallel_loop3A_1428 : vector<16xf32> to vector<1x1x1x16xf32>
        tpu.vector_store %arg6[%parallel_loop3A_1430, %parallel_loop3A_1431, %parallel_loop3A_1432, %parallel_loop3A_1433], %parallel_loop3A_1436 {strides = array<i32>} : memref<4x6x8x128xf32, #tpu.memory_space<vmem>>, vector<1x1x1x16xf32>,
        %parallel_loop3A_1437 = arith.constant 7 : i32
        %parallel_loop3A_1438 = arith.index_cast %parallel_loop3A_830 : i32 to index
        %parallel_loop3A_1439 = arith.index_cast %parallel_loop3A_846 : i32 to index
        %parallel_loop3A_1440 = arith.index_cast %parallel_loop3A_1437 : i32 to index
        %parallel_loop3A_1441 = arith.constant 16 : index
        %parallel_loop3A_1442 = tpu.vector_load %arg6[%parallel_loop3A_1438, %parallel_loop3A_1439, %parallel_loop3A_1440, %parallel_loop3A_1441] {strides = array<i32>} : memref<4x6x8x128xf32, #tpu.memory_space<vmem>>, vector<1x1x1x16xf32>,
        %parallel_loop3A_1443 = vector.shape_cast %parallel_loop3A_1442 : vector<1x1x1x16xf32> to vector<16xf32>
        %parallel_loop3A_1444 = vector.shape_cast %parallel_loop3A_1428 : vector<16xf32> to vector<1x1x1x16xf32>
        tpu.vector_store %arg6[%parallel_loop3A_1438, %parallel_loop3A_1439, %parallel_loop3A_1440, %parallel_loop3A_1441], %parallel_loop3A_1444 {strides = array<i32>} : memref<4x6x8x128xf32, #tpu.memory_space<vmem>>, vector<1x1x1x16xf32>,
        %parallel_loop3A_1445 = arith.constant 3 : i32
        %parallel_loop3A_1446 = arith.index_cast %parallel_loop3A_830 : i32 to index
        %parallel_loop3A_1447 = arith.index_cast %parallel_loop3A_846 : i32 to index
        %parallel_loop3A_1448 = arith.index_cast %parallel_loop3A_1445 : i32 to index
        %parallel_loop3A_1449 = arith.constant 32 : index
        %parallel_loop3A_1450 = tpu.vector_load %arg4[%parallel_loop3A_1446, %parallel_loop3A_1447, %parallel_loop3A_1448, %parallel_loop3A_1449] {strides = array<i32>} : memref<4x6x4x128xf32, #tpu.memory_space<vmem>>, vector<1x1x1x16xf32>,
        %parallel_loop3A_1451 = vector.shape_cast %parallel_loop3A_1450 : vector<1x1x1x16xf32> to vector<16xf32>
        %parallel_loop3A_1452 = arith.constant 6 : i32
        %parallel_loop3A_1453 = arith.index_cast %parallel_loop3A_830 : i32 to index
        %parallel_loop3A_1454 = arith.index_cast %parallel_loop3A_846 : i32 to index
        %parallel_loop3A_1455 = arith.index_cast %parallel_loop3A_1452 : i32 to index
        %parallel_loop3A_1456 = arith.constant 32 : index
        %parallel_loop3A_1457 = tpu.vector_load %arg6[%parallel_loop3A_1453, %parallel_loop3A_1454, %parallel_loop3A_1455, %parallel_loop3A_1456] {strides = array<i32>} : memref<4x6x8x128xf32, #tpu.memory_space<vmem>>, vector<1x1x1x16xf32>,
        %parallel_loop3A_1458 = vector.shape_cast %parallel_loop3A_1457 : vector<1x1x1x16xf32> to vector<16xf32>
        %parallel_loop3A_1459 = vector.shape_cast %parallel_loop3A_1451 : vector<16xf32> to vector<1x1x1x16xf32>
        tpu.vector_store %arg6[%parallel_loop3A_1453, %parallel_loop3A_1454, %parallel_loop3A_1455, %parallel_loop3A_1456], %parallel_loop3A_1459 {strides = array<i32>} : memref<4x6x8x128xf32, #tpu.memory_space<vmem>>, vector<1x1x1x16xf32>,
        %parallel_loop3A_1460 = arith.constant 7 : i32
        %parallel_loop3A_1461 = arith.index_cast %parallel_loop3A_830 : i32 to index
        %parallel_loop3A_1462 = arith.index_cast %parallel_loop3A_846 : i32 to index
        %parallel_loop3A_1463 = arith.index_cast %parallel_loop3A_1460 : i32 to index
        %parallel_loop3A_1464 = arith.constant 32 : index
        %parallel_loop3A_1465 = tpu.vector_load %arg6[%parallel_loop3A_1461, %parallel_loop3A_1462, %parallel_loop3A_1463, %parallel_loop3A_1464] {strides = array<i32>} : memref<4x6x8x128xf32, #tpu.memory_space<vmem>>, vector<1x1x1x16xf32>,
        %parallel_loop3A_1466 = vector.shape_cast %parallel_loop3A_1465 : vector<1x1x1x16xf32> to vector<16xf32>
        %parallel_loop3A_1467 = vector.shape_cast %parallel_loop3A_1451 : vector<16xf32> to vector<1x1x1x16xf32>
        tpu.vector_store %arg6[%parallel_loop3A_1461, %parallel_loop3A_1462, %parallel_loop3A_1463, %parallel_loop3A_1464], %parallel_loop3A_1467 {strides = array<i32>} : memref<4x6x8x128xf32, #tpu.memory_space<vmem>>, vector<1x1x1x16xf32>,
        %parallel_loop3A_1468 = arith.constant 3 : i32
        %parallel_loop3A_1469 = arith.index_cast %parallel_loop3A_830 : i32 to index
        %parallel_loop3A_1470 = arith.index_cast %parallel_loop3A_846 : i32 to index
        %parallel_loop3A_1471 = arith.index_cast %parallel_loop3A_1468 : i32 to index
        %parallel_loop3A_1472 = arith.constant 48 : index
        %parallel_loop3A_1473 = tpu.vector_load %arg4[%parallel_loop3A_1469, %parallel_loop3A_1470, %parallel_loop3A_1471, %parallel_loop3A_1472] {strides = array<i32>} : memref<4x6x4x128xf32, #tpu.memory_space<vmem>>, vector<1x1x1x16xf32>,
        %parallel_loop3A_1474 = vector.shape_cast %parallel_loop3A_1473 : vector<1x1x1x16xf32> to vector<16xf32>
        %parallel_loop3A_1475 = arith.constant 6 : i32
        %parallel_loop3A_1476 = arith.index_cast %parallel_loop3A_830 : i32 to index
        %parallel_loop3A_1477 = arith.index_cast %parallel_loop3A_846 : i32 to index
        %parallel_loop3A_1478 = arith.index_cast %parallel_loop3A_1475 : i32 to index
        %parallel_loop3A_1479 = arith.constant 48 : index
        %parallel_loop3A_1480 = tpu.vector_load %arg6[%parallel_loop3A_1476, %parallel_loop3A_1477, %parallel_loop3A_1478, %parallel_loop3A_1479] {strides = array<i32>} : memref<4x6x8x128xf32, #tpu.memory_space<vmem>>, vector<1x1x1x16xf32>,
        %parallel_loop3A_1481 = vector.shape_cast %parallel_loop3A_1480 : vector<1x1x1x16xf32> to vector<16xf32>
        %parallel_loop3A_1482 = vector.shape_cast %parallel_loop3A_1474 : vector<16xf32> to vector<1x1x1x16xf32>
        tpu.vector_store %arg6[%parallel_loop3A_1476, %parallel_loop3A_1477, %parallel_loop3A_1478, %parallel_loop3A_1479], %parallel_loop3A_1482 {strides = array<i32>} : memref<4x6x8x128xf32, #tpu.memory_space<vmem>>, vector<1x1x1x16xf32>,
        %parallel_loop3A_1483 = arith.constant 7 : i32
        %parallel_loop3A_1484 = arith.index_cast %parallel_loop3A_830 : i32 to index
        %parallel_loop3A_1485 = arith.index_cast %parallel_loop3A_846 : i32 to index
        %parallel_loop3A_1486 = arith.index_cast %parallel_loop3A_1483 : i32 to index
        %parallel_loop3A_1487 = arith.constant 48 : index
        %parallel_loop3A_1488 = tpu.vector_load %arg6[%parallel_loop3A_1484, %parallel_loop3A_1485, %parallel_loop3A_1486, %parallel_loop3A_1487] {strides = array<i32>} : memref<4x6x8x128xf32, #tpu.memory_space<vmem>>, vector<1x1x1x16xf32>,
        %parallel_loop3A_1489 = vector.shape_cast %parallel_loop3A_1488 : vector<1x1x1x16xf32> to vector<16xf32>
        %parallel_loop3A_1490 = vector.shape_cast %parallel_loop3A_1474 : vector<16xf32> to vector<1x1x1x16xf32>
        tpu.vector_store %arg6[%parallel_loop3A_1484, %parallel_loop3A_1485, %parallel_loop3A_1486, %parallel_loop3A_1487], %parallel_loop3A_1490 {strides = array<i32>} : memref<4x6x8x128xf32, #tpu.memory_space<vmem>>, vector<1x1x1x16xf32>,
        %parallel_loop3A_1491 = arith.constant 3 : i32
        %parallel_loop3A_1492 = arith.index_cast %parallel_loop3A_830 : i32 to index
        %parallel_loop3A_1493 = arith.index_cast %parallel_loop3A_846 : i32 to index
        %parallel_loop3A_1494 = arith.index_cast %parallel_loop3A_1491 : i32 to index
        %parallel_loop3A_1495 = arith.constant 64 : index
        %parallel_loop3A_1496 = tpu.vector_load %arg4[%parallel_loop3A_1492, %parallel_loop3A_1493, %parallel_loop3A_1494, %parallel_loop3A_1495] {strides = array<i32>} : memref<4x6x4x128xf32, #tpu.memory_space<vmem>>, vector<1x1x1x16xf32>,
        %parallel_loop3A_1497 = vector.shape_cast %parallel_loop3A_1496 : vector<1x1x1x16xf32> to vector<16xf32>
        %parallel_loop3A_1498 = arith.constant 6 : i32
        %parallel_loop3A_1499 = arith.index_cast %parallel_loop3A_830 : i32 to index
        %parallel_loop3A_1500 = arith.index_cast %parallel_loop3A_846 : i32 to index
        %parallel_loop3A_1501 = arith.index_cast %parallel_loop3A_1498 : i32 to index
        %parallel_loop3A_1502 = arith.constant 64 : index
        %parallel_loop3A_1503 = tpu.vector_load %arg6[%parallel_loop3A_1499, %parallel_loop3A_1500, %parallel_loop3A_1501, %parallel_loop3A_1502] {strides = array<i32>} : memref<4x6x8x128xf32, #tpu.memory_space<vmem>>, vector<1x1x1x16xf32>,
        %parallel_loop3A_1504 = vector.shape_cast %parallel_loop3A_1503 : vector<1x1x1x16xf32> to vector<16xf32>
        %parallel_loop3A_1505 = vector.shape_cast %parallel_loop3A_1497 : vector<16xf32> to vector<1x1x1x16xf32>
        tpu.vector_store %arg6[%parallel_loop3A_1499, %parallel_loop3A_1500, %parallel_loop3A_1501, %parallel_loop3A_1502], %parallel_loop3A_1505 {strides = array<i32>} : memref<4x6x8x128xf32, #tpu.memory_space<vmem>>, vector<1x1x1x16xf32>,
        %parallel_loop3A_1506 = arith.constant 7 : i32
        %parallel_loop3A_1507 = arith.index_cast %parallel_loop3A_830 : i32 to index
        %parallel_loop3A_1508 = arith.index_cast %parallel_loop3A_846 : i32 to index
        %parallel_loop3A_1509 = arith.index_cast %parallel_loop3A_1506 : i32 to index
        %parallel_loop3A_1510 = arith.constant 64 : index
        %parallel_loop3A_1511 = tpu.vector_load %arg6[%parallel_loop3A_1507, %parallel_loop3A_1508, %parallel_loop3A_1509, %parallel_loop3A_1510] {strides = array<i32>} : memref<4x6x8x128xf32, #tpu.memory_space<vmem>>, vector<1x1x1x16xf32>,
        %parallel_loop3A_1512 = vector.shape_cast %parallel_loop3A_1511 : vector<1x1x1x16xf32> to vector<16xf32>
        %parallel_loop3A_1513 = vector.shape_cast %parallel_loop3A_1497 : vector<16xf32> to vector<1x1x1x16xf32>
        tpu.vector_store %arg6[%parallel_loop3A_1507, %parallel_loop3A_1508, %parallel_loop3A_1509, %parallel_loop3A_1510], %parallel_loop3A_1513 {strides = array<i32>} : memref<4x6x8x128xf32, #tpu.memory_space<vmem>>, vector<1x1x1x16xf32>,
        %parallel_loop3A_1514 = arith.constant 3 : i32
        %parallel_loop3A_1515 = arith.index_cast %parallel_loop3A_830 : i32 to index
        %parallel_loop3A_1516 = arith.index_cast %parallel_loop3A_846 : i32 to index
        %parallel_loop3A_1517 = arith.index_cast %parallel_loop3A_1514 : i32 to index
        %parallel_loop3A_1518 = arith.constant 80 : index
        %parallel_loop3A_1519 = tpu.vector_load %arg4[%parallel_loop3A_1515, %parallel_loop3A_1516, %parallel_loop3A_1517, %parallel_loop3A_1518] {strides = array<i32>} : memref<4x6x4x128xf32, #tpu.memory_space<vmem>>, vector<1x1x1x16xf32>,
        %parallel_loop3A_1520 = vector.shape_cast %parallel_loop3A_1519 : vector<1x1x1x16xf32> to vector<16xf32>
        %parallel_loop3A_1521 = arith.constant 6 : i32
        %parallel_loop3A_1522 = arith.index_cast %parallel_loop3A_830 : i32 to index
        %parallel_loop3A_1523 = arith.index_cast %parallel_loop3A_846 : i32 to index
        %parallel_loop3A_1524 = arith.index_cast %parallel_loop3A_1521 : i32 to index
        %parallel_loop3A_1525 = arith.constant 80 : index
        %parallel_loop3A_1526 = tpu.vector_load %arg6[%parallel_loop3A_1522, %parallel_loop3A_1523, %parallel_loop3A_1524, %parallel_loop3A_1525] {strides = array<i32>} : memref<4x6x8x128xf32, #tpu.memory_space<vmem>>, vector<1x1x1x16xf32>,
        %parallel_loop3A_1527 = vector.shape_cast %parallel_loop3A_1526 : vector<1x1x1x16xf32> to vector<16xf32>
        %parallel_loop3A_1528 = vector.shape_cast %parallel_loop3A_1520 : vector<16xf32> to vector<1x1x1x16xf32>
        tpu.vector_store %arg6[%parallel_loop3A_1522, %parallel_loop3A_1523, %parallel_loop3A_1524, %parallel_loop3A_1525], %parallel_loop3A_1528 {strides = array<i32>} : memref<4x6x8x128xf32, #tpu.memory_space<vmem>>, vector<1x1x1x16xf32>,
        %parallel_loop3A_1529 = arith.constant 7 : i32
        %parallel_loop3A_1530 = arith.index_cast %parallel_loop3A_830 : i32 to index
        %parallel_loop3A_1531 = arith.index_cast %parallel_loop3A_846 : i32 to index
        %parallel_loop3A_1532 = arith.index_cast %parallel_loop3A_1529 : i32 to index
        %parallel_loop3A_1533 = arith.constant 80 : index
        %parallel_loop3A_1534 = tpu.vector_load %arg6[%parallel_loop3A_1530, %parallel_loop3A_1531, %parallel_loop3A_1532, %parallel_loop3A_1533] {strides = array<i32>} : memref<4x6x8x128xf32, #tpu.memory_space<vmem>>, vector<1x1x1x16xf32>,
        %parallel_loop3A_1535 = vector.shape_cast %parallel_loop3A_1534 : vector<1x1x1x16xf32> to vector<16xf32>
        %parallel_loop3A_1536 = vector.shape_cast %parallel_loop3A_1520 : vector<16xf32> to vector<1x1x1x16xf32>
        tpu.vector_store %arg6[%parallel_loop3A_1530, %parallel_loop3A_1531, %parallel_loop3A_1532, %parallel_loop3A_1533], %parallel_loop3A_1536 {strides = array<i32>} : memref<4x6x8x128xf32, #tpu.memory_space<vmem>>, vector<1x1x1x16xf32>,
        %parallel_loop3A_1537 = arith.constant 3 : i32
        %parallel_loop3A_1538 = arith.index_cast %parallel_loop3A_830 : i32 to index
        %parallel_loop3A_1539 = arith.index_cast %parallel_loop3A_846 : i32 to index
        %parallel_loop3A_1540 = arith.index_cast %parallel_loop3A_1537 : i32 to index
        %parallel_loop3A_1541 = arith.constant 96 : index
        %parallel_loop3A_1542 = tpu.vector_load %arg4[%parallel_loop3A_1538, %parallel_loop3A_1539, %parallel_loop3A_1540, %parallel_loop3A_1541] {strides = array<i32>} : memref<4x6x4x128xf32, #tpu.memory_space<vmem>>, vector<1x1x1x16xf32>,
        %parallel_loop3A_1543 = vector.shape_cast %parallel_loop3A_1542 : vector<1x1x1x16xf32> to vector<16xf32>
        %parallel_loop3A_1544 = arith.constant 6 : i32
        %parallel_loop3A_1545 = arith.index_cast %parallel_loop3A_830 : i32 to index
        %parallel_loop3A_1546 = arith.index_cast %parallel_loop3A_846 : i32 to index
        %parallel_loop3A_1547 = arith.index_cast %parallel_loop3A_1544 : i32 to index
        %parallel_loop3A_1548 = arith.constant 96 : index
        %parallel_loop3A_1549 = tpu.vector_load %arg6[%parallel_loop3A_1545, %parallel_loop3A_1546, %parallel_loop3A_1547, %parallel_loop3A_1548] {strides = array<i32>} : memref<4x6x8x128xf32, #tpu.memory_space<vmem>>, vector<1x1x1x16xf32>,
        %parallel_loop3A_1550 = vector.shape_cast %parallel_loop3A_1549 : vector<1x1x1x16xf32> to vector<16xf32>
        %parallel_loop3A_1551 = vector.shape_cast %parallel_loop3A_1543 : vector<16xf32> to vector<1x1x1x16xf32>
        tpu.vector_store %arg6[%parallel_loop3A_1545, %parallel_loop3A_1546, %parallel_loop3A_1547, %parallel_loop3A_1548], %parallel_loop3A_1551 {strides = array<i32>} : memref<4x6x8x128xf32, #tpu.memory_space<vmem>>, vector<1x1x1x16xf32>,
        %parallel_loop3A_1552 = arith.constant 7 : i32
        %parallel_loop3A_1553 = arith.index_cast %parallel_loop3A_830 : i32 to index
        %parallel_loop3A_1554 = arith.index_cast %parallel_loop3A_846 : i32 to index
        %parallel_loop3A_1555 = arith.index_cast %parallel_loop3A_1552 : i32 to index
        %parallel_loop3A_1556 = arith.constant 96 : index
        %parallel_loop3A_1557 = tpu.vector_load %arg6[%parallel_loop3A_1553, %parallel_loop3A_1554, %parallel_loop3A_1555, %parallel_loop3A_1556] {strides = array<i32>} : memref<4x6x8x128xf32, #tpu.memory_space<vmem>>, vector<1x1x1x16xf32>,
        %parallel_loop3A_1558 = vector.shape_cast %parallel_loop3A_1557 : vector<1x1x1x16xf32> to vector<16xf32>
        %parallel_loop3A_1559 = vector.shape_cast %parallel_loop3A_1543 : vector<16xf32> to vector<1x1x1x16xf32>
        tpu.vector_store %arg6[%parallel_loop3A_1553, %parallel_loop3A_1554, %parallel_loop3A_1555, %parallel_loop3A_1556], %parallel_loop3A_1559 {strides = array<i32>} : memref<4x6x8x128xf32, #tpu.memory_space<vmem>>, vector<1x1x1x16xf32>,
        %parallel_loop3A_1560 = arith.constant 3 : i32
        %parallel_loop3A_1561 = arith.index_cast %parallel_loop3A_830 : i32 to index
        %parallel_loop3A_1562 = arith.index_cast %parallel_loop3A_846 : i32 to index
        %parallel_loop3A_1563 = arith.index_cast %parallel_loop3A_1560 : i32 to index
        %parallel_loop3A_1564 = arith.constant 112 : index
        %parallel_loop3A_1565 = tpu.vector_load %arg4[%parallel_loop3A_1561, %parallel_loop3A_1562, %parallel_loop3A_1563, %parallel_loop3A_1564] {strides = array<i32>} : memref<4x6x4x128xf32, #tpu.memory_space<vmem>>, vector<1x1x1x16xf32>,
        %parallel_loop3A_1566 = vector.shape_cast %parallel_loop3A_1565 : vector<1x1x1x16xf32> to vector<16xf32>
        %parallel_loop3A_1567 = arith.constant 6 : i32
        %parallel_loop3A_1568 = arith.index_cast %parallel_loop3A_830 : i32 to index
        %parallel_loop3A_1569 = arith.index_cast %parallel_loop3A_846 : i32 to index
        %parallel_loop3A_1570 = arith.index_cast %parallel_loop3A_1567 : i32 to index
        %parallel_loop3A_1571 = arith.constant 112 : index
        %parallel_loop3A_1572 = tpu.vector_load %arg6[%parallel_loop3A_1568, %parallel_loop3A_1569, %parallel_loop3A_1570, %parallel_loop3A_1571] {strides = array<i32>} : memref<4x6x8x128xf32, #tpu.memory_space<vmem>>, vector<1x1x1x16xf32>,
        %parallel_loop3A_1573 = vector.shape_cast %parallel_loop3A_1572 : vector<1x1x1x16xf32> to vector<16xf32>
        %parallel_loop3A_1574 = vector.shape_cast %parallel_loop3A_1566 : vector<16xf32> to vector<1x1x1x16xf32>
        tpu.vector_store %arg6[%parallel_loop3A_1568, %parallel_loop3A_1569, %parallel_loop3A_1570, %parallel_loop3A_1571], %parallel_loop3A_1574 {strides = array<i32>} : memref<4x6x8x128xf32, #tpu.memory_space<vmem>>, vector<1x1x1x16xf32>,
        %parallel_loop3A_1575 = arith.constant 7 : i32
        %parallel_loop3A_1576 = arith.index_cast %parallel_loop3A_830 : i32 to index
        %parallel_loop3A_1577 = arith.index_cast %parallel_loop3A_846 : i32 to index
        %parallel_loop3A_1578 = arith.index_cast %parallel_loop3A_1575 : i32 to index
        %parallel_loop3A_1579 = arith.constant 112 : index
        %parallel_loop3A_1580 = tpu.vector_load %arg6[%parallel_loop3A_1576, %parallel_loop3A_1577, %parallel_loop3A_1578, %parallel_loop3A_1579] {strides = array<i32>} : memref<4x6x8x128xf32, #tpu.memory_space<vmem>>, vector<1x1x1x16xf32>,
        %parallel_loop3A_1581 = vector.shape_cast %parallel_loop3A_1580 : vector<1x1x1x16xf32> to vector<16xf32>
        %parallel_loop3A_1582 = vector.shape_cast %parallel_loop3A_1566 : vector<16xf32> to vector<1x1x1x16xf32>
        tpu.vector_store %arg6[%parallel_loop3A_1576, %parallel_loop3A_1577, %parallel_loop3A_1578, %parallel_loop3A_1579], %parallel_loop3A_1582 {strides = array<i32>} : memref<4x6x8x128xf32, #tpu.memory_space<vmem>>, vector<1x1x1x16xf32>,
      } {sc.loop_unroll_factor = 4 : i64, sc.parallel_access}
      %add3A_419 = arith.constant 0 : i32
      %add3A_420 = arith.addi %add3A_400, %add3A_419 : i32
      %dma_start3A_421 = arith.constant 0 : i32
      %dma_start3A_422 = arith.constant 0 : i32
      %dma_start3A_423 = arith.constant 0 : i32
      %dma_start3A_424 = arith.constant 0 : i32
      %dma_start3A_425 = arith.constant 0 : i32
      %dma_start3A_426 = tpu.memref_slice %arg6[%dma_start3A_421, %dma_start3A_423, %dma_start3A_424, %dma_start3A_425] : memref<4x6x8x128xf32, #tpu.memory_space<vmem>> -> memref<1x6x8x128xf32, #tpu.memory_space<vmem>>
      %dma_start3A_427 = tpu.memref_squeeze %dma_start3A_426 : memref<1x6x8x128xf32, #tpu.memory_space<vmem>> -> memref<6x8x128xf32, #tpu.memory_space<vmem>>
      %dma_start3A_428 = arith.constant 0 : i32
      %dma_start3A_429 = arith.constant 0 : i32
      %dma_start3A_430 = arith.constant 0 : i32
      %dma_start3A_431 = tpu.memref_slice %arg3[%add3A_420, %dma_start3A_422, %dma_start3A_428, %dma_start3A_429, %dma_start3A_430] : memref<1024x8x6x8x128xf32, #tpu.memory_space<hbm>> -> memref<1x1x6x8x128xf32, #tpu.memory_space<hbm>>
      %dma_start3A_432 = tpu.memref_squeeze %dma_start3A_431 : memref<1x1x6x8x128xf32, #tpu.memory_space<hbm>> -> memref<6x8x128xf32, #tpu.memory_space<hbm>>
      %dma_start3A_433 = arith.constant 0 : i32
      %dma_start3A_434 = arith.constant 0 : i32
      %dma_start3A_435 = arith.constant 0 : i32
      %dma_start3A_436 = tpu.memref_slice %arg3[%add3A_420, %dma_start3A_422, %dma_start3A_433, %dma_start3A_434, %dma_start3A_435] : memref<1024x8x6x8x128xf32, #tpu.memory_space<hbm>> -> memref<1x1x6x8x128xf32, #tpu.memory_space<hbm>>
      %dma_start3A_437 = tpu.memref_squeeze %dma_start3A_436 : memref<1x1x6x8x128xf32, #tpu.memory_space<hbm>> -> memref<6x8x128xf32, #tpu.memory_space<hbm>>
      %dma_start3A_438 = arith.constant 0 : i32
      %dma_start3A_439 = arith.constant 0 : i32
      %dma_start3A_440 = arith.constant 0 : i32
      %dma_start3A_441 = tpu.memref_slice %arg6[%dma_start3A_421, %dma_start3A_438, %dma_start3A_439, %dma_start3A_440] : memref<4x6x8x128xf32, #tpu.memory_space<vmem>> -> memref<1x6x8x128xf32, #tpu.memory_space<vmem>>
      %dma_start3A_442 = tpu.memref_squeeze %dma_start3A_441 : memref<1x6x8x128xf32, #tpu.memory_space<vmem>> -> memref<6x8x128xf32, #tpu.memory_space<vmem>>
      tpu.enqueue_dma source(%dma_start3A_442 : memref<6x8x128xf32, #tpu.memory_space<vmem>>) target(%dma_start3A_437 : memref<6x8x128xf32, #tpu.memory_space<hbm>>) target_semaphore(%arg10 : memref<!tpu.dma_semaphore, #tpu.memory_space<semaphore_mem>>)
      %dma_start3A_443 = arith.constant 0 : i32
      %dma_start3A_444 = arith.constant 1 : i32
      %dma_start3A_445 = arith.constant 0 : i32
      %dma_start3A_446 = arith.constant 0 : i32
      %dma_start3A_447 = arith.constant 0 : i32
      %dma_start3A_448 = tpu.memref_slice %arg6[%dma_start3A_443, %dma_start3A_445, %dma_start3A_446, %dma_start3A_447] : memref<4x6x8x128xf32, #tpu.memory_space<vmem>> -> memref<1x6x8x128xf32, #tpu.memory_space<vmem>>
      %dma_start3A_449 = tpu.memref_squeeze %dma_start3A_448 : memref<1x6x8x128xf32, #tpu.memory_space<vmem>> -> memref<6x8x128xf32, #tpu.memory_space<vmem>>
      %dma_start3A_450 = arith.constant 0 : i32
      %dma_start3A_451 = arith.constant 0 : i32
      %dma_start3A_452 = arith.constant 0 : i32
      %dma_start3A_453 = tpu.memref_slice %arg3[%add3A_420, %dma_start3A_444, %dma_start3A_450, %dma_start3A_451, %dma_start3A_452] : memref<1024x8x6x8x128xf32, #tpu.memory_space<hbm>> -> memref<1x1x6x8x128xf32, #tpu.memory_space<hbm>>
      %dma_start3A_454 = tpu.memref_squeeze %dma_start3A_453 : memref<1x1x6x8x128xf32, #tpu.memory_space<hbm>> -> memref<6x8x128xf32, #tpu.memory_space<hbm>>
      %dma_start3A_455 = arith.constant 0 : i32
      %dma_start3A_456 = arith.constant 0 : i32
      %dma_start3A_457 = arith.constant 0 : i32
      %dma_start3A_458 = tpu.memref_slice %arg3[%add3A_420, %dma_start3A_444, %dma_start3A_455, %dma_start3A_456, %dma_start3A_457] : memref<1024x8x6x8x128xf32, #tpu.memory_space<hbm>> -> memref<1x1x6x8x128xf32, #tpu.memory_space<hbm>>
      %dma_start3A_459 = tpu.memref_squeeze %dma_start3A_458 : memref<1x1x6x8x128xf32, #tpu.memory_space<hbm>> -> memref<6x8x128xf32, #tpu.memory_space<hbm>>
      %dma_start3A_460 = arith.constant 0 : i32
      %dma_start3A_461 = arith.constant 0 : i32
      %dma_start3A_462 = arith.constant 0 : i32
      %dma_start3A_463 = tpu.memref_slice %arg6[%dma_start3A_443, %dma_start3A_460, %dma_start3A_461, %dma_start3A_462] : memref<4x6x8x128xf32, #tpu.memory_space<vmem>> -> memref<1x6x8x128xf32, #tpu.memory_space<vmem>>
      %dma_start3A_464 = tpu.memref_squeeze %dma_start3A_463 : memref<1x6x8x128xf32, #tpu.memory_space<vmem>> -> memref<6x8x128xf32, #tpu.memory_space<vmem>>
      tpu.enqueue_dma source(%dma_start3A_464 : memref<6x8x128xf32, #tpu.memory_space<vmem>>) target(%dma_start3A_459 : memref<6x8x128xf32, #tpu.memory_space<hbm>>) target_semaphore(%arg10 : memref<!tpu.dma_semaphore, #tpu.memory_space<semaphore_mem>>)
      %dma_start3A_465 = arith.constant 1 : i32
      %dma_start3A_466 = arith.constant 2 : i32
      %dma_start3A_467 = arith.constant 0 : i32
      %dma_start3A_468 = arith.constant 0 : i32
      %dma_start3A_469 = arith.constant 0 : i32
      %dma_start3A_470 = tpu.memref_slice %arg6[%dma_start3A_465, %dma_start3A_467, %dma_start3A_468, %dma_start3A_469] : memref<4x6x8x128xf32, #tpu.memory_space<vmem>> -> memref<1x6x8x128xf32, #tpu.memory_space<vmem>>
      %dma_start3A_471 = tpu.memref_squeeze %dma_start3A_470 : memref<1x6x8x128xf32, #tpu.memory_space<vmem>> -> memref<6x8x128xf32, #tpu.memory_space<vmem>>
      %dma_start3A_472 = arith.constant 0 : i32
      %dma_start3A_473 = arith.constant 0 : i32
      %dma_start3A_474 = arith.constant 0 : i32
      %dma_start3A_475 = tpu.memref_slice %arg3[%add3A_420, %dma_start3A_466, %dma_start3A_472, %dma_start3A_473, %dma_start3A_474] : memref<1024x8x6x8x128xf32, #tpu.memory_space<hbm>> -> memref<1x1x6x8x128xf32, #tpu.memory_space<hbm>>
      %dma_start3A_476 = tpu.memref_squeeze %dma_start3A_475 : memref<1x1x6x8x128xf32, #tpu.memory_space<hbm>> -> memref<6x8x128xf32, #tpu.memory_space<hbm>>
      %dma_start3A_477 = arith.constant 0 : i32
      %dma_start3A_478 = arith.constant 0 : i32
      %dma_start3A_479 = arith.constant 0 : i32
      %dma_start3A_480 = tpu.memref_slice %arg3[%add3A_420, %dma_start3A_466, %dma_start3A_477, %dma_start3A_478, %dma_start3A_479] : memref<1024x8x6x8x128xf32, #tpu.memory_space<hbm>> -> memref<1x1x6x8x128xf32, #tpu.memory_space<hbm>>
      %dma_start3A_481 = tpu.memref_squeeze %dma_start3A_480 : memref<1x1x6x8x128xf32, #tpu.memory_space<hbm>> -> memref<6x8x128xf32, #tpu.memory_space<hbm>>
      %dma_start3A_482 = arith.constant 0 : i32
      %dma_start3A_483 = arith.constant 0 : i32
      %dma_start3A_484 = arith.constant 0 : i32
      %dma_start3A_485 = tpu.memref_slice %arg6[%dma_start3A_465, %dma_start3A_482, %dma_start3A_483, %dma_start3A_484] : memref<4x6x8x128xf32, #tpu.memory_space<vmem>> -> memref<1x6x8x128xf32, #tpu.memory_space<vmem>>
      %dma_start3A_486 = tpu.memref_squeeze %dma_start3A_485 : memref<1x6x8x128xf32, #tpu.memory_space<vmem>> -> memref<6x8x128xf32, #tpu.memory_space<vmem>>
      tpu.enqueue_dma source(%dma_start3A_486 : memref<6x8x128xf32, #tpu.memory_space<vmem>>) target(%dma_start3A_481 : memref<6x8x128xf32, #tpu.memory_space<hbm>>) target_semaphore(%arg10 : memref<!tpu.dma_semaphore, #tpu.memory_space<semaphore_mem>>)
      %dma_start3A_487 = arith.constant 1 : i32
      %dma_start3A_488 = arith.constant 3 : i32
      %dma_start3A_489 = arith.constant 0 : i32
      %dma_start3A_490 = arith.constant 0 : i32
      %dma_start3A_491 = arith.constant 0 : i32
      %dma_start3A_492 = tpu.memref_slice %arg6[%dma_start3A_487, %dma_start3A_489, %dma_start3A_490, %dma_start3A_491] : memref<4x6x8x128xf32, #tpu.memory_space<vmem>> -> memref<1x6x8x128xf32, #tpu.memory_space<vmem>>
      %dma_start3A_493 = tpu.memref_squeeze %dma_start3A_492 : memref<1x6x8x128xf32, #tpu.memory_space<vmem>> -> memref<6x8x128xf32, #tpu.memory_space<vmem>>
      %dma_start3A_494 = arith.constant 0 : i32
      %dma_start3A_495 = arith.constant 0 : i32
      %dma_start3A_496 = arith.constant 0 : i32
      %dma_start3A_497 = tpu.memref_slice %arg3[%add3A_420, %dma_start3A_488, %dma_start3A_494, %dma_start3A_495, %dma_start3A_496] : memref<1024x8x6x8x128xf32, #tpu.memory_space<hbm>> -> memref<1x1x6x8x128xf32, #tpu.memory_space<hbm>>
      %dma_start3A_498 = tpu.memref_squeeze %dma_start3A_497 : memref<1x1x6x8x128xf32, #tpu.memory_space<hbm>> -> memref<6x8x128xf32, #tpu.memory_space<hbm>>
      %dma_start3A_499 = arith.constant 0 : i32
      %dma_start3A_500 = arith.constant 0 : i32
      %dma_start3A_501 = arith.constant 0 : i32
      %dma_start3A_502 = tpu.memref_slice %arg3[%add3A_420, %dma_start3A_488, %dma_start3A_499, %dma_start3A_500, %dma_start3A_501] : memref<1024x8x6x8x128xf32, #tpu.memory_space<hbm>> -> memref<1x1x6x8x128xf32, #tpu.memory_space<hbm>>
      %dma_start3A_503 = tpu.memref_squeeze %dma_start3A_502 : memref<1x1x6x8x128xf32, #tpu.memory_space<hbm>> -> memref<6x8x128xf32, #tpu.memory_space<hbm>>
      %dma_start3A_504 = arith.constant 0 : i32
      %dma_start3A_505 = arith.constant 0 : i32
      %dma_start3A_506 = arith.constant 0 : i32
      %dma_start3A_507 = tpu.memref_slice %arg6[%dma_start3A_487, %dma_start3A_504, %dma_start3A_505, %dma_start3A_506] : memref<4x6x8x128xf32, #tpu.memory_space<vmem>> -> memref<1x6x8x128xf32, #tpu.memory_space<vmem>>
      %dma_start3A_508 = tpu.memref_squeeze %dma_start3A_507 : memref<1x6x8x128xf32, #tpu.memory_space<vmem>> -> memref<6x8x128xf32, #tpu.memory_space<vmem>>
      tpu.enqueue_dma source(%dma_start3A_508 : memref<6x8x128xf32, #tpu.memory_space<vmem>>) target(%dma_start3A_503 : memref<6x8x128xf32, #tpu.memory_space<hbm>>) target_semaphore(%arg10 : memref<!tpu.dma_semaphore, #tpu.memory_space<semaphore_mem>>)
      %dma_start3A_509 = arith.constant 2 : i32
      %dma_start3A_510 = arith.constant 4 : i32
      %dma_start3A_511 = arith.constant 0 : i32
      %dma_start3A_512 = arith.constant 0 : i32
      %dma_start3A_513 = arith.constant 0 : i32
      %dma_start3A_514 = tpu.memref_slice %arg6[%dma_start3A_509, %dma_start3A_511, %dma_start3A_512, %dma_start3A_513] : memref<4x6x8x128xf32, #tpu.memory_space<vmem>> -> memref<1x6x8x128xf32, #tpu.memory_space<vmem>>
      %dma_start3A_515 = tpu.memref_squeeze %dma_start3A_514 : memref<1x6x8x128xf32, #tpu.memory_space<vmem>> -> memref<6x8x128xf32, #tpu.memory_space<vmem>>
      %dma_start3A_516 = arith.constant 0 : i32
      %dma_start3A_517 = arith.constant 0 : i32
      %dma_start3A_518 = arith.constant 0 : i32
      %dma_start3A_519 = tpu.memref_slice %arg3[%add3A_420, %dma_start3A_510, %dma_start3A_516, %dma_start3A_517, %dma_start3A_518] : memref<1024x8x6x8x128xf32, #tpu.memory_space<hbm>> -> memref<1x1x6x8x128xf32, #tpu.memory_space<hbm>>
      %dma_start3A_520 = tpu.memref_squeeze %dma_start3A_519 : memref<1x1x6x8x128xf32, #tpu.memory_space<hbm>> -> memref<6x8x128xf32, #tpu.memory_space<hbm>>
      %dma_start3A_521 = arith.constant 0 : i32
      %dma_start3A_522 = arith.constant 0 : i32
      %dma_start3A_523 = arith.constant 0 : i32
      %dma_start3A_524 = tpu.memref_slice %arg3[%add3A_420, %dma_start3A_510, %dma_start3A_521, %dma_start3A_522, %dma_start3A_523] : memref<1024x8x6x8x128xf32, #tpu.memory_space<hbm>> -> memref<1x1x6x8x128xf32, #tpu.memory_space<hbm>>
      %dma_start3A_525 = tpu.memref_squeeze %dma_start3A_524 : memref<1x1x6x8x128xf32, #tpu.memory_space<hbm>> -> memref<6x8x128xf32, #tpu.memory_space<hbm>>
      %dma_start3A_526 = arith.constant 0 : i32
      %dma_start3A_527 = arith.constant 0 : i32
      %dma_start3A_528 = arith.constant 0 : i32
      %dma_start3A_529 = tpu.memref_slice %arg6[%dma_start3A_509, %dma_start3A_526, %dma_start3A_527, %dma_start3A_528] : memref<4x6x8x128xf32, #tpu.memory_space<vmem>> -> memref<1x6x8x128xf32, #tpu.memory_space<vmem>>
      %dma_start3A_530 = tpu.memref_squeeze %dma_start3A_529 : memref<1x6x8x128xf32, #tpu.memory_space<vmem>> -> memref<6x8x128xf32, #tpu.memory_space<vmem>>
      tpu.enqueue_dma source(%dma_start3A_530 : memref<6x8x128xf32, #tpu.memory_space<vmem>>) target(%dma_start3A_525 : memref<6x8x128xf32, #tpu.memory_space<hbm>>) target_semaphore(%arg10 : memref<!tpu.dma_semaphore, #tpu.memory_space<semaphore_mem>>)
      %dma_start3A_531 = arith.constant 2 : i32
      %dma_start3A_532 = arith.constant 5 : i32
      %dma_start3A_533 = arith.constant 0 : i32
      %dma_start3A_534 = arith.constant 0 : i32
      %dma_start3A_535 = arith.constant 0 : i32
      %dma_start3A_536 = tpu.memref_slice %arg6[%dma_start3A_531, %dma_start3A_533, %dma_start3A_534, %dma_start3A_535] : memref<4x6x8x128xf32, #tpu.memory_space<vmem>> -> memref<1x6x8x128xf32, #tpu.memory_space<vmem>>
      %dma_start3A_537 = tpu.memref_squeeze %dma_start3A_536 : memref<1x6x8x128xf32, #tpu.memory_space<vmem>> -> memref<6x8x128xf32, #tpu.memory_space<vmem>>
      %dma_start3A_538 = arith.constant 0 : i32
      %dma_start3A_539 = arith.constant 0 : i32
      %dma_start3A_540 = arith.constant 0 : i32
      %dma_start3A_541 = tpu.memref_slice %arg3[%add3A_420, %dma_start3A_532, %dma_start3A_538, %dma_start3A_539, %dma_start3A_540] : memref<1024x8x6x8x128xf32, #tpu.memory_space<hbm>> -> memref<1x1x6x8x128xf32, #tpu.memory_space<hbm>>
      %dma_start3A_542 = tpu.memref_squeeze %dma_start3A_541 : memref<1x1x6x8x128xf32, #tpu.memory_space<hbm>> -> memref<6x8x128xf32, #tpu.memory_space<hbm>>
      %dma_start3A_543 = arith.constant 0 : i32
      %dma_start3A_544 = arith.constant 0 : i32
      %dma_start3A_545 = arith.constant 0 : i32
      %dma_start3A_546 = tpu.memref_slice %arg3[%add3A_420, %dma_start3A_532, %dma_start3A_543, %dma_start3A_544, %dma_start3A_545] : memref<1024x8x6x8x128xf32, #tpu.memory_space<hbm>> -> memref<1x1x6x8x128xf32, #tpu.memory_space<hbm>>
      %dma_start3A_547 = tpu.memref_squeeze %dma_start3A_546 : memref<1x1x6x8x128xf32, #tpu.memory_space<hbm>> -> memref<6x8x128xf32, #tpu.memory_space<hbm>>
      %dma_start3A_548 = arith.constant 0 : i32
      %dma_start3A_549 = arith.constant 0 : i32
      %dma_start3A_550 = arith.constant 0 : i32
      %dma_start3A_551 = tpu.memref_slice %arg6[%dma_start3A_531, %dma_start3A_548, %dma_start3A_549, %dma_start3A_550] : memref<4x6x8x128xf32, #tpu.memory_space<vmem>> -> memref<1x6x8x128xf32, #tpu.memory_space<vmem>>
      %dma_start3A_552 = tpu.memref_squeeze %dma_start3A_551 : memref<1x6x8x128xf32, #tpu.memory_space<vmem>> -> memref<6x8x128xf32, #tpu.memory_space<vmem>>
      tpu.enqueue_dma source(%dma_start3A_552 : memref<6x8x128xf32, #tpu.memory_space<vmem>>) target(%dma_start3A_547 : memref<6x8x128xf32, #tpu.memory_space<hbm>>) target_semaphore(%arg10 : memref<!tpu.dma_semaphore, #tpu.memory_space<semaphore_mem>>)
      %dma_start3A_553 = arith.constant 3 : i32
      %dma_start3A_554 = arith.constant 6 : i32
      %dma_start3A_555 = arith.constant 0 : i32
      %dma_start3A_556 = arith.constant 0 : i32
      %dma_start3A_557 = arith.constant 0 : i32
      %dma_start3A_558 = tpu.memref_slice %arg6[%dma_start3A_553, %dma_start3A_555, %dma_start3A_556, %dma_start3A_557] : memref<4x6x8x128xf32, #tpu.memory_space<vmem>> -> memref<1x6x8x128xf32, #tpu.memory_space<vmem>>
      %dma_start3A_559 = tpu.memref_squeeze %dma_start3A_558 : memref<1x6x8x128xf32, #tpu.memory_space<vmem>> -> memref<6x8x128xf32, #tpu.memory_space<vmem>>
      %dma_start3A_560 = arith.constant 0 : i32
      %dma_start3A_561 = arith.constant 0 : i32
      %dma_start3A_562 = arith.constant 0 : i32
      %dma_start3A_563 = tpu.memref_slice %arg3[%add3A_420, %dma_start3A_554, %dma_start3A_560, %dma_start3A_561, %dma_start3A_562] : memref<1024x8x6x8x128xf32, #tpu.memory_space<hbm>> -> memref<1x1x6x8x128xf32, #tpu.memory_space<hbm>>
      %dma_start3A_564 = tpu.memref_squeeze %dma_start3A_563 : memref<1x1x6x8x128xf32, #tpu.memory_space<hbm>> -> memref<6x8x128xf32, #tpu.memory_space<hbm>>
      %dma_start3A_565 = arith.constant 0 : i32
      %dma_start3A_566 = arith.constant 0 : i32
      %dma_start3A_567 = arith.constant 0 : i32
      %dma_start3A_568 = tpu.memref_slice %arg3[%add3A_420, %dma_start3A_554, %dma_start3A_565, %dma_start3A_566, %dma_start3A_567] : memref<1024x8x6x8x128xf32, #tpu.memory_space<hbm>> -> memref<1x1x6x8x128xf32, #tpu.memory_space<hbm>>
      %dma_start3A_569 = tpu.memref_squeeze %dma_start3A_568 : memref<1x1x6x8x128xf32, #tpu.memory_space<hbm>> -> memref<6x8x128xf32, #tpu.memory_space<hbm>>
      %dma_start3A_570 = arith.constant 0 : i32
      %dma_start3A_571 = arith.constant 0 : i32
      %dma_start3A_572 = arith.constant 0 : i32
      %dma_start3A_573 = tpu.memref_slice %arg6[%dma_start3A_553, %dma_start3A_570, %dma_start3A_571, %dma_start3A_572] : memref<4x6x8x128xf32, #tpu.memory_space<vmem>> -> memref<1x6x8x128xf32, #tpu.memory_space<vmem>>
      %dma_start3A_574 = tpu.memref_squeeze %dma_start3A_573 : memref<1x6x8x128xf32, #tpu.memory_space<vmem>> -> memref<6x8x128xf32, #tpu.memory_space<vmem>>
      tpu.enqueue_dma source(%dma_start3A_574 : memref<6x8x128xf32, #tpu.memory_space<vmem>>) target(%dma_start3A_569 : memref<6x8x128xf32, #tpu.memory_space<hbm>>) target_semaphore(%arg10 : memref<!tpu.dma_semaphore, #tpu.memory_space<semaphore_mem>>)
      %dma_start3A_575 = arith.constant 3 : i32
      %dma_start3A_576 = arith.constant 7 : i32
      %dma_start3A_577 = arith.constant 0 : i32
      %dma_start3A_578 = arith.constant 0 : i32
      %dma_start3A_579 = arith.constant 0 : i32
      %dma_start3A_580 = tpu.memref_slice %arg6[%dma_start3A_575, %dma_start3A_577, %dma_start3A_578, %dma_start3A_579] : memref<4x6x8x128xf32, #tpu.memory_space<vmem>> -> memref<1x6x8x128xf32, #tpu.memory_space<vmem>>
      %dma_start3A_581 = tpu.memref_squeeze %dma_start3A_580 : memref<1x6x8x128xf32, #tpu.memory_space<vmem>> -> memref<6x8x128xf32, #tpu.memory_space<vmem>>
      %dma_start3A_582 = arith.constant 0 : i32
      %dma_start3A_583 = arith.constant 0 : i32
      %dma_start3A_584 = arith.constant 0 : i32
      %dma_start3A_585 = tpu.memref_slice %arg3[%add3A_420, %dma_start3A_576, %dma_start3A_582, %dma_start3A_583, %dma_start3A_584] : memref<1024x8x6x8x128xf32, #tpu.memory_space<hbm>> -> memref<1x1x6x8x128xf32, #tpu.memory_space<hbm>>
      %dma_start3A_586 = tpu.memref_squeeze %dma_start3A_585 : memref<1x1x6x8x128xf32, #tpu.memory_space<hbm>> -> memref<6x8x128xf32, #tpu.memory_space<hbm>>
      %dma_start3A_587 = arith.constant 0 : i32
      %dma_start3A_588 = arith.constant 0 : i32
      %dma_start3A_589 = arith.constant 0 : i32
      %dma_start3A_590 = tpu.memref_slice %arg3[%add3A_420, %dma_start3A_576, %dma_start3A_587, %dma_start3A_588, %dma_start3A_589] : memref<1024x8x6x8x128xf32, #tpu.memory_space<hbm>> -> memref<1x1x6x8x128xf32, #tpu.memory_space<hbm>>
      %dma_start3A_591 = tpu.memref_squeeze %dma_start3A_590 : memref<1x1x6x8x128xf32, #tpu.memory_space<hbm>> -> memref<6x8x128xf32, #tpu.memory_space<hbm>>
      %dma_start3A_592 = arith.constant 0 : i32
      %dma_start3A_593 = arith.constant 0 : i32
      %dma_start3A_594 = arith.constant 0 : i32
      %dma_start3A_595 = tpu.memref_slice %arg6[%dma_start3A_575, %dma_start3A_592, %dma_start3A_593, %dma_start3A_594] : memref<4x6x8x128xf32, #tpu.memory_space<vmem>> -> memref<1x6x8x128xf32, #tpu.memory_space<vmem>>
      %dma_start3A_596 = tpu.memref_squeeze %dma_start3A_595 : memref<1x6x8x128xf32, #tpu.memory_space<vmem>> -> memref<6x8x128xf32, #tpu.memory_space<vmem>>
      tpu.enqueue_dma source(%dma_start3A_596 : memref<6x8x128xf32, #tpu.memory_space<vmem>>) target(%dma_start3A_591 : memref<6x8x128xf32, #tpu.memory_space<hbm>>) target_semaphore(%arg10 : memref<!tpu.dma_semaphore, #tpu.memory_space<semaphore_mem>>)
      %lt3A = arith.constant 15 : i32
      %lt3A_597 = arith.cmpi slt, %scan3A_397, %lt3A : i32
      %convert_element_type3A_598 = arith.extui %lt3A_597 : i1 to i32
      %cond3A_599 = arith.constant 0 : i32
      %cond3A_600 = arith.cmpi ne, %convert_element_type3A_598, %cond3A_599 : i32
      scf.if %cond3A_600 {
        %add3A_806 = arith.constant 0 : i32
        %add3A_807 = arith.addi %add3A_400, %add3A_806 : i32
        %add3A_808 = arith.constant 2 : i32
        %add3A_809 = arith.addi %add3A_807, %add3A_808 : i32
        %dma_start3A_810 = arith.constant 0 : i32
        %dma_start3A_811 = arith.constant 0 : i32
        %dma_start3A_812 = arith.constant 0 : i32
        %dma_start3A_813 = arith.constant 0 : i32
        %dma_start3A_814 = tpu.memref_slice %arg2[%add3A_809, %dma_start3A_810, %dma_start3A_811, %dma_start3A_812, %dma_start3A_813] : memref<1024x4x6x4x128xf32, #tpu.memory_space<hbm>> -> memref<1x4x6x4x128xf32, #tpu.memory_space<hbm>>
        %dma_start3A_815 = tpu.memref_squeeze %dma_start3A_814 : memref<1x4x6x4x128xf32, #tpu.memory_space<hbm>> -> memref<4x6x4x128xf32, #tpu.memory_space<hbm>>
        %dma_start3A_816 = arith.constant 0 : i32
        %dma_start3A_817 = arith.constant 0 : i32
        %dma_start3A_818 = arith.constant 0 : i32
        %dma_start3A_819 = arith.constant 0 : i32
        %dma_start3A_820 = tpu.memref_slice %arg2[%add3A_809, %dma_start3A_816, %dma_start3A_817, %dma_start3A_818, %dma_start3A_819] : memref<1024x4x6x4x128xf32, #tpu.memory_space<hbm>> -> memref<1x4x6x4x128xf32, #tpu.memory_space<hbm>>
        %dma_start3A_821 = tpu.memref_squeeze %dma_start3A_820 : memref<1x4x6x4x128xf32, #tpu.memory_space<hbm>> -> memref<4x6x4x128xf32, #tpu.memory_space<hbm>>
        tpu.enqueue_dma source(%dma_start3A_821 : memref<4x6x4x128xf32, #tpu.memory_space<hbm>>) target(%arg4 : memref<4x6x4x128xf32, #tpu.memory_space<vmem>>) target_semaphore(%arg8 : memref<!tpu.dma_semaphore, #tpu.memory_space<semaphore_mem>>)
      } else {
      }
      %add3A_601 = arith.constant 1 : i32
      %add3A_602 = arith.addi %add3A_400, %add3A_601 : i32
      %dma_wait3A_603 = arith.constant 0 : i32
      %dma_wait3A_604 = arith.constant 0 : i32
      %dma_wait3A_605 = arith.constant 0 : i32
      %dma_wait3A_606 = arith.constant 0 : i32
      %dma_wait3A_607 = tpu.memref_slice %arg2[%add3A_602, %dma_wait3A_603, %dma_wait3A_604, %dma_wait3A_605, %dma_wait3A_606] : memref<1024x4x6x4x128xf32, #tpu.memory_space<hbm>> -> memref<1x4x6x4x128xf32, #tpu.memory_space<hbm>>
      %dma_wait3A_608 = tpu.memref_squeeze %dma_wait3A_607 : memref<1x4x6x4x128xf32, #tpu.memory_space<hbm>> -> memref<4x6x4x128xf32, #tpu.memory_space<hbm>>
      %dma_wait3A_609 = arith.constant 0 : i32
      %dma_wait3A_610 = arith.constant 0 : i32
      %dma_wait3A_611 = arith.constant 0 : i32
      %dma_wait3A_612 = arith.constant 0 : i32
      %dma_wait3A_613 = tpu.memref_slice %arg2[%add3A_602, %dma_wait3A_609, %dma_wait3A_610, %dma_wait3A_611, %dma_wait3A_612] : memref<1024x4x6x4x128xf32, #tpu.memory_space<hbm>> -> memref<1x4x6x4x128xf32, #tpu.memory_space<hbm>>
      %dma_wait3A_614 = tpu.memref_squeeze %dma_wait3A_613 : memref<1x4x6x4x128xf32, #tpu.memory_space<hbm>> -> memref<4x6x4x128xf32, #tpu.memory_space<hbm>>
      tpu.wait_dma2 semaphore(%arg9 : memref<!tpu.dma_semaphore, #tpu.memory_space<semaphore_mem>>) src(%dma_wait3A_614 : memref<4x6x4x128xf32, #tpu.memory_space<hbm>>) dst(%arg5 : memref<4x6x4x128xf32, #tpu.memory_space<vmem>>)
      %gt3A_615 = arith.constant 0 : i32
      %gt3A_616 = arith.cmpi sgt, %scan3A_397, %gt3A_615 : i32
      %convert_element_type3A_617 = arith.extui %gt3A_616 : i1 to i32
      %cond3A_618 = arith.constant 0 : i32
      %cond3A_619 = arith.cmpi ne, %convert_element_type3A_617, %cond3A_618 : i32
      scf.if %cond3A_619 {
        %add3A_806 = arith.constant 1 : i32
        %add3A_807 = arith.addi %add3A_400, %add3A_806 : i32
        %sub3A_808 = arith.constant 2 : i32
        %sub3A_809 = arith.subi %add3A_807, %sub3A_808 : i32
        %dma_wait3A_810 = arith.constant 0 : i32
        %dma_wait3A_811 = arith.constant 0 : i32
        %dma_wait3A_812 = arith.constant 0 : i32
        %dma_wait3A_813 = arith.constant 0 : i32
        %dma_wait3A_814 = arith.constant 0 : i32
        %dma_wait3A_815 = tpu.memref_slice %arg7[%dma_wait3A_810, %dma_wait3A_812, %dma_wait3A_813, %dma_wait3A_814] : memref<4x6x8x128xf32, #tpu.memory_space<vmem>> -> memref<1x6x8x128xf32, #tpu.memory_space<vmem>>
        %dma_wait3A_816 = tpu.memref_squeeze %dma_wait3A_815 : memref<1x6x8x128xf32, #tpu.memory_space<vmem>> -> memref<6x8x128xf32, #tpu.memory_space<vmem>>
        %dma_wait3A_817 = arith.constant 0 : i32
        %dma_wait3A_818 = arith.constant 0 : i32
        %dma_wait3A_819 = arith.constant 0 : i32
        %dma_wait3A_820 = tpu.memref_slice %arg3[%sub3A_809, %dma_wait3A_811, %dma_wait3A_817, %dma_wait3A_818, %dma_wait3A_819] : memref<1024x8x6x8x128xf32, #tpu.memory_space<hbm>> -> memref<1x1x6x8x128xf32, #tpu.memory_space<hbm>>
        %dma_wait3A_821 = tpu.memref_squeeze %dma_wait3A_820 : memref<1x1x6x8x128xf32, #tpu.memory_space<hbm>> -> memref<6x8x128xf32, #tpu.memory_space<hbm>>
        %dma_wait3A_822 = arith.constant 0 : i32
        %dma_wait3A_823 = arith.constant 0 : i32
        %dma_wait3A_824 = arith.constant 0 : i32
        %dma_wait3A_825 = tpu.memref_slice %arg3[%sub3A_809, %dma_wait3A_811, %dma_wait3A_822, %dma_wait3A_823, %dma_wait3A_824] : memref<1024x8x6x8x128xf32, #tpu.memory_space<hbm>> -> memref<1x1x6x8x128xf32, #tpu.memory_space<hbm>>
        %dma_wait3A_826 = tpu.memref_squeeze %dma_wait3A_825 : memref<1x1x6x8x128xf32, #tpu.memory_space<hbm>> -> memref<6x8x128xf32, #tpu.memory_space<hbm>>
        %dma_wait3A_827 = arith.constant 0 : i32
        %dma_wait3A_828 = arith.constant 0 : i32
        %dma_wait3A_829 = arith.constant 0 : i32
        %dma_wait3A_830 = tpu.memref_slice %arg7[%dma_wait3A_810, %dma_wait3A_827, %dma_wait3A_828, %dma_wait3A_829] : memref<4x6x8x128xf32, #tpu.memory_space<vmem>> -> memref<1x6x8x128xf32, #tpu.memory_space<vmem>>
        %dma_wait3A_831 = tpu.memref_squeeze %dma_wait3A_830 : memref<1x6x8x128xf32, #tpu.memory_space<vmem>> -> memref<6x8x128xf32, #tpu.memory_space<vmem>>
        tpu.wait_dma2 semaphore(%arg11 : memref<!tpu.dma_semaphore, #tpu.memory_space<semaphore_mem>>) src(%dma_wait3A_831 : memref<6x8x128xf32, #tpu.memory_space<vmem>>) dst(%dma_wait3A_826 : memref<6x8x128xf32, #tpu.memory_space<hbm>>)
        %dma_wait3A_832 = arith.constant 0 : i32
        %dma_wait3A_833 = arith.constant 1 : i32
        %dma_wait3A_834 = arith.constant 0 : i32
        %dma_wait3A_835 = arith.constant 0 : i32
        %dma_wait3A_836 = arith.constant 0 : i32
        %dma_wait3A_837 = tpu.memref_slice %arg7[%dma_wait3A_832, %dma_wait3A_834, %dma_wait3A_835, %dma_wait3A_836] : memref<4x6x8x128xf32, #tpu.memory_space<vmem>> -> memref<1x6x8x128xf32, #tpu.memory_space<vmem>>
        %dma_wait3A_838 = tpu.memref_squeeze %dma_wait3A_837 : memref<1x6x8x128xf32, #tpu.memory_space<vmem>> -> memref<6x8x128xf32, #tpu.memory_space<vmem>>
        %dma_wait3A_839 = arith.constant 0 : i32
        %dma_wait3A_840 = arith.constant 0 : i32
        %dma_wait3A_841 = arith.constant 0 : i32
        %dma_wait3A_842 = tpu.memref_slice %arg3[%sub3A_809, %dma_wait3A_833, %dma_wait3A_839, %dma_wait3A_840, %dma_wait3A_841] : memref<1024x8x6x8x128xf32, #tpu.memory_space<hbm>> -> memref<1x1x6x8x128xf32, #tpu.memory_space<hbm>>
        %dma_wait3A_843 = tpu.memref_squeeze %dma_wait3A_842 : memref<1x1x6x8x128xf32, #tpu.memory_space<hbm>> -> memref<6x8x128xf32, #tpu.memory_space<hbm>>
        %dma_wait3A_844 = arith.constant 0 : i32
        %dma_wait3A_845 = arith.constant 0 : i32
        %dma_wait3A_846 = arith.constant 0 : i32
        %dma_wait3A_847 = tpu.memref_slice %arg3[%sub3A_809, %dma_wait3A_833, %dma_wait3A_844, %dma_wait3A_845, %dma_wait3A_846] : memref<1024x8x6x8x128xf32, #tpu.memory_space<hbm>> -> memref<1x1x6x8x128xf32, #tpu.memory_space<hbm>>
        %dma_wait3A_848 = tpu.memref_squeeze %dma_wait3A_847 : memref<1x1x6x8x128xf32, #tpu.memory_space<hbm>> -> memref<6x8x128xf32, #tpu.memory_space<hbm>>
        %dma_wait3A_849 = arith.constant 0 : i32
        %dma_wait3A_850 = arith.constant 0 : i32
        %dma_wait3A_851 = arith.constant 0 : i32
        %dma_wait3A_852 = tpu.memref_slice %arg7[%dma_wait3A_832, %dma_wait3A_849, %dma_wait3A_850, %dma_wait3A_851] : memref<4x6x8x128xf32, #tpu.memory_space<vmem>> -> memref<1x6x8x128xf32, #tpu.memory_space<vmem>>
        %dma_wait3A_853 = tpu.memref_squeeze %dma_wait3A_852 : memref<1x6x8x128xf32, #tpu.memory_space<vmem>> -> memref<6x8x128xf32, #tpu.memory_space<vmem>>
        tpu.wait_dma2 semaphore(%arg11 : memref<!tpu.dma_semaphore, #tpu.memory_space<semaphore_mem>>) src(%dma_wait3A_853 : memref<6x8x128xf32, #tpu.memory_space<vmem>>) dst(%dma_wait3A_848 : memref<6x8x128xf32, #tpu.memory_space<hbm>>)
        %dma_wait3A_854 = arith.constant 1 : i32
        %dma_wait3A_855 = arith.constant 2 : i32
        %dma_wait3A_856 = arith.constant 0 : i32
        %dma_wait3A_857 = arith.constant 0 : i32
        %dma_wait3A_858 = arith.constant 0 : i32
        %dma_wait3A_859 = tpu.memref_slice %arg7[%dma_wait3A_854, %dma_wait3A_856, %dma_wait3A_857, %dma_wait3A_858] : memref<4x6x8x128xf32, #tpu.memory_space<vmem>> -> memref<1x6x8x128xf32, #tpu.memory_space<vmem>>
        %dma_wait3A_860 = tpu.memref_squeeze %dma_wait3A_859 : memref<1x6x8x128xf32, #tpu.memory_space<vmem>> -> memref<6x8x128xf32, #tpu.memory_space<vmem>>
        %dma_wait3A_861 = arith.constant 0 : i32
        %dma_wait3A_862 = arith.constant 0 : i32
        %dma_wait3A_863 = arith.constant 0 : i32
        %dma_wait3A_864 = tpu.memref_slice %arg3[%sub3A_809, %dma_wait3A_855, %dma_wait3A_861, %dma_wait3A_862, %dma_wait3A_863] : memref<1024x8x6x8x128xf32, #tpu.memory_space<hbm>> -> memref<1x1x6x8x128xf32, #tpu.memory_space<hbm>>
        %dma_wait3A_865 = tpu.memref_squeeze %dma_wait3A_864 : memref<1x1x6x8x128xf32, #tpu.memory_space<hbm>> -> memref<6x8x128xf32, #tpu.memory_space<hbm>>
        %dma_wait3A_866 = arith.constant 0 : i32
        %dma_wait3A_867 = arith.constant 0 : i32
        %dma_wait3A_868 = arith.constant 0 : i32
        %dma_wait3A_869 = tpu.memref_slice %arg3[%sub3A_809, %dma_wait3A_855, %dma_wait3A_866, %dma_wait3A_867, %dma_wait3A_868] : memref<1024x8x6x8x128xf32, #tpu.memory_space<hbm>> -> memref<1x1x6x8x128xf32, #tpu.memory_space<hbm>>
        %dma_wait3A_870 = tpu.memref_squeeze %dma_wait3A_869 : memref<1x1x6x8x128xf32, #tpu.memory_space<hbm>> -> memref<6x8x128xf32, #tpu.memory_space<hbm>>
        %dma_wait3A_871 = arith.constant 0 : i32
        %dma_wait3A_872 = arith.constant 0 : i32
        %dma_wait3A_873 = arith.constant 0 : i32
        %dma_wait3A_874 = tpu.memref_slice %arg7[%dma_wait3A_854, %dma_wait3A_871, %dma_wait3A_872, %dma_wait3A_873] : memref<4x6x8x128xf32, #tpu.memory_space<vmem>> -> memref<1x6x8x128xf32, #tpu.memory_space<vmem>>
        %dma_wait3A_875 = tpu.memref_squeeze %dma_wait3A_874 : memref<1x6x8x128xf32, #tpu.memory_space<vmem>> -> memref<6x8x128xf32, #tpu.memory_space<vmem>>
        tpu.wait_dma2 semaphore(%arg11 : memref<!tpu.dma_semaphore, #tpu.memory_space<semaphore_mem>>) src(%dma_wait3A_875 : memref<6x8x128xf32, #tpu.memory_space<vmem>>) dst(%dma_wait3A_870 : memref<6x8x128xf32, #tpu.memory_space<hbm>>)
        %dma_wait3A_876 = arith.constant 1 : i32
        %dma_wait3A_877 = arith.constant 3 : i32
        %dma_wait3A_878 = arith.constant 0 : i32
        %dma_wait3A_879 = arith.constant 0 : i32
        %dma_wait3A_880 = arith.constant 0 : i32
        %dma_wait3A_881 = tpu.memref_slice %arg7[%dma_wait3A_876, %dma_wait3A_878, %dma_wait3A_879, %dma_wait3A_880] : memref<4x6x8x128xf32, #tpu.memory_space<vmem>> -> memref<1x6x8x128xf32, #tpu.memory_space<vmem>>
        %dma_wait3A_882 = tpu.memref_squeeze %dma_wait3A_881 : memref<1x6x8x128xf32, #tpu.memory_space<vmem>> -> memref<6x8x128xf32, #tpu.memory_space<vmem>>
        %dma_wait3A_883 = arith.constant 0 : i32
        %dma_wait3A_884 = arith.constant 0 : i32
        %dma_wait3A_885 = arith.constant 0 : i32
        %dma_wait3A_886 = tpu.memref_slice %arg3[%sub3A_809, %dma_wait3A_877, %dma_wait3A_883, %dma_wait3A_884, %dma_wait3A_885] : memref<1024x8x6x8x128xf32, #tpu.memory_space<hbm>> -> memref<1x1x6x8x128xf32, #tpu.memory_space<hbm>>
        %dma_wait3A_887 = tpu.memref_squeeze %dma_wait3A_886 : memref<1x1x6x8x128xf32, #tpu.memory_space<hbm>> -> memref<6x8x128xf32, #tpu.memory_space<hbm>>
        %dma_wait3A_888 = arith.constant 0 : i32
        %dma_wait3A_889 = arith.constant 0 : i32
        %dma_wait3A_890 = arith.constant 0 : i32
        %dma_wait3A_891 = tpu.memref_slice %arg3[%sub3A_809, %dma_wait3A_877, %dma_wait3A_888, %dma_wait3A_889, %dma_wait3A_890] : memref<1024x8x6x8x128xf32, #tpu.memory_space<hbm>> -> memref<1x1x6x8x128xf32, #tpu.memory_space<hbm>>
        %dma_wait3A_892 = tpu.memref_squeeze %dma_wait3A_891 : memref<1x1x6x8x128xf32, #tpu.memory_space<hbm>> -> memref<6x8x128xf32, #tpu.memory_space<hbm>>
        %dma_wait3A_893 = arith.constant 0 : i32
        %dma_wait3A_894 = arith.constant 0 : i32
        %dma_wait3A_895 = arith.constant 0 : i32
        %dma_wait3A_896 = tpu.memref_slice %arg7[%dma_wait3A_876, %dma_wait3A_893, %dma_wait3A_894, %dma_wait3A_895] : memref<4x6x8x128xf32, #tpu.memory_space<vmem>> -> memref<1x6x8x128xf32, #tpu.memory_space<vmem>>
        %dma_wait3A_897 = tpu.memref_squeeze %dma_wait3A_896 : memref<1x6x8x128xf32, #tpu.memory_space<vmem>> -> memref<6x8x128xf32, #tpu.memory_space<vmem>>
        tpu.wait_dma2 semaphore(%arg11 : memref<!tpu.dma_semaphore, #tpu.memory_space<semaphore_mem>>) src(%dma_wait3A_897 : memref<6x8x128xf32, #tpu.memory_space<vmem>>) dst(%dma_wait3A_892 : memref<6x8x128xf32, #tpu.memory_space<hbm>>)
        %dma_wait3A_898 = arith.constant 2 : i32
        %dma_wait3A_899 = arith.constant 4 : i32
        %dma_wait3A_900 = arith.constant 0 : i32
        %dma_wait3A_901 = arith.constant 0 : i32
        %dma_wait3A_902 = arith.constant 0 : i32
        %dma_wait3A_903 = tpu.memref_slice %arg7[%dma_wait3A_898, %dma_wait3A_900, %dma_wait3A_901, %dma_wait3A_902] : memref<4x6x8x128xf32, #tpu.memory_space<vmem>> -> memref<1x6x8x128xf32, #tpu.memory_space<vmem>>
        %dma_wait3A_904 = tpu.memref_squeeze %dma_wait3A_903 : memref<1x6x8x128xf32, #tpu.memory_space<vmem>> -> memref<6x8x128xf32, #tpu.memory_space<vmem>>
        %dma_wait3A_905 = arith.constant 0 : i32
        %dma_wait3A_906 = arith.constant 0 : i32
        %dma_wait3A_907 = arith.constant 0 : i32
        %dma_wait3A_908 = tpu.memref_slice %arg3[%sub3A_809, %dma_wait3A_899, %dma_wait3A_905, %dma_wait3A_906, %dma_wait3A_907] : memref<1024x8x6x8x128xf32, #tpu.memory_space<hbm>> -> memref<1x1x6x8x128xf32, #tpu.memory_space<hbm>>
        %dma_wait3A_909 = tpu.memref_squeeze %dma_wait3A_908 : memref<1x1x6x8x128xf32, #tpu.memory_space<hbm>> -> memref<6x8x128xf32, #tpu.memory_space<hbm>>
        %dma_wait3A_910 = arith.constant 0 : i32
        %dma_wait3A_911 = arith.constant 0 : i32
        %dma_wait3A_912 = arith.constant 0 : i32
        %dma_wait3A_913 = tpu.memref_slice %arg3[%sub3A_809, %dma_wait3A_899, %dma_wait3A_910, %dma_wait3A_911, %dma_wait3A_912] : memref<1024x8x6x8x128xf32, #tpu.memory_space<hbm>> -> memref<1x1x6x8x128xf32, #tpu.memory_space<hbm>>
        %dma_wait3A_914 = tpu.memref_squeeze %dma_wait3A_913 : memref<1x1x6x8x128xf32, #tpu.memory_space<hbm>> -> memref<6x8x128xf32, #tpu.memory_space<hbm>>
        %dma_wait3A_915 = arith.constant 0 : i32
        %dma_wait3A_916 = arith.constant 0 : i32
        %dma_wait3A_917 = arith.constant 0 : i32
        %dma_wait3A_918 = tpu.memref_slice %arg7[%dma_wait3A_898, %dma_wait3A_915, %dma_wait3A_916, %dma_wait3A_917] : memref<4x6x8x128xf32, #tpu.memory_space<vmem>> -> memref<1x6x8x128xf32, #tpu.memory_space<vmem>>
        %dma_wait3A_919 = tpu.memref_squeeze %dma_wait3A_918 : memref<1x6x8x128xf32, #tpu.memory_space<vmem>> -> memref<6x8x128xf32, #tpu.memory_space<vmem>>
        tpu.wait_dma2 semaphore(%arg11 : memref<!tpu.dma_semaphore, #tpu.memory_space<semaphore_mem>>) src(%dma_wait3A_919 : memref<6x8x128xf32, #tpu.memory_space<vmem>>) dst(%dma_wait3A_914 : memref<6x8x128xf32, #tpu.memory_space<hbm>>)
        %dma_wait3A_920 = arith.constant 2 : i32
        %dma_wait3A_921 = arith.constant 5 : i32
        %dma_wait3A_922 = arith.constant 0 : i32
        %dma_wait3A_923 = arith.constant 0 : i32
        %dma_wait3A_924 = arith.constant 0 : i32
        %dma_wait3A_925 = tpu.memref_slice %arg7[%dma_wait3A_920, %dma_wait3A_922, %dma_wait3A_923, %dma_wait3A_924] : memref<4x6x8x128xf32, #tpu.memory_space<vmem>> -> memref<1x6x8x128xf32, #tpu.memory_space<vmem>>
        %dma_wait3A_926 = tpu.memref_squeeze %dma_wait3A_925 : memref<1x6x8x128xf32, #tpu.memory_space<vmem>> -> memref<6x8x128xf32, #tpu.memory_space<vmem>>
        %dma_wait3A_927 = arith.constant 0 : i32
        %dma_wait3A_928 = arith.constant 0 : i32
        %dma_wait3A_929 = arith.constant 0 : i32
        %dma_wait3A_930 = tpu.memref_slice %arg3[%sub3A_809, %dma_wait3A_921, %dma_wait3A_927, %dma_wait3A_928, %dma_wait3A_929] : memref<1024x8x6x8x128xf32, #tpu.memory_space<hbm>> -> memref<1x1x6x8x128xf32, #tpu.memory_space<hbm>>
        %dma_wait3A_931 = tpu.memref_squeeze %dma_wait3A_930 : memref<1x1x6x8x128xf32, #tpu.memory_space<hbm>> -> memref<6x8x128xf32, #tpu.memory_space<hbm>>
        %dma_wait3A_932 = arith.constant 0 : i32
        %dma_wait3A_933 = arith.constant 0 : i32
        %dma_wait3A_934 = arith.constant 0 : i32
        %dma_wait3A_935 = tpu.memref_slice %arg3[%sub3A_809, %dma_wait3A_921, %dma_wait3A_932, %dma_wait3A_933, %dma_wait3A_934] : memref<1024x8x6x8x128xf32, #tpu.memory_space<hbm>> -> memref<1x1x6x8x128xf32, #tpu.memory_space<hbm>>
        %dma_wait3A_936 = tpu.memref_squeeze %dma_wait3A_935 : memref<1x1x6x8x128xf32, #tpu.memory_space<hbm>> -> memref<6x8x128xf32, #tpu.memory_space<hbm>>
        %dma_wait3A_937 = arith.constant 0 : i32
        %dma_wait3A_938 = arith.constant 0 : i32
        %dma_wait3A_939 = arith.constant 0 : i32
        %dma_wait3A_940 = tpu.memref_slice %arg7[%dma_wait3A_920, %dma_wait3A_937, %dma_wait3A_938, %dma_wait3A_939] : memref<4x6x8x128xf32, #tpu.memory_space<vmem>> -> memref<1x6x8x128xf32, #tpu.memory_space<vmem>>
        %dma_wait3A_941 = tpu.memref_squeeze %dma_wait3A_940 : memref<1x6x8x128xf32, #tpu.memory_space<vmem>> -> memref<6x8x128xf32, #tpu.memory_space<vmem>>
        tpu.wait_dma2 semaphore(%arg11 : memref<!tpu.dma_semaphore, #tpu.memory_space<semaphore_mem>>) src(%dma_wait3A_941 : memref<6x8x128xf32, #tpu.memory_space<vmem>>) dst(%dma_wait3A_936 : memref<6x8x128xf32, #tpu.memory_space<hbm>>)
        %dma_wait3A_942 = arith.constant 3 : i32
        %dma_wait3A_943 = arith.constant 6 : i32
        %dma_wait3A_944 = arith.constant 0 : i32
        %dma_wait3A_945 = arith.constant 0 : i32
        %dma_wait3A_946 = arith.constant 0 : i32
        %dma_wait3A_947 = tpu.memref_slice %arg7[%dma_wait3A_942, %dma_wait3A_944, %dma_wait3A_945, %dma_wait3A_946] : memref<4x6x8x128xf32, #tpu.memory_space<vmem>> -> memref<1x6x8x128xf32, #tpu.memory_space<vmem>>
        %dma_wait3A_948 = tpu.memref_squeeze %dma_wait3A_947 : memref<1x6x8x128xf32, #tpu.memory_space<vmem>> -> memref<6x8x128xf32, #tpu.memory_space<vmem>>
        %dma_wait3A_949 = arith.constant 0 : i32
        %dma_wait3A_950 = arith.constant 0 : i32
        %dma_wait3A_951 = arith.constant 0 : i32
        %dma_wait3A_952 = tpu.memref_slice %arg3[%sub3A_809, %dma_wait3A_943, %dma_wait3A_949, %dma_wait3A_950, %dma_wait3A_951] : memref<1024x8x6x8x128xf32, #tpu.memory_space<hbm>> -> memref<1x1x6x8x128xf32, #tpu.memory_space<hbm>>
        %dma_wait3A_953 = tpu.memref_squeeze %dma_wait3A_952 : memref<1x1x6x8x128xf32, #tpu.memory_space<hbm>> -> memref<6x8x128xf32, #tpu.memory_space<hbm>>
        %dma_wait3A_954 = arith.constant 0 : i32
        %dma_wait3A_955 = arith.constant 0 : i32
        %dma_wait3A_956 = arith.constant 0 : i32
        %dma_wait3A_957 = tpu.memref_slice %arg3[%sub3A_809, %dma_wait3A_943, %dma_wait3A_954, %dma_wait3A_955, %dma_wait3A_956] : memref<1024x8x6x8x128xf32, #tpu.memory_space<hbm>> -> memref<1x1x6x8x128xf32, #tpu.memory_space<hbm>>
        %dma_wait3A_958 = tpu.memref_squeeze %dma_wait3A_957 : memref<1x1x6x8x128xf32, #tpu.memory_space<hbm>> -> memref<6x8x128xf32, #tpu.memory_space<hbm>>
        %dma_wait3A_959 = arith.constant 0 : i32
        %dma_wait3A_960 = arith.constant 0 : i32
        %dma_wait3A_961 = arith.constant 0 : i32
        %dma_wait3A_962 = tpu.memref_slice %arg7[%dma_wait3A_942, %dma_wait3A_959, %dma_wait3A_960, %dma_wait3A_961] : memref<4x6x8x128xf32, #tpu.memory_space<vmem>> -> memref<1x6x8x128xf32, #tpu.memory_space<vmem>>
        %dma_wait3A_963 = tpu.memref_squeeze %dma_wait3A_962 : memref<1x6x8x128xf32, #tpu.memory_space<vmem>> -> memref<6x8x128xf32, #tpu.memory_space<vmem>>
        tpu.wait_dma2 semaphore(%arg11 : memref<!tpu.dma_semaphore, #tpu.memory_space<semaphore_mem>>) src(%dma_wait3A_963 : memref<6x8x128xf32, #tpu.memory_space<vmem>>) dst(%dma_wait3A_958 : memref<6x8x128xf32, #tpu.memory_space<hbm>>)
        %dma_wait3A_964 = arith.constant 3 : i32
        %dma_wait3A_965 = arith.constant 7 : i32
        %dma_wait3A_966 = arith.constant 0 : i32
        %dma_wait3A_967 = arith.constant 0 : i32
        %dma_wait3A_968 = arith.constant 0 : i32
        %dma_wait3A_969 = tpu.memref_slice %arg7[%dma_wait3A_964, %dma_wait3A_966, %dma_wait3A_967, %dma_wait3A_968] : memref<4x6x8x128xf32, #tpu.memory_space<vmem>> -> memref<1x6x8x128xf32, #tpu.memory_space<vmem>>
        %dma_wait3A_970 = tpu.memref_squeeze %dma_wait3A_969 : memref<1x6x8x128xf32, #tpu.memory_space<vmem>> -> memref<6x8x128xf32, #tpu.memory_space<vmem>>
        %dma_wait3A_971 = arith.constant 0 : i32
        %dma_wait3A_972 = arith.constant 0 : i32
        %dma_wait3A_973 = arith.constant 0 : i32
        %dma_wait3A_974 = tpu.memref_slice %arg3[%sub3A_809, %dma_wait3A_965, %dma_wait3A_971, %dma_wait3A_972, %dma_wait3A_973] : memref<1024x8x6x8x128xf32, #tpu.memory_space<hbm>> -> memref<1x1x6x8x128xf32, #tpu.memory_space<hbm>>
        %dma_wait3A_975 = tpu.memref_squeeze %dma_wait3A_974 : memref<1x1x6x8x128xf32, #tpu.memory_space<hbm>> -> memref<6x8x128xf32, #tpu.memory_space<hbm>>
        %dma_wait3A_976 = arith.constant 0 : i32
        %dma_wait3A_977 = arith.constant 0 : i32
        %dma_wait3A_978 = arith.constant 0 : i32
        %dma_wait3A_979 = tpu.memref_slice %arg3[%sub3A_809, %dma_wait3A_965, %dma_wait3A_976, %dma_wait3A_977, %dma_wait3A_978] : memref<1024x8x6x8x128xf32, #tpu.memory_space<hbm>> -> memref<1x1x6x8x128xf32, #tpu.memory_space<hbm>>
        %dma_wait3A_980 = tpu.memref_squeeze %dma_wait3A_979 : memref<1x1x6x8x128xf32, #tpu.memory_space<hbm>> -> memref<6x8x128xf32, #tpu.memory_space<hbm>>
        %dma_wait3A_981 = arith.constant 0 : i32
        %dma_wait3A_982 = arith.constant 0 : i32
        %dma_wait3A_983 = arith.constant 0 : i32
        %dma_wait3A_984 = tpu.memref_slice %arg7[%dma_wait3A_964, %dma_wait3A_981, %dma_wait3A_982, %dma_wait3A_983] : memref<4x6x8x128xf32, #tpu.memory_space<vmem>> -> memref<1x6x8x128xf32, #tpu.memory_space<vmem>>
        %dma_wait3A_985 = tpu.memref_squeeze %dma_wait3A_984 : memref<1x6x8x128xf32, #tpu.memory_space<vmem>> -> memref<6x8x128xf32, #tpu.memory_space<vmem>>
        tpu.wait_dma2 semaphore(%arg11 : memref<!tpu.dma_semaphore, #tpu.memory_space<semaphore_mem>>) src(%dma_wait3A_985 : memref<6x8x128xf32, #tpu.memory_space<vmem>>) dst(%dma_wait3A_980 : memref<6x8x128xf32, #tpu.memory_space<hbm>>)
      } else {
      }
      %parallel_loop3A_620 = arith.constant 0 : i32
      %parallel_loop3A_621 = arith.constant 24 : i32
      %parallel_loop3A_622 = arith.constant 1 : i32
      scf.for %parallel_loop3A_806 = %parallel_loop3A_620 to %parallel_loop3A_621 step %parallel_loop3A_622  : i32 {
        %parallel_loop3A_807 = arith.constant 6 : i32
        %parallel_loop3A_808 = arith.divsi %parallel_loop3A_806, %parallel_loop3A_807 : i32
        %parallel_loop3A_809 = arith.constant 0 : i32
        %parallel_loop3A_810 = arith.cmpi sgt, %parallel_loop3A_806, %parallel_loop3A_809 : i32
        %parallel_loop3A_811 = arith.extui %parallel_loop3A_810 : i1 to i32
        %parallel_loop3A_812 = arith.constant 0 : i32
        %parallel_loop3A_813 = arith.cmpi slt, %parallel_loop3A_806, %parallel_loop3A_812 : i32
        %parallel_loop3A_814 = arith.extui %parallel_loop3A_813 : i1 to i32
        %parallel_loop3A_815 = arith.subi %parallel_loop3A_811, %parallel_loop3A_814 : i32
        %parallel_loop3A_816 = arith.constant 0 : i32
        %parallel_loop3A_817 = arith.cmpi sgt, %parallel_loop3A_807, %parallel_loop3A_816 : i32
        %parallel_loop3A_818 = arith.extui %parallel_loop3A_817 : i1 to i32
        %parallel_loop3A_819 = arith.constant 0 : i32
        %parallel_loop3A_820 = arith.cmpi slt, %parallel_loop3A_807, %parallel_loop3A_819 : i32
        %parallel_loop3A_821 = arith.extui %parallel_loop3A_820 : i1 to i32
        %parallel_loop3A_822 = arith.subi %parallel_loop3A_818, %parallel_loop3A_821 : i32
        %parallel_loop3A_823 = arith.cmpi ne, %parallel_loop3A_815, %parallel_loop3A_822 : i32
        %parallel_loop3A_824 = arith.remsi %parallel_loop3A_806, %parallel_loop3A_807 : i32
        %parallel_loop3A_825 = arith.constant 0 : i32
        %parallel_loop3A_826 = arith.cmpi ne, %parallel_loop3A_824, %parallel_loop3A_825 : i32
        %parallel_loop3A_827 = arith.andi %parallel_loop3A_823, %parallel_loop3A_826 : i1
        %parallel_loop3A_828 = arith.constant 1 : i32
        %parallel_loop3A_829 = arith.subi %parallel_loop3A_808, %parallel_loop3A_828 : i32
        %parallel_loop3A_830 = arith.select %parallel_loop3A_827, %parallel_loop3A_829, %parallel_loop3A_808 : i32
        %parallel_loop3A_831 = arith.constant 6 : i32
        %parallel_loop3A_832 = arith.constant 0 : i32
        %parallel_loop3A_833 = arith.cmpi eq, %parallel_loop3A_831, %parallel_loop3A_832 : i32
        %parallel_loop3A_834 = arith.constant 1 : i32
        %parallel_loop3A_835 = arith.select %parallel_loop3A_833, %parallel_loop3A_834, %parallel_loop3A_831 : i32
        %parallel_loop3A_836 = arith.remsi %parallel_loop3A_806, %parallel_loop3A_835 : i32
        %parallel_loop3A_837 = arith.constant 0 : i32
        %parallel_loop3A_838 = arith.cmpi ne, %parallel_loop3A_836, %parallel_loop3A_837 : i32
        %parallel_loop3A_839 = arith.constant 0 : i32
        %parallel_loop3A_840 = arith.cmpi slt, %parallel_loop3A_836, %parallel_loop3A_839 : i32
        %parallel_loop3A_841 = arith.constant 0 : i32
        %parallel_loop3A_842 = arith.cmpi slt, %parallel_loop3A_835, %parallel_loop3A_841 : i32
        %parallel_loop3A_843 = arith.xori %parallel_loop3A_840, %parallel_loop3A_842 : i1
        %parallel_loop3A_844 = arith.andi %parallel_loop3A_843, %parallel_loop3A_838 : i1
        %parallel_loop3A_845 = arith.addi %parallel_loop3A_836, %parallel_loop3A_835 : i32
        %parallel_loop3A_846 = arith.select %parallel_loop3A_844, %parallel_loop3A_845, %parallel_loop3A_836 : i32
        %parallel_loop3A_847 = arith.constant 0 : i32
        %parallel_loop3A_848 = arith.index_cast %parallel_loop3A_830 : i32 to index
        %parallel_loop3A_849 = arith.index_cast %parallel_loop3A_846 : i32 to index
        %parallel_loop3A_850 = arith.index_cast %parallel_loop3A_847 : i32 to index
        %parallel_loop3A_851 = arith.constant 0 : index
        %parallel_loop3A_852 = tpu.vector_load %arg5[%parallel_loop3A_848, %parallel_loop3A_849, %parallel_loop3A_850, %parallel_loop3A_851] {strides = array<i32>} : memref<4x6x4x128xf32, #tpu.memory_space<vmem>>, vector<1x1x1x16xf32>,
        %parallel_loop3A_853 = vector.shape_cast %parallel_loop3A_852 : vector<1x1x1x16xf32> to vector<16xf32>
        %parallel_loop3A_854 = arith.constant 0 : i32
        %parallel_loop3A_855 = arith.index_cast %parallel_loop3A_830 : i32 to index
        %parallel_loop3A_856 = arith.index_cast %parallel_loop3A_846 : i32 to index
        %parallel_loop3A_857 = arith.index_cast %parallel_loop3A_854 : i32 to index
        %parallel_loop3A_858 = arith.constant 0 : index
        %parallel_loop3A_859 = tpu.vector_load %arg7[%parallel_loop3A_855, %parallel_loop3A_856, %parallel_loop3A_857, %parallel_loop3A_858] {strides = array<i32>} : memref<4x6x8x128xf32, #tpu.memory_space<vmem>>, vector<1x1x1x16xf32>,
        %parallel_loop3A_860 = vector.shape_cast %parallel_loop3A_859 : vector<1x1x1x16xf32> to vector<16xf32>
        %parallel_loop3A_861 = vector.shape_cast %parallel_loop3A_853 : vector<16xf32> to vector<1x1x1x16xf32>
        tpu.vector_store %arg7[%parallel_loop3A_855, %parallel_loop3A_856, %parallel_loop3A_857, %parallel_loop3A_858], %parallel_loop3A_861 {strides = array<i32>} : memref<4x6x8x128xf32, #tpu.memory_space<vmem>>, vector<1x1x1x16xf32>,
        %parallel_loop3A_862 = arith.constant 1 : i32
        %parallel_loop3A_863 = arith.index_cast %parallel_loop3A_830 : i32 to index
        %parallel_loop3A_864 = arith.index_cast %parallel_loop3A_846 : i32 to index
        %parallel_loop3A_865 = arith.index_cast %parallel_loop3A_862 : i32 to index
        %parallel_loop3A_866 = arith.constant 0 : index
        %parallel_loop3A_867 = tpu.vector_load %arg7[%parallel_loop3A_863, %parallel_loop3A_864, %parallel_loop3A_865, %parallel_loop3A_866] {strides = array<i32>} : memref<4x6x8x128xf32, #tpu.memory_space<vmem>>, vector<1x1x1x16xf32>,
        %parallel_loop3A_868 = vector.shape_cast %parallel_loop3A_867 : vector<1x1x1x16xf32> to vector<16xf32>
        %parallel_loop3A_869 = vector.shape_cast %parallel_loop3A_853 : vector<16xf32> to vector<1x1x1x16xf32>
        tpu.vector_store %arg7[%parallel_loop3A_863, %parallel_loop3A_864, %parallel_loop3A_865, %parallel_loop3A_866], %parallel_loop3A_869 {strides = array<i32>} : memref<4x6x8x128xf32, #tpu.memory_space<vmem>>, vector<1x1x1x16xf32>,
        %parallel_loop3A_870 = arith.constant 0 : i32
        %parallel_loop3A_871 = arith.index_cast %parallel_loop3A_830 : i32 to index
        %parallel_loop3A_872 = arith.index_cast %parallel_loop3A_846 : i32 to index
        %parallel_loop3A_873 = arith.index_cast %parallel_loop3A_870 : i32 to index
        %parallel_loop3A_874 = arith.constant 16 : index
        %parallel_loop3A_875 = tpu.vector_load %arg5[%parallel_loop3A_871, %parallel_loop3A_872, %parallel_loop3A_873, %parallel_loop3A_874] {strides = array<i32>} : memref<4x6x4x128xf32, #tpu.memory_space<vmem>>, vector<1x1x1x16xf32>,
        %parallel_loop3A_876 = vector.shape_cast %parallel_loop3A_875 : vector<1x1x1x16xf32> to vector<16xf32>
        %parallel_loop3A_877 = arith.constant 0 : i32
        %parallel_loop3A_878 = arith.index_cast %parallel_loop3A_830 : i32 to index
        %parallel_loop3A_879 = arith.index_cast %parallel_loop3A_846 : i32 to index
        %parallel_loop3A_880 = arith.index_cast %parallel_loop3A_877 : i32 to index
        %parallel_loop3A_881 = arith.constant 16 : index
        %parallel_loop3A_882 = tpu.vector_load %arg7[%parallel_loop3A_878, %parallel_loop3A_879, %parallel_loop3A_880, %parallel_loop3A_881] {strides = array<i32>} : memref<4x6x8x128xf32, #tpu.memory_space<vmem>>, vector<1x1x1x16xf32>,
        %parallel_loop3A_883 = vector.shape_cast %parallel_loop3A_882 : vector<1x1x1x16xf32> to vector<16xf32>
        %parallel_loop3A_884 = vector.shape_cast %parallel_loop3A_876 : vector<16xf32> to vector<1x1x1x16xf32>
        tpu.vector_store %arg7[%parallel_loop3A_878, %parallel_loop3A_879, %parallel_loop3A_880, %parallel_loop3A_881], %parallel_loop3A_884 {strides = array<i32>} : memref<4x6x8x128xf32, #tpu.memory_space<vmem>>, vector<1x1x1x16xf32>,
        %parallel_loop3A_885 = arith.constant 1 : i32
        %parallel_loop3A_886 = arith.index_cast %parallel_loop3A_830 : i32 to index
        %parallel_loop3A_887 = arith.index_cast %parallel_loop3A_846 : i32 to index
        %parallel_loop3A_888 = arith.index_cast %parallel_loop3A_885 : i32 to index
        %parallel_loop3A_889 = arith.constant 16 : index
        %parallel_loop3A_890 = tpu.vector_load %arg7[%parallel_loop3A_886, %parallel_loop3A_887, %parallel_loop3A_888, %parallel_loop3A_889] {strides = array<i32>} : memref<4x6x8x128xf32, #tpu.memory_space<vmem>>, vector<1x1x1x16xf32>,
        %parallel_loop3A_891 = vector.shape_cast %parallel_loop3A_890 : vector<1x1x1x16xf32> to vector<16xf32>
        %parallel_loop3A_892 = vector.shape_cast %parallel_loop3A_876 : vector<16xf32> to vector<1x1x1x16xf32>
        tpu.vector_store %arg7[%parallel_loop3A_886, %parallel_loop3A_887, %parallel_loop3A_888, %parallel_loop3A_889], %parallel_loop3A_892 {strides = array<i32>} : memref<4x6x8x128xf32, #tpu.memory_space<vmem>>, vector<1x1x1x16xf32>,
        %parallel_loop3A_893 = arith.constant 0 : i32
        %parallel_loop3A_894 = arith.index_cast %parallel_loop3A_830 : i32 to index
        %parallel_loop3A_895 = arith.index_cast %parallel_loop3A_846 : i32 to index
        %parallel_loop3A_896 = arith.index_cast %parallel_loop3A_893 : i32 to index
        %parallel_loop3A_897 = arith.constant 32 : index
        %parallel_loop3A_898 = tpu.vector_load %arg5[%parallel_loop3A_894, %parallel_loop3A_895, %parallel_loop3A_896, %parallel_loop3A_897] {strides = array<i32>} : memref<4x6x4x128xf32, #tpu.memory_space<vmem>>, vector<1x1x1x16xf32>,
        %parallel_loop3A_899 = vector.shape_cast %parallel_loop3A_898 : vector<1x1x1x16xf32> to vector<16xf32>
        %parallel_loop3A_900 = arith.constant 0 : i32
        %parallel_loop3A_901 = arith.index_cast %parallel_loop3A_830 : i32 to index
        %parallel_loop3A_902 = arith.index_cast %parallel_loop3A_846 : i32 to index
        %parallel_loop3A_903 = arith.index_cast %parallel_loop3A_900 : i32 to index
        %parallel_loop3A_904 = arith.constant 32 : index
        %parallel_loop3A_905 = tpu.vector_load %arg7[%parallel_loop3A_901, %parallel_loop3A_902, %parallel_loop3A_903, %parallel_loop3A_904] {strides = array<i32>} : memref<4x6x8x128xf32, #tpu.memory_space<vmem>>, vector<1x1x1x16xf32>,
        %parallel_loop3A_906 = vector.shape_cast %parallel_loop3A_905 : vector<1x1x1x16xf32> to vector<16xf32>
        %parallel_loop3A_907 = vector.shape_cast %parallel_loop3A_899 : vector<16xf32> to vector<1x1x1x16xf32>
        tpu.vector_store %arg7[%parallel_loop3A_901, %parallel_loop3A_902, %parallel_loop3A_903, %parallel_loop3A_904], %parallel_loop3A_907 {strides = array<i32>} : memref<4x6x8x128xf32, #tpu.memory_space<vmem>>, vector<1x1x1x16xf32>,
        %parallel_loop3A_908 = arith.constant 1 : i32
        %parallel_loop3A_909 = arith.index_cast %parallel_loop3A_830 : i32 to index
        %parallel_loop3A_910 = arith.index_cast %parallel_loop3A_846 : i32 to index
        %parallel_loop3A_911 = arith.index_cast %parallel_loop3A_908 : i32 to index
        %parallel_loop3A_912 = arith.constant 32 : index
        %parallel_loop3A_913 = tpu.vector_load %arg7[%parallel_loop3A_909, %parallel_loop3A_910, %parallel_loop3A_911, %parallel_loop3A_912] {strides = array<i32>} : memref<4x6x8x128xf32, #tpu.memory_space<vmem>>, vector<1x1x1x16xf32>,
        %parallel_loop3A_914 = vector.shape_cast %parallel_loop3A_913 : vector<1x1x1x16xf32> to vector<16xf32>
        %parallel_loop3A_915 = vector.shape_cast %parallel_loop3A_899 : vector<16xf32> to vector<1x1x1x16xf32>
        tpu.vector_store %arg7[%parallel_loop3A_909, %parallel_loop3A_910, %parallel_loop3A_911, %parallel_loop3A_912], %parallel_loop3A_915 {strides = array<i32>} : memref<4x6x8x128xf32, #tpu.memory_space<vmem>>, vector<1x1x1x16xf32>,
        %parallel_loop3A_916 = arith.constant 0 : i32
        %parallel_loop3A_917 = arith.index_cast %parallel_loop3A_830 : i32 to index
        %parallel_loop3A_918 = arith.index_cast %parallel_loop3A_846 : i32 to index
        %parallel_loop3A_919 = arith.index_cast %parallel_loop3A_916 : i32 to index
        %parallel_loop3A_920 = arith.constant 48 : index
        %parallel_loop3A_921 = tpu.vector_load %arg5[%parallel_loop3A_917, %parallel_loop3A_918, %parallel_loop3A_919, %parallel_loop3A_920] {strides = array<i32>} : memref<4x6x4x128xf32, #tpu.memory_space<vmem>>, vector<1x1x1x16xf32>,
        %parallel_loop3A_922 = vector.shape_cast %parallel_loop3A_921 : vector<1x1x1x16xf32> to vector<16xf32>
        %parallel_loop3A_923 = arith.constant 0 : i32
        %parallel_loop3A_924 = arith.index_cast %parallel_loop3A_830 : i32 to index
        %parallel_loop3A_925 = arith.index_cast %parallel_loop3A_846 : i32 to index
        %parallel_loop3A_926 = arith.index_cast %parallel_loop3A_923 : i32 to index
        %parallel_loop3A_927 = arith.constant 48 : index
        %parallel_loop3A_928 = tpu.vector_load %arg7[%parallel_loop3A_924, %parallel_loop3A_925, %parallel_loop3A_926, %parallel_loop3A_927] {strides = array<i32>} : memref<4x6x8x128xf32, #tpu.memory_space<vmem>>, vector<1x1x1x16xf32>,
        %parallel_loop3A_929 = vector.shape_cast %parallel_loop3A_928 : vector<1x1x1x16xf32> to vector<16xf32>
        %parallel_loop3A_930 = vector.shape_cast %parallel_loop3A_922 : vector<16xf32> to vector<1x1x1x16xf32>
        tpu.vector_store %arg7[%parallel_loop3A_924, %parallel_loop3A_925, %parallel_loop3A_926, %parallel_loop3A_927], %parallel_loop3A_930 {strides = array<i32>} : memref<4x6x8x128xf32, #tpu.memory_space<vmem>>, vector<1x1x1x16xf32>,
        %parallel_loop3A_931 = arith.constant 1 : i32
        %parallel_loop3A_932 = arith.index_cast %parallel_loop3A_830 : i32 to index
        %parallel_loop3A_933 = arith.index_cast %parallel_loop3A_846 : i32 to index
        %parallel_loop3A_934 = arith.index_cast %parallel_loop3A_931 : i32 to index
        %parallel_loop3A_935 = arith.constant 48 : index
        %parallel_loop3A_936 = tpu.vector_load %arg7[%parallel_loop3A_932, %parallel_loop3A_933, %parallel_loop3A_934, %parallel_loop3A_935] {strides = array<i32>} : memref<4x6x8x128xf32, #tpu.memory_space<vmem>>, vector<1x1x1x16xf32>,
        %parallel_loop3A_937 = vector.shape_cast %parallel_loop3A_936 : vector<1x1x1x16xf32> to vector<16xf32>
        %parallel_loop3A_938 = vector.shape_cast %parallel_loop3A_922 : vector<16xf32> to vector<1x1x1x16xf32>
        tpu.vector_store %arg7[%parallel_loop3A_932, %parallel_loop3A_933, %parallel_loop3A_934, %parallel_loop3A_935], %parallel_loop3A_938 {strides = array<i32>} : memref<4x6x8x128xf32, #tpu.memory_space<vmem>>, vector<1x1x1x16xf32>,
        %parallel_loop3A_939 = arith.constant 0 : i32
        %parallel_loop3A_940 = arith.index_cast %parallel_loop3A_830 : i32 to index
        %parallel_loop3A_941 = arith.index_cast %parallel_loop3A_846 : i32 to index
        %parallel_loop3A_942 = arith.index_cast %parallel_loop3A_939 : i32 to index
        %parallel_loop3A_943 = arith.constant 64 : index
        %parallel_loop3A_944 = tpu.vector_load %arg5[%parallel_loop3A_940, %parallel_loop3A_941, %parallel_loop3A_942, %parallel_loop3A_943] {strides = array<i32>} : memref<4x6x4x128xf32, #tpu.memory_space<vmem>>, vector<1x1x1x16xf32>,
        %parallel_loop3A_945 = vector.shape_cast %parallel_loop3A_944 : vector<1x1x1x16xf32> to vector<16xf32>
        %parallel_loop3A_946 = arith.constant 0 : i32
        %parallel_loop3A_947 = arith.index_cast %parallel_loop3A_830 : i32 to index
        %parallel_loop3A_948 = arith.index_cast %parallel_loop3A_846 : i32 to index
        %parallel_loop3A_949 = arith.index_cast %parallel_loop3A_946 : i32 to index
        %parallel_loop3A_950 = arith.constant 64 : index
        %parallel_loop3A_951 = tpu.vector_load %arg7[%parallel_loop3A_947, %parallel_loop3A_948, %parallel_loop3A_949, %parallel_loop3A_950] {strides = array<i32>} : memref<4x6x8x128xf32, #tpu.memory_space<vmem>>, vector<1x1x1x16xf32>,
        %parallel_loop3A_952 = vector.shape_cast %parallel_loop3A_951 : vector<1x1x1x16xf32> to vector<16xf32>
        %parallel_loop3A_953 = vector.shape_cast %parallel_loop3A_945 : vector<16xf32> to vector<1x1x1x16xf32>
        tpu.vector_store %arg7[%parallel_loop3A_947, %parallel_loop3A_948, %parallel_loop3A_949, %parallel_loop3A_950], %parallel_loop3A_953 {strides = array<i32>} : memref<4x6x8x128xf32, #tpu.memory_space<vmem>>, vector<1x1x1x16xf32>,
        %parallel_loop3A_954 = arith.constant 1 : i32
        %parallel_loop3A_955 = arith.index_cast %parallel_loop3A_830 : i32 to index
        %parallel_loop3A_956 = arith.index_cast %parallel_loop3A_846 : i32 to index
        %parallel_loop3A_957 = arith.index_cast %parallel_loop3A_954 : i32 to index
        %parallel_loop3A_958 = arith.constant 64 : index
        %parallel_loop3A_959 = tpu.vector_load %arg7[%parallel_loop3A_955, %parallel_loop3A_956, %parallel_loop3A_957, %parallel_loop3A_958] {strides = array<i32>} : memref<4x6x8x128xf32, #tpu.memory_space<vmem>>, vector<1x1x1x16xf32>,
        %parallel_loop3A_960 = vector.shape_cast %parallel_loop3A_959 : vector<1x1x1x16xf32> to vector<16xf32>
        %parallel_loop3A_961 = vector.shape_cast %parallel_loop3A_945 : vector<16xf32> to vector<1x1x1x16xf32>
        tpu.vector_store %arg7[%parallel_loop3A_955, %parallel_loop3A_956, %parallel_loop3A_957, %parallel_loop3A_958], %parallel_loop3A_961 {strides = array<i32>} : memref<4x6x8x128xf32, #tpu.memory_space<vmem>>, vector<1x1x1x16xf32>,
        %parallel_loop3A_962 = arith.constant 0 : i32
        %parallel_loop3A_963 = arith.index_cast %parallel_loop3A_830 : i32 to index
        %parallel_loop3A_964 = arith.index_cast %parallel_loop3A_846 : i32 to index
        %parallel_loop3A_965 = arith.index_cast %parallel_loop3A_962 : i32 to index
        %parallel_loop3A_966 = arith.constant 80 : index
        %parallel_loop3A_967 = tpu.vector_load %arg5[%parallel_loop3A_963, %parallel_loop3A_964, %parallel_loop3A_965, %parallel_loop3A_966] {strides = array<i32>} : memref<4x6x4x128xf32, #tpu.memory_space<vmem>>, vector<1x1x1x16xf32>,
        %parallel_loop3A_968 = vector.shape_cast %parallel_loop3A_967 : vector<1x1x1x16xf32> to vector<16xf32>
        %parallel_loop3A_969 = arith.constant 0 : i32
        %parallel_loop3A_970 = arith.index_cast %parallel_loop3A_830 : i32 to index
        %parallel_loop3A_971 = arith.index_cast %parallel_loop3A_846 : i32 to index
        %parallel_loop3A_972 = arith.index_cast %parallel_loop3A_969 : i32 to index
        %parallel_loop3A_973 = arith.constant 80 : index
        %parallel_loop3A_974 = tpu.vector_load %arg7[%parallel_loop3A_970, %parallel_loop3A_971, %parallel_loop3A_972, %parallel_loop3A_973] {strides = array<i32>} : memref<4x6x8x128xf32, #tpu.memory_space<vmem>>, vector<1x1x1x16xf32>,
        %parallel_loop3A_975 = vector.shape_cast %parallel_loop3A_974 : vector<1x1x1x16xf32> to vector<16xf32>
        %parallel_loop3A_976 = vector.shape_cast %parallel_loop3A_968 : vector<16xf32> to vector<1x1x1x16xf32>
        tpu.vector_store %arg7[%parallel_loop3A_970, %parallel_loop3A_971, %parallel_loop3A_972, %parallel_loop3A_973], %parallel_loop3A_976 {strides = array<i32>} : memref<4x6x8x128xf32, #tpu.memory_space<vmem>>, vector<1x1x1x16xf32>,
        %parallel_loop3A_977 = arith.constant 1 : i32
        %parallel_loop3A_978 = arith.index_cast %parallel_loop3A_830 : i32 to index
        %parallel_loop3A_979 = arith.index_cast %parallel_loop3A_846 : i32 to index
        %parallel_loop3A_980 = arith.index_cast %parallel_loop3A_977 : i32 to index
        %parallel_loop3A_981 = arith.constant 80 : index
        %parallel_loop3A_982 = tpu.vector_load %arg7[%parallel_loop3A_978, %parallel_loop3A_979, %parallel_loop3A_980, %parallel_loop3A_981] {strides = array<i32>} : memref<4x6x8x128xf32, #tpu.memory_space<vmem>>, vector<1x1x1x16xf32>,
        %parallel_loop3A_983 = vector.shape_cast %parallel_loop3A_982 : vector<1x1x1x16xf32> to vector<16xf32>
        %parallel_loop3A_984 = vector.shape_cast %parallel_loop3A_968 : vector<16xf32> to vector<1x1x1x16xf32>
        tpu.vector_store %arg7[%parallel_loop3A_978, %parallel_loop3A_979, %parallel_loop3A_980, %parallel_loop3A_981], %parallel_loop3A_984 {strides = array<i32>} : memref<4x6x8x128xf32, #tpu.memory_space<vmem>>, vector<1x1x1x16xf32>,
        %parallel_loop3A_985 = arith.constant 0 : i32
        %parallel_loop3A_986 = arith.index_cast %parallel_loop3A_830 : i32 to index
        %parallel_loop3A_987 = arith.index_cast %parallel_loop3A_846 : i32 to index
        %parallel_loop3A_988 = arith.index_cast %parallel_loop3A_985 : i32 to index
        %parallel_loop3A_989 = arith.constant 96 : index
        %parallel_loop3A_990 = tpu.vector_load %arg5[%parallel_loop3A_986, %parallel_loop3A_987, %parallel_loop3A_988, %parallel_loop3A_989] {strides = array<i32>} : memref<4x6x4x128xf32, #tpu.memory_space<vmem>>, vector<1x1x1x16xf32>,
        %parallel_loop3A_991 = vector.shape_cast %parallel_loop3A_990 : vector<1x1x1x16xf32> to vector<16xf32>
        %parallel_loop3A_992 = arith.constant 0 : i32
        %parallel_loop3A_993 = arith.index_cast %parallel_loop3A_830 : i32 to index
        %parallel_loop3A_994 = arith.index_cast %parallel_loop3A_846 : i32 to index
        %parallel_loop3A_995 = arith.index_cast %parallel_loop3A_992 : i32 to index
        %parallel_loop3A_996 = arith.constant 96 : index
        %parallel_loop3A_997 = tpu.vector_load %arg7[%parallel_loop3A_993, %parallel_loop3A_994, %parallel_loop3A_995, %parallel_loop3A_996] {strides = array<i32>} : memref<4x6x8x128xf32, #tpu.memory_space<vmem>>, vector<1x1x1x16xf32>,
        %parallel_loop3A_998 = vector.shape_cast %parallel_loop3A_997 : vector<1x1x1x16xf32> to vector<16xf32>
        %parallel_loop3A_999 = vector.shape_cast %parallel_loop3A_991 : vector<16xf32> to vector<1x1x1x16xf32>
        tpu.vector_store %arg7[%parallel_loop3A_993, %parallel_loop3A_994, %parallel_loop3A_995, %parallel_loop3A_996], %parallel_loop3A_999 {strides = array<i32>} : memref<4x6x8x128xf32, #tpu.memory_space<vmem>>, vector<1x1x1x16xf32>,
        %parallel_loop3A_1000 = arith.constant 1 : i32
        %parallel_loop3A_1001 = arith.index_cast %parallel_loop3A_830 : i32 to index
        %parallel_loop3A_1002 = arith.index_cast %parallel_loop3A_846 : i32 to index
        %parallel_loop3A_1003 = arith.index_cast %parallel_loop3A_1000 : i32 to index
        %parallel_loop3A_1004 = arith.constant 96 : index
        %parallel_loop3A_1005 = tpu.vector_load %arg7[%parallel_loop3A_1001, %parallel_loop3A_1002, %parallel_loop3A_1003, %parallel_loop3A_1004] {strides = array<i32>} : memref<4x6x8x128xf32, #tpu.memory_space<vmem>>, vector<1x1x1x16xf32>,
        %parallel_loop3A_1006 = vector.shape_cast %parallel_loop3A_1005 : vector<1x1x1x16xf32> to vector<16xf32>
        %parallel_loop3A_1007 = vector.shape_cast %parallel_loop3A_991 : vector<16xf32> to vector<1x1x1x16xf32>
        tpu.vector_store %arg7[%parallel_loop3A_1001, %parallel_loop3A_1002, %parallel_loop3A_1003, %parallel_loop3A_1004], %parallel_loop3A_1007 {strides = array<i32>} : memref<4x6x8x128xf32, #tpu.memory_space<vmem>>, vector<1x1x1x16xf32>,
        %parallel_loop3A_1008 = arith.constant 0 : i32
        %parallel_loop3A_1009 = arith.index_cast %parallel_loop3A_830 : i32 to index
        %parallel_loop3A_1010 = arith.index_cast %parallel_loop3A_846 : i32 to index
        %parallel_loop3A_1011 = arith.index_cast %parallel_loop3A_1008 : i32 to index
        %parallel_loop3A_1012 = arith.constant 112 : index
        %parallel_loop3A_1013 = tpu.vector_load %arg5[%parallel_loop3A_1009, %parallel_loop3A_1010, %parallel_loop3A_1011, %parallel_loop3A_1012] {strides = array<i32>} : memref<4x6x4x128xf32, #tpu.memory_space<vmem>>, vector<1x1x1x16xf32>,
        %parallel_loop3A_1014 = vector.shape_cast %parallel_loop3A_1013 : vector<1x1x1x16xf32> to vector<16xf32>
        %parallel_loop3A_1015 = arith.constant 0 : i32
        %parallel_loop3A_1016 = arith.index_cast %parallel_loop3A_830 : i32 to index
        %parallel_loop3A_1017 = arith.index_cast %parallel_loop3A_846 : i32 to index
        %parallel_loop3A_1018 = arith.index_cast %parallel_loop3A_1015 : i32 to index
        %parallel_loop3A_1019 = arith.constant 112 : index
        %parallel_loop3A_1020 = tpu.vector_load %arg7[%parallel_loop3A_1016, %parallel_loop3A_1017, %parallel_loop3A_1018, %parallel_loop3A_1019] {strides = array<i32>} : memref<4x6x8x128xf32, #tpu.memory_space<vmem>>, vector<1x1x1x16xf32>,
        %parallel_loop3A_1021 = vector.shape_cast %parallel_loop3A_1020 : vector<1x1x1x16xf32> to vector<16xf32>
        %parallel_loop3A_1022 = vector.shape_cast %parallel_loop3A_1014 : vector<16xf32> to vector<1x1x1x16xf32>
        tpu.vector_store %arg7[%parallel_loop3A_1016, %parallel_loop3A_1017, %parallel_loop3A_1018, %parallel_loop3A_1019], %parallel_loop3A_1022 {strides = array<i32>} : memref<4x6x8x128xf32, #tpu.memory_space<vmem>>, vector<1x1x1x16xf32>,
        %parallel_loop3A_1023 = arith.constant 1 : i32
        %parallel_loop3A_1024 = arith.index_cast %parallel_loop3A_830 : i32 to index
        %parallel_loop3A_1025 = arith.index_cast %parallel_loop3A_846 : i32 to index
        %parallel_loop3A_1026 = arith.index_cast %parallel_loop3A_1023 : i32 to index
        %parallel_loop3A_1027 = arith.constant 112 : index
        %parallel_loop3A_1028 = tpu.vector_load %arg7[%parallel_loop3A_1024, %parallel_loop3A_1025, %parallel_loop3A_1026, %parallel_loop3A_1027] {strides = array<i32>} : memref<4x6x8x128xf32, #tpu.memory_space<vmem>>, vector<1x1x1x16xf32>,
        %parallel_loop3A_1029 = vector.shape_cast %parallel_loop3A_1028 : vector<1x1x1x16xf32> to vector<16xf32>
        %parallel_loop3A_1030 = vector.shape_cast %parallel_loop3A_1014 : vector<16xf32> to vector<1x1x1x16xf32>
        tpu.vector_store %arg7[%parallel_loop3A_1024, %parallel_loop3A_1025, %parallel_loop3A_1026, %parallel_loop3A_1027], %parallel_loop3A_1030 {strides = array<i32>} : memref<4x6x8x128xf32, #tpu.memory_space<vmem>>, vector<1x1x1x16xf32>,
        %parallel_loop3A_1031 = arith.constant 1 : i32
        %parallel_loop3A_1032 = arith.index_cast %parallel_loop3A_830 : i32 to index
        %parallel_loop3A_1033 = arith.index_cast %parallel_loop3A_846 : i32 to index
        %parallel_loop3A_1034 = arith.index_cast %parallel_loop3A_1031 : i32 to index
        %parallel_loop3A_1035 = arith.constant 0 : index
        %parallel_loop3A_1036 = tpu.vector_load %arg5[%parallel_loop3A_1032, %parallel_loop3A_1033, %parallel_loop3A_1034, %parallel_loop3A_1035] {strides = array<i32>} : memref<4x6x4x128xf32, #tpu.memory_space<vmem>>, vector<1x1x1x16xf32>,
        %parallel_loop3A_1037 = vector.shape_cast %parallel_loop3A_1036 : vector<1x1x1x16xf32> to vector<16xf32>
        %parallel_loop3A_1038 = arith.constant 2 : i32
        %parallel_loop3A_1039 = arith.index_cast %parallel_loop3A_830 : i32 to index
        %parallel_loop3A_1040 = arith.index_cast %parallel_loop3A_846 : i32 to index
        %parallel_loop3A_1041 = arith.index_cast %parallel_loop3A_1038 : i32 to index
        %parallel_loop3A_1042 = arith.constant 0 : index
        %parallel_loop3A_1043 = tpu.vector_load %arg7[%parallel_loop3A_1039, %parallel_loop3A_1040, %parallel_loop3A_1041, %parallel_loop3A_1042] {strides = array<i32>} : memref<4x6x8x128xf32, #tpu.memory_space<vmem>>, vector<1x1x1x16xf32>,
        %parallel_loop3A_1044 = vector.shape_cast %parallel_loop3A_1043 : vector<1x1x1x16xf32> to vector<16xf32>
        %parallel_loop3A_1045 = vector.shape_cast %parallel_loop3A_1037 : vector<16xf32> to vector<1x1x1x16xf32>
        tpu.vector_store %arg7[%parallel_loop3A_1039, %parallel_loop3A_1040, %parallel_loop3A_1041, %parallel_loop3A_1042], %parallel_loop3A_1045 {strides = array<i32>} : memref<4x6x8x128xf32, #tpu.memory_space<vmem>>, vector<1x1x1x16xf32>,
        %parallel_loop3A_1046 = arith.constant 3 : i32
        %parallel_loop3A_1047 = arith.index_cast %parallel_loop3A_830 : i32 to index
        %parallel_loop3A_1048 = arith.index_cast %parallel_loop3A_846 : i32 to index
        %parallel_loop3A_1049 = arith.index_cast %parallel_loop3A_1046 : i32 to index
        %parallel_loop3A_1050 = arith.constant 0 : index
        %parallel_loop3A_1051 = tpu.vector_load %arg7[%parallel_loop3A_1047, %parallel_loop3A_1048, %parallel_loop3A_1049, %parallel_loop3A_1050] {strides = array<i32>} : memref<4x6x8x128xf32, #tpu.memory_space<vmem>>, vector<1x1x1x16xf32>,
        %parallel_loop3A_1052 = vector.shape_cast %parallel_loop3A_1051 : vector<1x1x1x16xf32> to vector<16xf32>
        %parallel_loop3A_1053 = vector.shape_cast %parallel_loop3A_1037 : vector<16xf32> to vector<1x1x1x16xf32>
        tpu.vector_store %arg7[%parallel_loop3A_1047, %parallel_loop3A_1048, %parallel_loop3A_1049, %parallel_loop3A_1050], %parallel_loop3A_1053 {strides = array<i32>} : memref<4x6x8x128xf32, #tpu.memory_space<vmem>>, vector<1x1x1x16xf32>,
        %parallel_loop3A_1054 = arith.constant 1 : i32
        %parallel_loop3A_1055 = arith.index_cast %parallel_loop3A_830 : i32 to index
        %parallel_loop3A_1056 = arith.index_cast %parallel_loop3A_846 : i32 to index
        %parallel_loop3A_1057 = arith.index_cast %parallel_loop3A_1054 : i32 to index
        %parallel_loop3A_1058 = arith.constant 16 : index
        %parallel_loop3A_1059 = tpu.vector_load %arg5[%parallel_loop3A_1055, %parallel_loop3A_1056, %parallel_loop3A_1057, %parallel_loop3A_1058] {strides = array<i32>} : memref<4x6x4x128xf32, #tpu.memory_space<vmem>>, vector<1x1x1x16xf32>,
        %parallel_loop3A_1060 = vector.shape_cast %parallel_loop3A_1059 : vector<1x1x1x16xf32> to vector<16xf32>
        %parallel_loop3A_1061 = arith.constant 2 : i32
        %parallel_loop3A_1062 = arith.index_cast %parallel_loop3A_830 : i32 to index
        %parallel_loop3A_1063 = arith.index_cast %parallel_loop3A_846 : i32 to index
        %parallel_loop3A_1064 = arith.index_cast %parallel_loop3A_1061 : i32 to index
        %parallel_loop3A_1065 = arith.constant 16 : index
        %parallel_loop3A_1066 = tpu.vector_load %arg7[%parallel_loop3A_1062, %parallel_loop3A_1063, %parallel_loop3A_1064, %parallel_loop3A_1065] {strides = array<i32>} : memref<4x6x8x128xf32, #tpu.memory_space<vmem>>, vector<1x1x1x16xf32>,
        %parallel_loop3A_1067 = vector.shape_cast %parallel_loop3A_1066 : vector<1x1x1x16xf32> to vector<16xf32>
        %parallel_loop3A_1068 = vector.shape_cast %parallel_loop3A_1060 : vector<16xf32> to vector<1x1x1x16xf32>
        tpu.vector_store %arg7[%parallel_loop3A_1062, %parallel_loop3A_1063, %parallel_loop3A_1064, %parallel_loop3A_1065], %parallel_loop3A_1068 {strides = array<i32>} : memref<4x6x8x128xf32, #tpu.memory_space<vmem>>, vector<1x1x1x16xf32>,
        %parallel_loop3A_1069 = arith.constant 3 : i32
        %parallel_loop3A_1070 = arith.index_cast %parallel_loop3A_830 : i32 to index
        %parallel_loop3A_1071 = arith.index_cast %parallel_loop3A_846 : i32 to index
        %parallel_loop3A_1072 = arith.index_cast %parallel_loop3A_1069 : i32 to index
        %parallel_loop3A_1073 = arith.constant 16 : index
        %parallel_loop3A_1074 = tpu.vector_load %arg7[%parallel_loop3A_1070, %parallel_loop3A_1071, %parallel_loop3A_1072, %parallel_loop3A_1073] {strides = array<i32>} : memref<4x6x8x128xf32, #tpu.memory_space<vmem>>, vector<1x1x1x16xf32>,
        %parallel_loop3A_1075 = vector.shape_cast %parallel_loop3A_1074 : vector<1x1x1x16xf32> to vector<16xf32>
        %parallel_loop3A_1076 = vector.shape_cast %parallel_loop3A_1060 : vector<16xf32> to vector<1x1x1x16xf32>
        tpu.vector_store %arg7[%parallel_loop3A_1070, %parallel_loop3A_1071, %parallel_loop3A_1072, %parallel_loop3A_1073], %parallel_loop3A_1076 {strides = array<i32>} : memref<4x6x8x128xf32, #tpu.memory_space<vmem>>, vector<1x1x1x16xf32>,
        %parallel_loop3A_1077 = arith.constant 1 : i32
        %parallel_loop3A_1078 = arith.index_cast %parallel_loop3A_830 : i32 to index
        %parallel_loop3A_1079 = arith.index_cast %parallel_loop3A_846 : i32 to index
        %parallel_loop3A_1080 = arith.index_cast %parallel_loop3A_1077 : i32 to index
        %parallel_loop3A_1081 = arith.constant 32 : index
        %parallel_loop3A_1082 = tpu.vector_load %arg5[%parallel_loop3A_1078, %parallel_loop3A_1079, %parallel_loop3A_1080, %parallel_loop3A_1081] {strides = array<i32>} : memref<4x6x4x128xf32, #tpu.memory_space<vmem>>, vector<1x1x1x16xf32>,
        %parallel_loop3A_1083 = vector.shape_cast %parallel_loop3A_1082 : vector<1x1x1x16xf32> to vector<16xf32>
        %parallel_loop3A_1084 = arith.constant 2 : i32
        %parallel_loop3A_1085 = arith.index_cast %parallel_loop3A_830 : i32 to index
        %parallel_loop3A_1086 = arith.index_cast %parallel_loop3A_846 : i32 to index
        %parallel_loop3A_1087 = arith.index_cast %parallel_loop3A_1084 : i32 to index
        %parallel_loop3A_1088 = arith.constant 32 : index
        %parallel_loop3A_1089 = tpu.vector_load %arg7[%parallel_loop3A_1085, %parallel_loop3A_1086, %parallel_loop3A_1087, %parallel_loop3A_1088] {strides = array<i32>} : memref<4x6x8x128xf32, #tpu.memory_space<vmem>>, vector<1x1x1x16xf32>,
        %parallel_loop3A_1090 = vector.shape_cast %parallel_loop3A_1089 : vector<1x1x1x16xf32> to vector<16xf32>
        %parallel_loop3A_1091 = vector.shape_cast %parallel_loop3A_1083 : vector<16xf32> to vector<1x1x1x16xf32>
        tpu.vector_store %arg7[%parallel_loop3A_1085, %parallel_loop3A_1086, %parallel_loop3A_1087, %parallel_loop3A_1088], %parallel_loop3A_1091 {strides = array<i32>} : memref<4x6x8x128xf32, #tpu.memory_space<vmem>>, vector<1x1x1x16xf32>,
        %parallel_loop3A_1092 = arith.constant 3 : i32
        %parallel_loop3A_1093 = arith.index_cast %parallel_loop3A_830 : i32 to index
        %parallel_loop3A_1094 = arith.index_cast %parallel_loop3A_846 : i32 to index
        %parallel_loop3A_1095 = arith.index_cast %parallel_loop3A_1092 : i32 to index
        %parallel_loop3A_1096 = arith.constant 32 : index
        %parallel_loop3A_1097 = tpu.vector_load %arg7[%parallel_loop3A_1093, %parallel_loop3A_1094, %parallel_loop3A_1095, %parallel_loop3A_1096] {strides = array<i32>} : memref<4x6x8x128xf32, #tpu.memory_space<vmem>>, vector<1x1x1x16xf32>,
        %parallel_loop3A_1098 = vector.shape_cast %parallel_loop3A_1097 : vector<1x1x1x16xf32> to vector<16xf32>
        %parallel_loop3A_1099 = vector.shape_cast %parallel_loop3A_1083 : vector<16xf32> to vector<1x1x1x16xf32>
        tpu.vector_store %arg7[%parallel_loop3A_1093, %parallel_loop3A_1094, %parallel_loop3A_1095, %parallel_loop3A_1096], %parallel_loop3A_1099 {strides = array<i32>} : memref<4x6x8x128xf32, #tpu.memory_space<vmem>>, vector<1x1x1x16xf32>,
        %parallel_loop3A_1100 = arith.constant 1 : i32
        %parallel_loop3A_1101 = arith.index_cast %parallel_loop3A_830 : i32 to index
        %parallel_loop3A_1102 = arith.index_cast %parallel_loop3A_846 : i32 to index
        %parallel_loop3A_1103 = arith.index_cast %parallel_loop3A_1100 : i32 to index
        %parallel_loop3A_1104 = arith.constant 48 : index
        %parallel_loop3A_1105 = tpu.vector_load %arg5[%parallel_loop3A_1101, %parallel_loop3A_1102, %parallel_loop3A_1103, %parallel_loop3A_1104] {strides = array<i32>} : memref<4x6x4x128xf32, #tpu.memory_space<vmem>>, vector<1x1x1x16xf32>,
        %parallel_loop3A_1106 = vector.shape_cast %parallel_loop3A_1105 : vector<1x1x1x16xf32> to vector<16xf32>
        %parallel_loop3A_1107 = arith.constant 2 : i32
        %parallel_loop3A_1108 = arith.index_cast %parallel_loop3A_830 : i32 to index
        %parallel_loop3A_1109 = arith.index_cast %parallel_loop3A_846 : i32 to index
        %parallel_loop3A_1110 = arith.index_cast %parallel_loop3A_1107 : i32 to index
        %parallel_loop3A_1111 = arith.constant 48 : index
        %parallel_loop3A_1112 = tpu.vector_load %arg7[%parallel_loop3A_1108, %parallel_loop3A_1109, %parallel_loop3A_1110, %parallel_loop3A_1111] {strides = array<i32>} : memref<4x6x8x128xf32, #tpu.memory_space<vmem>>, vector<1x1x1x16xf32>,
        %parallel_loop3A_1113 = vector.shape_cast %parallel_loop3A_1112 : vector<1x1x1x16xf32> to vector<16xf32>
        %parallel_loop3A_1114 = vector.shape_cast %parallel_loop3A_1106 : vector<16xf32> to vector<1x1x1x16xf32>
        tpu.vector_store %arg7[%parallel_loop3A_1108, %parallel_loop3A_1109, %parallel_loop3A_1110, %parallel_loop3A_1111], %parallel_loop3A_1114 {strides = array<i32>} : memref<4x6x8x128xf32, #tpu.memory_space<vmem>>, vector<1x1x1x16xf32>,
        %parallel_loop3A_1115 = arith.constant 3 : i32
        %parallel_loop3A_1116 = arith.index_cast %parallel_loop3A_830 : i32 to index
        %parallel_loop3A_1117 = arith.index_cast %parallel_loop3A_846 : i32 to index
        %parallel_loop3A_1118 = arith.index_cast %parallel_loop3A_1115 : i32 to index
        %parallel_loop3A_1119 = arith.constant 48 : index
        %parallel_loop3A_1120 = tpu.vector_load %arg7[%parallel_loop3A_1116, %parallel_loop3A_1117, %parallel_loop3A_1118, %parallel_loop3A_1119] {strides = array<i32>} : memref<4x6x8x128xf32, #tpu.memory_space<vmem>>, vector<1x1x1x16xf32>,
        %parallel_loop3A_1121 = vector.shape_cast %parallel_loop3A_1120 : vector<1x1x1x16xf32> to vector<16xf32>
        %parallel_loop3A_1122 = vector.shape_cast %parallel_loop3A_1106 : vector<16xf32> to vector<1x1x1x16xf32>
        tpu.vector_store %arg7[%parallel_loop3A_1116, %parallel_loop3A_1117, %parallel_loop3A_1118, %parallel_loop3A_1119], %parallel_loop3A_1122 {strides = array<i32>} : memref<4x6x8x128xf32, #tpu.memory_space<vmem>>, vector<1x1x1x16xf32>,
        %parallel_loop3A_1123 = arith.constant 1 : i32
        %parallel_loop3A_1124 = arith.index_cast %parallel_loop3A_830 : i32 to index
        %parallel_loop3A_1125 = arith.index_cast %parallel_loop3A_846 : i32 to index
        %parallel_loop3A_1126 = arith.index_cast %parallel_loop3A_1123 : i32 to index
        %parallel_loop3A_1127 = arith.constant 64 : index
        %parallel_loop3A_1128 = tpu.vector_load %arg5[%parallel_loop3A_1124, %parallel_loop3A_1125, %parallel_loop3A_1126, %parallel_loop3A_1127] {strides = array<i32>} : memref<4x6x4x128xf32, #tpu.memory_space<vmem>>, vector<1x1x1x16xf32>,
        %parallel_loop3A_1129 = vector.shape_cast %parallel_loop3A_1128 : vector<1x1x1x16xf32> to vector<16xf32>
        %parallel_loop3A_1130 = arith.constant 2 : i32
        %parallel_loop3A_1131 = arith.index_cast %parallel_loop3A_830 : i32 to index
        %parallel_loop3A_1132 = arith.index_cast %parallel_loop3A_846 : i32 to index
        %parallel_loop3A_1133 = arith.index_cast %parallel_loop3A_1130 : i32 to index
        %parallel_loop3A_1134 = arith.constant 64 : index
        %parallel_loop3A_1135 = tpu.vector_load %arg7[%parallel_loop3A_1131, %parallel_loop3A_1132, %parallel_loop3A_1133, %parallel_loop3A_1134] {strides = array<i32>} : memref<4x6x8x128xf32, #tpu.memory_space<vmem>>, vector<1x1x1x16xf32>,
        %parallel_loop3A_1136 = vector.shape_cast %parallel_loop3A_1135 : vector<1x1x1x16xf32> to vector<16xf32>
        %parallel_loop3A_1137 = vector.shape_cast %parallel_loop3A_1129 : vector<16xf32> to vector<1x1x1x16xf32>
        tpu.vector_store %arg7[%parallel_loop3A_1131, %parallel_loop3A_1132, %parallel_loop3A_1133, %parallel_loop3A_1134], %parallel_loop3A_1137 {strides = array<i32>} : memref<4x6x8x128xf32, #tpu.memory_space<vmem>>, vector<1x1x1x16xf32>,
        %parallel_loop3A_1138 = arith.constant 3 : i32
        %parallel_loop3A_1139 = arith.index_cast %parallel_loop3A_830 : i32 to index
        %parallel_loop3A_1140 = arith.index_cast %parallel_loop3A_846 : i32 to index
        %parallel_loop3A_1141 = arith.index_cast %parallel_loop3A_1138 : i32 to index
        %parallel_loop3A_1142 = arith.constant 64 : index
        %parallel_loop3A_1143 = tpu.vector_load %arg7[%parallel_loop3A_1139, %parallel_loop3A_1140, %parallel_loop3A_1141, %parallel_loop3A_1142] {strides = array<i32>} : memref<4x6x8x128xf32, #tpu.memory_space<vmem>>, vector<1x1x1x16xf32>,
        %parallel_loop3A_1144 = vector.shape_cast %parallel_loop3A_1143 : vector<1x1x1x16xf32> to vector<16xf32>
        %parallel_loop3A_1145 = vector.shape_cast %parallel_loop3A_1129 : vector<16xf32> to vector<1x1x1x16xf32>
        tpu.vector_store %arg7[%parallel_loop3A_1139, %parallel_loop3A_1140, %parallel_loop3A_1141, %parallel_loop3A_1142], %parallel_loop3A_1145 {strides = array<i32>} : memref<4x6x8x128xf32, #tpu.memory_space<vmem>>, vector<1x1x1x16xf32>,
        %parallel_loop3A_1146 = arith.constant 1 : i32
        %parallel_loop3A_1147 = arith.index_cast %parallel_loop3A_830 : i32 to index
        %parallel_loop3A_1148 = arith.index_cast %parallel_loop3A_846 : i32 to index
        %parallel_loop3A_1149 = arith.index_cast %parallel_loop3A_1146 : i32 to index
        %parallel_loop3A_1150 = arith.constant 80 : index
        %parallel_loop3A_1151 = tpu.vector_load %arg5[%parallel_loop3A_1147, %parallel_loop3A_1148, %parallel_loop3A_1149, %parallel_loop3A_1150] {strides = array<i32>} : memref<4x6x4x128xf32, #tpu.memory_space<vmem>>, vector<1x1x1x16xf32>,
        %parallel_loop3A_1152 = vector.shape_cast %parallel_loop3A_1151 : vector<1x1x1x16xf32> to vector<16xf32>
        %parallel_loop3A_1153 = arith.constant 2 : i32
        %parallel_loop3A_1154 = arith.index_cast %parallel_loop3A_830 : i32 to index
        %parallel_loop3A_1155 = arith.index_cast %parallel_loop3A_846 : i32 to index
        %parallel_loop3A_1156 = arith.index_cast %parallel_loop3A_1153 : i32 to index
        %parallel_loop3A_1157 = arith.constant 80 : index
        %parallel_loop3A_1158 = tpu.vector_load %arg7[%parallel_loop3A_1154, %parallel_loop3A_1155, %parallel_loop3A_1156, %parallel_loop3A_1157] {strides = array<i32>} : memref<4x6x8x128xf32, #tpu.memory_space<vmem>>, vector<1x1x1x16xf32>,
        %parallel_loop3A_1159 = vector.shape_cast %parallel_loop3A_1158 : vector<1x1x1x16xf32> to vector<16xf32>
        %parallel_loop3A_1160 = vector.shape_cast %parallel_loop3A_1152 : vector<16xf32> to vector<1x1x1x16xf32>
        tpu.vector_store %arg7[%parallel_loop3A_1154, %parallel_loop3A_1155, %parallel_loop3A_1156, %parallel_loop3A_1157], %parallel_loop3A_1160 {strides = array<i32>} : memref<4x6x8x128xf32, #tpu.memory_space<vmem>>, vector<1x1x1x16xf32>,
        %parallel_loop3A_1161 = arith.constant 3 : i32
        %parallel_loop3A_1162 = arith.index_cast %parallel_loop3A_830 : i32 to index
        %parallel_loop3A_1163 = arith.index_cast %parallel_loop3A_846 : i32 to index
        %parallel_loop3A_1164 = arith.index_cast %parallel_loop3A_1161 : i32 to index
        %parallel_loop3A_1165 = arith.constant 80 : index
        %parallel_loop3A_1166 = tpu.vector_load %arg7[%parallel_loop3A_1162, %parallel_loop3A_1163, %parallel_loop3A_1164, %parallel_loop3A_1165] {strides = array<i32>} : memref<4x6x8x128xf32, #tpu.memory_space<vmem>>, vector<1x1x1x16xf32>,
        %parallel_loop3A_1167 = vector.shape_cast %parallel_loop3A_1166 : vector<1x1x1x16xf32> to vector<16xf32>
        %parallel_loop3A_1168 = vector.shape_cast %parallel_loop3A_1152 : vector<16xf32> to vector<1x1x1x16xf32>
        tpu.vector_store %arg7[%parallel_loop3A_1162, %parallel_loop3A_1163, %parallel_loop3A_1164, %parallel_loop3A_1165], %parallel_loop3A_1168 {strides = array<i32>} : memref<4x6x8x128xf32, #tpu.memory_space<vmem>>, vector<1x1x1x16xf32>,
        %parallel_loop3A_1169 = arith.constant 1 : i32
        %parallel_loop3A_1170 = arith.index_cast %parallel_loop3A_830 : i32 to index
        %parallel_loop3A_1171 = arith.index_cast %parallel_loop3A_846 : i32 to index
        %parallel_loop3A_1172 = arith.index_cast %parallel_loop3A_1169 : i32 to index
        %parallel_loop3A_1173 = arith.constant 96 : index
        %parallel_loop3A_1174 = tpu.vector_load %arg5[%parallel_loop3A_1170, %parallel_loop3A_1171, %parallel_loop3A_1172, %parallel_loop3A_1173] {strides = array<i32>} : memref<4x6x4x128xf32, #tpu.memory_space<vmem>>, vector<1x1x1x16xf32>,
        %parallel_loop3A_1175 = vector.shape_cast %parallel_loop3A_1174 : vector<1x1x1x16xf32> to vector<16xf32>
        %parallel_loop3A_1176 = arith.constant 2 : i32
        %parallel_loop3A_1177 = arith.index_cast %parallel_loop3A_830 : i32 to index
        %parallel_loop3A_1178 = arith.index_cast %parallel_loop3A_846 : i32 to index
        %parallel_loop3A_1179 = arith.index_cast %parallel_loop3A_1176 : i32 to index
        %parallel_loop3A_1180 = arith.constant 96 : index
        %parallel_loop3A_1181 = tpu.vector_load %arg7[%parallel_loop3A_1177, %parallel_loop3A_1178, %parallel_loop3A_1179, %parallel_loop3A_1180] {strides = array<i32>} : memref<4x6x8x128xf32, #tpu.memory_space<vmem>>, vector<1x1x1x16xf32>,
        %parallel_loop3A_1182 = vector.shape_cast %parallel_loop3A_1181 : vector<1x1x1x16xf32> to vector<16xf32>
        %parallel_loop3A_1183 = vector.shape_cast %parallel_loop3A_1175 : vector<16xf32> to vector<1x1x1x16xf32>
        tpu.vector_store %arg7[%parallel_loop3A_1177, %parallel_loop3A_1178, %parallel_loop3A_1179, %parallel_loop3A_1180], %parallel_loop3A_1183 {strides = array<i32>} : memref<4x6x8x128xf32, #tpu.memory_space<vmem>>, vector<1x1x1x16xf32>,
        %parallel_loop3A_1184 = arith.constant 3 : i32
        %parallel_loop3A_1185 = arith.index_cast %parallel_loop3A_830 : i32 to index
        %parallel_loop3A_1186 = arith.index_cast %parallel_loop3A_846 : i32 to index
        %parallel_loop3A_1187 = arith.index_cast %parallel_loop3A_1184 : i32 to index
        %parallel_loop3A_1188 = arith.constant 96 : index
        %parallel_loop3A_1189 = tpu.vector_load %arg7[%parallel_loop3A_1185, %parallel_loop3A_1186, %parallel_loop3A_1187, %parallel_loop3A_1188] {strides = array<i32>} : memref<4x6x8x128xf32, #tpu.memory_space<vmem>>, vector<1x1x1x16xf32>,
        %parallel_loop3A_1190 = vector.shape_cast %parallel_loop3A_1189 : vector<1x1x1x16xf32> to vector<16xf32>
        %parallel_loop3A_1191 = vector.shape_cast %parallel_loop3A_1175 : vector<16xf32> to vector<1x1x1x16xf32>
        tpu.vector_store %arg7[%parallel_loop3A_1185, %parallel_loop3A_1186, %parallel_loop3A_1187, %parallel_loop3A_1188], %parallel_loop3A_1191 {strides = array<i32>} : memref<4x6x8x128xf32, #tpu.memory_space<vmem>>, vector<1x1x1x16xf32>,
        %parallel_loop3A_1192 = arith.constant 1 : i32
        %parallel_loop3A_1193 = arith.index_cast %parallel_loop3A_830 : i32 to index
        %parallel_loop3A_1194 = arith.index_cast %parallel_loop3A_846 : i32 to index
        %parallel_loop3A_1195 = arith.index_cast %parallel_loop3A_1192 : i32 to index
        %parallel_loop3A_1196 = arith.constant 112 : index
        %parallel_loop3A_1197 = tpu.vector_load %arg5[%parallel_loop3A_1193, %parallel_loop3A_1194, %parallel_loop3A_1195, %parallel_loop3A_1196] {strides = array<i32>} : memref<4x6x4x128xf32, #tpu.memory_space<vmem>>, vector<1x1x1x16xf32>,
        %parallel_loop3A_1198 = vector.shape_cast %parallel_loop3A_1197 : vector<1x1x1x16xf32> to vector<16xf32>
        %parallel_loop3A_1199 = arith.constant 2 : i32
        %parallel_loop3A_1200 = arith.index_cast %parallel_loop3A_830 : i32 to index
        %parallel_loop3A_1201 = arith.index_cast %parallel_loop3A_846 : i32 to index
        %parallel_loop3A_1202 = arith.index_cast %parallel_loop3A_1199 : i32 to index
        %parallel_loop3A_1203 = arith.constant 112 : index
        %parallel_loop3A_1204 = tpu.vector_load %arg7[%parallel_loop3A_1200, %parallel_loop3A_1201, %parallel_loop3A_1202, %parallel_loop3A_1203] {strides = array<i32>} : memref<4x6x8x128xf32, #tpu.memory_space<vmem>>, vector<1x1x1x16xf32>,
        %parallel_loop3A_1205 = vector.shape_cast %parallel_loop3A_1204 : vector<1x1x1x16xf32> to vector<16xf32>
        %parallel_loop3A_1206 = vector.shape_cast %parallel_loop3A_1198 : vector<16xf32> to vector<1x1x1x16xf32>
        tpu.vector_store %arg7[%parallel_loop3A_1200, %parallel_loop3A_1201, %parallel_loop3A_1202, %parallel_loop3A_1203], %parallel_loop3A_1206 {strides = array<i32>} : memref<4x6x8x128xf32, #tpu.memory_space<vmem>>, vector<1x1x1x16xf32>,
        %parallel_loop3A_1207 = arith.constant 3 : i32
        %parallel_loop3A_1208 = arith.index_cast %parallel_loop3A_830 : i32 to index
        %parallel_loop3A_1209 = arith.index_cast %parallel_loop3A_846 : i32 to index
        %parallel_loop3A_1210 = arith.index_cast %parallel_loop3A_1207 : i32 to index
        %parallel_loop3A_1211 = arith.constant 112 : index
        %parallel_loop3A_1212 = tpu.vector_load %arg7[%parallel_loop3A_1208, %parallel_loop3A_1209, %parallel_loop3A_1210, %parallel_loop3A_1211] {strides = array<i32>} : memref<4x6x8x128xf32, #tpu.memory_space<vmem>>, vector<1x1x1x16xf32>,
        %parallel_loop3A_1213 = vector.shape_cast %parallel_loop3A_1212 : vector<1x1x1x16xf32> to vector<16xf32>
        %parallel_loop3A_1214 = vector.shape_cast %parallel_loop3A_1198 : vector<16xf32> to vector<1x1x1x16xf32>
        tpu.vector_store %arg7[%parallel_loop3A_1208, %parallel_loop3A_1209, %parallel_loop3A_1210, %parallel_loop3A_1211], %parallel_loop3A_1214 {strides = array<i32>} : memref<4x6x8x128xf32, #tpu.memory_space<vmem>>, vector<1x1x1x16xf32>,
        %parallel_loop3A_1215 = arith.constant 2 : i32
        %parallel_loop3A_1216 = arith.index_cast %parallel_loop3A_830 : i32 to index
        %parallel_loop3A_1217 = arith.index_cast %parallel_loop3A_846 : i32 to index
        %parallel_loop3A_1218 = arith.index_cast %parallel_loop3A_1215 : i32 to index
        %parallel_loop3A_1219 = arith.constant 0 : index
        %parallel_loop3A_1220 = tpu.vector_load %arg5[%parallel_loop3A_1216, %parallel_loop3A_1217, %parallel_loop3A_1218, %parallel_loop3A_1219] {strides = array<i32>} : memref<4x6x4x128xf32, #tpu.memory_space<vmem>>, vector<1x1x1x16xf32>,
        %parallel_loop3A_1221 = vector.shape_cast %parallel_loop3A_1220 : vector<1x1x1x16xf32> to vector<16xf32>
        %parallel_loop3A_1222 = arith.constant 4 : i32
        %parallel_loop3A_1223 = arith.index_cast %parallel_loop3A_830 : i32 to index
        %parallel_loop3A_1224 = arith.index_cast %parallel_loop3A_846 : i32 to index
        %parallel_loop3A_1225 = arith.index_cast %parallel_loop3A_1222 : i32 to index
        %parallel_loop3A_1226 = arith.constant 0 : index
        %parallel_loop3A_1227 = tpu.vector_load %arg7[%parallel_loop3A_1223, %parallel_loop3A_1224, %parallel_loop3A_1225, %parallel_loop3A_1226] {strides = array<i32>} : memref<4x6x8x128xf32, #tpu.memory_space<vmem>>, vector<1x1x1x16xf32>,
        %parallel_loop3A_1228 = vector.shape_cast %parallel_loop3A_1227 : vector<1x1x1x16xf32> to vector<16xf32>
        %parallel_loop3A_1229 = vector.shape_cast %parallel_loop3A_1221 : vector<16xf32> to vector<1x1x1x16xf32>
        tpu.vector_store %arg7[%parallel_loop3A_1223, %parallel_loop3A_1224, %parallel_loop3A_1225, %parallel_loop3A_1226], %parallel_loop3A_1229 {strides = array<i32>} : memref<4x6x8x128xf32, #tpu.memory_space<vmem>>, vector<1x1x1x16xf32>,
        %parallel_loop3A_1230 = arith.constant 5 : i32
        %parallel_loop3A_1231 = arith.index_cast %parallel_loop3A_830 : i32 to index
        %parallel_loop3A_1232 = arith.index_cast %parallel_loop3A_846 : i32 to index
        %parallel_loop3A_1233 = arith.index_cast %parallel_loop3A_1230 : i32 to index
        %parallel_loop3A_1234 = arith.constant 0 : index
        %parallel_loop3A_1235 = tpu.vector_load %arg7[%parallel_loop3A_1231, %parallel_loop3A_1232, %parallel_loop3A_1233, %parallel_loop3A_1234] {strides = array<i32>} : memref<4x6x8x128xf32, #tpu.memory_space<vmem>>, vector<1x1x1x16xf32>,
        %parallel_loop3A_1236 = vector.shape_cast %parallel_loop3A_1235 : vector<1x1x1x16xf32> to vector<16xf32>
        %parallel_loop3A_1237 = vector.shape_cast %parallel_loop3A_1221 : vector<16xf32> to vector<1x1x1x16xf32>
        tpu.vector_store %arg7[%parallel_loop3A_1231, %parallel_loop3A_1232, %parallel_loop3A_1233, %parallel_loop3A_1234], %parallel_loop3A_1237 {strides = array<i32>} : memref<4x6x8x128xf32, #tpu.memory_space<vmem>>, vector<1x1x1x16xf32>,
        %parallel_loop3A_1238 = arith.constant 2 : i32
        %parallel_loop3A_1239 = arith.index_cast %parallel_loop3A_830 : i32 to index
        %parallel_loop3A_1240 = arith.index_cast %parallel_loop3A_846 : i32 to index
        %parallel_loop3A_1241 = arith.index_cast %parallel_loop3A_1238 : i32 to index
        %parallel_loop3A_1242 = arith.constant 16 : index
        %parallel_loop3A_1243 = tpu.vector_load %arg5[%parallel_loop3A_1239, %parallel_loop3A_1240, %parallel_loop3A_1241, %parallel_loop3A_1242] {strides = array<i32>} : memref<4x6x4x128xf32, #tpu.memory_space<vmem>>, vector<1x1x1x16xf32>,
        %parallel_loop3A_1244 = vector.shape_cast %parallel_loop3A_1243 : vector<1x1x1x16xf32> to vector<16xf32>
        %parallel_loop3A_1245 = arith.constant 4 : i32
        %parallel_loop3A_1246 = arith.index_cast %parallel_loop3A_830 : i32 to index
        %parallel_loop3A_1247 = arith.index_cast %parallel_loop3A_846 : i32 to index
        %parallel_loop3A_1248 = arith.index_cast %parallel_loop3A_1245 : i32 to index
        %parallel_loop3A_1249 = arith.constant 16 : index
        %parallel_loop3A_1250 = tpu.vector_load %arg7[%parallel_loop3A_1246, %parallel_loop3A_1247, %parallel_loop3A_1248, %parallel_loop3A_1249] {strides = array<i32>} : memref<4x6x8x128xf32, #tpu.memory_space<vmem>>, vector<1x1x1x16xf32>,
        %parallel_loop3A_1251 = vector.shape_cast %parallel_loop3A_1250 : vector<1x1x1x16xf32> to vector<16xf32>
        %parallel_loop3A_1252 = vector.shape_cast %parallel_loop3A_1244 : vector<16xf32> to vector<1x1x1x16xf32>
        tpu.vector_store %arg7[%parallel_loop3A_1246, %parallel_loop3A_1247, %parallel_loop3A_1248, %parallel_loop3A_1249], %parallel_loop3A_1252 {strides = array<i32>} : memref<4x6x8x128xf32, #tpu.memory_space<vmem>>, vector<1x1x1x16xf32>,
        %parallel_loop3A_1253 = arith.constant 5 : i32
        %parallel_loop3A_1254 = arith.index_cast %parallel_loop3A_830 : i32 to index
        %parallel_loop3A_1255 = arith.index_cast %parallel_loop3A_846 : i32 to index
        %parallel_loop3A_1256 = arith.index_cast %parallel_loop3A_1253 : i32 to index
        %parallel_loop3A_1257 = arith.constant 16 : index
        %parallel_loop3A_1258 = tpu.vector_load %arg7[%parallel_loop3A_1254, %parallel_loop3A_1255, %parallel_loop3A_1256, %parallel_loop3A_1257] {strides = array<i32>} : memref<4x6x8x128xf32, #tpu.memory_space<vmem>>, vector<1x1x1x16xf32>,
        %parallel_loop3A_1259 = vector.shape_cast %parallel_loop3A_1258 : vector<1x1x1x16xf32> to vector<16xf32>
        %parallel_loop3A_1260 = vector.shape_cast %parallel_loop3A_1244 : vector<16xf32> to vector<1x1x1x16xf32>
        tpu.vector_store %arg7[%parallel_loop3A_1254, %parallel_loop3A_1255, %parallel_loop3A_1256, %parallel_loop3A_1257], %parallel_loop3A_1260 {strides = array<i32>} : memref<4x6x8x128xf32, #tpu.memory_space<vmem>>, vector<1x1x1x16xf32>,
        %parallel_loop3A_1261 = arith.constant 2 : i32
        %parallel_loop3A_1262 = arith.index_cast %parallel_loop3A_830 : i32 to index
        %parallel_loop3A_1263 = arith.index_cast %parallel_loop3A_846 : i32 to index
        %parallel_loop3A_1264 = arith.index_cast %parallel_loop3A_1261 : i32 to index
        %parallel_loop3A_1265 = arith.constant 32 : index
        %parallel_loop3A_1266 = tpu.vector_load %arg5[%parallel_loop3A_1262, %parallel_loop3A_1263, %parallel_loop3A_1264, %parallel_loop3A_1265] {strides = array<i32>} : memref<4x6x4x128xf32, #tpu.memory_space<vmem>>, vector<1x1x1x16xf32>,
        %parallel_loop3A_1267 = vector.shape_cast %parallel_loop3A_1266 : vector<1x1x1x16xf32> to vector<16xf32>
        %parallel_loop3A_1268 = arith.constant 4 : i32
        %parallel_loop3A_1269 = arith.index_cast %parallel_loop3A_830 : i32 to index
        %parallel_loop3A_1270 = arith.index_cast %parallel_loop3A_846 : i32 to index
        %parallel_loop3A_1271 = arith.index_cast %parallel_loop3A_1268 : i32 to index
        %parallel_loop3A_1272 = arith.constant 32 : index
        %parallel_loop3A_1273 = tpu.vector_load %arg7[%parallel_loop3A_1269, %parallel_loop3A_1270, %parallel_loop3A_1271, %parallel_loop3A_1272] {strides = array<i32>} : memref<4x6x8x128xf32, #tpu.memory_space<vmem>>, vector<1x1x1x16xf32>,
        %parallel_loop3A_1274 = vector.shape_cast %parallel_loop3A_1273 : vector<1x1x1x16xf32> to vector<16xf32>
        %parallel_loop3A_1275 = vector.shape_cast %parallel_loop3A_1267 : vector<16xf32> to vector<1x1x1x16xf32>
        tpu.vector_store %arg7[%parallel_loop3A_1269, %parallel_loop3A_1270, %parallel_loop3A_1271, %parallel_loop3A_1272], %parallel_loop3A_1275 {strides = array<i32>} : memref<4x6x8x128xf32, #tpu.memory_space<vmem>>, vector<1x1x1x16xf32>,
        %parallel_loop3A_1276 = arith.constant 5 : i32
        %parallel_loop3A_1277 = arith.index_cast %parallel_loop3A_830 : i32 to index
        %parallel_loop3A_1278 = arith.index_cast %parallel_loop3A_846 : i32 to index
        %parallel_loop3A_1279 = arith.index_cast %parallel_loop3A_1276 : i32 to index
        %parallel_loop3A_1280 = arith.constant 32 : index
        %parallel_loop3A_1281 = tpu.vector_load %arg7[%parallel_loop3A_1277, %parallel_loop3A_1278, %parallel_loop3A_1279, %parallel_loop3A_1280] {strides = array<i32>} : memref<4x6x8x128xf32, #tpu.memory_space<vmem>>, vector<1x1x1x16xf32>,
        %parallel_loop3A_1282 = vector.shape_cast %parallel_loop3A_1281 : vector<1x1x1x16xf32> to vector<16xf32>
        %parallel_loop3A_1283 = vector.shape_cast %parallel_loop3A_1267 : vector<16xf32> to vector<1x1x1x16xf32>
        tpu.vector_store %arg7[%parallel_loop3A_1277, %parallel_loop3A_1278, %parallel_loop3A_1279, %parallel_loop3A_1280], %parallel_loop3A_1283 {strides = array<i32>} : memref<4x6x8x128xf32, #tpu.memory_space<vmem>>, vector<1x1x1x16xf32>,
        %parallel_loop3A_1284 = arith.constant 2 : i32
        %parallel_loop3A_1285 = arith.index_cast %parallel_loop3A_830 : i32 to index
        %parallel_loop3A_1286 = arith.index_cast %parallel_loop3A_846 : i32 to index
        %parallel_loop3A_1287 = arith.index_cast %parallel_loop3A_1284 : i32 to index
        %parallel_loop3A_1288 = arith.constant 48 : index
        %parallel_loop3A_1289 = tpu.vector_load %arg5[%parallel_loop3A_1285, %parallel_loop3A_1286, %parallel_loop3A_1287, %parallel_loop3A_1288] {strides = array<i32>} : memref<4x6x4x128xf32, #tpu.memory_space<vmem>>, vector<1x1x1x16xf32>,
        %parallel_loop3A_1290 = vector.shape_cast %parallel_loop3A_1289 : vector<1x1x1x16xf32> to vector<16xf32>
        %parallel_loop3A_1291 = arith.constant 4 : i32
        %parallel_loop3A_1292 = arith.index_cast %parallel_loop3A_830 : i32 to index
        %parallel_loop3A_1293 = arith.index_cast %parallel_loop3A_846 : i32 to index
        %parallel_loop3A_1294 = arith.index_cast %parallel_loop3A_1291 : i32 to index
        %parallel_loop3A_1295 = arith.constant 48 : index
        %parallel_loop3A_1296 = tpu.vector_load %arg7[%parallel_loop3A_1292, %parallel_loop3A_1293, %parallel_loop3A_1294, %parallel_loop3A_1295] {strides = array<i32>} : memref<4x6x8x128xf32, #tpu.memory_space<vmem>>, vector<1x1x1x16xf32>,
        %parallel_loop3A_1297 = vector.shape_cast %parallel_loop3A_1296 : vector<1x1x1x16xf32> to vector<16xf32>
        %parallel_loop3A_1298 = vector.shape_cast %parallel_loop3A_1290 : vector<16xf32> to vector<1x1x1x16xf32>
        tpu.vector_store %arg7[%parallel_loop3A_1292, %parallel_loop3A_1293, %parallel_loop3A_1294, %parallel_loop3A_1295], %parallel_loop3A_1298 {strides = array<i32>} : memref<4x6x8x128xf32, #tpu.memory_space<vmem>>, vector<1x1x1x16xf32>,
        %parallel_loop3A_1299 = arith.constant 5 : i32
        %parallel_loop3A_1300 = arith.index_cast %parallel_loop3A_830 : i32 to index
        %parallel_loop3A_1301 = arith.index_cast %parallel_loop3A_846 : i32 to index
        %parallel_loop3A_1302 = arith.index_cast %parallel_loop3A_1299 : i32 to index
        %parallel_loop3A_1303 = arith.constant 48 : index
        %parallel_loop3A_1304 = tpu.vector_load %arg7[%parallel_loop3A_1300, %parallel_loop3A_1301, %parallel_loop3A_1302, %parallel_loop3A_1303] {strides = array<i32>} : memref<4x6x8x128xf32, #tpu.memory_space<vmem>>, vector<1x1x1x16xf32>,
        %parallel_loop3A_1305 = vector.shape_cast %parallel_loop3A_1304 : vector<1x1x1x16xf32> to vector<16xf32>
        %parallel_loop3A_1306 = vector.shape_cast %parallel_loop3A_1290 : vector<16xf32> to vector<1x1x1x16xf32>
        tpu.vector_store %arg7[%parallel_loop3A_1300, %parallel_loop3A_1301, %parallel_loop3A_1302, %parallel_loop3A_1303], %parallel_loop3A_1306 {strides = array<i32>} : memref<4x6x8x128xf32, #tpu.memory_space<vmem>>, vector<1x1x1x16xf32>,
        %parallel_loop3A_1307 = arith.constant 2 : i32
        %parallel_loop3A_1308 = arith.index_cast %parallel_loop3A_830 : i32 to index
        %parallel_loop3A_1309 = arith.index_cast %parallel_loop3A_846 : i32 to index
        %parallel_loop3A_1310 = arith.index_cast %parallel_loop3A_1307 : i32 to index
        %parallel_loop3A_1311 = arith.constant 64 : index
        %parallel_loop3A_1312 = tpu.vector_load %arg5[%parallel_loop3A_1308, %parallel_loop3A_1309, %parallel_loop3A_1310, %parallel_loop3A_1311] {strides = array<i32>} : memref<4x6x4x128xf32, #tpu.memory_space<vmem>>, vector<1x1x1x16xf32>,
        %parallel_loop3A_1313 = vector.shape_cast %parallel_loop3A_1312 : vector<1x1x1x16xf32> to vector<16xf32>
        %parallel_loop3A_1314 = arith.constant 4 : i32
        %parallel_loop3A_1315 = arith.index_cast %parallel_loop3A_830 : i32 to index
        %parallel_loop3A_1316 = arith.index_cast %parallel_loop3A_846 : i32 to index
        %parallel_loop3A_1317 = arith.index_cast %parallel_loop3A_1314 : i32 to index
        %parallel_loop3A_1318 = arith.constant 64 : index
        %parallel_loop3A_1319 = tpu.vector_load %arg7[%parallel_loop3A_1315, %parallel_loop3A_1316, %parallel_loop3A_1317, %parallel_loop3A_1318] {strides = array<i32>} : memref<4x6x8x128xf32, #tpu.memory_space<vmem>>, vector<1x1x1x16xf32>,
        %parallel_loop3A_1320 = vector.shape_cast %parallel_loop3A_1319 : vector<1x1x1x16xf32> to vector<16xf32>
        %parallel_loop3A_1321 = vector.shape_cast %parallel_loop3A_1313 : vector<16xf32> to vector<1x1x1x16xf32>
        tpu.vector_store %arg7[%parallel_loop3A_1315, %parallel_loop3A_1316, %parallel_loop3A_1317, %parallel_loop3A_1318], %parallel_loop3A_1321 {strides = array<i32>} : memref<4x6x8x128xf32, #tpu.memory_space<vmem>>, vector<1x1x1x16xf32>,
        %parallel_loop3A_1322 = arith.constant 5 : i32
        %parallel_loop3A_1323 = arith.index_cast %parallel_loop3A_830 : i32 to index
        %parallel_loop3A_1324 = arith.index_cast %parallel_loop3A_846 : i32 to index
        %parallel_loop3A_1325 = arith.index_cast %parallel_loop3A_1322 : i32 to index
        %parallel_loop3A_1326 = arith.constant 64 : index
        %parallel_loop3A_1327 = tpu.vector_load %arg7[%parallel_loop3A_1323, %parallel_loop3A_1324, %parallel_loop3A_1325, %parallel_loop3A_1326] {strides = array<i32>} : memref<4x6x8x128xf32, #tpu.memory_space<vmem>>, vector<1x1x1x16xf32>,
        %parallel_loop3A_1328 = vector.shape_cast %parallel_loop3A_1327 : vector<1x1x1x16xf32> to vector<16xf32>
        %parallel_loop3A_1329 = vector.shape_cast %parallel_loop3A_1313 : vector<16xf32> to vector<1x1x1x16xf32>
        tpu.vector_store %arg7[%parallel_loop3A_1323, %parallel_loop3A_1324, %parallel_loop3A_1325, %parallel_loop3A_1326], %parallel_loop3A_1329 {strides = array<i32>} : memref<4x6x8x128xf32, #tpu.memory_space<vmem>>, vector<1x1x1x16xf32>,
        %parallel_loop3A_1330 = arith.constant 2 : i32
        %parallel_loop3A_1331 = arith.index_cast %parallel_loop3A_830 : i32 to index
        %parallel_loop3A_1332 = arith.index_cast %parallel_loop3A_846 : i32 to index
        %parallel_loop3A_1333 = arith.index_cast %parallel_loop3A_1330 : i32 to index
        %parallel_loop3A_1334 = arith.constant 80 : index
        %parallel_loop3A_1335 = tpu.vector_load %arg5[%parallel_loop3A_1331, %parallel_loop3A_1332, %parallel_loop3A_1333, %parallel_loop3A_1334] {strides = array<i32>} : memref<4x6x4x128xf32, #tpu.memory_space<vmem>>, vector<1x1x1x16xf32>,
        %parallel_loop3A_1336 = vector.shape_cast %parallel_loop3A_1335 : vector<1x1x1x16xf32> to vector<16xf32>
        %parallel_loop3A_1337 = arith.constant 4 : i32
        %parallel_loop3A_1338 = arith.index_cast %parallel_loop3A_830 : i32 to index
        %parallel_loop3A_1339 = arith.index_cast %parallel_loop3A_846 : i32 to index
        %parallel_loop3A_1340 = arith.index_cast %parallel_loop3A_1337 : i32 to index
        %parallel_loop3A_1341 = arith.constant 80 : index
        %parallel_loop3A_1342 = tpu.vector_load %arg7[%parallel_loop3A_1338, %parallel_loop3A_1339, %parallel_loop3A_1340, %parallel_loop3A_1341] {strides = array<i32>} : memref<4x6x8x128xf32, #tpu.memory_space<vmem>>, vector<1x1x1x16xf32>,
        %parallel_loop3A_1343 = vector.shape_cast %parallel_loop3A_1342 : vector<1x1x1x16xf32> to vector<16xf32>
        %parallel_loop3A_1344 = vector.shape_cast %parallel_loop3A_1336 : vector<16xf32> to vector<1x1x1x16xf32>
        tpu.vector_store %arg7[%parallel_loop3A_1338, %parallel_loop3A_1339, %parallel_loop3A_1340, %parallel_loop3A_1341], %parallel_loop3A_1344 {strides = array<i32>} : memref<4x6x8x128xf32, #tpu.memory_space<vmem>>, vector<1x1x1x16xf32>,
        %parallel_loop3A_1345 = arith.constant 5 : i32
        %parallel_loop3A_1346 = arith.index_cast %parallel_loop3A_830 : i32 to index
        %parallel_loop3A_1347 = arith.index_cast %parallel_loop3A_846 : i32 to index
        %parallel_loop3A_1348 = arith.index_cast %parallel_loop3A_1345 : i32 to index
        %parallel_loop3A_1349 = arith.constant 80 : index
        %parallel_loop3A_1350 = tpu.vector_load %arg7[%parallel_loop3A_1346, %parallel_loop3A_1347, %parallel_loop3A_1348, %parallel_loop3A_1349] {strides = array<i32>} : memref<4x6x8x128xf32, #tpu.memory_space<vmem>>, vector<1x1x1x16xf32>,
        %parallel_loop3A_1351 = vector.shape_cast %parallel_loop3A_1350 : vector<1x1x1x16xf32> to vector<16xf32>
        %parallel_loop3A_1352 = vector.shape_cast %parallel_loop3A_1336 : vector<16xf32> to vector<1x1x1x16xf32>
        tpu.vector_store %arg7[%parallel_loop3A_1346, %parallel_loop3A_1347, %parallel_loop3A_1348, %parallel_loop3A_1349], %parallel_loop3A_1352 {strides = array<i32>} : memref<4x6x8x128xf32, #tpu.memory_space<vmem>>, vector<1x1x1x16xf32>,
        %parallel_loop3A_1353 = arith.constant 2 : i32
        %parallel_loop3A_1354 = arith.index_cast %parallel_loop3A_830 : i32 to index
        %parallel_loop3A_1355 = arith.index_cast %parallel_loop3A_846 : i32 to index
        %parallel_loop3A_1356 = arith.index_cast %parallel_loop3A_1353 : i32 to index
        %parallel_loop3A_1357 = arith.constant 96 : index
        %parallel_loop3A_1358 = tpu.vector_load %arg5[%parallel_loop3A_1354, %parallel_loop3A_1355, %parallel_loop3A_1356, %parallel_loop3A_1357] {strides = array<i32>} : memref<4x6x4x128xf32, #tpu.memory_space<vmem>>, vector<1x1x1x16xf32>,
        %parallel_loop3A_1359 = vector.shape_cast %parallel_loop3A_1358 : vector<1x1x1x16xf32> to vector<16xf32>
        %parallel_loop3A_1360 = arith.constant 4 : i32
        %parallel_loop3A_1361 = arith.index_cast %parallel_loop3A_830 : i32 to index
        %parallel_loop3A_1362 = arith.index_cast %parallel_loop3A_846 : i32 to index
        %parallel_loop3A_1363 = arith.index_cast %parallel_loop3A_1360 : i32 to index
        %parallel_loop3A_1364 = arith.constant 96 : index
        %parallel_loop3A_1365 = tpu.vector_load %arg7[%parallel_loop3A_1361, %parallel_loop3A_1362, %parallel_loop3A_1363, %parallel_loop3A_1364] {strides = array<i32>} : memref<4x6x8x128xf32, #tpu.memory_space<vmem>>, vector<1x1x1x16xf32>,
        %parallel_loop3A_1366 = vector.shape_cast %parallel_loop3A_1365 : vector<1x1x1x16xf32> to vector<16xf32>
        %parallel_loop3A_1367 = vector.shape_cast %parallel_loop3A_1359 : vector<16xf32> to vector<1x1x1x16xf32>
        tpu.vector_store %arg7[%parallel_loop3A_1361, %parallel_loop3A_1362, %parallel_loop3A_1363, %parallel_loop3A_1364], %parallel_loop3A_1367 {strides = array<i32>} : memref<4x6x8x128xf32, #tpu.memory_space<vmem>>, vector<1x1x1x16xf32>,
        %parallel_loop3A_1368 = arith.constant 5 : i32
        %parallel_loop3A_1369 = arith.index_cast %parallel_loop3A_830 : i32 to index
        %parallel_loop3A_1370 = arith.index_cast %parallel_loop3A_846 : i32 to index
        %parallel_loop3A_1371 = arith.index_cast %parallel_loop3A_1368 : i32 to index
        %parallel_loop3A_1372 = arith.constant 96 : index
        %parallel_loop3A_1373 = tpu.vector_load %arg7[%parallel_loop3A_1369, %parallel_loop3A_1370, %parallel_loop3A_1371, %parallel_loop3A_1372] {strides = array<i32>} : memref<4x6x8x128xf32, #tpu.memory_space<vmem>>, vector<1x1x1x16xf32>,
        %parallel_loop3A_1374 = vector.shape_cast %parallel_loop3A_1373 : vector<1x1x1x16xf32> to vector<16xf32>
        %parallel_loop3A_1375 = vector.shape_cast %parallel_loop3A_1359 : vector<16xf32> to vector<1x1x1x16xf32>
        tpu.vector_store %arg7[%parallel_loop3A_1369, %parallel_loop3A_1370, %parallel_loop3A_1371, %parallel_loop3A_1372], %parallel_loop3A_1375 {strides = array<i32>} : memref<4x6x8x128xf32, #tpu.memory_space<vmem>>, vector<1x1x1x16xf32>,
        %parallel_loop3A_1376 = arith.constant 2 : i32
        %parallel_loop3A_1377 = arith.index_cast %parallel_loop3A_830 : i32 to index
        %parallel_loop3A_1378 = arith.index_cast %parallel_loop3A_846 : i32 to index
        %parallel_loop3A_1379 = arith.index_cast %parallel_loop3A_1376 : i32 to index
        %parallel_loop3A_1380 = arith.constant 112 : index
        %parallel_loop3A_1381 = tpu.vector_load %arg5[%parallel_loop3A_1377, %parallel_loop3A_1378, %parallel_loop3A_1379, %parallel_loop3A_1380] {strides = array<i32>} : memref<4x6x4x128xf32, #tpu.memory_space<vmem>>, vector<1x1x1x16xf32>,
        %parallel_loop3A_1382 = vector.shape_cast %parallel_loop3A_1381 : vector<1x1x1x16xf32> to vector<16xf32>
        %parallel_loop3A_1383 = arith.constant 4 : i32
        %parallel_loop3A_1384 = arith.index_cast %parallel_loop3A_830 : i32 to index
        %parallel_loop3A_1385 = arith.index_cast %parallel_loop3A_846 : i32 to index
        %parallel_loop3A_1386 = arith.index_cast %parallel_loop3A_1383 : i32 to index
        %parallel_loop3A_1387 = arith.constant 112 : index
        %parallel_loop3A_1388 = tpu.vector_load %arg7[%parallel_loop3A_1384, %parallel_loop3A_1385, %parallel_loop3A_1386, %parallel_loop3A_1387] {strides = array<i32>} : memref<4x6x8x128xf32, #tpu.memory_space<vmem>>, vector<1x1x1x16xf32>,
        %parallel_loop3A_1389 = vector.shape_cast %parallel_loop3A_1388 : vector<1x1x1x16xf32> to vector<16xf32>
        %parallel_loop3A_1390 = vector.shape_cast %parallel_loop3A_1382 : vector<16xf32> to vector<1x1x1x16xf32>
        tpu.vector_store %arg7[%parallel_loop3A_1384, %parallel_loop3A_1385, %parallel_loop3A_1386, %parallel_loop3A_1387], %parallel_loop3A_1390 {strides = array<i32>} : memref<4x6x8x128xf32, #tpu.memory_space<vmem>>, vector<1x1x1x16xf32>,
        %parallel_loop3A_1391 = arith.constant 5 : i32
        %parallel_loop3A_1392 = arith.index_cast %parallel_loop3A_830 : i32 to index
        %parallel_loop3A_1393 = arith.index_cast %parallel_loop3A_846 : i32 to index
        %parallel_loop3A_1394 = arith.index_cast %parallel_loop3A_1391 : i32 to index
        %parallel_loop3A_1395 = arith.constant 112 : index
        %parallel_loop3A_1396 = tpu.vector_load %arg7[%parallel_loop3A_1392, %parallel_loop3A_1393, %parallel_loop3A_1394, %parallel_loop3A_1395] {strides = array<i32>} : memref<4x6x8x128xf32, #tpu.memory_space<vmem>>, vector<1x1x1x16xf32>,
        %parallel_loop3A_1397 = vector.shape_cast %parallel_loop3A_1396 : vector<1x1x1x16xf32> to vector<16xf32>
        %parallel_loop3A_1398 = vector.shape_cast %parallel_loop3A_1382 : vector<16xf32> to vector<1x1x1x16xf32>
        tpu.vector_store %arg7[%parallel_loop3A_1392, %parallel_loop3A_1393, %parallel_loop3A_1394, %parallel_loop3A_1395], %parallel_loop3A_1398 {strides = array<i32>} : memref<4x6x8x128xf32, #tpu.memory_space<vmem>>, vector<1x1x1x16xf32>,
        %parallel_loop3A_1399 = arith.constant 3 : i32
        %parallel_loop3A_1400 = arith.index_cast %parallel_loop3A_830 : i32 to index
        %parallel_loop3A_1401 = arith.index_cast %parallel_loop3A_846 : i32 to index
        %parallel_loop3A_1402 = arith.index_cast %parallel_loop3A_1399 : i32 to index
        %parallel_loop3A_1403 = arith.constant 0 : index
        %parallel_loop3A_1404 = tpu.vector_load %arg5[%parallel_loop3A_1400, %parallel_loop3A_1401, %parallel_loop3A_1402, %parallel_loop3A_1403] {strides = array<i32>} : memref<4x6x4x128xf32, #tpu.memory_space<vmem>>, vector<1x1x1x16xf32>,
        %parallel_loop3A_1405 = vector.shape_cast %parallel_loop3A_1404 : vector<1x1x1x16xf32> to vector<16xf32>
        %parallel_loop3A_1406 = arith.constant 6 : i32
        %parallel_loop3A_1407 = arith.index_cast %parallel_loop3A_830 : i32 to index
        %parallel_loop3A_1408 = arith.index_cast %parallel_loop3A_846 : i32 to index
        %parallel_loop3A_1409 = arith.index_cast %parallel_loop3A_1406 : i32 to index
        %parallel_loop3A_1410 = arith.constant 0 : index
        %parallel_loop3A_1411 = tpu.vector_load %arg7[%parallel_loop3A_1407, %parallel_loop3A_1408, %parallel_loop3A_1409, %parallel_loop3A_1410] {strides = array<i32>} : memref<4x6x8x128xf32, #tpu.memory_space<vmem>>, vector<1x1x1x16xf32>,
        %parallel_loop3A_1412 = vector.shape_cast %parallel_loop3A_1411 : vector<1x1x1x16xf32> to vector<16xf32>
        %parallel_loop3A_1413 = vector.shape_cast %parallel_loop3A_1405 : vector<16xf32> to vector<1x1x1x16xf32>
        tpu.vector_store %arg7[%parallel_loop3A_1407, %parallel_loop3A_1408, %parallel_loop3A_1409, %parallel_loop3A_1410], %parallel_loop3A_1413 {strides = array<i32>} : memref<4x6x8x128xf32, #tpu.memory_space<vmem>>, vector<1x1x1x16xf32>,
        %parallel_loop3A_1414 = arith.constant 7 : i32
        %parallel_loop3A_1415 = arith.index_cast %parallel_loop3A_830 : i32 to index
        %parallel_loop3A_1416 = arith.index_cast %parallel_loop3A_846 : i32 to index
        %parallel_loop3A_1417 = arith.index_cast %parallel_loop3A_1414 : i32 to index
        %parallel_loop3A_1418 = arith.constant 0 : index
        %parallel_loop3A_1419 = tpu.vector_load %arg7[%parallel_loop3A_1415, %parallel_loop3A_1416, %parallel_loop3A_1417, %parallel_loop3A_1418] {strides = array<i32>} : memref<4x6x8x128xf32, #tpu.memory_space<vmem>>, vector<1x1x1x16xf32>,
        %parallel_loop3A_1420 = vector.shape_cast %parallel_loop3A_1419 : vector<1x1x1x16xf32> to vector<16xf32>
        %parallel_loop3A_1421 = vector.shape_cast %parallel_loop3A_1405 : vector<16xf32> to vector<1x1x1x16xf32>
        tpu.vector_store %arg7[%parallel_loop3A_1415, %parallel_loop3A_1416, %parallel_loop3A_1417, %parallel_loop3A_1418], %parallel_loop3A_1421 {strides = array<i32>} : memref<4x6x8x128xf32, #tpu.memory_space<vmem>>, vector<1x1x1x16xf32>,
        %parallel_loop3A_1422 = arith.constant 3 : i32
        %parallel_loop3A_1423 = arith.index_cast %parallel_loop3A_830 : i32 to index
        %parallel_loop3A_1424 = arith.index_cast %parallel_loop3A_846 : i32 to index
        %parallel_loop3A_1425 = arith.index_cast %parallel_loop3A_1422 : i32 to index
        %parallel_loop3A_1426 = arith.constant 16 : index
        %parallel_loop3A_1427 = tpu.vector_load %arg5[%parallel_loop3A_1423, %parallel_loop3A_1424, %parallel_loop3A_1425, %parallel_loop3A_1426] {strides = array<i32>} : memref<4x6x4x128xf32, #tpu.memory_space<vmem>>, vector<1x1x1x16xf32>,
        %parallel_loop3A_1428 = vector.shape_cast %parallel_loop3A_1427 : vector<1x1x1x16xf32> to vector<16xf32>
        %parallel_loop3A_1429 = arith.constant 6 : i32
        %parallel_loop3A_1430 = arith.index_cast %parallel_loop3A_830 : i32 to index
        %parallel_loop3A_1431 = arith.index_cast %parallel_loop3A_846 : i32 to index
        %parallel_loop3A_1432 = arith.index_cast %parallel_loop3A_1429 : i32 to index
        %parallel_loop3A_1433 = arith.constant 16 : index
        %parallel_loop3A_1434 = tpu.vector_load %arg7[%parallel_loop3A_1430, %parallel_loop3A_1431, %parallel_loop3A_1432, %parallel_loop3A_1433] {strides = array<i32>} : memref<4x6x8x128xf32, #tpu.memory_space<vmem>>, vector<1x1x1x16xf32>,
        %parallel_loop3A_1435 = vector.shape_cast %parallel_loop3A_1434 : vector<1x1x1x16xf32> to vector<16xf32>
        %parallel_loop3A_1436 = vector.shape_cast %parallel_loop3A_1428 : vector<16xf32> to vector<1x1x1x16xf32>
        tpu.vector_store %arg7[%parallel_loop3A_1430, %parallel_loop3A_1431, %parallel_loop3A_1432, %parallel_loop3A_1433], %parallel_loop3A_1436 {strides = array<i32>} : memref<4x6x8x128xf32, #tpu.memory_space<vmem>>, vector<1x1x1x16xf32>,
        %parallel_loop3A_1437 = arith.constant 7 : i32
        %parallel_loop3A_1438 = arith.index_cast %parallel_loop3A_830 : i32 to index
        %parallel_loop3A_1439 = arith.index_cast %parallel_loop3A_846 : i32 to index
        %parallel_loop3A_1440 = arith.index_cast %parallel_loop3A_1437 : i32 to index
        %parallel_loop3A_1441 = arith.constant 16 : index
        %parallel_loop3A_1442 = tpu.vector_load %arg7[%parallel_loop3A_1438, %parallel_loop3A_1439, %parallel_loop3A_1440, %parallel_loop3A_1441] {strides = array<i32>} : memref<4x6x8x128xf32, #tpu.memory_space<vmem>>, vector<1x1x1x16xf32>,
        %parallel_loop3A_1443 = vector.shape_cast %parallel_loop3A_1442 : vector<1x1x1x16xf32> to vector<16xf32>
        %parallel_loop3A_1444 = vector.shape_cast %parallel_loop3A_1428 : vector<16xf32> to vector<1x1x1x16xf32>
        tpu.vector_store %arg7[%parallel_loop3A_1438, %parallel_loop3A_1439, %parallel_loop3A_1440, %parallel_loop3A_1441], %parallel_loop3A_1444 {strides = array<i32>} : memref<4x6x8x128xf32, #tpu.memory_space<vmem>>, vector<1x1x1x16xf32>,
        %parallel_loop3A_1445 = arith.constant 3 : i32
        %parallel_loop3A_1446 = arith.index_cast %parallel_loop3A_830 : i32 to index
        %parallel_loop3A_1447 = arith.index_cast %parallel_loop3A_846 : i32 to index
        %parallel_loop3A_1448 = arith.index_cast %parallel_loop3A_1445 : i32 to index
        %parallel_loop3A_1449 = arith.constant 32 : index
        %parallel_loop3A_1450 = tpu.vector_load %arg5[%parallel_loop3A_1446, %parallel_loop3A_1447, %parallel_loop3A_1448, %parallel_loop3A_1449] {strides = array<i32>} : memref<4x6x4x128xf32, #tpu.memory_space<vmem>>, vector<1x1x1x16xf32>,
        %parallel_loop3A_1451 = vector.shape_cast %parallel_loop3A_1450 : vector<1x1x1x16xf32> to vector<16xf32>
        %parallel_loop3A_1452 = arith.constant 6 : i32
        %parallel_loop3A_1453 = arith.index_cast %parallel_loop3A_830 : i32 to index
        %parallel_loop3A_1454 = arith.index_cast %parallel_loop3A_846 : i32 to index
        %parallel_loop3A_1455 = arith.index_cast %parallel_loop3A_1452 : i32 to index
        %parallel_loop3A_1456 = arith.constant 32 : index
        %parallel_loop3A_1457 = tpu.vector_load %arg7[%parallel_loop3A_1453, %parallel_loop3A_1454, %parallel_loop3A_1455, %parallel_loop3A_1456] {strides = array<i32>} : memref<4x6x8x128xf32, #tpu.memory_space<vmem>>, vector<1x1x1x16xf32>,
        %parallel_loop3A_1458 = vector.shape_cast %parallel_loop3A_1457 : vector<1x1x1x16xf32> to vector<16xf32>
        %parallel_loop3A_1459 = vector.shape_cast %parallel_loop3A_1451 : vector<16xf32> to vector<1x1x1x16xf32>
        tpu.vector_store %arg7[%parallel_loop3A_1453, %parallel_loop3A_1454, %parallel_loop3A_1455, %parallel_loop3A_1456], %parallel_loop3A_1459 {strides = array<i32>} : memref<4x6x8x128xf32, #tpu.memory_space<vmem>>, vector<1x1x1x16xf32>,
        %parallel_loop3A_1460 = arith.constant 7 : i32
        %parallel_loop3A_1461 = arith.index_cast %parallel_loop3A_830 : i32 to index
        %parallel_loop3A_1462 = arith.index_cast %parallel_loop3A_846 : i32 to index
        %parallel_loop3A_1463 = arith.index_cast %parallel_loop3A_1460 : i32 to index
        %parallel_loop3A_1464 = arith.constant 32 : index
        %parallel_loop3A_1465 = tpu.vector_load %arg7[%parallel_loop3A_1461, %parallel_loop3A_1462, %parallel_loop3A_1463, %parallel_loop3A_1464] {strides = array<i32>} : memref<4x6x8x128xf32, #tpu.memory_space<vmem>>, vector<1x1x1x16xf32>,
        %parallel_loop3A_1466 = vector.shape_cast %parallel_loop3A_1465 : vector<1x1x1x16xf32> to vector<16xf32>
        %parallel_loop3A_1467 = vector.shape_cast %parallel_loop3A_1451 : vector<16xf32> to vector<1x1x1x16xf32>
        tpu.vector_store %arg7[%parallel_loop3A_1461, %parallel_loop3A_1462, %parallel_loop3A_1463, %parallel_loop3A_1464], %parallel_loop3A_1467 {strides = array<i32>} : memref<4x6x8x128xf32, #tpu.memory_space<vmem>>, vector<1x1x1x16xf32>,
        %parallel_loop3A_1468 = arith.constant 3 : i32
        %parallel_loop3A_1469 = arith.index_cast %parallel_loop3A_830 : i32 to index
        %parallel_loop3A_1470 = arith.index_cast %parallel_loop3A_846 : i32 to index
        %parallel_loop3A_1471 = arith.index_cast %parallel_loop3A_1468 : i32 to index
        %parallel_loop3A_1472 = arith.constant 48 : index
        %parallel_loop3A_1473 = tpu.vector_load %arg5[%parallel_loop3A_1469, %parallel_loop3A_1470, %parallel_loop3A_1471, %parallel_loop3A_1472] {strides = array<i32>} : memref<4x6x4x128xf32, #tpu.memory_space<vmem>>, vector<1x1x1x16xf32>,
        %parallel_loop3A_1474 = vector.shape_cast %parallel_loop3A_1473 : vector<1x1x1x16xf32> to vector<16xf32>
        %parallel_loop3A_1475 = arith.constant 6 : i32
        %parallel_loop3A_1476 = arith.index_cast %parallel_loop3A_830 : i32 to index
        %parallel_loop3A_1477 = arith.index_cast %parallel_loop3A_846 : i32 to index
        %parallel_loop3A_1478 = arith.index_cast %parallel_loop3A_1475 : i32 to index
        %parallel_loop3A_1479 = arith.constant 48 : index
        %parallel_loop3A_1480 = tpu.vector_load %arg7[%parallel_loop3A_1476, %parallel_loop3A_1477, %parallel_loop3A_1478, %parallel_loop3A_1479] {strides = array<i32>} : memref<4x6x8x128xf32, #tpu.memory_space<vmem>>, vector<1x1x1x16xf32>,
        %parallel_loop3A_1481 = vector.shape_cast %parallel_loop3A_1480 : vector<1x1x1x16xf32> to vector<16xf32>
        %parallel_loop3A_1482 = vector.shape_cast %parallel_loop3A_1474 : vector<16xf32> to vector<1x1x1x16xf32>
        tpu.vector_store %arg7[%parallel_loop3A_1476, %parallel_loop3A_1477, %parallel_loop3A_1478, %parallel_loop3A_1479], %parallel_loop3A_1482 {strides = array<i32>} : memref<4x6x8x128xf32, #tpu.memory_space<vmem>>, vector<1x1x1x16xf32>,
        %parallel_loop3A_1483 = arith.constant 7 : i32
        %parallel_loop3A_1484 = arith.index_cast %parallel_loop3A_830 : i32 to index
        %parallel_loop3A_1485 = arith.index_cast %parallel_loop3A_846 : i32 to index
        %parallel_loop3A_1486 = arith.index_cast %parallel_loop3A_1483 : i32 to index
        %parallel_loop3A_1487 = arith.constant 48 : index
        %parallel_loop3A_1488 = tpu.vector_load %arg7[%parallel_loop3A_1484, %parallel_loop3A_1485, %parallel_loop3A_1486, %parallel_loop3A_1487] {strides = array<i32>} : memref<4x6x8x128xf32, #tpu.memory_space<vmem>>, vector<1x1x1x16xf32>,
        %parallel_loop3A_1489 = vector.shape_cast %parallel_loop3A_1488 : vector<1x1x1x16xf32> to vector<16xf32>
        %parallel_loop3A_1490 = vector.shape_cast %parallel_loop3A_1474 : vector<16xf32> to vector<1x1x1x16xf32>
        tpu.vector_store %arg7[%parallel_loop3A_1484, %parallel_loop3A_1485, %parallel_loop3A_1486, %parallel_loop3A_1487], %parallel_loop3A_1490 {strides = array<i32>} : memref<4x6x8x128xf32, #tpu.memory_space<vmem>>, vector<1x1x1x16xf32>,
        %parallel_loop3A_1491 = arith.constant 3 : i32
        %parallel_loop3A_1492 = arith.index_cast %parallel_loop3A_830 : i32 to index
        %parallel_loop3A_1493 = arith.index_cast %parallel_loop3A_846 : i32 to index
        %parallel_loop3A_1494 = arith.index_cast %parallel_loop3A_1491 : i32 to index
        %parallel_loop3A_1495 = arith.constant 64 : index
        %parallel_loop3A_1496 = tpu.vector_load %arg5[%parallel_loop3A_1492, %parallel_loop3A_1493, %parallel_loop3A_1494, %parallel_loop3A_1495] {strides = array<i32>} : memref<4x6x4x128xf32, #tpu.memory_space<vmem>>, vector<1x1x1x16xf32>,
        %parallel_loop3A_1497 = vector.shape_cast %parallel_loop3A_1496 : vector<1x1x1x16xf32> to vector<16xf32>
        %parallel_loop3A_1498 = arith.constant 6 : i32
        %parallel_loop3A_1499 = arith.index_cast %parallel_loop3A_830 : i32 to index
        %parallel_loop3A_1500 = arith.index_cast %parallel_loop3A_846 : i32 to index
        %parallel_loop3A_1501 = arith.index_cast %parallel_loop3A_1498 : i32 to index
        %parallel_loop3A_1502 = arith.constant 64 : index
        %parallel_loop3A_1503 = tpu.vector_load %arg7[%parallel_loop3A_1499, %parallel_loop3A_1500, %parallel_loop3A_1501, %parallel_loop3A_1502] {strides = array<i32>} : memref<4x6x8x128xf32, #tpu.memory_space<vmem>>, vector<1x1x1x16xf32>,
        %parallel_loop3A_1504 = vector.shape_cast %parallel_loop3A_1503 : vector<1x1x1x16xf32> to vector<16xf32>
        %parallel_loop3A_1505 = vector.shape_cast %parallel_loop3A_1497 : vector<16xf32> to vector<1x1x1x16xf32>
        tpu.vector_store %arg7[%parallel_loop3A_1499, %parallel_loop3A_1500, %parallel_loop3A_1501, %parallel_loop3A_1502], %parallel_loop3A_1505 {strides = array<i32>} : memref<4x6x8x128xf32, #tpu.memory_space<vmem>>, vector<1x1x1x16xf32>,
        %parallel_loop3A_1506 = arith.constant 7 : i32
        %parallel_loop3A_1507 = arith.index_cast %parallel_loop3A_830 : i32 to index
        %parallel_loop3A_1508 = arith.index_cast %parallel_loop3A_846 : i32 to index
        %parallel_loop3A_1509 = arith.index_cast %parallel_loop3A_1506 : i32 to index
        %parallel_loop3A_1510 = arith.constant 64 : index
        %parallel_loop3A_1511 = tpu.vector_load %arg7[%parallel_loop3A_1507, %parallel_loop3A_1508, %parallel_loop3A_1509, %parallel_loop3A_1510] {strides = array<i32>} : memref<4x6x8x128xf32, #tpu.memory_space<vmem>>, vector<1x1x1x16xf32>,
        %parallel_loop3A_1512 = vector.shape_cast %parallel_loop3A_1511 : vector<1x1x1x16xf32> to vector<16xf32>
        %parallel_loop3A_1513 = vector.shape_cast %parallel_loop3A_1497 : vector<16xf32> to vector<1x1x1x16xf32>
        tpu.vector_store %arg7[%parallel_loop3A_1507, %parallel_loop3A_1508, %parallel_loop3A_1509, %parallel_loop3A_1510], %parallel_loop3A_1513 {strides = array<i32>} : memref<4x6x8x128xf32, #tpu.memory_space<vmem>>, vector<1x1x1x16xf32>,
        %parallel_loop3A_1514 = arith.constant 3 : i32
        %parallel_loop3A_1515 = arith.index_cast %parallel_loop3A_830 : i32 to index
        %parallel_loop3A_1516 = arith.index_cast %parallel_loop3A_846 : i32 to index
        %parallel_loop3A_1517 = arith.index_cast %parallel_loop3A_1514 : i32 to index
        %parallel_loop3A_1518 = arith.constant 80 : index
        %parallel_loop3A_1519 = tpu.vector_load %arg5[%parallel_loop3A_1515, %parallel_loop3A_1516, %parallel_loop3A_1517, %parallel_loop3A_1518] {strides = array<i32>} : memref<4x6x4x128xf32, #tpu.memory_space<vmem>>, vector<1x1x1x16xf32>,
        %parallel_loop3A_1520 = vector.shape_cast %parallel_loop3A_1519 : vector<1x1x1x16xf32> to vector<16xf32>
        %parallel_loop3A_1521 = arith.constant 6 : i32
        %parallel_loop3A_1522 = arith.index_cast %parallel_loop3A_830 : i32 to index
        %parallel_loop3A_1523 = arith.index_cast %parallel_loop3A_846 : i32 to index
        %parallel_loop3A_1524 = arith.index_cast %parallel_loop3A_1521 : i32 to index
        %parallel_loop3A_1525 = arith.constant 80 : index
        %parallel_loop3A_1526 = tpu.vector_load %arg7[%parallel_loop3A_1522, %parallel_loop3A_1523, %parallel_loop3A_1524, %parallel_loop3A_1525] {strides = array<i32>} : memref<4x6x8x128xf32, #tpu.memory_space<vmem>>, vector<1x1x1x16xf32>,
        %parallel_loop3A_1527 = vector.shape_cast %parallel_loop3A_1526 : vector<1x1x1x16xf32> to vector<16xf32>
        %parallel_loop3A_1528 = vector.shape_cast %parallel_loop3A_1520 : vector<16xf32> to vector<1x1x1x16xf32>
        tpu.vector_store %arg7[%parallel_loop3A_1522, %parallel_loop3A_1523, %parallel_loop3A_1524, %parallel_loop3A_1525], %parallel_loop3A_1528 {strides = array<i32>} : memref<4x6x8x128xf32, #tpu.memory_space<vmem>>, vector<1x1x1x16xf32>,
        %parallel_loop3A_1529 = arith.constant 7 : i32
        %parallel_loop3A_1530 = arith.index_cast %parallel_loop3A_830 : i32 to index
        %parallel_loop3A_1531 = arith.index_cast %parallel_loop3A_846 : i32 to index
        %parallel_loop3A_1532 = arith.index_cast %parallel_loop3A_1529 : i32 to index
        %parallel_loop3A_1533 = arith.constant 80 : index
        %parallel_loop3A_1534 = tpu.vector_load %arg7[%parallel_loop3A_1530, %parallel_loop3A_1531, %parallel_loop3A_1532, %parallel_loop3A_1533] {strides = array<i32>} : memref<4x6x8x128xf32, #tpu.memory_space<vmem>>, vector<1x1x1x16xf32>,
        %parallel_loop3A_1535 = vector.shape_cast %parallel_loop3A_1534 : vector<1x1x1x16xf32> to vector<16xf32>
        %parallel_loop3A_1536 = vector.shape_cast %parallel_loop3A_1520 : vector<16xf32> to vector<1x1x1x16xf32>
        tpu.vector_store %arg7[%parallel_loop3A_1530, %parallel_loop3A_1531, %parallel_loop3A_1532, %parallel_loop3A_1533], %parallel_loop3A_1536 {strides = array<i32>} : memref<4x6x8x128xf32, #tpu.memory_space<vmem>>, vector<1x1x1x16xf32>,
        %parallel_loop3A_1537 = arith.constant 3 : i32
        %parallel_loop3A_1538 = arith.index_cast %parallel_loop3A_830 : i32 to index
        %parallel_loop3A_1539 = arith.index_cast %parallel_loop3A_846 : i32 to index
        %parallel_loop3A_1540 = arith.index_cast %parallel_loop3A_1537 : i32 to index
        %parallel_loop3A_1541 = arith.constant 96 : index
        %parallel_loop3A_1542 = tpu.vector_load %arg5[%parallel_loop3A_1538, %parallel_loop3A_1539, %parallel_loop3A_1540, %parallel_loop3A_1541] {strides = array<i32>} : memref<4x6x4x128xf32, #tpu.memory_space<vmem>>, vector<1x1x1x16xf32>,
        %parallel_loop3A_1543 = vector.shape_cast %parallel_loop3A_1542 : vector<1x1x1x16xf32> to vector<16xf32>
        %parallel_loop3A_1544 = arith.constant 6 : i32
        %parallel_loop3A_1545 = arith.index_cast %parallel_loop3A_830 : i32 to index
        %parallel_loop3A_1546 = arith.index_cast %parallel_loop3A_846 : i32 to index
        %parallel_loop3A_1547 = arith.index_cast %parallel_loop3A_1544 : i32 to index
        %parallel_loop3A_1548 = arith.constant 96 : index
        %parallel_loop3A_1549 = tpu.vector_load %arg7[%parallel_loop3A_1545, %parallel_loop3A_1546, %parallel_loop3A_1547, %parallel_loop3A_1548] {strides = array<i32>} : memref<4x6x8x128xf32, #tpu.memory_space<vmem>>, vector<1x1x1x16xf32>,
        %parallel_loop3A_1550 = vector.shape_cast %parallel_loop3A_1549 : vector<1x1x1x16xf32> to vector<16xf32>
        %parallel_loop3A_1551 = vector.shape_cast %parallel_loop3A_1543 : vector<16xf32> to vector<1x1x1x16xf32>
        tpu.vector_store %arg7[%parallel_loop3A_1545, %parallel_loop3A_1546, %parallel_loop3A_1547, %parallel_loop3A_1548], %parallel_loop3A_1551 {strides = array<i32>} : memref<4x6x8x128xf32, #tpu.memory_space<vmem>>, vector<1x1x1x16xf32>,
        %parallel_loop3A_1552 = arith.constant 7 : i32
        %parallel_loop3A_1553 = arith.index_cast %parallel_loop3A_830 : i32 to index
        %parallel_loop3A_1554 = arith.index_cast %parallel_loop3A_846 : i32 to index
        %parallel_loop3A_1555 = arith.index_cast %parallel_loop3A_1552 : i32 to index
        %parallel_loop3A_1556 = arith.constant 96 : index
        %parallel_loop3A_1557 = tpu.vector_load %arg7[%parallel_loop3A_1553, %parallel_loop3A_1554, %parallel_loop3A_1555, %parallel_loop3A_1556] {strides = array<i32>} : memref<4x6x8x128xf32, #tpu.memory_space<vmem>>, vector<1x1x1x16xf32>,
        %parallel_loop3A_1558 = vector.shape_cast %parallel_loop3A_1557 : vector<1x1x1x16xf32> to vector<16xf32>
        %parallel_loop3A_1559 = vector.shape_cast %parallel_loop3A_1543 : vector<16xf32> to vector<1x1x1x16xf32>
        tpu.vector_store %arg7[%parallel_loop3A_1553, %parallel_loop3A_1554, %parallel_loop3A_1555, %parallel_loop3A_1556], %parallel_loop3A_1559 {strides = array<i32>} : memref<4x6x8x128xf32, #tpu.memory_space<vmem>>, vector<1x1x1x16xf32>,
        %parallel_loop3A_1560 = arith.constant 3 : i32
        %parallel_loop3A_1561 = arith.index_cast %parallel_loop3A_830 : i32 to index
        %parallel_loop3A_1562 = arith.index_cast %parallel_loop3A_846 : i32 to index
        %parallel_loop3A_1563 = arith.index_cast %parallel_loop3A_1560 : i32 to index
        %parallel_loop3A_1564 = arith.constant 112 : index
        %parallel_loop3A_1565 = tpu.vector_load %arg5[%parallel_loop3A_1561, %parallel_loop3A_1562, %parallel_loop3A_1563, %parallel_loop3A_1564] {strides = array<i32>} : memref<4x6x4x128xf32, #tpu.memory_space<vmem>>, vector<1x1x1x16xf32>,
        %parallel_loop3A_1566 = vector.shape_cast %parallel_loop3A_1565 : vector<1x1x1x16xf32> to vector<16xf32>
        %parallel_loop3A_1567 = arith.constant 6 : i32
        %parallel_loop3A_1568 = arith.index_cast %parallel_loop3A_830 : i32 to index
        %parallel_loop3A_1569 = arith.index_cast %parallel_loop3A_846 : i32 to index
        %parallel_loop3A_1570 = arith.index_cast %parallel_loop3A_1567 : i32 to index
        %parallel_loop3A_1571 = arith.constant 112 : index
        %parallel_loop3A_1572 = tpu.vector_load %arg7[%parallel_loop3A_1568, %parallel_loop3A_1569, %parallel_loop3A_1570, %parallel_loop3A_1571] {strides = array<i32>} : memref<4x6x8x128xf32, #tpu.memory_space<vmem>>, vector<1x1x1x16xf32>,
        %parallel_loop3A_1573 = vector.shape_cast %parallel_loop3A_1572 : vector<1x1x1x16xf32> to vector<16xf32>
        %parallel_loop3A_1574 = vector.shape_cast %parallel_loop3A_1566 : vector<16xf32> to vector<1x1x1x16xf32>
        tpu.vector_store %arg7[%parallel_loop3A_1568, %parallel_loop3A_1569, %parallel_loop3A_1570, %parallel_loop3A_1571], %parallel_loop3A_1574 {strides = array<i32>} : memref<4x6x8x128xf32, #tpu.memory_space<vmem>>, vector<1x1x1x16xf32>,
        %parallel_loop3A_1575 = arith.constant 7 : i32
        %parallel_loop3A_1576 = arith.index_cast %parallel_loop3A_830 : i32 to index
        %parallel_loop3A_1577 = arith.index_cast %parallel_loop3A_846 : i32 to index
        %parallel_loop3A_1578 = arith.index_cast %parallel_loop3A_1575 : i32 to index
        %parallel_loop3A_1579 = arith.constant 112 : index
        %parallel_loop3A_1580 = tpu.vector_load %arg7[%parallel_loop3A_1576, %parallel_loop3A_1577, %parallel_loop3A_1578, %parallel_loop3A_1579] {strides = array<i32>} : memref<4x6x8x128xf32, #tpu.memory_space<vmem>>, vector<1x1x1x16xf32>,
        %parallel_loop3A_1581 = vector.shape_cast %parallel_loop3A_1580 : vector<1x1x1x16xf32> to vector<16xf32>
        %parallel_loop3A_1582 = vector.shape_cast %parallel_loop3A_1566 : vector<16xf32> to vector<1x1x1x16xf32>
        tpu.vector_store %arg7[%parallel_loop3A_1576, %parallel_loop3A_1577, %parallel_loop3A_1578, %parallel_loop3A_1579], %parallel_loop3A_1582 {strides = array<i32>} : memref<4x6x8x128xf32, #tpu.memory_space<vmem>>, vector<1x1x1x16xf32>,
      } {sc.loop_unroll_factor = 4 : i64, sc.parallel_access}
      %add3A_623 = arith.constant 1 : i32
      %add3A_624 = arith.addi %add3A_400, %add3A_623 : i32
      %dma_start3A_625 = arith.constant 0 : i32
      %dma_start3A_626 = arith.constant 0 : i32
      %dma_start3A_627 = arith.constant 0 : i32
      %dma_start3A_628 = arith.constant 0 : i32
      %dma_start3A_629 = arith.constant 0 : i32
      %dma_start3A_630 = tpu.memref_slice %arg7[%dma_start3A_625, %dma_start3A_627, %dma_start3A_628, %dma_start3A_629] : memref<4x6x8x128xf32, #tpu.memory_space<vmem>> -> memref<1x6x8x128xf32, #tpu.memory_space<vmem>>
      %dma_start3A_631 = tpu.memref_squeeze %dma_start3A_630 : memref<1x6x8x128xf32, #tpu.memory_space<vmem>> -> memref<6x8x128xf32, #tpu.memory_space<vmem>>
      %dma_start3A_632 = arith.constant 0 : i32
      %dma_start3A_633 = arith.constant 0 : i32
      %dma_start3A_634 = arith.constant 0 : i32
      %dma_start3A_635 = tpu.memref_slice %arg3[%add3A_624, %dma_start3A_626, %dma_start3A_632, %dma_start3A_633, %dma_start3A_634] : memref<1024x8x6x8x128xf32, #tpu.memory_space<hbm>> -> memref<1x1x6x8x128xf32, #tpu.memory_space<hbm>>
      %dma_start3A_636 = tpu.memref_squeeze %dma_start3A_635 : memref<1x1x6x8x128xf32, #tpu.memory_space<hbm>> -> memref<6x8x128xf32, #tpu.memory_space<hbm>>
      %dma_start3A_637 = arith.constant 0 : i32
      %dma_start3A_638 = arith.constant 0 : i32
      %dma_start3A_639 = arith.constant 0 : i32
      %dma_start3A_640 = tpu.memref_slice %arg3[%add3A_624, %dma_start3A_626, %dma_start3A_637, %dma_start3A_638, %dma_start3A_639] : memref<1024x8x6x8x128xf32, #tpu.memory_space<hbm>> -> memref<1x1x6x8x128xf32, #tpu.memory_space<hbm>>
      %dma_start3A_641 = tpu.memref_squeeze %dma_start3A_640 : memref<1x1x6x8x128xf32, #tpu.memory_space<hbm>> -> memref<6x8x128xf32, #tpu.memory_space<hbm>>
      %dma_start3A_642 = arith.constant 0 : i32
      %dma_start3A_643 = arith.constant 0 : i32
      %dma_start3A_644 = arith.constant 0 : i32
      %dma_start3A_645 = tpu.memref_slice %arg7[%dma_start3A_625, %dma_start3A_642, %dma_start3A_643, %dma_start3A_644] : memref<4x6x8x128xf32, #tpu.memory_space<vmem>> -> memref<1x6x8x128xf32, #tpu.memory_space<vmem>>
      %dma_start3A_646 = tpu.memref_squeeze %dma_start3A_645 : memref<1x6x8x128xf32, #tpu.memory_space<vmem>> -> memref<6x8x128xf32, #tpu.memory_space<vmem>>
      tpu.enqueue_dma source(%dma_start3A_646 : memref<6x8x128xf32, #tpu.memory_space<vmem>>) target(%dma_start3A_641 : memref<6x8x128xf32, #tpu.memory_space<hbm>>) target_semaphore(%arg11 : memref<!tpu.dma_semaphore, #tpu.memory_space<semaphore_mem>>)
      %dma_start3A_647 = arith.constant 0 : i32
      %dma_start3A_648 = arith.constant 1 : i32
      %dma_start3A_649 = arith.constant 0 : i32
      %dma_start3A_650 = arith.constant 0 : i32
      %dma_start3A_651 = arith.constant 0 : i32
      %dma_start3A_652 = tpu.memref_slice %arg7[%dma_start3A_647, %dma_start3A_649, %dma_start3A_650, %dma_start3A_651] : memref<4x6x8x128xf32, #tpu.memory_space<vmem>> -> memref<1x6x8x128xf32, #tpu.memory_space<vmem>>
      %dma_start3A_653 = tpu.memref_squeeze %dma_start3A_652 : memref<1x6x8x128xf32, #tpu.memory_space<vmem>> -> memref<6x8x128xf32, #tpu.memory_space<vmem>>
      %dma_start3A_654 = arith.constant 0 : i32
      %dma_start3A_655 = arith.constant 0 : i32
      %dma_start3A_656 = arith.constant 0 : i32
      %dma_start3A_657 = tpu.memref_slice %arg3[%add3A_624, %dma_start3A_648, %dma_start3A_654, %dma_start3A_655, %dma_start3A_656] : memref<1024x8x6x8x128xf32, #tpu.memory_space<hbm>> -> memref<1x1x6x8x128xf32, #tpu.memory_space<hbm>>
      %dma_start3A_658 = tpu.memref_squeeze %dma_start3A_657 : memref<1x1x6x8x128xf32, #tpu.memory_space<hbm>> -> memref<6x8x128xf32, #tpu.memory_space<hbm>>
      %dma_start3A_659 = arith.constant 0 : i32
      %dma_start3A_660 = arith.constant 0 : i32
      %dma_start3A_661 = arith.constant 0 : i32
      %dma_start3A_662 = tpu.memref_slice %arg3[%add3A_624, %dma_start3A_648, %dma_start3A_659, %dma_start3A_660, %dma_start3A_661] : memref<1024x8x6x8x128xf32, #tpu.memory_space<hbm>> -> memref<1x1x6x8x128xf32, #tpu.memory_space<hbm>>
      %dma_start3A_663 = tpu.memref_squeeze %dma_start3A_662 : memref<1x1x6x8x128xf32, #tpu.memory_space<hbm>> -> memref<6x8x128xf32, #tpu.memory_space<hbm>>
      %dma_start3A_664 = arith.constant 0 : i32
      %dma_start3A_665 = arith.constant 0 : i32
      %dma_start3A_666 = arith.constant 0 : i32
      %dma_start3A_667 = tpu.memref_slice %arg7[%dma_start3A_647, %dma_start3A_664, %dma_start3A_665, %dma_start3A_666] : memref<4x6x8x128xf32, #tpu.memory_space<vmem>> -> memref<1x6x8x128xf32, #tpu.memory_space<vmem>>
      %dma_start3A_668 = tpu.memref_squeeze %dma_start3A_667 : memref<1x6x8x128xf32, #tpu.memory_space<vmem>> -> memref<6x8x128xf32, #tpu.memory_space<vmem>>
      tpu.enqueue_dma source(%dma_start3A_668 : memref<6x8x128xf32, #tpu.memory_space<vmem>>) target(%dma_start3A_663 : memref<6x8x128xf32, #tpu.memory_space<hbm>>) target_semaphore(%arg11 : memref<!tpu.dma_semaphore, #tpu.memory_space<semaphore_mem>>)
      %dma_start3A_669 = arith.constant 1 : i32
      %dma_start3A_670 = arith.constant 2 : i32
      %dma_start3A_671 = arith.constant 0 : i32
      %dma_start3A_672 = arith.constant 0 : i32
      %dma_start3A_673 = arith.constant 0 : i32
      %dma_start3A_674 = tpu.memref_slice %arg7[%dma_start3A_669, %dma_start3A_671, %dma_start3A_672, %dma_start3A_673] : memref<4x6x8x128xf32, #tpu.memory_space<vmem>> -> memref<1x6x8x128xf32, #tpu.memory_space<vmem>>
      %dma_start3A_675 = tpu.memref_squeeze %dma_start3A_674 : memref<1x6x8x128xf32, #tpu.memory_space<vmem>> -> memref<6x8x128xf32, #tpu.memory_space<vmem>>
      %dma_start3A_676 = arith.constant 0 : i32
      %dma_start3A_677 = arith.constant 0 : i32
      %dma_start3A_678 = arith.constant 0 : i32
      %dma_start3A_679 = tpu.memref_slice %arg3[%add3A_624, %dma_start3A_670, %dma_start3A_676, %dma_start3A_677, %dma_start3A_678] : memref<1024x8x6x8x128xf32, #tpu.memory_space<hbm>> -> memref<1x1x6x8x128xf32, #tpu.memory_space<hbm>>
      %dma_start3A_680 = tpu.memref_squeeze %dma_start3A_679 : memref<1x1x6x8x128xf32, #tpu.memory_space<hbm>> -> memref<6x8x128xf32, #tpu.memory_space<hbm>>
      %dma_start3A_681 = arith.constant 0 : i32
      %dma_start3A_682 = arith.constant 0 : i32
      %dma_start3A_683 = arith.constant 0 : i32
      %dma_start3A_684 = tpu.memref_slice %arg3[%add3A_624, %dma_start3A_670, %dma_start3A_681, %dma_start3A_682, %dma_start3A_683] : memref<1024x8x6x8x128xf32, #tpu.memory_space<hbm>> -> memref<1x1x6x8x128xf32, #tpu.memory_space<hbm>>
      %dma_start3A_685 = tpu.memref_squeeze %dma_start3A_684 : memref<1x1x6x8x128xf32, #tpu.memory_space<hbm>> -> memref<6x8x128xf32, #tpu.memory_space<hbm>>
      %dma_start3A_686 = arith.constant 0 : i32
      %dma_start3A_687 = arith.constant 0 : i32
      %dma_start3A_688 = arith.constant 0 : i32
      %dma_start3A_689 = tpu.memref_slice %arg7[%dma_start3A_669, %dma_start3A_686, %dma_start3A_687, %dma_start3A_688] : memref<4x6x8x128xf32, #tpu.memory_space<vmem>> -> memref<1x6x8x128xf32, #tpu.memory_space<vmem>>
      %dma_start3A_690 = tpu.memref_squeeze %dma_start3A_689 : memref<1x6x8x128xf32, #tpu.memory_space<vmem>> -> memref<6x8x128xf32, #tpu.memory_space<vmem>>
      tpu.enqueue_dma source(%dma_start3A_690 : memref<6x8x128xf32, #tpu.memory_space<vmem>>) target(%dma_start3A_685 : memref<6x8x128xf32, #tpu.memory_space<hbm>>) target_semaphore(%arg11 : memref<!tpu.dma_semaphore, #tpu.memory_space<semaphore_mem>>)
      %dma_start3A_691 = arith.constant 1 : i32
      %dma_start3A_692 = arith.constant 3 : i32
      %dma_start3A_693 = arith.constant 0 : i32
      %dma_start3A_694 = arith.constant 0 : i32
      %dma_start3A_695 = arith.constant 0 : i32
      %dma_start3A_696 = tpu.memref_slice %arg7[%dma_start3A_691, %dma_start3A_693, %dma_start3A_694, %dma_start3A_695] : memref<4x6x8x128xf32, #tpu.memory_space<vmem>> -> memref<1x6x8x128xf32, #tpu.memory_space<vmem>>
      %dma_start3A_697 = tpu.memref_squeeze %dma_start3A_696 : memref<1x6x8x128xf32, #tpu.memory_space<vmem>> -> memref<6x8x128xf32, #tpu.memory_space<vmem>>
      %dma_start3A_698 = arith.constant 0 : i32
      %dma_start3A_699 = arith.constant 0 : i32
      %dma_start3A_700 = arith.constant 0 : i32
      %dma_start3A_701 = tpu.memref_slice %arg3[%add3A_624, %dma_start3A_692, %dma_start3A_698, %dma_start3A_699, %dma_start3A_700] : memref<1024x8x6x8x128xf32, #tpu.memory_space<hbm>> -> memref<1x1x6x8x128xf32, #tpu.memory_space<hbm>>
      %dma_start3A_702 = tpu.memref_squeeze %dma_start3A_701 : memref<1x1x6x8x128xf32, #tpu.memory_space<hbm>> -> memref<6x8x128xf32, #tpu.memory_space<hbm>>
      %dma_start3A_703 = arith.constant 0 : i32
      %dma_start3A_704 = arith.constant 0 : i32
      %dma_start3A_705 = arith.constant 0 : i32
      %dma_start3A_706 = tpu.memref_slice %arg3[%add3A_624, %dma_start3A_692, %dma_start3A_703, %dma_start3A_704, %dma_start3A_705] : memref<1024x8x6x8x128xf32, #tpu.memory_space<hbm>> -> memref<1x1x6x8x128xf32, #tpu.memory_space<hbm>>
      %dma_start3A_707 = tpu.memref_squeeze %dma_start3A_706 : memref<1x1x6x8x128xf32, #tpu.memory_space<hbm>> -> memref<6x8x128xf32, #tpu.memory_space<hbm>>
      %dma_start3A_708 = arith.constant 0 : i32
      %dma_start3A_709 = arith.constant 0 : i32
      %dma_start3A_710 = arith.constant 0 : i32
      %dma_start3A_711 = tpu.memref_slice %arg7[%dma_start3A_691, %dma_start3A_708, %dma_start3A_709, %dma_start3A_710] : memref<4x6x8x128xf32, #tpu.memory_space<vmem>> -> memref<1x6x8x128xf32, #tpu.memory_space<vmem>>
      %dma_start3A_712 = tpu.memref_squeeze %dma_start3A_711 : memref<1x6x8x128xf32, #tpu.memory_space<vmem>> -> memref<6x8x128xf32, #tpu.memory_space<vmem>>
      tpu.enqueue_dma source(%dma_start3A_712 : memref<6x8x128xf32, #tpu.memory_space<vmem>>) target(%dma_start3A_707 : memref<6x8x128xf32, #tpu.memory_space<hbm>>) target_semaphore(%arg11 : memref<!tpu.dma_semaphore, #tpu.memory_space<semaphore_mem>>)
      %dma_start3A_713 = arith.constant 2 : i32
      %dma_start3A_714 = arith.constant 4 : i32
      %dma_start3A_715 = arith.constant 0 : i32
      %dma_start3A_716 = arith.constant 0 : i32
      %dma_start3A_717 = arith.constant 0 : i32
      %dma_start3A_718 = tpu.memref_slice %arg7[%dma_start3A_713, %dma_start3A_715, %dma_start3A_716, %dma_start3A_717] : memref<4x6x8x128xf32, #tpu.memory_space<vmem>> -> memref<1x6x8x128xf32, #tpu.memory_space<vmem>>
      %dma_start3A_719 = tpu.memref_squeeze %dma_start3A_718 : memref<1x6x8x128xf32, #tpu.memory_space<vmem>> -> memref<6x8x128xf32, #tpu.memory_space<vmem>>
      %dma_start3A_720 = arith.constant 0 : i32
      %dma_start3A_721 = arith.constant 0 : i32
      %dma_start3A_722 = arith.constant 0 : i32
      %dma_start3A_723 = tpu.memref_slice %arg3[%add3A_624, %dma_start3A_714, %dma_start3A_720, %dma_start3A_721, %dma_start3A_722] : memref<1024x8x6x8x128xf32, #tpu.memory_space<hbm>> -> memref<1x1x6x8x128xf32, #tpu.memory_space<hbm>>
      %dma_start3A_724 = tpu.memref_squeeze %dma_start3A_723 : memref<1x1x6x8x128xf32, #tpu.memory_space<hbm>> -> memref<6x8x128xf32, #tpu.memory_space<hbm>>
      %dma_start3A_725 = arith.constant 0 : i32
      %dma_start3A_726 = arith.constant 0 : i32
      %dma_start3A_727 = arith.constant 0 : i32
      %dma_start3A_728 = tpu.memref_slice %arg3[%add3A_624, %dma_start3A_714, %dma_start3A_725, %dma_start3A_726, %dma_start3A_727] : memref<1024x8x6x8x128xf32, #tpu.memory_space<hbm>> -> memref<1x1x6x8x128xf32, #tpu.memory_space<hbm>>
      %dma_start3A_729 = tpu.memref_squeeze %dma_start3A_728 : memref<1x1x6x8x128xf32, #tpu.memory_space<hbm>> -> memref<6x8x128xf32, #tpu.memory_space<hbm>>
      %dma_start3A_730 = arith.constant 0 : i32
      %dma_start3A_731 = arith.constant 0 : i32
      %dma_start3A_732 = arith.constant 0 : i32
      %dma_start3A_733 = tpu.memref_slice %arg7[%dma_start3A_713, %dma_start3A_730, %dma_start3A_731, %dma_start3A_732] : memref<4x6x8x128xf32, #tpu.memory_space<vmem>> -> memref<1x6x8x128xf32, #tpu.memory_space<vmem>>
      %dma_start3A_734 = tpu.memref_squeeze %dma_start3A_733 : memref<1x6x8x128xf32, #tpu.memory_space<vmem>> -> memref<6x8x128xf32, #tpu.memory_space<vmem>>
      tpu.enqueue_dma source(%dma_start3A_734 : memref<6x8x128xf32, #tpu.memory_space<vmem>>) target(%dma_start3A_729 : memref<6x8x128xf32, #tpu.memory_space<hbm>>) target_semaphore(%arg11 : memref<!tpu.dma_semaphore, #tpu.memory_space<semaphore_mem>>)
      %dma_start3A_735 = arith.constant 2 : i32
      %dma_start3A_736 = arith.constant 5 : i32
      %dma_start3A_737 = arith.constant 0 : i32
      %dma_start3A_738 = arith.constant 0 : i32
      %dma_start3A_739 = arith.constant 0 : i32
      %dma_start3A_740 = tpu.memref_slice %arg7[%dma_start3A_735, %dma_start3A_737, %dma_start3A_738, %dma_start3A_739] : memref<4x6x8x128xf32, #tpu.memory_space<vmem>> -> memref<1x6x8x128xf32, #tpu.memory_space<vmem>>
      %dma_start3A_741 = tpu.memref_squeeze %dma_start3A_740 : memref<1x6x8x128xf32, #tpu.memory_space<vmem>> -> memref<6x8x128xf32, #tpu.memory_space<vmem>>
      %dma_start3A_742 = arith.constant 0 : i32
      %dma_start3A_743 = arith.constant 0 : i32
      %dma_start3A_744 = arith.constant 0 : i32
      %dma_start3A_745 = tpu.memref_slice %arg3[%add3A_624, %dma_start3A_736, %dma_start3A_742, %dma_start3A_743, %dma_start3A_744] : memref<1024x8x6x8x128xf32, #tpu.memory_space<hbm>> -> memref<1x1x6x8x128xf32, #tpu.memory_space<hbm>>
      %dma_start3A_746 = tpu.memref_squeeze %dma_start3A_745 : memref<1x1x6x8x128xf32, #tpu.memory_space<hbm>> -> memref<6x8x128xf32, #tpu.memory_space<hbm>>
      %dma_start3A_747 = arith.constant 0 : i32
      %dma_start3A_748 = arith.constant 0 : i32
      %dma_start3A_749 = arith.constant 0 : i32
      %dma_start3A_750 = tpu.memref_slice %arg3[%add3A_624, %dma_start3A_736, %dma_start3A_747, %dma_start3A_748, %dma_start3A_749] : memref<1024x8x6x8x128xf32, #tpu.memory_space<hbm>> -> memref<1x1x6x8x128xf32, #tpu.memory_space<hbm>>
      %dma_start3A_751 = tpu.memref_squeeze %dma_start3A_750 : memref<1x1x6x8x128xf32, #tpu.memory_space<hbm>> -> memref<6x8x128xf32, #tpu.memory_space<hbm>>
      %dma_start3A_752 = arith.constant 0 : i32
      %dma_start3A_753 = arith.constant 0 : i32
      %dma_start3A_754 = arith.constant 0 : i32
      %dma_start3A_755 = tpu.memref_slice %arg7[%dma_start3A_735, %dma_start3A_752, %dma_start3A_753, %dma_start3A_754] : memref<4x6x8x128xf32, #tpu.memory_space<vmem>> -> memref<1x6x8x128xf32, #tpu.memory_space<vmem>>
      %dma_start3A_756 = tpu.memref_squeeze %dma_start3A_755 : memref<1x6x8x128xf32, #tpu.memory_space<vmem>> -> memref<6x8x128xf32, #tpu.memory_space<vmem>>
      tpu.enqueue_dma source(%dma_start3A_756 : memref<6x8x128xf32, #tpu.memory_space<vmem>>) target(%dma_start3A_751 : memref<6x8x128xf32, #tpu.memory_space<hbm>>) target_semaphore(%arg11 : memref<!tpu.dma_semaphore, #tpu.memory_space<semaphore_mem>>)
      %dma_start3A_757 = arith.constant 3 : i32
      %dma_start3A_758 = arith.constant 6 : i32
      %dma_start3A_759 = arith.constant 0 : i32
      %dma_start3A_760 = arith.constant 0 : i32
      %dma_start3A_761 = arith.constant 0 : i32
      %dma_start3A_762 = tpu.memref_slice %arg7[%dma_start3A_757, %dma_start3A_759, %dma_start3A_760, %dma_start3A_761] : memref<4x6x8x128xf32, #tpu.memory_space<vmem>> -> memref<1x6x8x128xf32, #tpu.memory_space<vmem>>
      %dma_start3A_763 = tpu.memref_squeeze %dma_start3A_762 : memref<1x6x8x128xf32, #tpu.memory_space<vmem>> -> memref<6x8x128xf32, #tpu.memory_space<vmem>>
      %dma_start3A_764 = arith.constant 0 : i32
      %dma_start3A_765 = arith.constant 0 : i32
      %dma_start3A_766 = arith.constant 0 : i32
      %dma_start3A_767 = tpu.memref_slice %arg3[%add3A_624, %dma_start3A_758, %dma_start3A_764, %dma_start3A_765, %dma_start3A_766] : memref<1024x8x6x8x128xf32, #tpu.memory_space<hbm>> -> memref<1x1x6x8x128xf32, #tpu.memory_space<hbm>>
      %dma_start3A_768 = tpu.memref_squeeze %dma_start3A_767 : memref<1x1x6x8x128xf32, #tpu.memory_space<hbm>> -> memref<6x8x128xf32, #tpu.memory_space<hbm>>
      %dma_start3A_769 = arith.constant 0 : i32
      %dma_start3A_770 = arith.constant 0 : i32
      %dma_start3A_771 = arith.constant 0 : i32
      %dma_start3A_772 = tpu.memref_slice %arg3[%add3A_624, %dma_start3A_758, %dma_start3A_769, %dma_start3A_770, %dma_start3A_771] : memref<1024x8x6x8x128xf32, #tpu.memory_space<hbm>> -> memref<1x1x6x8x128xf32, #tpu.memory_space<hbm>>
      %dma_start3A_773 = tpu.memref_squeeze %dma_start3A_772 : memref<1x1x6x8x128xf32, #tpu.memory_space<hbm>> -> memref<6x8x128xf32, #tpu.memory_space<hbm>>
      %dma_start3A_774 = arith.constant 0 : i32
      %dma_start3A_775 = arith.constant 0 : i32
      %dma_start3A_776 = arith.constant 0 : i32
      %dma_start3A_777 = tpu.memref_slice %arg7[%dma_start3A_757, %dma_start3A_774, %dma_start3A_775, %dma_start3A_776] : memref<4x6x8x128xf32, #tpu.memory_space<vmem>> -> memref<1x6x8x128xf32, #tpu.memory_space<vmem>>
      %dma_start3A_778 = tpu.memref_squeeze %dma_start3A_777 : memref<1x6x8x128xf32, #tpu.memory_space<vmem>> -> memref<6x8x128xf32, #tpu.memory_space<vmem>>
      tpu.enqueue_dma source(%dma_start3A_778 : memref<6x8x128xf32, #tpu.memory_space<vmem>>) target(%dma_start3A_773 : memref<6x8x128xf32, #tpu.memory_space<hbm>>) target_semaphore(%arg11 : memref<!tpu.dma_semaphore, #tpu.memory_space<semaphore_mem>>)
      %dma_start3A_779 = arith.constant 3 : i32
      %dma_start3A_780 = arith.constant 7 : i32
      %dma_start3A_781 = arith.constant 0 : i32
      %dma_start3A_782 = arith.constant 0 : i32
      %dma_start3A_783 = arith.constant 0 : i32
      %dma_start3A_784 = tpu.memref_slice %arg7[%dma_start3A_779, %dma_start3A_781, %dma_start3A_782, %dma_start3A_783] : memref<4x6x8x128xf32, #tpu.memory_space<vmem>> -> memref<1x6x8x128xf32, #tpu.memory_space<vmem>>
      %dma_start3A_785 = tpu.memref_squeeze %dma_start3A_784 : memref<1x6x8x128xf32, #tpu.memory_space<vmem>> -> memref<6x8x128xf32, #tpu.memory_space<vmem>>
      %dma_start3A_786 = arith.constant 0 : i32
      %dma_start3A_787 = arith.constant 0 : i32
      %dma_start3A_788 = arith.constant 0 : i32
      %dma_start3A_789 = tpu.memref_slice %arg3[%add3A_624, %dma_start3A_780, %dma_start3A_786, %dma_start3A_787, %dma_start3A_788] : memref<1024x8x6x8x128xf32, #tpu.memory_space<hbm>> -> memref<1x1x6x8x128xf32, #tpu.memory_space<hbm>>
      %dma_start3A_790 = tpu.memref_squeeze %dma_start3A_789 : memref<1x1x6x8x128xf32, #tpu.memory_space<hbm>> -> memref<6x8x128xf32, #tpu.memory_space<hbm>>
      %dma_start3A_791 = arith.constant 0 : i32
      %dma_start3A_792 = arith.constant 0 : i32
      %dma_start3A_793 = arith.constant 0 : i32
      %dma_start3A_794 = tpu.memref_slice %arg3[%add3A_624, %dma_start3A_780, %dma_start3A_791, %dma_start3A_792, %dma_start3A_793] : memref<1024x8x6x8x128xf32, #tpu.memory_space<hbm>> -> memref<1x1x6x8x128xf32, #tpu.memory_space<hbm>>
      %dma_start3A_795 = tpu.memref_squeeze %dma_start3A_794 : memref<1x1x6x8x128xf32, #tpu.memory_space<hbm>> -> memref<6x8x128xf32, #tpu.memory_space<hbm>>
      %dma_start3A_796 = arith.constant 0 : i32
      %dma_start3A_797 = arith.constant 0 : i32
      %dma_start3A_798 = arith.constant 0 : i32
      %dma_start3A_799 = tpu.memref_slice %arg7[%dma_start3A_779, %dma_start3A_796, %dma_start3A_797, %dma_start3A_798] : memref<4x6x8x128xf32, #tpu.memory_space<vmem>> -> memref<1x6x8x128xf32, #tpu.memory_space<vmem>>
      %dma_start3A_800 = tpu.memref_squeeze %dma_start3A_799 : memref<1x6x8x128xf32, #tpu.memory_space<vmem>> -> memref<6x8x128xf32, #tpu.memory_space<vmem>>
      tpu.enqueue_dma source(%dma_start3A_800 : memref<6x8x128xf32, #tpu.memory_space<vmem>>) target(%dma_start3A_795 : memref<6x8x128xf32, #tpu.memory_space<hbm>>) target_semaphore(%arg11 : memref<!tpu.dma_semaphore, #tpu.memory_space<semaphore_mem>>)
      %lt3A_801 = arith.constant 15 : i32
      %lt3A_802 = arith.cmpi slt, %scan3A_397, %lt3A_801 : i32
      %convert_element_type3A_803 = arith.extui %lt3A_802 : i1 to i32
      %cond3A_804 = arith.constant 0 : i32
      %cond3A_805 = arith.cmpi ne, %convert_element_type3A_803, %cond3A_804 : i32
      scf.if %cond3A_805 {
        %add3A_806 = arith.constant 1 : i32
        %add3A_807 = arith.addi %add3A_400, %add3A_806 : i32
        %add3A_808 = arith.constant 2 : i32
        %add3A_809 = arith.addi %add3A_807, %add3A_808 : i32
        %dma_start3A_810 = arith.constant 0 : i32
        %dma_start3A_811 = arith.constant 0 : i32
        %dma_start3A_812 = arith.constant 0 : i32
        %dma_start3A_813 = arith.constant 0 : i32
        %dma_start3A_814 = tpu.memref_slice %arg2[%add3A_809, %dma_start3A_810, %dma_start3A_811, %dma_start3A_812, %dma_start3A_813] : memref<1024x4x6x4x128xf32, #tpu.memory_space<hbm>> -> memref<1x4x6x4x128xf32, #tpu.memory_space<hbm>>
        %dma_start3A_815 = tpu.memref_squeeze %dma_start3A_814 : memref<1x4x6x4x128xf32, #tpu.memory_space<hbm>> -> memref<4x6x4x128xf32, #tpu.memory_space<hbm>>
        %dma_start3A_816 = arith.constant 0 : i32
        %dma_start3A_817 = arith.constant 0 : i32
        %dma_start3A_818 = arith.constant 0 : i32
        %dma_start3A_819 = arith.constant 0 : i32
        %dma_start3A_820 = tpu.memref_slice %arg2[%add3A_809, %dma_start3A_816, %dma_start3A_817, %dma_start3A_818, %dma_start3A_819] : memref<1024x4x6x4x128xf32, #tpu.memory_space<hbm>> -> memref<1x4x6x4x128xf32, #tpu.memory_space<hbm>>
        %dma_start3A_821 = tpu.memref_squeeze %dma_start3A_820 : memref<1x4x6x4x128xf32, #tpu.memory_space<hbm>> -> memref<4x6x4x128xf32, #tpu.memory_space<hbm>>
        tpu.enqueue_dma source(%dma_start3A_821 : memref<4x6x4x128xf32, #tpu.memory_space<hbm>>) target(%arg5 : memref<4x6x4x128xf32, #tpu.memory_space<vmem>>) target_semaphore(%arg9 : memref<!tpu.dma_semaphore, #tpu.memory_space<semaphore_mem>>)
      } else {
      }
    }
    %scan3A_34 = arith.constant 16 : i32
    %add3A_35 = arith.constant 32 : i32
    %add3A_36 = arith.addi %mul3A_2, %add3A_35 : i32
    %sub3A = arith.constant 2 : i32
    %sub3A_37 = arith.subi %add3A_36, %sub3A : i32
    %add3A_38 = arith.constant 0 : i32
    %add3A_39 = arith.addi %sub3A_37, %add3A_38 : i32
    %dma_wait3A = arith.constant 0 : i32
    %dma_wait3A_40 = arith.constant 0 : i32
    %dma_wait3A_41 = arith.constant 0 : i32
    %dma_wait3A_42 = arith.constant 0 : i32
    %dma_wait3A_43 = arith.constant 0 : i32
    %dma_wait3A_44 = tpu.memref_slice %arg6[%dma_wait3A, %dma_wait3A_41, %dma_wait3A_42, %dma_wait3A_43] : memref<4x6x8x128xf32, #tpu.memory_space<vmem>> -> memref<1x6x8x128xf32, #tpu.memory_space<vmem>>
    %dma_wait3A_45 = tpu.memref_squeeze %dma_wait3A_44 : memref<1x6x8x128xf32, #tpu.memory_space<vmem>> -> memref<6x8x128xf32, #tpu.memory_space<vmem>>
    %dma_wait3A_46 = arith.constant 0 : i32
    %dma_wait3A_47 = arith.constant 0 : i32
    %dma_wait3A_48 = arith.constant 0 : i32
    %dma_wait3A_49 = tpu.memref_slice %arg3[%add3A_39, %dma_wait3A_40, %dma_wait3A_46, %dma_wait3A_47, %dma_wait3A_48] : memref<1024x8x6x8x128xf32, #tpu.memory_space<hbm>> -> memref<1x1x6x8x128xf32, #tpu.memory_space<hbm>>
    %dma_wait3A_50 = tpu.memref_squeeze %dma_wait3A_49 : memref<1x1x6x8x128xf32, #tpu.memory_space<hbm>> -> memref<6x8x128xf32, #tpu.memory_space<hbm>>
    %dma_wait3A_51 = arith.constant 0 : i32
    %dma_wait3A_52 = arith.constant 0 : i32
    %dma_wait3A_53 = arith.constant 0 : i32
    %dma_wait3A_54 = tpu.memref_slice %arg3[%add3A_39, %dma_wait3A_40, %dma_wait3A_51, %dma_wait3A_52, %dma_wait3A_53] : memref<1024x8x6x8x128xf32, #tpu.memory_space<hbm>> -> memref<1x1x6x8x128xf32, #tpu.memory_space<hbm>>
    %dma_wait3A_55 = tpu.memref_squeeze %dma_wait3A_54 : memref<1x1x6x8x128xf32, #tpu.memory_space<hbm>> -> memref<6x8x128xf32, #tpu.memory_space<hbm>>
    %dma_wait3A_56 = arith.constant 0 : i32
    %dma_wait3A_57 = arith.constant 0 : i32
    %dma_wait3A_58 = arith.constant 0 : i32
    %dma_wait3A_59 = tpu.memref_slice %arg6[%dma_wait3A, %dma_wait3A_56, %dma_wait3A_57, %dma_wait3A_58] : memref<4x6x8x128xf32, #tpu.memory_space<vmem>> -> memref<1x6x8x128xf32, #tpu.memory_space<vmem>>
    %dma_wait3A_60 = tpu.memref_squeeze %dma_wait3A_59 : memref<1x6x8x128xf32, #tpu.memory_space<vmem>> -> memref<6x8x128xf32, #tpu.memory_space<vmem>>
    tpu.wait_dma2 semaphore(%arg10 : memref<!tpu.dma_semaphore, #tpu.memory_space<semaphore_mem>>) src(%dma_wait3A_60 : memref<6x8x128xf32, #tpu.memory_space<vmem>>) dst(%dma_wait3A_55 : memref<6x8x128xf32, #tpu.memory_space<hbm>>)
    %dma_wait3A_61 = arith.constant 0 : i32
    %dma_wait3A_62 = arith.constant 1 : i32
    %dma_wait3A_63 = arith.constant 0 : i32
    %dma_wait3A_64 = arith.constant 0 : i32
    %dma_wait3A_65 = arith.constant 0 : i32
    %dma_wait3A_66 = tpu.memref_slice %arg6[%dma_wait3A_61, %dma_wait3A_63, %dma_wait3A_64, %dma_wait3A_65] : memref<4x6x8x128xf32, #tpu.memory_space<vmem>> -> memref<1x6x8x128xf32, #tpu.memory_space<vmem>>
    %dma_wait3A_67 = tpu.memref_squeeze %dma_wait3A_66 : memref<1x6x8x128xf32, #tpu.memory_space<vmem>> -> memref<6x8x128xf32, #tpu.memory_space<vmem>>
    %dma_wait3A_68 = arith.constant 0 : i32
    %dma_wait3A_69 = arith.constant 0 : i32
    %dma_wait3A_70 = arith.constant 0 : i32
    %dma_wait3A_71 = tpu.memref_slice %arg3[%add3A_39, %dma_wait3A_62, %dma_wait3A_68, %dma_wait3A_69, %dma_wait3A_70] : memref<1024x8x6x8x128xf32, #tpu.memory_space<hbm>> -> memref<1x1x6x8x128xf32, #tpu.memory_space<hbm>>
    %dma_wait3A_72 = tpu.memref_squeeze %dma_wait3A_71 : memref<1x1x6x8x128xf32, #tpu.memory_space<hbm>> -> memref<6x8x128xf32, #tpu.memory_space<hbm>>
    %dma_wait3A_73 = arith.constant 0 : i32
    %dma_wait3A_74 = arith.constant 0 : i32
    %dma_wait3A_75 = arith.constant 0 : i32
    %dma_wait3A_76 = tpu.memref_slice %arg3[%add3A_39, %dma_wait3A_62, %dma_wait3A_73, %dma_wait3A_74, %dma_wait3A_75] : memref<1024x8x6x8x128xf32, #tpu.memory_space<hbm>> -> memref<1x1x6x8x128xf32, #tpu.memory_space<hbm>>
    %dma_wait3A_77 = tpu.memref_squeeze %dma_wait3A_76 : memref<1x1x6x8x128xf32, #tpu.memory_space<hbm>> -> memref<6x8x128xf32, #tpu.memory_space<hbm>>
    %dma_wait3A_78 = arith.constant 0 : i32
    %dma_wait3A_79 = arith.constant 0 : i32
    %dma_wait3A_80 = arith.constant 0 : i32
    %dma_wait3A_81 = tpu.memref_slice %arg6[%dma_wait3A_61, %dma_wait3A_78, %dma_wait3A_79, %dma_wait3A_80] : memref<4x6x8x128xf32, #tpu.memory_space<vmem>> -> memref<1x6x8x128xf32, #tpu.memory_space<vmem>>
    %dma_wait3A_82 = tpu.memref_squeeze %dma_wait3A_81 : memref<1x6x8x128xf32, #tpu.memory_space<vmem>> -> memref<6x8x128xf32, #tpu.memory_space<vmem>>
    tpu.wait_dma2 semaphore(%arg10 : memref<!tpu.dma_semaphore, #tpu.memory_space<semaphore_mem>>) src(%dma_wait3A_82 : memref<6x8x128xf32, #tpu.memory_space<vmem>>) dst(%dma_wait3A_77 : memref<6x8x128xf32, #tpu.memory_space<hbm>>)
    %dma_wait3A_83 = arith.constant 1 : i32
    %dma_wait3A_84 = arith.constant 2 : i32
    %dma_wait3A_85 = arith.constant 0 : i32
    %dma_wait3A_86 = arith.constant 0 : i32
    %dma_wait3A_87 = arith.constant 0 : i32
    %dma_wait3A_88 = tpu.memref_slice %arg6[%dma_wait3A_83, %dma_wait3A_85, %dma_wait3A_86, %dma_wait3A_87] : memref<4x6x8x128xf32, #tpu.memory_space<vmem>> -> memref<1x6x8x128xf32, #tpu.memory_space<vmem>>
    %dma_wait3A_89 = tpu.memref_squeeze %dma_wait3A_88 : memref<1x6x8x128xf32, #tpu.memory_space<vmem>> -> memref<6x8x128xf32, #tpu.memory_space<vmem>>
    %dma_wait3A_90 = arith.constant 0 : i32
    %dma_wait3A_91 = arith.constant 0 : i32
    %dma_wait3A_92 = arith.constant 0 : i32
    %dma_wait3A_93 = tpu.memref_slice %arg3[%add3A_39, %dma_wait3A_84, %dma_wait3A_90, %dma_wait3A_91, %dma_wait3A_92] : memref<1024x8x6x8x128xf32, #tpu.memory_space<hbm>> -> memref<1x1x6x8x128xf32, #tpu.memory_space<hbm>>
    %dma_wait3A_94 = tpu.memref_squeeze %dma_wait3A_93 : memref<1x1x6x8x128xf32, #tpu.memory_space<hbm>> -> memref<6x8x128xf32, #tpu.memory_space<hbm>>
    %dma_wait3A_95 = arith.constant 0 : i32
    %dma_wait3A_96 = arith.constant 0 : i32
    %dma_wait3A_97 = arith.constant 0 : i32
    %dma_wait3A_98 = tpu.memref_slice %arg3[%add3A_39, %dma_wait3A_84, %dma_wait3A_95, %dma_wait3A_96, %dma_wait3A_97] : memref<1024x8x6x8x128xf32, #tpu.memory_space<hbm>> -> memref<1x1x6x8x128xf32, #tpu.memory_space<hbm>>
    %dma_wait3A_99 = tpu.memref_squeeze %dma_wait3A_98 : memref<1x1x6x8x128xf32, #tpu.memory_space<hbm>> -> memref<6x8x128xf32, #tpu.memory_space<hbm>>
    %dma_wait3A_100 = arith.constant 0 : i32
    %dma_wait3A_101 = arith.constant 0 : i32
    %dma_wait3A_102 = arith.constant 0 : i32
    %dma_wait3A_103 = tpu.memref_slice %arg6[%dma_wait3A_83, %dma_wait3A_100, %dma_wait3A_101, %dma_wait3A_102] : memref<4x6x8x128xf32, #tpu.memory_space<vmem>> -> memref<1x6x8x128xf32, #tpu.memory_space<vmem>>
    %dma_wait3A_104 = tpu.memref_squeeze %dma_wait3A_103 : memref<1x6x8x128xf32, #tpu.memory_space<vmem>> -> memref<6x8x128xf32, #tpu.memory_space<vmem>>
    tpu.wait_dma2 semaphore(%arg10 : memref<!tpu.dma_semaphore, #tpu.memory_space<semaphore_mem>>) src(%dma_wait3A_104 : memref<6x8x128xf32, #tpu.memory_space<vmem>>) dst(%dma_wait3A_99 : memref<6x8x128xf32, #tpu.memory_space<hbm>>)
    %dma_wait3A_105 = arith.constant 1 : i32
    %dma_wait3A_106 = arith.constant 3 : i32
    %dma_wait3A_107 = arith.constant 0 : i32
    %dma_wait3A_108 = arith.constant 0 : i32
    %dma_wait3A_109 = arith.constant 0 : i32
    %dma_wait3A_110 = tpu.memref_slice %arg6[%dma_wait3A_105, %dma_wait3A_107, %dma_wait3A_108, %dma_wait3A_109] : memref<4x6x8x128xf32, #tpu.memory_space<vmem>> -> memref<1x6x8x128xf32, #tpu.memory_space<vmem>>
    %dma_wait3A_111 = tpu.memref_squeeze %dma_wait3A_110 : memref<1x6x8x128xf32, #tpu.memory_space<vmem>> -> memref<6x8x128xf32, #tpu.memory_space<vmem>>
    %dma_wait3A_112 = arith.constant 0 : i32
    %dma_wait3A_113 = arith.constant 0 : i32
    %dma_wait3A_114 = arith.constant 0 : i32
    %dma_wait3A_115 = tpu.memref_slice %arg3[%add3A_39, %dma_wait3A_106, %dma_wait3A_112, %dma_wait3A_113, %dma_wait3A_114] : memref<1024x8x6x8x128xf32, #tpu.memory_space<hbm>> -> memref<1x1x6x8x128xf32, #tpu.memory_space<hbm>>
    %dma_wait3A_116 = tpu.memref_squeeze %dma_wait3A_115 : memref<1x1x6x8x128xf32, #tpu.memory_space<hbm>> -> memref<6x8x128xf32, #tpu.memory_space<hbm>>
    %dma_wait3A_117 = arith.constant 0 : i32
    %dma_wait3A_118 = arith.constant 0 : i32
    %dma_wait3A_119 = arith.constant 0 : i32
    %dma_wait3A_120 = tpu.memref_slice %arg3[%add3A_39, %dma_wait3A_106, %dma_wait3A_117, %dma_wait3A_118, %dma_wait3A_119] : memref<1024x8x6x8x128xf32, #tpu.memory_space<hbm>> -> memref<1x1x6x8x128xf32, #tpu.memory_space<hbm>>
    %dma_wait3A_121 = tpu.memref_squeeze %dma_wait3A_120 : memref<1x1x6x8x128xf32, #tpu.memory_space<hbm>> -> memref<6x8x128xf32, #tpu.memory_space<hbm>>
    %dma_wait3A_122 = arith.constant 0 : i32
    %dma_wait3A_123 = arith.constant 0 : i32
    %dma_wait3A_124 = arith.constant 0 : i32
    %dma_wait3A_125 = tpu.memref_slice %arg6[%dma_wait3A_105, %dma_wait3A_122, %dma_wait3A_123, %dma_wait3A_124] : memref<4x6x8x128xf32, #tpu.memory_space<vmem>> -> memref<1x6x8x128xf32, #tpu.memory_space<vmem>>
    %dma_wait3A_126 = tpu.memref_squeeze %dma_wait3A_125 : memref<1x6x8x128xf32, #tpu.memory_space<vmem>> -> memref<6x8x128xf32, #tpu.memory_space<vmem>>
    tpu.wait_dma2 semaphore(%arg10 : memref<!tpu.dma_semaphore, #tpu.memory_space<semaphore_mem>>) src(%dma_wait3A_126 : memref<6x8x128xf32, #tpu.memory_space<vmem>>) dst(%dma_wait3A_121 : memref<6x8x128xf32, #tpu.memory_space<hbm>>)
    %dma_wait3A_127 = arith.constant 2 : i32
    %dma_wait3A_128 = arith.constant 4 : i32
    %dma_wait3A_129 = arith.constant 0 : i32
    %dma_wait3A_130 = arith.constant 0 : i32
    %dma_wait3A_131 = arith.constant 0 : i32
    %dma_wait3A_132 = tpu.memref_slice %arg6[%dma_wait3A_127, %dma_wait3A_129, %dma_wait3A_130, %dma_wait3A_131] : memref<4x6x8x128xf32, #tpu.memory_space<vmem>> -> memref<1x6x8x128xf32, #tpu.memory_space<vmem>>
    %dma_wait3A_133 = tpu.memref_squeeze %dma_wait3A_132 : memref<1x6x8x128xf32, #tpu.memory_space<vmem>> -> memref<6x8x128xf32, #tpu.memory_space<vmem>>
    %dma_wait3A_134 = arith.constant 0 : i32
    %dma_wait3A_135 = arith.constant 0 : i32
    %dma_wait3A_136 = arith.constant 0 : i32
    %dma_wait3A_137 = tpu.memref_slice %arg3[%add3A_39, %dma_wait3A_128, %dma_wait3A_134, %dma_wait3A_135, %dma_wait3A_136] : memref<1024x8x6x8x128xf32, #tpu.memory_space<hbm>> -> memref<1x1x6x8x128xf32, #tpu.memory_space<hbm>>
    %dma_wait3A_138 = tpu.memref_squeeze %dma_wait3A_137 : memref<1x1x6x8x128xf32, #tpu.memory_space<hbm>> -> memref<6x8x128xf32, #tpu.memory_space<hbm>>
    %dma_wait3A_139 = arith.constant 0 : i32
    %dma_wait3A_140 = arith.constant 0 : i32
    %dma_wait3A_141 = arith.constant 0 : i32
    %dma_wait3A_142 = tpu.memref_slice %arg3[%add3A_39, %dma_wait3A_128, %dma_wait3A_139, %dma_wait3A_140, %dma_wait3A_141] : memref<1024x8x6x8x128xf32, #tpu.memory_space<hbm>> -> memref<1x1x6x8x128xf32, #tpu.memory_space<hbm>>
    %dma_wait3A_143 = tpu.memref_squeeze %dma_wait3A_142 : memref<1x1x6x8x128xf32, #tpu.memory_space<hbm>> -> memref<6x8x128xf32, #tpu.memory_space<hbm>>
    %dma_wait3A_144 = arith.constant 0 : i32
    %dma_wait3A_145 = arith.constant 0 : i32
    %dma_wait3A_146 = arith.constant 0 : i32
    %dma_wait3A_147 = tpu.memref_slice %arg6[%dma_wait3A_127, %dma_wait3A_144, %dma_wait3A_145, %dma_wait3A_146] : memref<4x6x8x128xf32, #tpu.memory_space<vmem>> -> memref<1x6x8x128xf32, #tpu.memory_space<vmem>>
    %dma_wait3A_148 = tpu.memref_squeeze %dma_wait3A_147 : memref<1x6x8x128xf32, #tpu.memory_space<vmem>> -> memref<6x8x128xf32, #tpu.memory_space<vmem>>
    tpu.wait_dma2 semaphore(%arg10 : memref<!tpu.dma_semaphore, #tpu.memory_space<semaphore_mem>>) src(%dma_wait3A_148 : memref<6x8x128xf32, #tpu.memory_space<vmem>>) dst(%dma_wait3A_143 : memref<6x8x128xf32, #tpu.memory_space<hbm>>)
    %dma_wait3A_149 = arith.constant 2 : i32
    %dma_wait3A_150 = arith.constant 5 : i32
    %dma_wait3A_151 = arith.constant 0 : i32
    %dma_wait3A_152 = arith.constant 0 : i32
    %dma_wait3A_153 = arith.constant 0 : i32
    %dma_wait3A_154 = tpu.memref_slice %arg6[%dma_wait3A_149, %dma_wait3A_151, %dma_wait3A_152, %dma_wait3A_153] : memref<4x6x8x128xf32, #tpu.memory_space<vmem>> -> memref<1x6x8x128xf32, #tpu.memory_space<vmem>>
    %dma_wait3A_155 = tpu.memref_squeeze %dma_wait3A_154 : memref<1x6x8x128xf32, #tpu.memory_space<vmem>> -> memref<6x8x128xf32, #tpu.memory_space<vmem>>
    %dma_wait3A_156 = arith.constant 0 : i32
    %dma_wait3A_157 = arith.constant 0 : i32
    %dma_wait3A_158 = arith.constant 0 : i32
    %dma_wait3A_159 = tpu.memref_slice %arg3[%add3A_39, %dma_wait3A_150, %dma_wait3A_156, %dma_wait3A_157, %dma_wait3A_158] : memref<1024x8x6x8x128xf32, #tpu.memory_space<hbm>> -> memref<1x1x6x8x128xf32, #tpu.memory_space<hbm>>
    %dma_wait3A_160 = tpu.memref_squeeze %dma_wait3A_159 : memref<1x1x6x8x128xf32, #tpu.memory_space<hbm>> -> memref<6x8x128xf32, #tpu.memory_space<hbm>>
    %dma_wait3A_161 = arith.constant 0 : i32
    %dma_wait3A_162 = arith.constant 0 : i32
    %dma_wait3A_163 = arith.constant 0 : i32
    %dma_wait3A_164 = tpu.memref_slice %arg3[%add3A_39, %dma_wait3A_150, %dma_wait3A_161, %dma_wait3A_162, %dma_wait3A_163] : memref<1024x8x6x8x128xf32, #tpu.memory_space<hbm>> -> memref<1x1x6x8x128xf32, #tpu.memory_space<hbm>>
    %dma_wait3A_165 = tpu.memref_squeeze %dma_wait3A_164 : memref<1x1x6x8x128xf32, #tpu.memory_space<hbm>> -> memref<6x8x128xf32, #tpu.memory_space<hbm>>
    %dma_wait3A_166 = arith.constant 0 : i32
    %dma_wait3A_167 = arith.constant 0 : i32
    %dma_wait3A_168 = arith.constant 0 : i32
    %dma_wait3A_169 = tpu.memref_slice %arg6[%dma_wait3A_149, %dma_wait3A_166, %dma_wait3A_167, %dma_wait3A_168] : memref<4x6x8x128xf32, #tpu.memory_space<vmem>> -> memref<1x6x8x128xf32, #tpu.memory_space<vmem>>
    %dma_wait3A_170 = tpu.memref_squeeze %dma_wait3A_169 : memref<1x6x8x128xf32, #tpu.memory_space<vmem>> -> memref<6x8x128xf32, #tpu.memory_space<vmem>>
    tpu.wait_dma2 semaphore(%arg10 : memref<!tpu.dma_semaphore, #tpu.memory_space<semaphore_mem>>) src(%dma_wait3A_170 : memref<6x8x128xf32, #tpu.memory_space<vmem>>) dst(%dma_wait3A_165 : memref<6x8x128xf32, #tpu.memory_space<hbm>>)
    %dma_wait3A_171 = arith.constant 3 : i32
    %dma_wait3A_172 = arith.constant 6 : i32
    %dma_wait3A_173 = arith.constant 0 : i32
    %dma_wait3A_174 = arith.constant 0 : i32
    %dma_wait3A_175 = arith.constant 0 : i32
    %dma_wait3A_176 = tpu.memref_slice %arg6[%dma_wait3A_171, %dma_wait3A_173, %dma_wait3A_174, %dma_wait3A_175] : memref<4x6x8x128xf32, #tpu.memory_space<vmem>> -> memref<1x6x8x128xf32, #tpu.memory_space<vmem>>
    %dma_wait3A_177 = tpu.memref_squeeze %dma_wait3A_176 : memref<1x6x8x128xf32, #tpu.memory_space<vmem>> -> memref<6x8x128xf32, #tpu.memory_space<vmem>>
    %dma_wait3A_178 = arith.constant 0 : i32
    %dma_wait3A_179 = arith.constant 0 : i32
    %dma_wait3A_180 = arith.constant 0 : i32
    %dma_wait3A_181 = tpu.memref_slice %arg3[%add3A_39, %dma_wait3A_172, %dma_wait3A_178, %dma_wait3A_179, %dma_wait3A_180] : memref<1024x8x6x8x128xf32, #tpu.memory_space<hbm>> -> memref<1x1x6x8x128xf32, #tpu.memory_space<hbm>>
    %dma_wait3A_182 = tpu.memref_squeeze %dma_wait3A_181 : memref<1x1x6x8x128xf32, #tpu.memory_space<hbm>> -> memref<6x8x128xf32, #tpu.memory_space<hbm>>
    %dma_wait3A_183 = arith.constant 0 : i32
    %dma_wait3A_184 = arith.constant 0 : i32
    %dma_wait3A_185 = arith.constant 0 : i32
    %dma_wait3A_186 = tpu.memref_slice %arg3[%add3A_39, %dma_wait3A_172, %dma_wait3A_183, %dma_wait3A_184, %dma_wait3A_185] : memref<1024x8x6x8x128xf32, #tpu.memory_space<hbm>> -> memref<1x1x6x8x128xf32, #tpu.memory_space<hbm>>
    %dma_wait3A_187 = tpu.memref_squeeze %dma_wait3A_186 : memref<1x1x6x8x128xf32, #tpu.memory_space<hbm>> -> memref<6x8x128xf32, #tpu.memory_space<hbm>>
    %dma_wait3A_188 = arith.constant 0 : i32
    %dma_wait3A_189 = arith.constant 0 : i32
    %dma_wait3A_190 = arith.constant 0 : i32
    %dma_wait3A_191 = tpu.memref_slice %arg6[%dma_wait3A_171, %dma_wait3A_188, %dma_wait3A_189, %dma_wait3A_190] : memref<4x6x8x128xf32, #tpu.memory_space<vmem>> -> memref<1x6x8x128xf32, #tpu.memory_space<vmem>>
    %dma_wait3A_192 = tpu.memref_squeeze %dma_wait3A_191 : memref<1x6x8x128xf32, #tpu.memory_space<vmem>> -> memref<6x8x128xf32, #tpu.memory_space<vmem>>
    tpu.wait_dma2 semaphore(%arg10 : memref<!tpu.dma_semaphore, #tpu.memory_space<semaphore_mem>>) src(%dma_wait3A_192 : memref<6x8x128xf32, #tpu.memory_space<vmem>>) dst(%dma_wait3A_187 : memref<6x8x128xf32, #tpu.memory_space<hbm>>)
    %dma_wait3A_193 = arith.constant 3 : i32
    %dma_wait3A_194 = arith.constant 7 : i32
    %dma_wait3A_195 = arith.constant 0 : i32
    %dma_wait3A_196 = arith.constant 0 : i32
    %dma_wait3A_197 = arith.constant 0 : i32
    %dma_wait3A_198 = tpu.memref_slice %arg6[%dma_wait3A_193, %dma_wait3A_195, %dma_wait3A_196, %dma_wait3A_197] : memref<4x6x8x128xf32, #tpu.memory_space<vmem>> -> memref<1x6x8x128xf32, #tpu.memory_space<vmem>>
    %dma_wait3A_199 = tpu.memref_squeeze %dma_wait3A_198 : memref<1x6x8x128xf32, #tpu.memory_space<vmem>> -> memref<6x8x128xf32, #tpu.memory_space<vmem>>
    %dma_wait3A_200 = arith.constant 0 : i32
    %dma_wait3A_201 = arith.constant 0 : i32
    %dma_wait3A_202 = arith.constant 0 : i32
    %dma_wait3A_203 = tpu.memref_slice %arg3[%add3A_39, %dma_wait3A_194, %dma_wait3A_200, %dma_wait3A_201, %dma_wait3A_202] : memref<1024x8x6x8x128xf32, #tpu.memory_space<hbm>> -> memref<1x1x6x8x128xf32, #tpu.memory_space<hbm>>
    %dma_wait3A_204 = tpu.memref_squeeze %dma_wait3A_203 : memref<1x1x6x8x128xf32, #tpu.memory_space<hbm>> -> memref<6x8x128xf32, #tpu.memory_space<hbm>>
    %dma_wait3A_205 = arith.constant 0 : i32
    %dma_wait3A_206 = arith.constant 0 : i32
    %dma_wait3A_207 = arith.constant 0 : i32
    %dma_wait3A_208 = tpu.memref_slice %arg3[%add3A_39, %dma_wait3A_194, %dma_wait3A_205, %dma_wait3A_206, %dma_wait3A_207] : memref<1024x8x6x8x128xf32, #tpu.memory_space<hbm>> -> memref<1x1x6x8x128xf32, #tpu.memory_space<hbm>>
    %dma_wait3A_209 = tpu.memref_squeeze %dma_wait3A_208 : memref<1x1x6x8x128xf32, #tpu.memory_space<hbm>> -> memref<6x8x128xf32, #tpu.memory_space<hbm>>
    %dma_wait3A_210 = arith.constant 0 : i32
    %dma_wait3A_211 = arith.constant 0 : i32
    %dma_wait3A_212 = arith.constant 0 : i32
    %dma_wait3A_213 = tpu.memref_slice %arg6[%dma_wait3A_193, %dma_wait3A_210, %dma_wait3A_211, %dma_wait3A_212] : memref<4x6x8x128xf32, #tpu.memory_space<vmem>> -> memref<1x6x8x128xf32, #tpu.memory_space<vmem>>
    %dma_wait3A_214 = tpu.memref_squeeze %dma_wait3A_213 : memref<1x6x8x128xf32, #tpu.memory_space<vmem>> -> memref<6x8x128xf32, #tpu.memory_space<vmem>>
    tpu.wait_dma2 semaphore(%arg10 : memref<!tpu.dma_semaphore, #tpu.memory_space<semaphore_mem>>) src(%dma_wait3A_214 : memref<6x8x128xf32, #tpu.memory_space<vmem>>) dst(%dma_wait3A_209 : memref<6x8x128xf32, #tpu.memory_space<hbm>>)
    %add3A_215 = arith.constant 32 : i32
    %add3A_216 = arith.addi %mul3A_2, %add3A_215 : i32
    %sub3A_217 = arith.constant 2 : i32
    %sub3A_218 = arith.subi %add3A_216, %sub3A_217 : i32
    %add3A_219 = arith.constant 1 : i32
    %add3A_220 = arith.addi %sub3A_218, %add3A_219 : i32
    %dma_wait3A_221 = arith.constant 0 : i32
    %dma_wait3A_222 = arith.constant 0 : i32
    %dma_wait3A_223 = arith.constant 0 : i32
    %dma_wait3A_224 = arith.constant 0 : i32
    %dma_wait3A_225 = arith.constant 0 : i32
    %dma_wait3A_226 = tpu.memref_slice %arg7[%dma_wait3A_221, %dma_wait3A_223, %dma_wait3A_224, %dma_wait3A_225] : memref<4x6x8x128xf32, #tpu.memory_space<vmem>> -> memref<1x6x8x128xf32, #tpu.memory_space<vmem>>
    %dma_wait3A_227 = tpu.memref_squeeze %dma_wait3A_226 : memref<1x6x8x128xf32, #tpu.memory_space<vmem>> -> memref<6x8x128xf32, #tpu.memory_space<vmem>>
    %dma_wait3A_228 = arith.constant 0 : i32
    %dma_wait3A_229 = arith.constant 0 : i32
    %dma_wait3A_230 = arith.constant 0 : i32
    %dma_wait3A_231 = tpu.memref_slice %arg3[%add3A_220, %dma_wait3A_222, %dma_wait3A_228, %dma_wait3A_229, %dma_wait3A_230] : memref<1024x8x6x8x128xf32, #tpu.memory_space<hbm>> -> memref<1x1x6x8x128xf32, #tpu.memory_space<hbm>>
    %dma_wait3A_232 = tpu.memref_squeeze %dma_wait3A_231 : memref<1x1x6x8x128xf32, #tpu.memory_space<hbm>> -> memref<6x8x128xf32, #tpu.memory_space<hbm>>
    %dma_wait3A_233 = arith.constant 0 : i32
    %dma_wait3A_234 = arith.constant 0 : i32
    %dma_wait3A_235 = arith.constant 0 : i32
    %dma_wait3A_236 = tpu.memref_slice %arg3[%add3A_220, %dma_wait3A_222, %dma_wait3A_233, %dma_wait3A_234, %dma_wait3A_235] : memref<1024x8x6x8x128xf32, #tpu.memory_space<hbm>> -> memref<1x1x6x8x128xf32, #tpu.memory_space<hbm>>
    %dma_wait3A_237 = tpu.memref_squeeze %dma_wait3A_236 : memref<1x1x6x8x128xf32, #tpu.memory_space<hbm>> -> memref<6x8x128xf32, #tpu.memory_space<hbm>>
    %dma_wait3A_238 = arith.constant 0 : i32
    %dma_wait3A_239 = arith.constant 0 : i32
    %dma_wait3A_240 = arith.constant 0 : i32
    %dma_wait3A_241 = tpu.memref_slice %arg7[%dma_wait3A_221, %dma_wait3A_238, %dma_wait3A_239, %dma_wait3A_240] : memref<4x6x8x128xf32, #tpu.memory_space<vmem>> -> memref<1x6x8x128xf32, #tpu.memory_space<vmem>>
    %dma_wait3A_242 = tpu.memref_squeeze %dma_wait3A_241 : memref<1x6x8x128xf32, #tpu.memory_space<vmem>> -> memref<6x8x128xf32, #tpu.memory_space<vmem>>
    tpu.wait_dma2 semaphore(%arg11 : memref<!tpu.dma_semaphore, #tpu.memory_space<semaphore_mem>>) src(%dma_wait3A_242 : memref<6x8x128xf32, #tpu.memory_space<vmem>>) dst(%dma_wait3A_237 : memref<6x8x128xf32, #tpu.memory_space<hbm>>)
    %dma_wait3A_243 = arith.constant 0 : i32
    %dma_wait3A_244 = arith.constant 1 : i32
    %dma_wait3A_245 = arith.constant 0 : i32
    %dma_wait3A_246 = arith.constant 0 : i32
    %dma_wait3A_247 = arith.constant 0 : i32
    %dma_wait3A_248 = tpu.memref_slice %arg7[%dma_wait3A_243, %dma_wait3A_245, %dma_wait3A_246, %dma_wait3A_247] : memref<4x6x8x128xf32, #tpu.memory_space<vmem>> -> memref<1x6x8x128xf32, #tpu.memory_space<vmem>>
    %dma_wait3A_249 = tpu.memref_squeeze %dma_wait3A_248 : memref<1x6x8x128xf32, #tpu.memory_space<vmem>> -> memref<6x8x128xf32, #tpu.memory_space<vmem>>
    %dma_wait3A_250 = arith.constant 0 : i32
    %dma_wait3A_251 = arith.constant 0 : i32
    %dma_wait3A_252 = arith.constant 0 : i32
    %dma_wait3A_253 = tpu.memref_slice %arg3[%add3A_220, %dma_wait3A_244, %dma_wait3A_250, %dma_wait3A_251, %dma_wait3A_252] : memref<1024x8x6x8x128xf32, #tpu.memory_space<hbm>> -> memref<1x1x6x8x128xf32, #tpu.memory_space<hbm>>
    %dma_wait3A_254 = tpu.memref_squeeze %dma_wait3A_253 : memref<1x1x6x8x128xf32, #tpu.memory_space<hbm>> -> memref<6x8x128xf32, #tpu.memory_space<hbm>>
    %dma_wait3A_255 = arith.constant 0 : i32
    %dma_wait3A_256 = arith.constant 0 : i32
    %dma_wait3A_257 = arith.constant 0 : i32
    %dma_wait3A_258 = tpu.memref_slice %arg3[%add3A_220, %dma_wait3A_244, %dma_wait3A_255, %dma_wait3A_256, %dma_wait3A_257] : memref<1024x8x6x8x128xf32, #tpu.memory_space<hbm>> -> memref<1x1x6x8x128xf32, #tpu.memory_space<hbm>>
    %dma_wait3A_259 = tpu.memref_squeeze %dma_wait3A_258 : memref<1x1x6x8x128xf32, #tpu.memory_space<hbm>> -> memref<6x8x128xf32, #tpu.memory_space<hbm>>
    %dma_wait3A_260 = arith.constant 0 : i32
    %dma_wait3A_261 = arith.constant 0 : i32
    %dma_wait3A_262 = arith.constant 0 : i32
    %dma_wait3A_263 = tpu.memref_slice %arg7[%dma_wait3A_243, %dma_wait3A_260, %dma_wait3A_261, %dma_wait3A_262] : memref<4x6x8x128xf32, #tpu.memory_space<vmem>> -> memref<1x6x8x128xf32, #tpu.memory_space<vmem>>
    %dma_wait3A_264 = tpu.memref_squeeze %dma_wait3A_263 : memref<1x6x8x128xf32, #tpu.memory_space<vmem>> -> memref<6x8x128xf32, #tpu.memory_space<vmem>>
    tpu.wait_dma2 semaphore(%arg11 : memref<!tpu.dma_semaphore, #tpu.memory_space<semaphore_mem>>) src(%dma_wait3A_264 : memref<6x8x128xf32, #tpu.memory_space<vmem>>) dst(%dma_wait3A_259 : memref<6x8x128xf32, #tpu.memory_space<hbm>>)
    %dma_wait3A_265 = arith.constant 1 : i32
    %dma_wait3A_266 = arith.constant 2 : i32
    %dma_wait3A_267 = arith.constant 0 : i32
    %dma_wait3A_268 = arith.constant 0 : i32
    %dma_wait3A_269 = arith.constant 0 : i32
    %dma_wait3A_270 = tpu.memref_slice %arg7[%dma_wait3A_265, %dma_wait3A_267, %dma_wait3A_268, %dma_wait3A_269] : memref<4x6x8x128xf32, #tpu.memory_space<vmem>> -> memref<1x6x8x128xf32, #tpu.memory_space<vmem>>
    %dma_wait3A_271 = tpu.memref_squeeze %dma_wait3A_270 : memref<1x6x8x128xf32, #tpu.memory_space<vmem>> -> memref<6x8x128xf32, #tpu.memory_space<vmem>>
    %dma_wait3A_272 = arith.constant 0 : i32
    %dma_wait3A_273 = arith.constant 0 : i32
    %dma_wait3A_274 = arith.constant 0 : i32
    %dma_wait3A_275 = tpu.memref_slice %arg3[%add3A_220, %dma_wait3A_266, %dma_wait3A_272, %dma_wait3A_273, %dma_wait3A_274] : memref<1024x8x6x8x128xf32, #tpu.memory_space<hbm>> -> memref<1x1x6x8x128xf32, #tpu.memory_space<hbm>>
    %dma_wait3A_276 = tpu.memref_squeeze %dma_wait3A_275 : memref<1x1x6x8x128xf32, #tpu.memory_space<hbm>> -> memref<6x8x128xf32, #tpu.memory_space<hbm>>
    %dma_wait3A_277 = arith.constant 0 : i32
    %dma_wait3A_278 = arith.constant 0 : i32
    %dma_wait3A_279 = arith.constant 0 : i32
    %dma_wait3A_280 = tpu.memref_slice %arg3[%add3A_220, %dma_wait3A_266, %dma_wait3A_277, %dma_wait3A_278, %dma_wait3A_279] : memref<1024x8x6x8x128xf32, #tpu.memory_space<hbm>> -> memref<1x1x6x8x128xf32, #tpu.memory_space<hbm>>
    %dma_wait3A_281 = tpu.memref_squeeze %dma_wait3A_280 : memref<1x1x6x8x128xf32, #tpu.memory_space<hbm>> -> memref<6x8x128xf32, #tpu.memory_space<hbm>>
    %dma_wait3A_282 = arith.constant 0 : i32
    %dma_wait3A_283 = arith.constant 0 : i32
    %dma_wait3A_284 = arith.constant 0 : i32
    %dma_wait3A_285 = tpu.memref_slice %arg7[%dma_wait3A_265, %dma_wait3A_282, %dma_wait3A_283, %dma_wait3A_284] : memref<4x6x8x128xf32, #tpu.memory_space<vmem>> -> memref<1x6x8x128xf32, #tpu.memory_space<vmem>>
    %dma_wait3A_286 = tpu.memref_squeeze %dma_wait3A_285 : memref<1x6x8x128xf32, #tpu.memory_space<vmem>> -> memref<6x8x128xf32, #tpu.memory_space<vmem>>
    tpu.wait_dma2 semaphore(%arg11 : memref<!tpu.dma_semaphore, #tpu.memory_space<semaphore_mem>>) src(%dma_wait3A_286 : memref<6x8x128xf32, #tpu.memory_space<vmem>>) dst(%dma_wait3A_281 : memref<6x8x128xf32, #tpu.memory_space<hbm>>)
    %dma_wait3A_287 = arith.constant 1 : i32
    %dma_wait3A_288 = arith.constant 3 : i32
    %dma_wait3A_289 = arith.constant 0 : i32
    %dma_wait3A_290 = arith.constant 0 : i32
    %dma_wait3A_291 = arith.constant 0 : i32
    %dma_wait3A_292 = tpu.memref_slice %arg7[%dma_wait3A_287, %dma_wait3A_289, %dma_wait3A_290, %dma_wait3A_291] : memref<4x6x8x128xf32, #tpu.memory_space<vmem>> -> memref<1x6x8x128xf32, #tpu.memory_space<vmem>>
    %dma_wait3A_293 = tpu.memref_squeeze %dma_wait3A_292 : memref<1x6x8x128xf32, #tpu.memory_space<vmem>> -> memref<6x8x128xf32, #tpu.memory_space<vmem>>
    %dma_wait3A_294 = arith.constant 0 : i32
    %dma_wait3A_295 = arith.constant 0 : i32
    %dma_wait3A_296 = arith.constant 0 : i32
    %dma_wait3A_297 = tpu.memref_slice %arg3[%add3A_220, %dma_wait3A_288, %dma_wait3A_294, %dma_wait3A_295, %dma_wait3A_296] : memref<1024x8x6x8x128xf32, #tpu.memory_space<hbm>> -> memref<1x1x6x8x128xf32, #tpu.memory_space<hbm>>
    %dma_wait3A_298 = tpu.memref_squeeze %dma_wait3A_297 : memref<1x1x6x8x128xf32, #tpu.memory_space<hbm>> -> memref<6x8x128xf32, #tpu.memory_space<hbm>>
    %dma_wait3A_299 = arith.constant 0 : i32
    %dma_wait3A_300 = arith.constant 0 : i32
    %dma_wait3A_301 = arith.constant 0 : i32
    %dma_wait3A_302 = tpu.memref_slice %arg3[%add3A_220, %dma_wait3A_288, %dma_wait3A_299, %dma_wait3A_300, %dma_wait3A_301] : memref<1024x8x6x8x128xf32, #tpu.memory_space<hbm>> -> memref<1x1x6x8x128xf32, #tpu.memory_space<hbm>>
    %dma_wait3A_303 = tpu.memref_squeeze %dma_wait3A_302 : memref<1x1x6x8x128xf32, #tpu.memory_space<hbm>> -> memref<6x8x128xf32, #tpu.memory_space<hbm>>
    %dma_wait3A_304 = arith.constant 0 : i32
    %dma_wait3A_305 = arith.constant 0 : i32
    %dma_wait3A_306 = arith.constant 0 : i32
    %dma_wait3A_307 = tpu.memref_slice %arg7[%dma_wait3A_287, %dma_wait3A_304, %dma_wait3A_305, %dma_wait3A_306] : memref<4x6x8x128xf32, #tpu.memory_space<vmem>> -> memref<1x6x8x128xf32, #tpu.memory_space<vmem>>
    %dma_wait3A_308 = tpu.memref_squeeze %dma_wait3A_307 : memref<1x6x8x128xf32, #tpu.memory_space<vmem>> -> memref<6x8x128xf32, #tpu.memory_space<vmem>>
    tpu.wait_dma2 semaphore(%arg11 : memref<!tpu.dma_semaphore, #tpu.memory_space<semaphore_mem>>) src(%dma_wait3A_308 : memref<6x8x128xf32, #tpu.memory_space<vmem>>) dst(%dma_wait3A_303 : memref<6x8x128xf32, #tpu.memory_space<hbm>>)
    %dma_wait3A_309 = arith.constant 2 : i32
    %dma_wait3A_310 = arith.constant 4 : i32
    %dma_wait3A_311 = arith.constant 0 : i32
    %dma_wait3A_312 = arith.constant 0 : i32
    %dma_wait3A_313 = arith.constant 0 : i32
    %dma_wait3A_314 = tpu.memref_slice %arg7[%dma_wait3A_309, %dma_wait3A_311, %dma_wait3A_312, %dma_wait3A_313] : memref<4x6x8x128xf32, #tpu.memory_space<vmem>> -> memref<1x6x8x128xf32, #tpu.memory_space<vmem>>
    %dma_wait3A_315 = tpu.memref_squeeze %dma_wait3A_314 : memref<1x6x8x128xf32, #tpu.memory_space<vmem>> -> memref<6x8x128xf32, #tpu.memory_space<vmem>>
    %dma_wait3A_316 = arith.constant 0 : i32
    %dma_wait3A_317 = arith.constant 0 : i32
    %dma_wait3A_318 = arith.constant 0 : i32
    %dma_wait3A_319 = tpu.memref_slice %arg3[%add3A_220, %dma_wait3A_310, %dma_wait3A_316, %dma_wait3A_317, %dma_wait3A_318] : memref<1024x8x6x8x128xf32, #tpu.memory_space<hbm>> -> memref<1x1x6x8x128xf32, #tpu.memory_space<hbm>>
    %dma_wait3A_320 = tpu.memref_squeeze %dma_wait3A_319 : memref<1x1x6x8x128xf32, #tpu.memory_space<hbm>> -> memref<6x8x128xf32, #tpu.memory_space<hbm>>
    %dma_wait3A_321 = arith.constant 0 : i32
    %dma_wait3A_322 = arith.constant 0 : i32
    %dma_wait3A_323 = arith.constant 0 : i32
    %dma_wait3A_324 = tpu.memref_slice %arg3[%add3A_220, %dma_wait3A_310, %dma_wait3A_321, %dma_wait3A_322, %dma_wait3A_323] : memref<1024x8x6x8x128xf32, #tpu.memory_space<hbm>> -> memref<1x1x6x8x128xf32, #tpu.memory_space<hbm>>
    %dma_wait3A_325 = tpu.memref_squeeze %dma_wait3A_324 : memref<1x1x6x8x128xf32, #tpu.memory_space<hbm>> -> memref<6x8x128xf32, #tpu.memory_space<hbm>>
    %dma_wait3A_326 = arith.constant 0 : i32
    %dma_wait3A_327 = arith.constant 0 : i32
    %dma_wait3A_328 = arith.constant 0 : i32
    %dma_wait3A_329 = tpu.memref_slice %arg7[%dma_wait3A_309, %dma_wait3A_326, %dma_wait3A_327, %dma_wait3A_328] : memref<4x6x8x128xf32, #tpu.memory_space<vmem>> -> memref<1x6x8x128xf32, #tpu.memory_space<vmem>>
    %dma_wait3A_330 = tpu.memref_squeeze %dma_wait3A_329 : memref<1x6x8x128xf32, #tpu.memory_space<vmem>> -> memref<6x8x128xf32, #tpu.memory_space<vmem>>
    tpu.wait_dma2 semaphore(%arg11 : memref<!tpu.dma_semaphore, #tpu.memory_space<semaphore_mem>>) src(%dma_wait3A_330 : memref<6x8x128xf32, #tpu.memory_space<vmem>>) dst(%dma_wait3A_325 : memref<6x8x128xf32, #tpu.memory_space<hbm>>)
    %dma_wait3A_331 = arith.constant 2 : i32
    %dma_wait3A_332 = arith.constant 5 : i32
    %dma_wait3A_333 = arith.constant 0 : i32
    %dma_wait3A_334 = arith.constant 0 : i32
    %dma_wait3A_335 = arith.constant 0 : i32
    %dma_wait3A_336 = tpu.memref_slice %arg7[%dma_wait3A_331, %dma_wait3A_333, %dma_wait3A_334, %dma_wait3A_335] : memref<4x6x8x128xf32, #tpu.memory_space<vmem>> -> memref<1x6x8x128xf32, #tpu.memory_space<vmem>>
    %dma_wait3A_337 = tpu.memref_squeeze %dma_wait3A_336 : memref<1x6x8x128xf32, #tpu.memory_space<vmem>> -> memref<6x8x128xf32, #tpu.memory_space<vmem>>
    %dma_wait3A_338 = arith.constant 0 : i32
    %dma_wait3A_339 = arith.constant 0 : i32
    %dma_wait3A_340 = arith.constant 0 : i32
    %dma_wait3A_341 = tpu.memref_slice %arg3[%add3A_220, %dma_wait3A_332, %dma_wait3A_338, %dma_wait3A_339, %dma_wait3A_340] : memref<1024x8x6x8x128xf32, #tpu.memory_space<hbm>> -> memref<1x1x6x8x128xf32, #tpu.memory_space<hbm>>
    %dma_wait3A_342 = tpu.memref_squeeze %dma_wait3A_341 : memref<1x1x6x8x128xf32, #tpu.memory_space<hbm>> -> memref<6x8x128xf32, #tpu.memory_space<hbm>>
    %dma_wait3A_343 = arith.constant 0 : i32
    %dma_wait3A_344 = arith.constant 0 : i32
    %dma_wait3A_345 = arith.constant 0 : i32
    %dma_wait3A_346 = tpu.memref_slice %arg3[%add3A_220, %dma_wait3A_332, %dma_wait3A_343, %dma_wait3A_344, %dma_wait3A_345] : memref<1024x8x6x8x128xf32, #tpu.memory_space<hbm>> -> memref<1x1x6x8x128xf32, #tpu.memory_space<hbm>>
    %dma_wait3A_347 = tpu.memref_squeeze %dma_wait3A_346 : memref<1x1x6x8x128xf32, #tpu.memory_space<hbm>> -> memref<6x8x128xf32, #tpu.memory_space<hbm>>
    %dma_wait3A_348 = arith.constant 0 : i32
    %dma_wait3A_349 = arith.constant 0 : i32
    %dma_wait3A_350 = arith.constant 0 : i32
    %dma_wait3A_351 = tpu.memref_slice %arg7[%dma_wait3A_331, %dma_wait3A_348, %dma_wait3A_349, %dma_wait3A_350] : memref<4x6x8x128xf32, #tpu.memory_space<vmem>> -> memref<1x6x8x128xf32, #tpu.memory_space<vmem>>
    %dma_wait3A_352 = tpu.memref_squeeze %dma_wait3A_351 : memref<1x6x8x128xf32, #tpu.memory_space<vmem>> -> memref<6x8x128xf32, #tpu.memory_space<vmem>>
    tpu.wait_dma2 semaphore(%arg11 : memref<!tpu.dma_semaphore, #tpu.memory_space<semaphore_mem>>) src(%dma_wait3A_352 : memref<6x8x128xf32, #tpu.memory_space<vmem>>) dst(%dma_wait3A_347 : memref<6x8x128xf32, #tpu.memory_space<hbm>>)
    %dma_wait3A_353 = arith.constant 3 : i32
    %dma_wait3A_354 = arith.constant 6 : i32
    %dma_wait3A_355 = arith.constant 0 : i32
    %dma_wait3A_356 = arith.constant 0 : i32
    %dma_wait3A_357 = arith.constant 0 : i32
    %dma_wait3A_358 = tpu.memref_slice %arg7[%dma_wait3A_353, %dma_wait3A_355, %dma_wait3A_356, %dma_wait3A_357] : memref<4x6x8x128xf32, #tpu.memory_space<vmem>> -> memref<1x6x8x128xf32, #tpu.memory_space<vmem>>
    %dma_wait3A_359 = tpu.memref_squeeze %dma_wait3A_358 : memref<1x6x8x128xf32, #tpu.memory_space<vmem>> -> memref<6x8x128xf32, #tpu.memory_space<vmem>>
    %dma_wait3A_360 = arith.constant 0 : i32
    %dma_wait3A_361 = arith.constant 0 : i32
    %dma_wait3A_362 = arith.constant 0 : i32
    %dma_wait3A_363 = tpu.memref_slice %arg3[%add3A_220, %dma_wait3A_354, %dma_wait3A_360, %dma_wait3A_361, %dma_wait3A_362] : memref<1024x8x6x8x128xf32, #tpu.memory_space<hbm>> -> memref<1x1x6x8x128xf32, #tpu.memory_space<hbm>>
    %dma_wait3A_364 = tpu.memref_squeeze %dma_wait3A_363 : memref<1x1x6x8x128xf32, #tpu.memory_space<hbm>> -> memref<6x8x128xf32, #tpu.memory_space<hbm>>
    %dma_wait3A_365 = arith.constant 0 : i32
    %dma_wait3A_366 = arith.constant 0 : i32
    %dma_wait3A_367 = arith.constant 0 : i32
    %dma_wait3A_368 = tpu.memref_slice %arg3[%add3A_220, %dma_wait3A_354, %dma_wait3A_365, %dma_wait3A_366, %dma_wait3A_367] : memref<1024x8x6x8x128xf32, #tpu.memory_space<hbm>> -> memref<1x1x6x8x128xf32, #tpu.memory_space<hbm>>
    %dma_wait3A_369 = tpu.memref_squeeze %dma_wait3A_368 : memref<1x1x6x8x128xf32, #tpu.memory_space<hbm>> -> memref<6x8x128xf32, #tpu.memory_space<hbm>>
    %dma_wait3A_370 = arith.constant 0 : i32
    %dma_wait3A_371 = arith.constant 0 : i32
    %dma_wait3A_372 = arith.constant 0 : i32
    %dma_wait3A_373 = tpu.memref_slice %arg7[%dma_wait3A_353, %dma_wait3A_370, %dma_wait3A_371, %dma_wait3A_372] : memref<4x6x8x128xf32, #tpu.memory_space<vmem>> -> memref<1x6x8x128xf32, #tpu.memory_space<vmem>>
    %dma_wait3A_374 = tpu.memref_squeeze %dma_wait3A_373 : memref<1x6x8x128xf32, #tpu.memory_space<vmem>> -> memref<6x8x128xf32, #tpu.memory_space<vmem>>
    tpu.wait_dma2 semaphore(%arg11 : memref<!tpu.dma_semaphore, #tpu.memory_space<semaphore_mem>>) src(%dma_wait3A_374 : memref<6x8x128xf32, #tpu.memory_space<vmem>>) dst(%dma_wait3A_369 : memref<6x8x128xf32, #tpu.memory_space<hbm>>)
    %dma_wait3A_375 = arith.constant 3 : i32
    %dma_wait3A_376 = arith.constant 7 : i32
    %dma_wait3A_377 = arith.constant 0 : i32
    %dma_wait3A_378 = arith.constant 0 : i32
    %dma_wait3A_379 = arith.constant 0 : i32
    %dma_wait3A_380 = tpu.memref_slice %arg7[%dma_wait3A_375, %dma_wait3A_377, %dma_wait3A_378, %dma_wait3A_379] : memref<4x6x8x128xf32, #tpu.memory_space<vmem>> -> memref<1x6x8x128xf32, #tpu.memory_space<vmem>>
    %dma_wait3A_381 = tpu.memref_squeeze %dma_wait3A_380 : memref<1x6x8x128xf32, #tpu.memory_space<vmem>> -> memref<6x8x128xf32, #tpu.memory_space<vmem>>
    %dma_wait3A_382 = arith.constant 0 : i32
    %dma_wait3A_383 = arith.constant 0 : i32
    %dma_wait3A_384 = arith.constant 0 : i32
    %dma_wait3A_385 = tpu.memref_slice %arg3[%add3A_220, %dma_wait3A_376, %dma_wait3A_382, %dma_wait3A_383, %dma_wait3A_384] : memref<1024x8x6x8x128xf32, #tpu.memory_space<hbm>> -> memref<1x1x6x8x128xf32, #tpu.memory_space<hbm>>
    %dma_wait3A_386 = tpu.memref_squeeze %dma_wait3A_385 : memref<1x1x6x8x128xf32, #tpu.memory_space<hbm>> -> memref<6x8x128xf32, #tpu.memory_space<hbm>>
    %dma_wait3A_387 = arith.constant 0 : i32
    %dma_wait3A_388 = arith.constant 0 : i32
    %dma_wait3A_389 = arith.constant 0 : i32
    %dma_wait3A_390 = tpu.memref_slice %arg3[%add3A_220, %dma_wait3A_376, %dma_wait3A_387, %dma_wait3A_388, %dma_wait3A_389] : memref<1024x8x6x8x128xf32, #tpu.memory_space<hbm>> -> memref<1x1x6x8x128xf32, #tpu.memory_space<hbm>>
    %dma_wait3A_391 = tpu.memref_squeeze %dma_wait3A_390 : memref<1x1x6x8x128xf32, #tpu.memory_space<hbm>> -> memref<6x8x128xf32, #tpu.memory_space<hbm>>
    %dma_wait3A_392 = arith.constant 0 : i32
    %dma_wait3A_393 = arith.constant 0 : i32
    %dma_wait3A_394 = arith.constant 0 : i32
    %dma_wait3A_395 = tpu.memref_slice %arg7[%dma_wait3A_375, %dma_wait3A_392, %dma_wait3A_393, %dma_wait3A_394] : memref<4x6x8x128xf32, #tpu.memory_space<vmem>> -> memref<1x6x8x128xf32, #tpu.memory_space<vmem>>
    %dma_wait3A_396 = tpu.memref_squeeze %dma_wait3A_395 : memref<1x6x8x128xf32, #tpu.memory_space<vmem>> -> memref<6x8x128xf32, #tpu.memory_space<vmem>>
    tpu.wait_dma2 semaphore(%arg11 : memref<!tpu.dma_semaphore, #tpu.memory_space<semaphore_mem>>) src(%dma_wait3A_396 : memref<6x8x128xf32, #tpu.memory_space<vmem>>) dst(%dma_wait3A_391 : memref<6x8x128xf32, #tpu.memory_space<hbm>>)
    return
  }
}

</mosaic_0001>

<sc_bundles>
// kernel: kernel.3.cloned.1.call-start
scs
__scs_entry_jumppad:
0x0: {  	(pc) =	sbr.rel $0x88, $3  }
0x1: {  	(tag) =	ssettag $0x0;
	lr =	simm.s32 $0x1  }
0x2: {  	[smem:$0x3FA0] =	sst lr;
	_ =	strace $0xD0000000  }
0x3: {  	_ = 	snop  }
0x4: {  	_ = 	snop  }
0x5: {  	_ = 	snop  }
0x6: {  	_ = 	snop  }
0x7: {  	_ = 	snop  }
__scs_overlays_trampoline_lowered:
0x8: {  	[smem:$0x3FAF] =	sst s0  }
0x9: {  	[smem:$0x3FB0] =	sst s1  }
0xa: {  	[smem:$0x3FB1] =	sst s2  }
0xb: {  	[smem:$0x3FB2] =	sst s3  }
0xc: {  	[smem:$0x3FB3] =	sst s4  }
0xd: {  	[smem:$0x3FB4] =	sst s5  }
0xe: {  	[smem:$0x3FB5] =	sst s6  }
0xf: {  	[smem:$0x3FB6] =	sst s7  }
0x10: {  	[smem:$0x3FB7] =	sst s8  }
0x11: {  	[smem:$0x3FB8] =	sst s9;
	s0 =	simm.s32 @!p0 $0x0  }
0x12: {  	s1 =	sld [smem:$0x3F9E];
	s0 =	simm.s32 @p0 $0x1  }
0x13: {  	[smem:$0x3FB9] =	sst s0;
	s0 =	simm.s32 @!p1 $0x0  }
0x14: {  	s2 =	sld [smem:$0x3F9D];
	s0 =	simm.s32 @p1 $0x1  }
0x15: {  	[smem:$0x3FBA] =	sst s0;
	s0 =	simm.s32 @!p2 $0x0  }
0x16: {  	s3 =	sld [smem:$0x3FDB];
	s0 =	simm.s32 @p2 $0x1  }
0x17: {  	s4 =	simm.s32 $0x1BF5;
	[smem:$0x3FBC] =	sst s0  }
0x18: {  	s0 =	sld [smem:$0x3F9F];
	_ =	swait.ge [sflag:s4], $0x0  }
0x19: {  	s7 =	sld [smem:$0x3FA0]  }
0x1a: {  	s8 =	sadd.s32 $0xFFFFE003, lr  }
0x1b: {  	s9 =	sadd.s32 $0xFFFFFEF7, lr;
	s5 =	simm.s32 $0xFFFFFFFF;
	p2 =	slt.u32 s8, $0xFFFFF086  }
0x1c: {  	p1 =	slt.u32 s9, $0xF7A;
	s5 =	simm.s32 @!p2 $0x0  }
0x1d: {  	s5 =	simm.s32 @p1 $0x1;
	p0 =	seq.s32 s7, s2  }
0x1e: {  	s7 =	smul.u32 @!p0 $0xF7A, s2;
	p2 =	seq.s32 @!p0 s5, $0x0  }
0x1f: {  	s9 =	smul.u32 $0xF7A, s1;
	s8 =	simm.s32 @!p0 $0x1BF5;
	p2 =	por !p2, p0  }
0x20: {  	[sflag:s8] =	ssyncset.s32 @!p0 $0xFFFFF086;
	s6 =	sadd.s32 @!p0 s3, s7;
	s7 =	simm.s32 @!p0 $0x108  }
0x21: {  	s3 =	sadd.s32 s3, s9;
	s6 =	sadd.s32 @!p0 $0x88, s6;
	s7 =	simm.s32 @p2 $0x1082  }
0x22: {  	[simem:s7], [sflag:s8] =	dma.local @!p0 [hbm:s6], $0xF7A  }
0x23: {  	s9 =	sor.u32 $0xD0000000, s2;
	s6 =	simm.s32 $0x108;
	_ =	swait.ge @!p0 [sflag:s8], $0x0  }
0x24: {  	s3 =	sadd.s32 $0x88, s3;
	s6 =	simm.s32 @!p1 $0x1082;
	[sflag:s4] =	ssyncset.s32 $0xFFFFF086  }
0x25: {  	[simem:s6], [sflag:s4] =	dma.local [hbm:s3], $0xF7A  }
0x26: {  	[smem:$0x3FA0] =	sst s1;
	(tag) =	ssettag s2;
	_ =	strace s9  }
0x27: {  	s1 =	sld [smem:$0x3FB0]  }
0x28: {  	s2 =	sld [smem:$0x3FB1]  }
0x29: {  	s4 =	sld [smem:$0x3FB3]  }
0x2a: {  	p0 =	seq.s32 s5, $0x0;
	s5 =	sld [smem:$0x3FB4]  }
0x2b: {  	s6 =	sld [smem:$0x3FB5]  }
0x2c: {  	s7 =	sld [smem:$0x3FB6]  }
0x2d: {  	s3 =	simm.s32 $0x108;
	s8 =	sld [smem:$0x3FB7]  }
0x2e: {  	s3 =	simm.s32 @!p0 $0x1082;
	s9 =	sld [smem:$0x3FB8]  }
0x2f: {  	lr =	sadd.s32 s0, s3;
	s0 =	sld [smem:$0x3FAF]  }
0x30: {  	s3 =	sld [smem:$0x3FB2]  }
0x31: {  	[smem:$0x3FBB] =	sst s10  }
0x32: {  	s10 =	sld [smem:$0x3FB9];
	_ =	sdelay $0x3  }
0x33: {  	p0 =	seq.s32 s10, $0x1;
	s10 =	sld [smem:$0x3FBB];
	_ =	sdelay $0x3  }
0x34: {  	[smem:$0x3FBB] =	sst s10  }
0x35: {  	s10 =	sld [smem:$0x3FBA];
	_ =	sdelay $0x3  }
0x36: {  	p1 =	seq.s32 s10, $0x1;
	s10 =	sld [smem:$0x3FBB];
	_ =	sdelay $0x3  }
0x37: {  	[smem:$0x3FBB] =	sst s10  }
0x38: {  	s10 =	sld [smem:$0x3FBC]  }
0x39: {  	_ = 	snop;
	(pc) =	sbr.ind lr, $3  }
0x3a: {  	_ = 	snop  }
0x3b: {  	_ = 	snop  }
0x3c: {  	p2 =	seq.s32 s10, $0x1;
	s10 =	sld [smem:$0x3FBB]  }
0x3d: {  	_ =	shalt  }
0x3e: {  	_ =	shalt  }
0x3f: {  	_ =	shalt  }
0x40: {  	_ =	shalt  }
0x41: {  	_ =	shalt  }
0x42: {  	_ =	shalt  }
0x43: {  	_ =	shalt  }
0x44: {  	_ =	shalt  }
0x45: {  	_ =	shalt  }
0x46: {  	_ =	shalt  }
0x47: {  	_ =	shalt  }
0x48: {  	_ =	shalt  }
0x49: {  	_ =	shalt  }
0x4a: {  	_ =	shalt  }
0x4b: {  	_ =	shalt  }
0x4c: {  	_ =	shalt  }
0x4d: {  	_ =	shalt  }
0x4e: {  	_ =	shalt  }
0x4f: {  	_ =	shalt  }
0x50: {  	_ =	shalt  }
0x51: {  	_ =	shalt  }
0x52: {  	_ =	shalt  }
0x53: {  	_ =	shalt  }
0x54: {  	_ =	shalt  }
0x55: {  	_ =	shalt  }
0x56: {  	_ =	shalt  }
0x57: {  	_ =	shalt  }
0x58: {  	_ =	shalt  }
0x59: {  	_ =	shalt  }
0x5a: {  	_ =	shalt  }
0x5b: {  	_ =	shalt  }
0x5c: {  	_ =	shalt  }
0x5d: {  	_ =	shalt  }
0x5e: {  	_ =	shalt  }
0x5f: {  	_ =	shalt  }
0x60: {  	_ =	shalt  }
0x61: {  	_ =	shalt  }
0x62: {  	_ =	shalt  }
0x63: {  	_ =	shalt  }
0x64: {  	_ =	shalt  }
0x65: {  	_ =	shalt  }
0x66: {  	_ =	shalt  }
0x67: {  	_ =	shalt  }
0x68: {  	_ =	shalt  }
0x69: {  	_ =	shalt  }
0x6a: {  	_ =	shalt  }
0x6b: {  	_ =	shalt  }
0x6c: {  	_ =	shalt  }
0x6d: {  	_ =	shalt  }
0x6e: {  	_ =	shalt  }
0x6f: {  	_ =	shalt  }
0x70: {  	_ =	shalt  }
0x71: {  	_ =	shalt  }
0x72: {  	_ =	shalt  }
0x73: {  	_ =	shalt  }
0x74: {  	_ =	shalt  }
0x75: {  	_ =	shalt  }
0x76: {  	_ =	shalt  }
0x77: {  	_ =	shalt  }
0x78: {  	_ =	shalt  }
0x79: {  	_ =	shalt  }
0x7a: {  	_ =	shalt  }
0x7b: {  	_ =	shalt  }
0x7c: {  	_ =	shalt  }
0x7d: {  	_ =	shalt  }
0x7e: {  	_ =	shalt  }
0x7f: {  	_ =	shalt  }
0x80: {  	_ =	shalt  }
0x81: {  	_ =	shalt  }
0x82: {  	_ =	shalt  }
0x83: {  	_ =	shalt  }
0x84: {  	_ =	shalt  }
0x85: {  	_ =	shalt  }
0x86: {  	_ =	shalt  }
0x87: {  	_ =	shalt  }
.Lfunc_end0:
.L_simem_size_0:
called_computation_lowered:
.L_overlay_start_0:
0x88: {  	s2 =	sld [smem:$0x3FD9]  }
0x89: {  	s3 =	sld [smem:$0x3FFE];
	_ =	sdelay $0x1  }
0x8a: {  	s1 =	srdreg.scid  }
0x8b: {  	s0 =	sand.u32 $0x1, s1  }
0x8c: {  	s18 =	sshll.u32 s0, $0xA;
	s2 =	sadd.s32 s3, s2  }
0x8d: {  	s2 =	sadd.s32 s2, s18  }
0x8e: {  	[smem:$0x3FC7] =	sst s2  }
0x8f: {  	_ = 	snop  }
0x90: {  	s2 =	sld [smem:$0x3FC9]  }
0x91: {  	s19 =	sld [smem:$0x3FD0];
	(tm) =	ssettm $0x1  }
0x92: {  	s4 =	sld [smem:$0x3FFB];
	_ =	sdelay $0x3  }
0x93: {  	_ =	strace s4  }
0x94: {  	s4 =	sld [smem:$0x3FFC];
	_ =	sdelay $0x3  }
0x95: {  	_ =	strace s4  }
0x96: {  	s4 =	sld [smem:$0x3FFD];
	_ =	sdelay $0x3  }
0x97: {  	_ =	strace s4  }
0x98: {  	_ =	strace $0x8FFFFFFF  }
0x99: {  	s20 =	sld [smem:$0x3FDB];
	_ =	sdelay $0x1  }
0x9a: {  	s5 =	simm.s32 $_scs_section_size  }
0x9b: {  	s6 =	simm.s32 $_size__tile_overlayer_lowered;
	s7 =	simm.s32 $_tile_overlayer_lowered  }
0x9c: {  	s23 =	simm.s32 $0x1BFF;
	s22 =	sshll.u32 s7, $0x1;
	s4 =	sadd.s32 s5, s20  }
0x9d: {  	s8 =	simm.s32 $0x0;
	s21 =	sshll.u32 s6, $0x1;
	s6 =	sadd.s32 s22, s4  }
0x9e: {  	[timem:s8], [sflag:s23] =	dma.local [hbm:s6], s21  }
0x9f: {  	_ =	swait.ge [sflag:s23], s21  }
0xa0: {  	s5 =	ssub.s32 $0x0, s21;
	[sflag:s23] =	ssyncset.done $0x0  }
0xa1: {  	[sflag:s23] =	ssyncadd.s32 s5;
	_ =	sdelay $0x1  }
0xa2: {  	s24 =	simm.s32 $0x1B8B  }
0xa3: {  	_ =	swait.ge [sflag:s24], $0x1  }
0xa4: {  	[sflag:s24] =	ssyncset.done $0x0  }
0xa5: {  	s25 =	simm.s32 $0x1B8E;
	[sflag:s24] =	ssyncadd.s32 $0xFFFFFFFF  }
0xa6: {  	s26 =	simm.s32 $execute0_lowered;
	[smem:$0x3FD2] =	sst s25  }
0xa7: {  	s5 =	sshll.u32 s26, $0x1;
	_ =	strace $0x80000046;
	[dreg:$0x1] =	wrdreg $0xFFFFFFFF  }
0xa8: {  	s28 =	simm.s32 $_size_execute0_lowered;
	s4 =	sadd.s32 s4, s5;
	[dreg:$0x0] =	wrdreg $0x0  }
0xa9: {  	s5 =	sshll.u32 s28, $0x1;
	[dreg:$0x2] =	wrdreg s4  }
0xaa: {  	[dreg:$0x3] =	wrdreg s5  }
0xab: {  	[dreg:$0x4] =	wrdreg $0xC0  }
0xac: {  	_ =	task [dreg:s8], $0x5FFFF  }
0xad: {  	[dreg:$0x1] =	wrdreg $0xFFFFFFFF  }
0xae: {  	[dreg:$0x0] =	wrdreg $0x60  }
0xaf: {  	[dreg:$0x2] =	wrdreg s2  }
0xb0: {  	[dreg:$0x3] =	wrdreg s19  }
0xb1: {  	[dreg:$0x4] =	wrdreg $0x9  }
0xb2: {  	_ =	task.clear_ibuf [dreg:s8], $0x5FFFF;
	_ =	strace $0x90000046  }
0xb3: {  	s29 =	simm.s32 $0x9;
	_ =	strace $0x80000048  }
0xb4: {  	_ =	swait.ge [sflag:s29], $0x1  }
0xb5: {  	[sflag:s29] =	ssyncadd.s32 $0xFFFFFFFF  }
0xb6: {  	_ =	strace $0x90000048  }
0xb7: {  	_ =	sfence  }
0xb8: {  	s30 =	sld [smem:$0x0];
	_ =	sdelay $0x2  }
0xb9: {  	s31 =	sshll.u32 s1, $0xD;
	s1 =	sshrl.u32 s1, $0x2  }
0xba: {  	s3 =	sand.u32 $0x4000, s31;
	s1 =	sadd.s32 s1, s30  }
0xbb: {  	s0 =	sor.u32 s3, s0;
	s1 =	sshll.u32 s1, $0x11  }
0xbc: {  	s0 =	sor.u32 s1, s0  }
0xbd: {  	s0 =	sadd.s32 $0x8F2B, s0  }
0xbe: {  	[sflag:s0] =	ssyncadd.remote.s32 $0x1  }
0xbf: {  	_ =	sfence.sel $0xFFFF  }
0xc0: {  	[dreg:$0x0] =	wrdreg $0xFFFFFFFF;
	(pc) =	sbr.abs _section_cstart, $3  }
0xc1: {  	[dreg:$0x1] =	wrdreg $0xFFFFFFFF  }
0xc2: {  	_ =	task.clear_ibuf [dreg:s8], $0x2FFFF;
	_ =	strace $0x9FFFFFFF  }
0xc3: {  	(tm) =	ssettm $0x7FFFFFFF  }
tec
execute0_lowered:
.L_overlay_start_1:
0x0: {  	(tag) =	ssettag $0x1  }
0x1: {  	s0 =	srdreg.scid;
	s3 =	rddreg [dreg:$0x0]  }
0x2: {  	s1 =	stileid.u32;
	s4 =	rddreg [dreg:$0x1]  }
0x3: {  	s5 =	simm.s32 $0x0;
	s15 =	simm.s32 $0x1;
	s20 =	simm.s32 $0x2  }
0x4: {  	s0 =	sand.u32 $0x1, s0;
	s1 =	sshll.u32 s1, $0x6;
	[smem:$0x7FF] =	sst s5  }
0x5: {  	s26 =	sadd.s32 $0x300, s4;
	s28 =	sadd.s32 $0x600, s4;
	s29 =	sadd.s32 $0x900, s4  }
0x6: {  	s30 =	sadd.s32 $0xC00, s4;
	_ =	strace $0x80000047;
	[dreg:$0x5] =	wrdreg s26  }
0x7: {  	s31 =	sadd.s32 $0xF00, s4;
	s2 =	sshll.u32 s0, $0x5;
	[dreg:$0x6] =	wrdreg s28  }
0x8: {  	s0 =	ssub.s32 $0x2, s0;
	[dreg:$0x7] =	wrdreg s29;
	s1 =	sor.u32 s2, s1  }
0x9: {  	s25 =	sshrl.u32 s0, $0x1;
	s22 =	smov.u32 s1;
	s1 =	smul.u32 $0x600, s1  }
.Ltmp0:
0xa: {  	[dreg:$0x8] =	wrdreg s30;
	s0 =	ssub.s32 s0, s25;
	(pc) =	sbr.rel .LBB2_1-.Ltmp0, $4  }
0xb: {  	s21 =	simm.s32 $0x4;
	[dreg:$0x9] =	wrdreg s31;
	s0 =	smax.u32 s0, $0x1  }
0xc: {  	s23 =	simm.s32 $0xD800;
	s1 =	sadd.s32 s3, s1;
	[dreg:$0xa] =	wrdreg s0  }
0xd: {  	s24 =	simm.s32 $0xF000;
	[dreg:$0x3] =	wrdreg s1;
	s1 =	sadd.s32 $0x600, s1  }
0xe: {  	s25 =	simm.s32 $0x10800;
	[dreg:$0x4] =	wrdreg s1;
	s1 =	simm.s32 $0x0  }
.LBB2_12:
0xf: {  	s0 =	simm.s32 $0x3  }
0x10: {  	_ =	swait.ge [sflag:s0], $0x1800  }
0x11: {  	[sflag:s0] =	ssyncset.done $0x0  }
0x12: {  	[sflag:s0] =	ssyncadd.s32 $0xFFFFE800  }
0x13: {  	_ =	swait.ge [sflag:s0], $0x1800  }
0x14: {  	[sflag:s0] =	ssyncset.done $0x0  }
0x15: {  	[sflag:s0] =	ssyncadd.s32 $0xFFFFE800  }
0x16: {  	_ =	swait.ge [sflag:s0], $0x1800  }
0x17: {  	[sflag:s0] =	ssyncset.done $0x0  }
0x18: {  	[sflag:s0] =	ssyncadd.s32 $0xFFFFE800  }
0x19: {  	_ =	swait.ge [sflag:s0], $0x1800  }
0x1a: {  	[sflag:s0] =	ssyncset.done $0x0  }
0x1b: {  	[sflag:s0] =	ssyncadd.s32 $0xFFFFE800  }
0x1c: {  	_ =	swait.ge [sflag:s0], $0x1800  }
0x1d: {  	[sflag:s0] =	ssyncset.done $0x0  }
0x1e: {  	[sflag:s0] =	ssyncadd.s32 $0xFFFFE800  }
0x1f: {  	_ =	swait.ge [sflag:s0], $0x1800  }
0x20: {  	[sflag:s0] =	ssyncset.done $0x0  }
0x21: {  	[sflag:s0] =	ssyncadd.s32 $0xFFFFE800  }
0x22: {  	_ =	swait.ge [sflag:s0], $0x1800  }
0x23: {  	[sflag:s0] =	ssyncset.done $0x0  }
0x24: {  	[sflag:s0] =	ssyncadd.s32 $0xFFFFE800  }
0x25: {  	_ =	swait.ge [sflag:s0], $0x1800  }
0x26: {  	[sflag:s0] =	ssyncset.done $0x0  }
0x27: {  	[sflag:s0] =	ssyncadd.s32 $0xFFFFE800  }
0x28: {  	_ =	swait.ge [sflag:s21], $0x1800  }
0x29: {  	[sflag:s21] =	ssyncset.done $0x0  }
0x2a: {  	[sflag:s21] =	ssyncadd.s32 $0xFFFFE800  }
0x2b: {  	_ =	swait.ge [sflag:s21], $0x1800  }
0x2c: {  	[sflag:s21] =	ssyncset.done $0x0  }
0x2d: {  	[sflag:s21] =	ssyncadd.s32 $0xFFFFE800  }
0x2e: {  	_ =	swait.ge [sflag:s21], $0x1800  }
0x2f: {  	[sflag:s21] =	ssyncset.done $0x0  }
0x30: {  	[sflag:s21] =	ssyncadd.s32 $0xFFFFE800  }
0x31: {  	_ =	swait.ge [sflag:s21], $0x1800  }
0x32: {  	[sflag:s21] =	ssyncset.done $0x0  }
0x33: {  	[sflag:s21] =	ssyncadd.s32 $0xFFFFE800  }
0x34: {  	_ =	swait.ge [sflag:s21], $0x1800  }
0x35: {  	[sflag:s21] =	ssyncset.done $0x0  }
0x36: {  	[sflag:s21] =	ssyncadd.s32 $0xFFFFE800  }
0x37: {  	_ =	swait.ge [sflag:s21], $0x1800  }
0x38: {  	[sflag:s21] =	ssyncset.done $0x0  }
0x39: {  	[sflag:s21] =	ssyncadd.s32 $0xFFFFE800  }
0x3a: {  	_ =	swait.ge [sflag:s21], $0x1800  }
0x3b: {  	[sflag:s21] =	ssyncset.done $0x0  }
0x3c: {  	[sflag:s21] =	ssyncadd.s32 $0xFFFFE800  }
0x3d: {  	_ =	swait.ge [sflag:s21], $0x1800  }
0x3e: {  	s1 =	rddreg [dreg:$0xb]  }
0x3f: {  	s31 =	rddreg [dreg:$0xa];
	s1 =	sadd.s32 $0x1, s1  }
0x40: {  	p0 =	sne.s32 s1, s31  }
.Ltmp1:
0x41: {  	_ = 	snop;
	(pc) =	sbr.rel @!p0 .LBB2_13-.Ltmp1, $3  }
0x42: {  	_ =	sdelay $0x1  }
0x43: {  	[sflag:s21] =	ssyncset.done $0x0  }
0x44: {  	[sflag:s21] =	ssyncadd.s32 $0xFFFFE800  }
.LBB2_1:
0x45: {  	[dreg:$0xb] =	wrdreg s1  }
0x46: {  	s0 =	rddreg [dreg:$0x3]  }
0x47: {  	[tilespmem:s5], [sflag:$0x1] =	stream.linear.gather [hbm4b:s0+s5], $0x3000, $0x38;
	[tilespmem:$0x12000] =	vst v63  }
0x48: {  	s30 =	rddreg [dreg:$0x4];
	s31 =	simm.s32 $0x3000;
	s29 =	simm.s32 $0x0  }
0x49: {  	[tilespmem:s31], [sflag:$0x2] =	stream.linear.gather [hbm4b:s30+s5], $0x3000, $0x38;
	[tilespmem:$0x12000] =	vst v63  }
.LBB2_2:
0x4a: {  	_ =	swait.ge [sflag:s15], $0x3000  }
0x4b: {  	p0 =	seq.s32 s29, $0x0;
	[sflag:s15] =	ssyncset.done $0x0  }
0x4c: {  	s0 =	simm.s32 @!p0 $0x3;
	[sflag:s15] =	ssyncadd.s32 $0xFFFFD000  }
0x4d: {  	_ =	swait.ge @!p0 [sflag:s0], $0x1800  }
0x4e: {  	[sflag:s0] =	ssyncset.done @!p0 $0x0  }
0x4f: {  	[sflag:s0] =	ssyncadd.s32 @!p0 $0xFFFFE800  }
0x50: {  	_ =	swait.ge @!p0 [sflag:s0], $0x1800  }
0x51: {  	[sflag:s0] =	ssyncset.done @!p0 $0x0  }
0x52: {  	[sflag:s0] =	ssyncadd.s32 @!p0 $0xFFFFE800  }
0x53: {  	_ =	swait.ge @!p0 [sflag:s0], $0x1800  }
0x54: {  	[sflag:s0] =	ssyncset.done @!p0 $0x0  }
0x55: {  	[sflag:s0] =	ssyncadd.s32 @!p0 $0xFFFFE800  }
0x56: {  	_ =	swait.ge @!p0 [sflag:s0], $0x1800  }
0x57: {  	s1 =	simm.s32 $0x0;
	[sflag:s0] =	ssyncset.done @!p0 $0x0  }
0x58: {  	s2 =	sor.u32 $0x3, s1;
	[sflag:s0] =	ssyncadd.s32 @!p0 $0xFFFFE800  }
0x59: {  	s6 =	sor.u32 $0x1, s1;
	s7 =	smul.u32 $0xAB, s1;
	_ =	swait.ge @!p0 [sflag:s0], $0x1800  }
0x5a: {  	s1 =	sor.u32 $0x2, s1;
	s3 =	sand.u32 $0xFF, s2;
	[sflag:s0] =	ssyncset.done @!p0 $0x0  }
0x5b: {  	s4 =	sand.u32 $0xFF, s6;
	s3 =	smul.u32 $0xAB, s3;
	[sflag:s0] =	ssyncadd.s32 @!p0 $0xFFFFE800  }
0x5c: {  	s8 =	sand.u32 $0xFF, s1;
	s4 =	smul.u32 $0xAB, s4;
	_ =	swait.ge @!p0 [sflag:s0], $0x1800  }
0x5d: {  	s19 =	smul.u32 $0xAB, s8;
	[sflag:s0] =	ssyncset.done @!p0 $0x0  }
0x5e: {  	s7 =	sshrl.u32 s7, $0xA;
	s3 =	sshrl.u32 s3, $0xA;
	[sflag:s0] =	ssyncadd.s32 @!p0 $0xFFFFE800  }
0x5f: {  	s7 =	sand.u32 $0x3F, s7;
	s9 =	smul.u32 $0x6, s3;
	_ =	swait.ge @!p0 [sflag:s0], $0x1800  }
0x60: {  	s4 =	sshrl.u32 s4, $0xA;
	s13 =	sshrl.u32 s19, $0xA;
	[sflag:s0] =	ssyncset.done @!p0 $0x0  }
0x61: {  	s26 =	smul.u32 $0x3000, s3;
	s2 =	ssub.s32 s2, s9;
	[sflag:s0] =	ssyncadd.s32 @!p0 $0xFFFFE800  }
0x62: {  	s28 =	smul.u32 $0x6, s4;
	s2 =	sand.u32 $0xFF, s2;
	_ =	swait.ge @!p0 [sflag:s0], $0x1800  }
0x63: {  	s4 =	sshrl.u32 s26, $0x2;
	s8 =	sshll.u32 s2, $0x9;
	[sflag:s0] =	ssyncset.done @!p0 $0x0  }
0x64: {  	s14 =	smul.u32 $0x6, s7;
	[sflag:s0] =	ssyncadd.s32 @!p0 $0xFFFFE800;
	s0 =	sadd.s32 s8, s4  }
0x65: {  	s10 =	smul.u32 $0x6, s13;
	v0 =	vld [tilespmem:s0+$0x0]  }
0x66: {  	s3 =	smul.u32 $0x6000, s3  }
0x67: {  	s11 =	smul.u32 $0x3000, s13;
	s1 =	ssub.s32 s1, s10  }
0x68: {  	s3 =	sshrl.u32 s3, $0x2;
	s1 =	sand.u32 $0xFF, s1;
	s2 =	sshll.u32 s2, $0xA  }
0x69: {  	s26 =	sshrl.u32 s11, $0x2;
	s12 =	sshll.u32 s1, $0x9;
	s4 =	sadd.s32 s2, s3  }
0x6a: {  	s17 =	smul.u32 $0x3000, s7;
	s30 =	sadd.s32 s12, s26;
	[tilespmem:s4+$0x6000] =	vst v0  }
0x6b: {  	s13 =	smul.u32 $0x6000, s13;
	s18 =	ssub.s32 $0x0, s14;
	v1 =	vld [tilespmem:s30+$0x0];
	[tilespmem:s4+$0x6080] =	vst v0  }
0x6c: {  	s16 =	ssub.s32 s6, s28;
	s6 =	sand.u32 $0xFF, s18;
	v0 =	vld [tilespmem:s0+$0x10]  }
0x6d: {  	s10 =	sshrl.u32 s13, $0x2;
	s11 =	sshll.u32 s6, $0x9;
	s26 =	sshrl.u32 s17, $0x2  }
0x6e: {  	s1 =	sshll.u32 s1, $0xA;
	s14 =	sadd.s32 s11, s26;
	s2 =	sand.u32 $0xFF, s16  }
0x6f: {  	s7 =	smul.u32 $0x6000, s7;
	s28 =	sadd.s32 s1, s10;
	s19 =	sshll.u32 s2, $0x9;
	v3 =	vld [tilespmem:s14+$0x0]  }
0x70: {  	s3 =	sadd.s32 s19, s26;
	[tilespmem:s28+$0x6000] =	vst v1  }
0x71: {  	s12 =	sshrl.u32 s7, $0x2;
	v2 =	vld [tilespmem:s3+$0x0];
	[tilespmem:s4+$0x6010] =	vst v0  }
0x72: {  	s6 =	sshll.u32 s6, $0xA;
	s1 =	sadd.s32 $0x6000, s12;
	s2 =	sshll.u32 s2, $0xA;
	[tilespmem:s4+$0x6090] =	vst v0  }
0x73: {  	s2 =	sadd.s32 s2, s1;
	s1 =	sadd.s32 s6, s1;
	[tilespmem:s28+$0x6080] =	vst v1;
	v0 =	vld [tilespmem:s0+$0x20]  }
0x74: {  	[tilespmem:s1+$0x0] =	vst v3  }
0x75: {  	[tilespmem:s1+$0x80] =	vst v3;
	v1 =	vld [tilespmem:s30+$0x10]  }
0x76: {  	[tilespmem:s2+$0x0] =	vst v2  }
0x77: {  	v3 =	vld [tilespmem:s14+$0x10];
	[tilespmem:s2+$0x80] =	vst v2  }
0x78: {  	[tilespmem:s4+$0x6020] =	vst v0  }
0x79: {  	v2 =	vld [tilespmem:s3+$0x10];
	[tilespmem:s4+$0x60A0] =	vst v0  }
0x7a: {  	[tilespmem:s28+$0x6010] =	vst v1;
	v0 =	vld [tilespmem:s0+$0x30]  }
0x7b: {  	[tilespmem:s28+$0x6090] =	vst v1  }
0x7c: {  	[tilespmem:s1+$0x10] =	vst v3  }
0x7d: {  	[tilespmem:s1+$0x90] =	vst v3;
	v1 =	vld [tilespmem:s30+$0x20]  }
0x7e: {  	[tilespmem:s2+$0x10] =	vst v2  }
0x7f: {  	v3 =	vld [tilespmem:s14+$0x20];
	[tilespmem:s4+$0x6030] =	vst v0  }
0x80: {  	[tilespmem:s4+$0x60B0] =	vst v0  }
0x81: {  	[tilespmem:s2+$0x90] =	vst v2;
	v0 =	vld [tilespmem:s0+$0x40]  }
0x82: {  	[tilespmem:s28+$0x6020] =	vst v1  }
0x83: {  	v2 =	vld [tilespmem:s3+$0x20];
	[tilespmem:s28+$0x60A0] =	vst v1  }
0x84: {  	[tilespmem:s1+$0x20] =	vst v3  }
0x85: {  	[tilespmem:s1+$0xA0] =	vst v3;
	v1 =	vld [tilespmem:s30+$0x30]  }
0x86: {  	[tilespmem:s4+$0x6040] =	vst v0  }
0x87: {  	v3 =	vld [tilespmem:s14+$0x30];
	[tilespmem:s4+$0x60C0] =	vst v0  }
0x88: {  	[tilespmem:s2+$0x20] =	vst v2;
	v0 =	vld [tilespmem:s0+$0x50]  }
0x89: {  	[tilespmem:s2+$0xA0] =	vst v2  }
0x8a: {  	[tilespmem:s28+$0x6030] =	vst v1  }
0x8b: {  	v2 =	vld [tilespmem:s3+$0x30];
	[tilespmem:s28+$0x60B0] =	vst v1  }
0x8c: {  	[tilespmem:s1+$0x30] =	vst v3  }
0x8d: {  	v1 =	vld [tilespmem:s30+$0x40];
	[tilespmem:s4+$0x6050] =	vst v0  }
0x8e: {  	[tilespmem:s4+$0x60D0] =	vst v0  }
0x8f: {  	[tilespmem:s1+$0xB0] =	vst v3;
	v0 =	vld [tilespmem:s0+$0x60]  }
0x90: {  	[tilespmem:s2+$0x30] =	vst v2  }
0x91: {  	v3 =	vld [tilespmem:s14+$0x40];
	[tilespmem:s2+$0xB0] =	vst v2  }
0x92: {  	[tilespmem:s28+$0x6040] =	vst v1  }
0x93: {  	v2 =	vld [tilespmem:s3+$0x40];
	[tilespmem:s28+$0x60C0] =	vst v1  }
0x94: {  	[tilespmem:s4+$0x6060] =	vst v0  }
0x95: {  	v1 =	vld [tilespmem:s30+$0x50];
	[tilespmem:s4+$0x60E0] =	vst v0  }
0x96: {  	[tilespmem:s1+$0x40] =	vst v3;
	v0 =	vld [tilespmem:s0+$0x70]  }
0x97: {  	[tilespmem:s1+$0xC0] =	vst v3  }
0x98: {  	[tilespmem:s2+$0x40] =	vst v2  }
0x99: {  	v3 =	vld [tilespmem:s14+$0x50];
	[tilespmem:s2+$0xC0] =	vst v2  }
0x9a: {  	[tilespmem:s28+$0x6050] =	vst v1  }
0x9b: {  	v2 =	vld [tilespmem:s3+$0x50];
	[tilespmem:s4+$0x6070] =	vst v0  }
0x9c: {  	[tilespmem:s4+$0x60F0] =	vst v0  }
0x9d: {  	[tilespmem:s28+$0x60D0] =	vst v1;
	v0 =	vld [tilespmem:s0+$0x80]  }
0x9e: {  	[tilespmem:s1+$0x50] =	vst v3  }
0x9f: {  	[tilespmem:s1+$0xD0] =	vst v3;
	v1 =	vld [tilespmem:s30+$0x60]  }
0xa0: {  	[tilespmem:s2+$0x50] =	vst v2  }
0xa1: {  	v3 =	vld [tilespmem:s14+$0x60];
	[tilespmem:s2+$0xD0] =	vst v2  }
0xa2: {  	[tilespmem:s4+$0x6100] =	vst v0  }
0xa3: {  	v2 =	vld [tilespmem:s3+$0x60];
	[tilespmem:s4+$0x6180] =	vst v0  }
0xa4: {  	[tilespmem:s28+$0x6060] =	vst v1;
	v0 =	vld [tilespmem:s0+$0x90]  }
0xa5: {  	[tilespmem:s28+$0x60E0] =	vst v1  }
0xa6: {  	[tilespmem:s1+$0x60] =	vst v3  }
0xa7: {  	[tilespmem:s1+$0xE0] =	vst v3;
	v1 =	vld [tilespmem:s30+$0x70]  }
0xa8: {  	[tilespmem:s2+$0x60] =	vst v2  }
0xa9: {  	v3 =	vld [tilespmem:s14+$0x70];
	[tilespmem:s4+$0x6110] =	vst v0  }
0xaa: {  	[tilespmem:s4+$0x6190] =	vst v0  }
0xab: {  	[tilespmem:s2+$0xE0] =	vst v2;
	v0 =	vld [tilespmem:s0+$0xA0]  }
0xac: {  	[tilespmem:s28+$0x6070] =	vst v1  }
0xad: {  	v2 =	vld [tilespmem:s3+$0x70];
	[tilespmem:s28+$0x60F0] =	vst v1  }
0xae: {  	[tilespmem:s1+$0x70] =	vst v3  }
0xaf: {  	[tilespmem:s1+$0xF0] =	vst v3;
	v1 =	vld [tilespmem:s30+$0x80]  }
0xb0: {  	[tilespmem:s4+$0x6120] =	vst v0  }
0xb1: {  	v3 =	vld [tilespmem:s14+$0x80];
	[tilespmem:s4+$0x61A0] =	vst v0  }
0xb2: {  	[tilespmem:s2+$0x70] =	vst v2;
	v0 =	vld [tilespmem:s0+$0xB0]  }
0xb3: {  	[tilespmem:s2+$0xF0] =	vst v2  }
0xb4: {  	[tilespmem:s28+$0x6100] =	vst v1  }
0xb5: {  	v2 =	vld [tilespmem:s3+$0x80];
	[tilespmem:s28+$0x6180] =	vst v1  }
0xb6: {  	[tilespmem:s1+$0x100] =	vst v3  }
0xb7: {  	v1 =	vld [tilespmem:s30+$0x90];
	[tilespmem:s4+$0x6130] =	vst v0  }
0xb8: {  	[tilespmem:s4+$0x61B0] =	vst v0  }
0xb9: {  	[tilespmem:s1+$0x180] =	vst v3;
	v0 =	vld [tilespmem:s0+$0xC0]  }
0xba: {  	[tilespmem:s2+$0x100] =	vst v2  }
0xbb: {  	v3 =	vld [tilespmem:s14+$0x90];
	[tilespmem:s2+$0x180] =	vst v2  }
0xbc: {  	[tilespmem:s28+$0x6110] =	vst v1  }
0xbd: {  	v2 =	vld [tilespmem:s3+$0x90];
	[tilespmem:s28+$0x6190] =	vst v1  }
0xbe: {  	[tilespmem:s4+$0x6140] =	vst v0  }
0xbf: {  	v1 =	vld [tilespmem:s30+$0xA0];
	[tilespmem:s4+$0x61C0] =	vst v0  }
0xc0: {  	[tilespmem:s1+$0x110] =	vst v3;
	v0 =	vld [tilespmem:s0+$0xD0]  }
0xc1: {  	[tilespmem:s1+$0x190] =	vst v3  }
0xc2: {  	[tilespmem:s2+$0x110] =	vst v2  }
0xc3: {  	v3 =	vld [tilespmem:s14+$0xA0];
	[tilespmem:s2+$0x190] =	vst v2  }
0xc4: {  	[tilespmem:s28+$0x6120] =	vst v1  }
0xc5: {  	v2 =	vld [tilespmem:s3+$0xA0];
	[tilespmem:s4+$0x6150] =	vst v0  }
0xc6: {  	[tilespmem:s4+$0x61D0] =	vst v0  }
0xc7: {  	[tilespmem:s28+$0x61A0] =	vst v1;
	v0 =	vld [tilespmem:s0+$0xE0]  }
0xc8: {  	[tilespmem:s1+$0x120] =	vst v3  }
0xc9: {  	[tilespmem:s1+$0x1A0] =	vst v3;
	v1 =	vld [tilespmem:s30+$0xB0]  }
0xca: {  	[tilespmem:s2+$0x120] =	vst v2  }
0xcb: {  	v3 =	vld [tilespmem:s14+$0xB0];
	[tilespmem:s2+$0x1A0] =	vst v2  }
0xcc: {  	[tilespmem:s4+$0x6160] =	vst v0  }
0xcd: {  	v2 =	vld [tilespmem:s3+$0xB0];
	[tilespmem:s4+$0x61E0] =	vst v0  }
0xce: {  	[tilespmem:s28+$0x6130] =	vst v1;
	v0 =	vld [tilespmem:s0+$0xF0]  }
0xcf: {  	[tilespmem:s28+$0x61B0] =	vst v1  }
0xd0: {  	[tilespmem:s1+$0x130] =	vst v3  }
0xd1: {  	[tilespmem:s1+$0x1B0] =	vst v3;
	v1 =	vld [tilespmem:s30+$0xC0]  }
0xd2: {  	[tilespmem:s2+$0x130] =	vst v2  }
0xd3: {  	v3 =	vld [tilespmem:s14+$0xC0];
	[tilespmem:s4+$0x6170] =	vst v0  }
0xd4: {  	[tilespmem:s4+$0x61F0] =	vst v0  }
0xd5: {  	[tilespmem:s2+$0x1B0] =	vst v2;
	v0 =	vld [tilespmem:s0+$0x100]  }
0xd6: {  	[tilespmem:s28+$0x6140] =	vst v1  }
0xd7: {  	v2 =	vld [tilespmem:s3+$0xC0];
	[tilespmem:s28+$0x61C0] =	vst v1  }
0xd8: {  	[tilespmem:s1+$0x140] =	vst v3  }
0xd9: {  	[tilespmem:s1+$0x1C0] =	vst v3;
	v1 =	vld [tilespmem:s30+$0xD0]  }
0xda: {  	[tilespmem:s4+$0x6200] =	vst v0  }
0xdb: {  	v3 =	vld [tilespmem:s14+$0xD0];
	[tilespmem:s4+$0x6280] =	vst v0  }
0xdc: {  	[tilespmem:s2+$0x140] =	vst v2;
	v0 =	vld [tilespmem:s0+$0x110]  }
0xdd: {  	[tilespmem:s2+$0x1C0] =	vst v2  }
0xde: {  	[tilespmem:s28+$0x6150] =	vst v1  }
0xdf: {  	v2 =	vld [tilespmem:s3+$0xD0];
	[tilespmem:s28+$0x61D0] =	vst v1  }
0xe0: {  	[tilespmem:s1+$0x150] =	vst v3  }
0xe1: {  	v1 =	vld [tilespmem:s30+$0xE0];
	[tilespmem:s4+$0x6210] =	vst v0  }
0xe2: {  	[tilespmem:s4+$0x6290] =	vst v0  }
0xe3: {  	[tilespmem:s1+$0x1D0] =	vst v3;
	v0 =	vld [tilespmem:s0+$0x120]  }
0xe4: {  	[tilespmem:s2+$0x150] =	vst v2  }
0xe5: {  	v3 =	vld [tilespmem:s14+$0xE0];
	[tilespmem:s2+$0x1D0] =	vst v2  }
0xe6: {  	[tilespmem:s28+$0x6160] =	vst v1  }
0xe7: {  	v2 =	vld [tilespmem:s3+$0xE0];
	[tilespmem:s28+$0x61E0] =	vst v1  }
0xe8: {  	[tilespmem:s4+$0x6220] =	vst v0  }
0xe9: {  	v1 =	vld [tilespmem:s30+$0xF0];
	[tilespmem:s4+$0x62A0] =	vst v0  }
0xea: {  	[tilespmem:s1+$0x160] =	vst v3;
	v0 =	vld [tilespmem:s0+$0x130]  }
0xeb: {  	[tilespmem:s1+$0x1E0] =	vst v3  }
0xec: {  	[tilespmem:s2+$0x160] =	vst v2  }
0xed: {  	v3 =	vld [tilespmem:s14+$0xF0];
	[tilespmem:s2+$0x1E0] =	vst v2  }
0xee: {  	v2 =	vld [tilespmem:s3+$0xF0];
	[tilespmem:s28+$0x6170] =	vst v1  }
0xef: {  	[tilespmem:s4+$0x6230] =	vst v0  }
0xf0: {  	[tilespmem:s4+$0x62B0] =	vst v0  }
0xf1: {  	[tilespmem:s28+$0x61F0] =	vst v1;
	v0 =	vld [tilespmem:s0+$0x140]  }
0xf2: {  	[tilespmem:s1+$0x170] =	vst v3  }
0xf3: {  	v1 =	vld [tilespmem:s30+$0x100];
	[tilespmem:s2+$0x170] =	vst v2  }
0xf4: {  	[tilespmem:s2+$0x1F0] =	vst v2  }
0xf5: {  	[tilespmem:s1+$0x1F0] =	vst v3;
	v2 =	vld [tilespmem:s3+$0x100]  }
0xf6: {  	[tilespmem:s4+$0x6240] =	vst v0  }
0xf7: {  	v3 =	vld [tilespmem:s14+$0x100];
	[tilespmem:s4+$0x62C0] =	vst v0  }
0xf8: {  	[tilespmem:s28+$0x6200] =	vst v1;
	v0 =	vld [tilespmem:s0+$0x150]  }
0xf9: {  	[tilespmem:s28+$0x6280] =	vst v1  }
0xfa: {  	[tilespmem:s2+$0x200] =	vst v2  }
0xfb: {  	v1 =	vld [tilespmem:s30+$0x110];
	[tilespmem:s2+$0x280] =	vst v2  }
0xfc: {  	[tilespmem:s1+$0x200] =	vst v3;
	v2 =	vld [tilespmem:s3+$0x110]  }
0xfd: {  	[tilespmem:s4+$0x6250] =	vst v0  }
0xfe: {  	[tilespmem:s4+$0x62D0] =	vst v0  }
0xff: {  	[tilespmem:s1+$0x280] =	vst v3;
	v0 =	vld [tilespmem:s0+$0x160]  }
0x100: {  	[tilespmem:s28+$0x6210] =	vst v1  }
0x101: {  	v3 =	vld [tilespmem:s14+$0x110];
	[tilespmem:s2+$0x210] =	vst v2  }
0x102: {  	[tilespmem:s2+$0x290] =	vst v2  }
0x103: {  	[tilespmem:s28+$0x6290] =	vst v1;
	v1 =	vld [tilespmem:s3+$0x120]  }
0x104: {  	[tilespmem:s4+$0x6260] =	vst v0  }
0x105: {  	[tilespmem:s4+$0x62E0] =	vst v0;
	v0 =	vld [tilespmem:s30+$0x120]  }
0x106: {  	[tilespmem:s1+$0x210] =	vst v3  }
0x107: {  	[tilespmem:s1+$0x290] =	vst v3;
	v2 =	vld [tilespmem:s0+$0x170]  }
0x108: {  	v3 =	vld [tilespmem:s14+$0x120];
	[tilespmem:s2+$0x220] =	vst v1  }
0x109: {  	[tilespmem:s2+$0x2A0] =	vst v1  }
0x10a: {  	[tilespmem:s28+$0x6220] =	vst v0  }
0x10b: {  	v1 =	vld [tilespmem:s3+$0x130];
	[tilespmem:s28+$0x62A0] =	vst v0  }
0x10c: {  	[tilespmem:s4+$0x6270] =	vst v2  }
0x10d: {  	[tilespmem:s4+$0x62F0] =	vst v2;
	v2 =	vld [tilespmem:s30+$0x130]  }
0x10e: {  	[tilespmem:s1+$0x220] =	vst v3  }
0x10f: {  	[tilespmem:s1+$0x2A0] =	vst v3;
	v0 =	vld [tilespmem:s0+$0x180]  }
0x110: {  	[tilespmem:s2+$0x230] =	vst v1  }
0x111: {  	v3 =	vld [tilespmem:s14+$0x130];
	[tilespmem:s2+$0x2B0] =	vst v1  }
0x112: {  	[tilespmem:s28+$0x6230] =	vst v2  }
0x113: {  	v1 =	vld [tilespmem:s3+$0x140];
	[tilespmem:s28+$0x62B0] =	vst v2  }
0x114: {  	[tilespmem:s4+$0x6300] =	vst v0  }
0x115: {  	[tilespmem:s4+$0x6380] =	vst v0;
	v2 =	vld [tilespmem:s30+$0x140]  }
0x116: {  	[tilespmem:s1+$0x230] =	vst v3  }
0x117: {  	[tilespmem:s1+$0x2B0] =	vst v3;
	v0 =	vld [tilespmem:s0+$0x190]  }
0x118: {  	[tilespmem:s2+$0x240] =	vst v1  }
0x119: {  	v3 =	vld [tilespmem:s14+$0x140];
	[tilespmem:s2+$0x2C0] =	vst v1  }
0x11a: {  	[tilespmem:s28+$0x6240] =	vst v2  }
0x11b: {  	v1 =	vld [tilespmem:s3+$0x150];
	[tilespmem:s28+$0x62C0] =	vst v2  }
0x11c: {  	[tilespmem:s4+$0x6310] =	vst v0  }
0x11d: {  	[tilespmem:s4+$0x6390] =	vst v0;
	v2 =	vld [tilespmem:s30+$0x150]  }
0x11e: {  	[tilespmem:s1+$0x240] =	vst v3  }
0x11f: {  	[tilespmem:s1+$0x2C0] =	vst v3;
	v0 =	vld [tilespmem:s0+$0x1A0]  }
0x120: {  	[tilespmem:s2+$0x250] =	vst v1  }
0x121: {  	v3 =	vld [tilespmem:s14+$0x150];
	[tilespmem:s2+$0x2D0] =	vst v1  }
0x122: {  	[tilespmem:s28+$0x6250] =	vst v2  }
0x123: {  	v1 =	vld [tilespmem:s3+$0x160];
	[tilespmem:s28+$0x62D0] =	vst v2  }
0x124: {  	[tilespmem:s4+$0x6320] =	vst v0  }
0x125: {  	[tilespmem:s4+$0x63A0] =	vst v0;
	v2 =	vld [tilespmem:s30+$0x160]  }
0x126: {  	[tilespmem:s1+$0x250] =	vst v3  }
0x127: {  	[tilespmem:s1+$0x2D0] =	vst v3;
	v0 =	vld [tilespmem:s0+$0x1B0]  }
0x128: {  	[tilespmem:s2+$0x260] =	vst v1  }
0x129: {  	v3 =	vld [tilespmem:s14+$0x160];
	[tilespmem:s2+$0x2E0] =	vst v1  }
0x12a: {  	[tilespmem:s28+$0x6260] =	vst v2  }
0x12b: {  	v1 =	vld [tilespmem:s3+$0x170];
	[tilespmem:s28+$0x62E0] =	vst v2  }
0x12c: {  	[tilespmem:s4+$0x6330] =	vst v0  }
0x12d: {  	[tilespmem:s4+$0x63B0] =	vst v0;
	v2 =	vld [tilespmem:s30+$0x170]  }
0x12e: {  	[tilespmem:s1+$0x260] =	vst v3  }
0x12f: {  	[tilespmem:s1+$0x2E0] =	vst v3;
	v0 =	vld [tilespmem:s0+$0x1C0]  }
0x130: {  	[tilespmem:s2+$0x270] =	vst v1  }
0x131: {  	v3 =	vld [tilespmem:s14+$0x170];
	[tilespmem:s2+$0x2F0] =	vst v1  }
0x132: {  	[tilespmem:s28+$0x6270] =	vst v2  }
0x133: {  	v1 =	vld [tilespmem:s3+$0x180];
	[tilespmem:s28+$0x62F0] =	vst v2  }
0x134: {  	[tilespmem:s4+$0x6340] =	vst v0  }
0x135: {  	[tilespmem:s4+$0x63C0] =	vst v0;
	v0 =	vld [tilespmem:s30+$0x180]  }
0x136: {  	[tilespmem:s1+$0x270] =	vst v3  }
0x137: {  	[tilespmem:s1+$0x2F0] =	vst v3;
	v2 =	vld [tilespmem:s0+$0x1D0]  }
0x138: {  	v3 =	vld [tilespmem:s14+$0x180];
	[tilespmem:s2+$0x300] =	vst v1  }
0x139: {  	[tilespmem:s2+$0x380] =	vst v1  }
0x13a: {  	[tilespmem:s28+$0x6300] =	vst v0  }
0x13b: {  	v1 =	vld [tilespmem:s3+$0x190];
	[tilespmem:s28+$0x6380] =	vst v0  }
0x13c: {  	[tilespmem:s4+$0x6350] =	vst v2  }
0x13d: {  	v0 =	vld [tilespmem:s30+$0x190];
	[tilespmem:s1+$0x300] =	vst v3  }
0x13e: {  	[tilespmem:s1+$0x380] =	vst v3  }
0x13f: {  	[tilespmem:s4+$0x63D0] =	vst v2;
	v3 =	vld [tilespmem:s14+$0x190]  }
0x140: {  	[tilespmem:s2+$0x310] =	vst v1  }
0x141: {  	[tilespmem:s2+$0x390] =	vst v1;
	v2 =	vld [tilespmem:s0+$0x1E0]  }
0x142: {  	[tilespmem:s28+$0x6310] =	vst v0  }
0x143: {  	v1 =	vld [tilespmem:s3+$0x1A0];
	[tilespmem:s28+$0x6390] =	vst v0  }
0x144: {  	[tilespmem:s1+$0x310] =	vst v3  }
0x145: {  	v0 =	vld [tilespmem:s30+$0x1A0];
	[tilespmem:s1+$0x390] =	vst v3  }
0x146: {  	[tilespmem:s4+$0x6360] =	vst v2  }
0x147: {  	[tilespmem:s4+$0x63E0] =	vst v2;
	v3 =	vld [tilespmem:s14+$0x1A0]  }
0x148: {  	[tilespmem:s2+$0x320] =	vst v1  }
0x149: {  	[tilespmem:s2+$0x3A0] =	vst v1;
	v2 =	vld [tilespmem:s0+$0x1F0]  }
0x14a: {  	v1 =	vld [tilespmem:s3+$0x1B0];
	[tilespmem:s28+$0x6320] =	vst v0  }
0x14b: {  	s0 =	simm.s32 $0x4;
	[tilespmem:s28+$0x63A0] =	vst v0  }
0x14c: {  	s13 =	sor.u32 $0x3, s0;
	v0 =	vld [tilespmem:s30+$0x1B0];
	[tilespmem:s1+$0x320] =	vst v3  }
0x14d: {  	s16 =	sand.u32 $0xFF, s13;
	[tilespmem:s1+$0x3A0] =	vst v3  }
0x14e: {  	s7 =	smul.u32 $0xAB, s16;
	[tilespmem:s4+$0x63F0] =	vst v2;
	v3 =	vld [tilespmem:s14+$0x1B0]  }
0x14f: {  	[tilespmem:s2+$0x330] =	vst v1  }
0x150: {  	s9 =	sor.u32 $0x1, s0;
	s7 =	sshrl.u32 s7, $0xA;
	[tilespmem:s2+$0x3B0] =	vst v1  }
0x151: {  	s17 =	sand.u32 $0xFF, s9;
	s10 =	smul.u32 $0x6, s7;
	v1 =	vld [tilespmem:s3+$0x1C0];
	[tilespmem:s28+$0x6330] =	vst v0  }
0x152: {  	s8 =	smul.u32 $0xAB, s17;
	[tilespmem:s28+$0x63B0] =	vst v0  }
0x153: {  	s19 =	smul.u32 $0x3000, s7;
	s6 =	ssub.s32 s13, s10;
	v0 =	vld [tilespmem:s30+$0x1C0];
	[tilespmem:s1+$0x330] =	vst v3  }
0x154: {  	s6 =	sand.u32 $0xFF, s6;
	[tilespmem:s1+$0x3B0] =	vst v3  }
0x155: {  	s8 =	sshrl.u32 s8, $0xA;
	[tilespmem:s4+$0x6370] =	vst v2;
	s16 =	sshrl.u32 s19, $0x2;
	s17 =	sshll.u32 s6, $0x9;
	v3 =	vld [tilespmem:s14+$0x1C0]  }
0x156: {  	s11 =	smul.u32 $0x6, s8;
	s8 =	sadd.s32 s17, s16;
	[tilespmem:s2+$0x340] =	vst v1  }
0x157: {  	[tilespmem:s2+$0x3C0] =	vst v1;
	v2 =	vld [tilespmem:s8+$0x0]  }
0x158: {  	s19 =	smul.u32 $0x6000, s7;
	[tilespmem:s28+$0x6340] =	vst v0  }
0x159: {  	v1 =	vld [tilespmem:s3+$0x1D0];
	[tilespmem:s28+$0x63C0] =	vst v0  }
0x15a: {  	s4 =	sshrl.u32 s19, $0x2;
	s6 =	sshll.u32 s6, $0xA;
	[tilespmem:s1+$0x340] =	vst v3  }
0x15b: {  	s4 =	sadd.s32 s6, s4;
	v0 =	vld [tilespmem:s30+$0x1D0];
	[tilespmem:s1+$0x3C0] =	vst v3  }
0x15c: {  	[tilespmem:s4+$0x6000] =	vst v2  }
0x15d: {  	[tilespmem:s4+$0x6080] =	vst v2;
	v3 =	vld [tilespmem:s14+$0x1D0]  }
0x15e: {  	[tilespmem:s2+$0x350] =	vst v1  }
0x15f: {  	[tilespmem:s2+$0x3D0] =	vst v1;
	v2 =	vld [tilespmem:s8+$0x10]  }
0x160: {  	s26 =	sor.u32 $0x2, s0;
	[tilespmem:s28+$0x6350] =	vst v0  }
0x161: {  	s31 =	sand.u32 $0xFF, s26;
	v1 =	vld [tilespmem:s3+$0x1E0];
	[tilespmem:s28+$0x63D0] =	vst v0  }
0x162: {  	s31 =	smul.u32 $0xAB, s31;
	[tilespmem:s1+$0x350] =	vst v3  }
0x163: {  	s18 =	smul.u32 $0xAB, s0;
	v0 =	vld [tilespmem:s30+$0x1E0];
	[tilespmem:s1+$0x3D0] =	vst v3  }
0x164: {  	s12 =	sshrl.u32 s31, $0xA;
	[tilespmem:s4+$0x6010] =	vst v2  }
0x165: {  	s13 =	sshrl.u32 s18, $0xA;
	s18 =	smul.u32 $0x6, s12;
	[tilespmem:s4+$0x6090] =	vst v2;
	v3 =	vld [tilespmem:s14+$0x1E0]  }
0x166: {  	[tilespmem:s2+$0x360] =	vst v1  }
0x167: {  	s10 =	sand.u32 $0x3F, s13;
	s13 =	ssub.s32 s26, s18;
	s17 =	smul.u32 $0x3000, s12;
	[tilespmem:s2+$0x3E0] =	vst v1;
	v2 =	vld [tilespmem:s8+$0x20]  }
0x168: {  	s9 =	ssub.s32 s9, s11;
	s11 =	smul.u32 $0x3000, s10;
	s7 =	sand.u32 $0xFF, s13;
	[tilespmem:s28+$0x6360] =	vst v0  }
0x169: {  	s16 =	smul.u32 $0x6, s10;
	s18 =	sshll.u32 s7, $0x9;
	s19 =	sshrl.u32 s17, $0x2;
	v1 =	vld [tilespmem:s3+$0x1F0];
	[tilespmem:s28+$0x63E0] =	vst v0  }
0x16a: {  	s13 =	sand.u32 $0xFF, s9;
	s31 =	sadd.s32 s18, s19;
	[tilespmem:s1+$0x360] =	vst v3  }
0x16b: {  	s9 =	sshrl.u32 s11, $0x2;
	s17 =	ssub.s32 $0x4, s16;
	s18 =	sshll.u32 s13, $0x9;
	v0 =	vld [tilespmem:s31+$0x0];
	[tilespmem:s1+$0x3E0] =	vst v3  }
0x16c: {  	s12 =	smul.u32 $0x6000, s12;
	s19 =	sand.u32 $0xFF, s17;
	s26 =	sadd.s32 s18, s9;
	[tilespmem:s4+$0x6020] =	vst v2  }
0x16d: {  	s10 =	smul.u32 $0x6000, s10;
	s17 =	sshll.u32 s19, $0x9;
	v3 =	vld [tilespmem:s26+$0x0];
	[tilespmem:s4+$0x60A0] =	vst v2  }
0x16e: {  	s11 =	sshll.u32 s7, $0xA;
	s16 =	sshrl.u32 s12, $0x2;
	s6 =	sadd.s32 s17, s9;
	[tilespmem:s2+$0x370] =	vst v1  }
0x16f: {  	s7 =	sadd.s32 s11, s16;
	s18 =	sshrl.u32 s10, $0x2;
	[tilespmem:s2+$0x3F0] =	vst v1;
	v1 =	vld [tilespmem:s6+$0x0]  }
0x170: {  	s3 =	sshll.u32 s13, $0xA;
	s2 =	sadd.s32 $0x6000, s18;
	[tilespmem:s7+$0x6000] =	vst v0  }
0x171: {  	v2 =	vld [tilespmem:s8+$0x30];
	s3 =	sadd.s32 s3, s2;
	[tilespmem:s7+$0x6080] =	vst v0  }
0x172: {  	s19 =	sshll.u32 s19, $0xA;
	[tilespmem:s3+$0x0] =	vst v3;
	v0 =	vld [tilespmem:s31+$0x10]  }
0x173: {  	s13 =	sadd.s32 s19, s2;
	[tilespmem:s3+$0x80] =	vst v3  }
0x174: {  	v3 =	vld [tilespmem:s26+$0x10];
	[tilespmem:s13+$0x0] =	vst v1  }
0x175: {  	[tilespmem:s13+$0x80] =	vst v1  }
0x176: {  	[tilespmem:s4+$0x6030] =	vst v2  }
0x177: {  	v1 =	vld [tilespmem:s6+$0x10];
	[tilespmem:s7+$0x6010] =	vst v0  }
0x178: {  	[tilespmem:s7+$0x6090] =	vst v0  }
0x179: {  	[tilespmem:s3+$0x10] =	vst v3;
	v0 =	vld [tilespmem:s31+$0x20]  }
0x17a: {  	[tilespmem:s3+$0x90] =	vst v3  }
0x17b: {  	[tilespmem:s4+$0x60B0] =	vst v2;
	v3 =	vld [tilespmem:s26+$0x20]  }
0x17c: {  	[tilespmem:s13+$0x10] =	vst v1  }
0x17d: {  	[tilespmem:s13+$0x90] =	vst v1;
	v1 =	vld [tilespmem:s8+$0x40]  }
0x17e: {  	[tilespmem:s7+$0x6020] =	vst v0  }
0x17f: {  	v2 =	vld [tilespmem:s6+$0x20];
	[tilespmem:s7+$0x60A0] =	vst v0  }
0x180: {  	[tilespmem:s3+$0x20] =	vst v3  }
0x181: {  	[tilespmem:s3+$0xA0] =	vst v3;
	v0 =	vld [tilespmem:s31+$0x30]  }
0x182: {  	[tilespmem:s4+$0x6040] =	vst v1  }
0x183: {  	[tilespmem:s4+$0x60C0] =	vst v1;
	v3 =	vld [tilespmem:s26+$0x30]  }
0x184: {  	[tilespmem:s13+$0x20] =	vst v2;
	v1 =	vld [tilespmem:s8+$0x50]  }
0x185: {  	[tilespmem:s13+$0xA0] =	vst v2  }
0x186: {  	[tilespmem:s7+$0x6030] =	vst v0  }
0x187: {  	[tilespmem:s7+$0x60B0] =	vst v0  }
0x188: {  	v2 =	vld [tilespmem:s6+$0x30];
	[tilespmem:s3+$0x30] =	vst v3  }
0x189: {  	[tilespmem:s4+$0x6050] =	vst v1  }
0x18a: {  	[tilespmem:s4+$0x60D0] =	vst v1;
	v1 =	vld [tilespmem:s31+$0x40]  }
0x18b: {  	[tilespmem:s3+$0xB0] =	vst v3  }
0x18c: {  	v3 =	vld [tilespmem:s26+$0x40]  }
0x18d: {  	[tilespmem:s13+$0x30] =	vst v2  }
0x18e: {  	v0 =	vld [tilespmem:s8+$0x60];
	[tilespmem:s13+$0xB0] =	vst v2  }
0x18f: {  	[tilespmem:s7+$0x6040] =	vst v1  }
0x190: {  	v2 =	vld [tilespmem:s6+$0x40];
	[tilespmem:s7+$0x60C0] =	vst v1  }
0x191: {  	[tilespmem:s3+$0x40] =	vst v3  }
0x192: {  	[tilespmem:s3+$0xC0] =	vst v3;
	v1 =	vld [tilespmem:s31+$0x50]  }
0x193: {  	[tilespmem:s4+$0x6060] =	vst v0  }
0x194: {  	[tilespmem:s4+$0x60E0] =	vst v0;
	v3 =	vld [tilespmem:s26+$0x50]  }
0x195: {  	v0 =	vld [tilespmem:s8+$0x70];
	[tilespmem:s13+$0x40] =	vst v2  }
0x196: {  	[tilespmem:s13+$0xC0] =	vst v2  }
0x197: {  	[tilespmem:s7+$0x6050] =	vst v1  }
0x198: {  	v2 =	vld [tilespmem:s6+$0x50];
	[tilespmem:s7+$0x60D0] =	vst v1  }
0x199: {  	[tilespmem:s3+$0x50] =	vst v3  }
0x19a: {  	[tilespmem:s4+$0x6070] =	vst v0;
	v1 =	vld [tilespmem:s31+$0x60]  }
0x19b: {  	[tilespmem:s4+$0x60F0] =	vst v0  }
0x19c: {  	[tilespmem:s3+$0xD0] =	vst v3;
	v0 =	vld [tilespmem:s8+$0x80]  }
0x19d: {  	[tilespmem:s13+$0x50] =	vst v2  }
0x19e: {  	v3 =	vld [tilespmem:s26+$0x60];
	[tilespmem:s13+$0xD0] =	vst v2  }
0x19f: {  	[tilespmem:s7+$0x6060] =	vst v1  }
0x1a0: {  	v2 =	vld [tilespmem:s6+$0x60];
	[tilespmem:s7+$0x60E0] =	vst v1  }
0x1a1: {  	[tilespmem:s4+$0x6100] =	vst v0  }
0x1a2: {  	[tilespmem:s4+$0x6180] =	vst v0;
	v1 =	vld [tilespmem:s31+$0x70]  }
0x1a3: {  	[tilespmem:s3+$0x60] =	vst v3  }
0x1a4: {  	[tilespmem:s3+$0xE0] =	vst v3;
	v0 =	vld [tilespmem:s8+$0x90]  }
0x1a5: {  	[tilespmem:s13+$0x60] =	vst v2  }
0x1a6: {  	v3 =	vld [tilespmem:s26+$0x70];
	[tilespmem:s13+$0xE0] =	vst v2  }
0x1a7: {  	[tilespmem:s7+$0x6070] =	vst v1  }
0x1a8: {  	v2 =	vld [tilespmem:s6+$0x70];
	[tilespmem:s7+$0x60F0] =	vst v1  }
0x1a9: {  	[tilespmem:s4+$0x6110] =	vst v0  }
0x1aa: {  	[tilespmem:s4+$0x6190] =	vst v0;
	v1 =	vld [tilespmem:s31+$0x80]  }
0x1ab: {  	[tilespmem:s3+$0x70] =	vst v3  }
0x1ac: {  	[tilespmem:s3+$0xF0] =	vst v3;
	v0 =	vld [tilespmem:s8+$0xA0]  }
0x1ad: {  	[tilespmem:s13+$0x70] =	vst v2  }
0x1ae: {  	v3 =	vld [tilespmem:s26+$0x80];
	[tilespmem:s13+$0xF0] =	vst v2  }
0x1af: {  	[tilespmem:s7+$0x6100] =	vst v1  }
0x1b0: {  	v2 =	vld [tilespmem:s6+$0x80];
	[tilespmem:s7+$0x6180] =	vst v1  }
0x1b1: {  	[tilespmem:s4+$0x6120] =	vst v0  }
0x1b2: {  	[tilespmem:s4+$0x61A0] =	vst v0;
	v1 =	vld [tilespmem:s31+$0x90]  }
0x1b3: {  	[tilespmem:s3+$0x100] =	vst v3;
	v0 =	vld [tilespmem:s8+$0xB0]  }
0x1b4: {  	[tilespmem:s3+$0x180] =	vst v3  }
0x1b5: {  	[tilespmem:s13+$0x100] =	vst v2  }
0x1b6: {  	v3 =	vld [tilespmem:s26+$0x90];
	[tilespmem:s13+$0x180] =	vst v2  }
0x1b7: {  	[tilespmem:s7+$0x6110] =	vst v1  }
0x1b8: {  	v2 =	vld [tilespmem:s6+$0x90];
	[tilespmem:s4+$0x6130] =	vst v0  }
0x1b9: {  	[tilespmem:s4+$0x61B0] =	vst v0  }
0x1ba: {  	[tilespmem:s7+$0x6190] =	vst v1;
	v0 =	vld [tilespmem:s8+$0xC0]  }
0x1bb: {  	[tilespmem:s3+$0x110] =	vst v3  }
0x1bc: {  	[tilespmem:s3+$0x190] =	vst v3;
	v1 =	vld [tilespmem:s31+$0xA0]  }
0x1bd: {  	[tilespmem:s13+$0x110] =	vst v2  }
0x1be: {  	v3 =	vld [tilespmem:s26+$0xA0];
	[tilespmem:s13+$0x190] =	vst v2  }
0x1bf: {  	[tilespmem:s4+$0x6140] =	vst v0  }
0x1c0: {  	v2 =	vld [tilespmem:s6+$0xA0];
	[tilespmem:s4+$0x61C0] =	vst v0  }
0x1c1: {  	[tilespmem:s7+$0x6120] =	vst v1;
	v0 =	vld [tilespmem:s8+$0xD0]  }
0x1c2: {  	[tilespmem:s7+$0x61A0] =	vst v1  }
0x1c3: {  	[tilespmem:s3+$0x120] =	vst v3  }
0x1c4: {  	[tilespmem:s3+$0x1A0] =	vst v3;
	v1 =	vld [tilespmem:s31+$0xB0]  }
0x1c5: {  	[tilespmem:s13+$0x120] =	vst v2  }
0x1c6: {  	v3 =	vld [tilespmem:s26+$0xB0];
	[tilespmem:s4+$0x6150] =	vst v0  }
0x1c7: {  	[tilespmem:s4+$0x61D0] =	vst v0  }
0x1c8: {  	[tilespmem:s13+$0x1A0] =	vst v2;
	v0 =	vld [tilespmem:s8+$0xE0]  }
0x1c9: {  	[tilespmem:s7+$0x6130] =	vst v1  }
0x1ca: {  	v2 =	vld [tilespmem:s6+$0xB0];
	[tilespmem:s7+$0x61B0] =	vst v1  }
0x1cb: {  	[tilespmem:s3+$0x130] =	vst v3  }
0x1cc: {  	[tilespmem:s3+$0x1B0] =	vst v3;
	v1 =	vld [tilespmem:s31+$0xC0]  }
0x1cd: {  	[tilespmem:s4+$0x6160] =	vst v0  }
0x1ce: {  	v3 =	vld [tilespmem:s26+$0xC0];
	[tilespmem:s4+$0x61E0] =	vst v0  }
0x1cf: {  	[tilespmem:s13+$0x130] =	vst v2;
	v0 =	vld [tilespmem:s8+$0xF0]  }
0x1d0: {  	[tilespmem:s13+$0x1B0] =	vst v2  }
0x1d1: {  	[tilespmem:s7+$0x6140] =	vst v1  }
0x1d2: {  	v2 =	vld [tilespmem:s6+$0xC0];
	[tilespmem:s7+$0x61C0] =	vst v1  }
0x1d3: {  	[tilespmem:s3+$0x140] =	vst v3  }
0x1d4: {  	v1 =	vld [tilespmem:s31+$0xD0];
	[tilespmem:s4+$0x6170] =	vst v0  }
0x1d5: {  	[tilespmem:s4+$0x61F0] =	vst v0  }
0x1d6: {  	[tilespmem:s3+$0x1C0] =	vst v3;
	v0 =	vld [tilespmem:s8+$0x100]  }
0x1d7: {  	[tilespmem:s13+$0x140] =	vst v2  }
0x1d8: {  	v3 =	vld [tilespmem:s26+$0xD0];
	[tilespmem:s13+$0x1C0] =	vst v2  }
0x1d9: {  	[tilespmem:s7+$0x6150] =	vst v1  }
0x1da: {  	v2 =	vld [tilespmem:s6+$0xD0];
	[tilespmem:s7+$0x61D0] =	vst v1  }
0x1db: {  	[tilespmem:s4+$0x6200] =	vst v0  }
0x1dc: {  	v1 =	vld [tilespmem:s31+$0xE0];
	[tilespmem:s4+$0x6280] =	vst v0  }
0x1dd: {  	[tilespmem:s3+$0x150] =	vst v3;
	v0 =	vld [tilespmem:s8+$0x110]  }
0x1de: {  	[tilespmem:s3+$0x1D0] =	vst v3  }
0x1df: {  	[tilespmem:s13+$0x150] =	vst v2  }
0x1e0: {  	v3 =	vld [tilespmem:s26+$0xE0];
	[tilespmem:s13+$0x1D0] =	vst v2  }
0x1e1: {  	[tilespmem:s7+$0x6160] =	vst v1  }
0x1e2: {  	v2 =	vld [tilespmem:s6+$0xE0];
	[tilespmem:s4+$0x6210] =	vst v0  }
0x1e3: {  	[tilespmem:s4+$0x6290] =	vst v0  }
0x1e4: {  	[tilespmem:s7+$0x61E0] =	vst v1;
	v0 =	vld [tilespmem:s8+$0x120]  }
0x1e5: {  	[tilespmem:s3+$0x160] =	vst v3  }
0x1e6: {  	[tilespmem:s3+$0x1E0] =	vst v3;
	v1 =	vld [tilespmem:s31+$0xF0]  }
0x1e7: {  	[tilespmem:s13+$0x160] =	vst v2  }
0x1e8: {  	v3 =	vld [tilespmem:s26+$0xF0];
	[tilespmem:s13+$0x1E0] =	vst v2  }
0x1e9: {  	[tilespmem:s4+$0x6220] =	vst v0  }
0x1ea: {  	v2 =	vld [tilespmem:s6+$0xF0];
	[tilespmem:s4+$0x62A0] =	vst v0  }
0x1eb: {  	[tilespmem:s7+$0x6170] =	vst v1;
	v0 =	vld [tilespmem:s8+$0x130]  }
0x1ec: {  	[tilespmem:s7+$0x61F0] =	vst v1  }
0x1ed: {  	[tilespmem:s3+$0x170] =	vst v3  }
0x1ee: {  	[tilespmem:s3+$0x1F0] =	vst v3;
	v1 =	vld [tilespmem:s31+$0x100]  }
0x1ef: {  	[tilespmem:s13+$0x170] =	vst v2  }
0x1f0: {  	v3 =	vld [tilespmem:s26+$0x100];
	[tilespmem:s4+$0x6230] =	vst v0  }
0x1f1: {  	[tilespmem:s4+$0x62B0] =	vst v0  }
0x1f2: {  	[tilespmem:s13+$0x1F0] =	vst v2;
	v0 =	vld [tilespmem:s8+$0x140]  }
0x1f3: {  	[tilespmem:s7+$0x6200] =	vst v1  }
0x1f4: {  	v2 =	vld [tilespmem:s6+$0x100];
	[tilespmem:s7+$0x6280] =	vst v1  }
0x1f5: {  	[tilespmem:s3+$0x200] =	vst v3  }
0x1f6: {  	[tilespmem:s3+$0x280] =	vst v3;
	v1 =	vld [tilespmem:s31+$0x110]  }
0x1f7: {  	[tilespmem:s4+$0x6240] =	vst v0  }
0x1f8: {  	v3 =	vld [tilespmem:s26+$0x110];
	[tilespmem:s4+$0x62C0] =	vst v0  }
0x1f9: {  	[tilespmem:s13+$0x200] =	vst v2;
	v0 =	vld [tilespmem:s8+$0x150]  }
0x1fa: {  	[tilespmem:s13+$0x280] =	vst v2  }
0x1fb: {  	[tilespmem:s7+$0x6210] =	vst v1  }
0x1fc: {  	v2 =	vld [tilespmem:s6+$0x110];
	[tilespmem:s7+$0x6290] =	vst v1  }
0x1fd: {  	[tilespmem:s3+$0x210] =	vst v3  }
0x1fe: {  	v1 =	vld [tilespmem:s31+$0x120];
	[tilespmem:s4+$0x6250] =	vst v0  }
0x1ff: {  	[tilespmem:s4+$0x62D0] =	vst v0  }
0x200: {  	[tilespmem:s3+$0x290] =	vst v3;
	v0 =	vld [tilespmem:s8+$0x160]  }
0x201: {  	[tilespmem:s13+$0x210] =	vst v2  }
0x202: {  	v3 =	vld [tilespmem:s26+$0x120];
	[tilespmem:s13+$0x290] =	vst v2  }
0x203: {  	[tilespmem:s7+$0x6220] =	vst v1  }
0x204: {  	v2 =	vld [tilespmem:s6+$0x120];
	[tilespmem:s7+$0x62A0] =	vst v1  }
0x205: {  	[tilespmem:s4+$0x6260] =	vst v0  }
0x206: {  	v1 =	vld [tilespmem:s31+$0x130];
	[tilespmem:s4+$0x62E0] =	vst v0  }
0x207: {  	[tilespmem:s3+$0x220] =	vst v3;
	v0 =	vld [tilespmem:s8+$0x170]  }
0x208: {  	[tilespmem:s3+$0x2A0] =	vst v3  }
0x209: {  	[tilespmem:s13+$0x220] =	vst v2  }
0x20a: {  	v3 =	vld [tilespmem:s26+$0x130];
	[tilespmem:s13+$0x2A0] =	vst v2  }
0x20b: {  	[tilespmem:s7+$0x6230] =	vst v1  }
0x20c: {  	v2 =	vld [tilespmem:s6+$0x130];
	[tilespmem:s4+$0x6270] =	vst v0  }
0x20d: {  	[tilespmem:s4+$0x62F0] =	vst v0  }
0x20e: {  	[tilespmem:s7+$0x62B0] =	vst v1;
	v0 =	vld [tilespmem:s8+$0x180]  }
0x20f: {  	[tilespmem:s3+$0x230] =	vst v3  }
0x210: {  	[tilespmem:s3+$0x2B0] =	vst v3;
	v1 =	vld [tilespmem:s31+$0x140]  }
0x211: {  	[tilespmem:s13+$0x230] =	vst v2  }
0x212: {  	v3 =	vld [tilespmem:s26+$0x140];
	[tilespmem:s13+$0x2B0] =	vst v2  }
0x213: {  	[tilespmem:s4+$0x6300] =	vst v0  }
0x214: {  	v2 =	vld [tilespmem:s6+$0x140];
	[tilespmem:s4+$0x6380] =	vst v0  }
0x215: {  	[tilespmem:s7+$0x6240] =	vst v1;
	v0 =	vld [tilespmem:s8+$0x190]  }
0x216: {  	[tilespmem:s7+$0x62C0] =	vst v1  }
0x217: {  	[tilespmem:s3+$0x240] =	vst v3  }
0x218: {  	[tilespmem:s3+$0x2C0] =	vst v3;
	v1 =	vld [tilespmem:s31+$0x150]  }
0x219: {  	[tilespmem:s13+$0x240] =	vst v2  }
0x21a: {  	v3 =	vld [tilespmem:s26+$0x150];
	[tilespmem:s4+$0x6310] =	vst v0  }
0x21b: {  	[tilespmem:s4+$0x6390] =	vst v0  }
0x21c: {  	[tilespmem:s13+$0x2C0] =	vst v2;
	v0 =	vld [tilespmem:s8+$0x1A0]  }
0x21d: {  	[tilespmem:s7+$0x6250] =	vst v1  }
0x21e: {  	v2 =	vld [tilespmem:s6+$0x150];
	[tilespmem:s7+$0x62D0] =	vst v1  }
0x21f: {  	[tilespmem:s3+$0x250] =	vst v3  }
0x220: {  	[tilespmem:s3+$0x2D0] =	vst v3;
	v1 =	vld [tilespmem:s31+$0x160]  }
0x221: {  	[tilespmem:s4+$0x6320] =	vst v0  }
0x222: {  	v3 =	vld [tilespmem:s26+$0x160];
	[tilespmem:s4+$0x63A0] =	vst v0  }
0x223: {  	[tilespmem:s13+$0x250] =	vst v2;
	v0 =	vld [tilespmem:s8+$0x1B0]  }
0x224: {  	[tilespmem:s13+$0x2D0] =	vst v2  }
0x225: {  	[tilespmem:s7+$0x6260] =	vst v1  }
0x226: {  	v2 =	vld [tilespmem:s6+$0x160];
	[tilespmem:s7+$0x62E0] =	vst v1  }
0x227: {  	[tilespmem:s3+$0x260] =	vst v3  }
0x228: {  	v1 =	vld [tilespmem:s31+$0x170];
	[tilespmem:s4+$0x6330] =	vst v0  }
0x229: {  	[tilespmem:s4+$0x63B0] =	vst v0  }
0x22a: {  	[tilespmem:s3+$0x2E0] =	vst v3;
	v0 =	vld [tilespmem:s8+$0x1C0]  }
0x22b: {  	[tilespmem:s13+$0x260] =	vst v2  }
0x22c: {  	v3 =	vld [tilespmem:s26+$0x170];
	[tilespmem:s13+$0x2E0] =	vst v2  }
0x22d: {  	[tilespmem:s7+$0x6270] =	vst v1  }
0x22e: {  	v2 =	vld [tilespmem:s6+$0x170];
	[tilespmem:s7+$0x62F0] =	vst v1  }
0x22f: {  	[tilespmem:s4+$0x6340] =	vst v0  }
0x230: {  	v1 =	vld [tilespmem:s31+$0x180];
	[tilespmem:s4+$0x63C0] =	vst v0  }
0x231: {  	[tilespmem:s3+$0x270] =	vst v3;
	v0 =	vld [tilespmem:s8+$0x1D0]  }
0x232: {  	[tilespmem:s3+$0x2F0] =	vst v3  }
0x233: {  	v3 =	vld [tilespmem:s26+$0x180];
	[tilespmem:s13+$0x270] =	vst v2  }
0x234: {  	[tilespmem:s13+$0x2F0] =	vst v2  }
0x235: {  	v2 =	vld [tilespmem:s6+$0x180];
	[tilespmem:s7+$0x6300] =	vst v1  }
0x236: {  	[tilespmem:s4+$0x6350] =	vst v0  }
0x237: {  	[tilespmem:s4+$0x63D0] =	vst v0  }
0x238: {  	[tilespmem:s3+$0x300] =	vst v3;
	v0 =	vld [tilespmem:s8+$0x1E0]  }
0x239: {  	[tilespmem:s3+$0x380] =	vst v3  }
0x23a: {  	v3 =	vld [tilespmem:s26+$0x190];
	[tilespmem:s13+$0x300] =	vst v2  }
0x23b: {  	[tilespmem:s13+$0x380] =	vst v2  }
0x23c: {  	[tilespmem:s7+$0x6380] =	vst v1;
	v1 =	vld [tilespmem:s6+$0x190]  }
0x23d: {  	[tilespmem:s4+$0x6360] =	vst v0  }
0x23e: {  	[tilespmem:s4+$0x63E0] =	vst v0;
	v0 =	vld [tilespmem:s31+$0x190]  }
0x23f: {  	[tilespmem:s3+$0x310] =	vst v3  }
0x240: {  	[tilespmem:s3+$0x390] =	vst v3  }
0x241: {  	v3 =	vld [tilespmem:s26+$0x1A0];
	[tilespmem:s13+$0x310] =	vst v1  }
0x242: {  	[tilespmem:s13+$0x390] =	vst v1  }
0x243: {  	v1 =	vld [tilespmem:s6+$0x1A0];
	[tilespmem:s7+$0x6310] =	vst v0  }
0x244: {  	[tilespmem:s7+$0x6390] =	vst v0  }
0x245: {  	v0 =	vld [tilespmem:s31+$0x1A0]  }
0x246: {  	[tilespmem:s3+$0x320] =	vst v3  }
0x247: {  	v2 =	vld [tilespmem:s30+$0x1F0];
	[tilespmem:s3+$0x3A0] =	vst v3  }
0x248: {  	v3 =	vld [tilespmem:s26+$0x1B0];
	[tilespmem:s13+$0x320] =	vst v1  }
0x249: {  	[tilespmem:s13+$0x3A0] =	vst v1  }
0x24a: {  	[tilespmem:s7+$0x6320] =	vst v0  }
0x24b: {  	v1 =	vld [tilespmem:s6+$0x1B0];
	[tilespmem:s7+$0x63A0] =	vst v0  }
0x24c: {  	[tilespmem:s28+$0x6370] =	vst v2;
	v0 =	vld [tilespmem:s31+$0x1B0]  }
0x24d: {  	[tilespmem:s3+$0x330] =	vst v3  }
0x24e: {  	[tilespmem:s3+$0x3B0] =	vst v3  }
0x24f: {  	[tilespmem:s28+$0x63F0] =	vst v2;
	v3 =	vld [tilespmem:s26+$0x1C0]  }
0x250: {  	[tilespmem:s13+$0x330] =	vst v1;
	v4 =	vld [tilespmem:s8+$0x1F0]  }
0x251: {  	[tilespmem:s7+$0x6330] =	vst v0  }
0x252: {  	[tilespmem:s7+$0x63B0] =	vst v0  }
0x253: {  	[tilespmem:s13+$0x3B0] =	vst v1;
	v2 =	vld [tilespmem:s31+$0x1C0]  }
0x254: {  	[tilespmem:s3+$0x340] =	vst v3  }
0x255: {  	s28 =	sshll.u32 s29, $0x1;
	v1 =	vld [tilespmem:s6+$0x1C0];
	[tilespmem:s4+$0x63F0] =	vst v4  }
0x256: {  	s30 =	sadd.s32 s22, s28;
	[tilespmem:s4+$0x6370] =	vst v4;
	v0 =	vld [tilespmem:s14+$0x1F0]  }
.LBB2_3:
0x257: {  	s0 =	sadd.s32 $0x4, s0;
	[tilespmem:s3+$0x3C0] =	vst v3  }
0x258: {  	s2 =	sor.u32 $0x1, s0;
	s8 =	sor.u32 $0x2, s0;
	s4 =	sor.u32 $0x3, s0;
	v3 =	vld [tilespmem:s26+$0x1D0];
	[tilespmem:s7+$0x6340] =	vst v2  }
0x259: {  	s9 =	sand.u32 $0xFF, s2;
	s10 =	sand.u32 $0xFF, s8;
	s11 =	sand.u32 $0xFF, s4;
	[tilespmem:s7+$0x63C0] =	vst v2  }
0x25a: {  	p1 =	slt.u32 s0, $0x14;
	s11 =	smul.u32 $0xAB, s11;
	[tilespmem:s13+$0x340] =	vst v1;
	v2 =	vld [tilespmem:s31+$0x1D0]  }
0x25b: {  	s12 =	smul.u32 $0xAB, s0;
	[tilespmem:s13+$0x3C0] =	vst v1  }
0x25c: {  	s9 =	smul.u32 $0xAB, s9;
	s11 =	sshrl.u32 s11, $0xA;
	v1 =	vld [tilespmem:s6+$0x1D0];
	[tilespmem:s1+$0x370] =	vst v0  }
0x25d: {  	s12 =	sshrl.u32 s12, $0xA;
	s14 =	smul.u32 $0x6, s11;
	[tilespmem:s3+$0x350] =	vst v3  }
0x25e: {  	s10 =	smul.u32 $0xAB, s10;
	s12 =	sand.u32 $0x3F, s12;
	s9 =	sshrl.u32 s9, $0xA;
	[tilespmem:s3+$0x3D0] =	vst v3  }
0x25f: {  	s4 =	ssub.s32 s4, s14;
	s14 =	smul.u32 $0x3000, s11;
	v3 =	vld [tilespmem:s26+$0x1E0];
	[tilespmem:s7+$0x6350] =	vst v2  }
0x260: {  	s10 =	sshrl.u32 s10, $0xA;
	s9 =	smul.u32 $0x6, s9;
	s16 =	sand.u32 $0xFF, s4;
	[tilespmem:s7+$0x63D0] =	vst v2  }
0x261: {  	s28 =	smul.u32 $0x6, s10;
	s4 =	sshrl.u32 s14, $0x2;
	s14 =	sshll.u32 s16, $0x9;
	[tilespmem:s13+$0x350] =	vst v1;
	v2 =	vld [tilespmem:s31+$0x1E0]  }
0x262: {  	s17 =	smul.u32 $0x6, s12;
	s2 =	ssub.s32 s2, s9;
	s4 =	sadd.s32 s14, s4;
	[tilespmem:s13+$0x3D0] =	vst v1  }
0x263: {  	s9 =	sand.u32 $0xFF, s2;
	s2 =	ssub.s32 s8, s28;
	s8 =	smul.u32 $0x3000, s10;
	v4 =	vld [tilespmem:s4+$0x0];
	[tilespmem:s1+$0x3F0] =	vst v0  }
0x264: {  	s14 =	sand.u32 $0xFF, s2;
	s2 =	smul.u32 $0x6000, s11;
	s1 =	ssub.s32 s0, s17;
	v0 =	vld [tilespmem:s6+$0x1E0];
	[tilespmem:s3+$0x360] =	vst v3  }
0x265: {  	s11 =	smul.u32 $0x3000, s12;
	s17 =	sshll.u32 s9, $0x9;
	s1 =	sand.u32 $0xFF, s1;
	[tilespmem:s3+$0x3E0] =	vst v3  }
0x266: {  	s16 =	sshll.u32 s16, $0xA;
	s28 =	sshll.u32 s14, $0x9;
	s2 =	sshrl.u32 s2, $0x2;
	v3 =	vld [tilespmem:s26+$0x1F0];
	[tilespmem:s7+$0x6360] =	vst v2  }
0x267: {  	s8 =	sshrl.u32 s8, $0x2;
	s2 =	sadd.s32 s16, s2;
	s26 =	sshll.u32 s1, $0x9;
	[tilespmem:s7+$0x63E0] =	vst v2  }
0x268: {  	s12 =	smul.u32 $0x6000, s12;
	s11 =	sshrl.u32 s11, $0x2;
	[tilespmem:s2+$0x6000] =	vst v4;
	v1 =	vld [tilespmem:s31+$0x1F0];
	s31 =	sadd.s32 s28, s8  }
0x269: {  	s10 =	smul.u32 $0x6000, s10;
	s8 =	sadd.s32 s26, s11;
	s26 =	sadd.s32 s17, s11;
	v2 =	vld [tilespmem:s31+$0x0];
	[tilespmem:s2+$0x6080] =	vst v4  }
0x26a: {  	s9 =	sshll.u32 s9, $0xA;
	s11 =	sshrl.u32 s12, $0x2;
	s12 =	sshll.u32 s14, $0xA;
	v4 =	vld [tilespmem:s4+$0x10];
	[tilespmem:s13+$0x360] =	vst v0  }
0x26b: {  	s10 =	sshrl.u32 s10, $0x2;
	s1 =	sshll.u32 s1, $0xA;
	s11 =	sadd.s32 $0x6000, s11;
	v5 =	vld [tilespmem:s26+$0x0];
	[tilespmem:s13+$0x3E0] =	vst v0  }
0x26c: {  	s14 =	sadd.s32 s12, s10;
	s16 =	sadd.s32 s1, s11;
	s9 =	sadd.s32 s9, s11;
	v6 =	vld [tilespmem:s8+$0x0];
	[tilespmem:s3+$0x370] =	vst v3  }
0x26d: {  	s1 =	smov.u32 s13;
	s13 =	smov.u32 s16;
	v0 =	vld [tilespmem:s6+$0x1F0];
	[tilespmem:s3+$0x3F0] =	vst v3;
	s6 =	smov.u32 s8  }
0x26e: {  	s3 =	smov.u32 s9;
	[tilespmem:s14+$0x6000] =	vst v2  }
0x26f: {  	[tilespmem:s2+$0x6010] =	vst v4  }
0x270: {  	[tilespmem:s2+$0x6090] =	vst v4  }
0x271: {  	[tilespmem:s3+$0x0] =	vst v5;
	v3 =	vld [tilespmem:s4+$0x20]  }
0x272: {  	[tilespmem:s3+$0x80] =	vst v5  }
0x273: {  	v4 =	vld [tilespmem:s26+$0x10];
	[tilespmem:s14+$0x6080] =	vst v2  }
0x274: {  	[tilespmem:s13+$0x0] =	vst v6;
	v2 =	vld [tilespmem:s31+$0x10]  }
0x275: {  	[tilespmem:s13+$0x80] =	vst v6  }
0x276: {  	v5 =	vld [tilespmem:s6+$0x10];
	[tilespmem:s2+$0x6020] =	vst v3  }
0x277: {  	[tilespmem:s2+$0x60A0] =	vst v3  }
0x278: {  	[tilespmem:s3+$0x10] =	vst v4;
	v3 =	vld [tilespmem:s4+$0x30]  }
0x279: {  	[tilespmem:s3+$0x90] =	vst v4  }
0x27a: {  	v4 =	vld [tilespmem:s26+$0x20];
	[tilespmem:s14+$0x6010] =	vst v2  }
0x27b: {  	[tilespmem:s14+$0x6090] =	vst v2  }
0x27c: {  	[tilespmem:s13+$0x10] =	vst v5;
	v2 =	vld [tilespmem:s31+$0x20]  }
0x27d: {  	[tilespmem:s2+$0x6030] =	vst v3  }
0x27e: {  	[tilespmem:s2+$0x60B0] =	vst v3  }
0x27f: {  	[tilespmem:s13+$0x90] =	vst v5;
	v3 =	vld [tilespmem:s4+$0x40]  }
0x280: {  	v5 =	vld [tilespmem:s6+$0x20];
	[tilespmem:s3+$0x20] =	vst v4  }
0x281: {  	[tilespmem:s3+$0xA0] =	vst v4  }
0x282: {  	v4 =	vld [tilespmem:s26+$0x30];
	[tilespmem:s14+$0x6020] =	vst v2  }
0x283: {  	[tilespmem:s14+$0x60A0] =	vst v2  }
0x284: {  	v2 =	vld [tilespmem:s31+$0x30];
	[tilespmem:s2+$0x6040] =	vst v3  }
0x285: {  	[tilespmem:s2+$0x60C0] =	vst v3  }
0x286: {  	[tilespmem:s13+$0x20] =	vst v5;
	v3 =	vld [tilespmem:s4+$0x50]  }
0x287: {  	[tilespmem:s13+$0xA0] =	vst v5  }
0x288: {  	v5 =	vld [tilespmem:s6+$0x30];
	[tilespmem:s3+$0x30] =	vst v4  }
0x289: {  	[tilespmem:s3+$0xB0] =	vst v4  }
0x28a: {  	v4 =	vld [tilespmem:s26+$0x40];
	[tilespmem:s14+$0x6030] =	vst v2  }
0x28b: {  	[tilespmem:s2+$0x6050] =	vst v3  }
0x28c: {  	[tilespmem:s2+$0x60D0] =	vst v3  }
0x28d: {  	[tilespmem:s14+$0x60B0] =	vst v2;
	v2 =	vld [tilespmem:s4+$0x60]  }
0x28e: {  	[tilespmem:s13+$0x30] =	vst v5;
	v3 =	vld [tilespmem:s31+$0x40]  }
0x28f: {  	[tilespmem:s13+$0xB0] =	vst v5  }
0x290: {  	v5 =	vld [tilespmem:s6+$0x40];
	[tilespmem:s3+$0x40] =	vst v4  }
0x291: {  	[tilespmem:s3+$0xC0] =	vst v4  }
0x292: {  	v4 =	vld [tilespmem:s26+$0x50];
	[tilespmem:s2+$0x6060] =	vst v2  }
0x293: {  	[tilespmem:s2+$0x60E0] =	vst v2  }
0x294: {  	[tilespmem:s14+$0x6040] =	vst v3;
	v2 =	vld [tilespmem:s4+$0x70]  }
0x295: {  	[tilespmem:s14+$0x60C0] =	vst v3  }
0x296: {  	[tilespmem:s13+$0x40] =	vst v5;
	v3 =	vld [tilespmem:s31+$0x50]  }
0x297: {  	[tilespmem:s13+$0xC0] =	vst v5  }
0x298: {  	v5 =	vld [tilespmem:s6+$0x50];
	[tilespmem:s3+$0x50] =	vst v4  }
0x299: {  	[tilespmem:s2+$0x6070] =	vst v2  }
0x29a: {  	[tilespmem:s2+$0x60F0] =	vst v2  }
0x29b: {  	[tilespmem:s3+$0xD0] =	vst v4;
	v2 =	vld [tilespmem:s4+$0x80]  }
0x29c: {  	v4 =	vld [tilespmem:s26+$0x60];
	[tilespmem:s14+$0x6050] =	vst v3  }
0x29d: {  	[tilespmem:s14+$0x60D0] =	vst v3  }
0x29e: {  	[tilespmem:s13+$0x50] =	vst v5;
	v3 =	vld [tilespmem:s31+$0x60]  }
0x29f: {  	[tilespmem:s13+$0xD0] =	vst v5  }
0x2a0: {  	v5 =	vld [tilespmem:s6+$0x60];
	[tilespmem:s2+$0x6100] =	vst v2  }
0x2a1: {  	[tilespmem:s2+$0x6180] =	vst v2  }
0x2a2: {  	[tilespmem:s3+$0x60] =	vst v4;
	v2 =	vld [tilespmem:s4+$0x90]  }
0x2a3: {  	[tilespmem:s3+$0xE0] =	vst v4  }
0x2a4: {  	v4 =	vld [tilespmem:s26+$0x70];
	[tilespmem:s14+$0x6060] =	vst v3  }
0x2a5: {  	[tilespmem:s14+$0x60E0] =	vst v3  }
0x2a6: {  	[tilespmem:s13+$0x60] =	vst v5;
	v3 =	vld [tilespmem:s31+$0x70]  }
0x2a7: {  	[tilespmem:s2+$0x6110] =	vst v2  }
0x2a8: {  	[tilespmem:s2+$0x6190] =	vst v2  }
0x2a9: {  	[tilespmem:s13+$0xE0] =	vst v5;
	v2 =	vld [tilespmem:s4+$0xA0]  }
0x2aa: {  	v5 =	vld [tilespmem:s6+$0x70];
	[tilespmem:s3+$0x70] =	vst v4  }
0x2ab: {  	[tilespmem:s3+$0xF0] =	vst v4  }
0x2ac: {  	v4 =	vld [tilespmem:s26+$0x80];
	[tilespmem:s14+$0x6070] =	vst v3  }
0x2ad: {  	[tilespmem:s14+$0x60F0] =	vst v3  }
0x2ae: {  	v3 =	vld [tilespmem:s31+$0x80];
	[tilespmem:s2+$0x6120] =	vst v2  }
0x2af: {  	[tilespmem:s2+$0x61A0] =	vst v2  }
0x2b0: {  	[tilespmem:s13+$0x70] =	vst v5;
	v2 =	vld [tilespmem:s4+$0xB0]  }
0x2b1: {  	[tilespmem:s13+$0xF0] =	vst v5  }
0x2b2: {  	v5 =	vld [tilespmem:s6+$0x80];
	[tilespmem:s3+$0x100] =	vst v4  }
0x2b3: {  	[tilespmem:s3+$0x180] =	vst v4  }
0x2b4: {  	v4 =	vld [tilespmem:s26+$0x90];
	[tilespmem:s14+$0x6100] =	vst v3  }
0x2b5: {  	[tilespmem:s2+$0x6130] =	vst v2  }
0x2b6: {  	[tilespmem:s2+$0x61B0] =	vst v2  }
0x2b7: {  	[tilespmem:s14+$0x6180] =	vst v3;
	v2 =	vld [tilespmem:s4+$0xC0]  }
0x2b8: {  	[tilespmem:s13+$0x100] =	vst v5;
	v3 =	vld [tilespmem:s31+$0x90]  }
0x2b9: {  	[tilespmem:s13+$0x180] =	vst v5  }
0x2ba: {  	v5 =	vld [tilespmem:s6+$0x90];
	[tilespmem:s3+$0x110] =	vst v4  }
0x2bb: {  	[tilespmem:s3+$0x190] =	vst v4  }
0x2bc: {  	v4 =	vld [tilespmem:s26+$0xA0];
	[tilespmem:s2+$0x6140] =	vst v2  }
0x2bd: {  	[tilespmem:s2+$0x61C0] =	vst v2  }
0x2be: {  	[tilespmem:s14+$0x6110] =	vst v3;
	v2 =	vld [tilespmem:s4+$0xD0]  }
0x2bf: {  	[tilespmem:s14+$0x6190] =	vst v3  }
0x2c0: {  	[tilespmem:s13+$0x110] =	vst v5;
	v3 =	vld [tilespmem:s31+$0xA0]  }
0x2c1: {  	[tilespmem:s13+$0x190] =	vst v5  }
0x2c2: {  	v5 =	vld [tilespmem:s6+$0xA0];
	[tilespmem:s3+$0x120] =	vst v4  }
0x2c3: {  	[tilespmem:s2+$0x6150] =	vst v2  }
0x2c4: {  	[tilespmem:s2+$0x61D0] =	vst v2  }
0x2c5: {  	[tilespmem:s3+$0x1A0] =	vst v4;
	v2 =	vld [tilespmem:s4+$0xE0]  }
0x2c6: {  	v4 =	vld [tilespmem:s26+$0xB0];
	[tilespmem:s14+$0x6120] =	vst v3  }
0x2c7: {  	[tilespmem:s14+$0x61A0] =	vst v3  }
0x2c8: {  	[tilespmem:s13+$0x120] =	vst v5;
	v3 =	vld [tilespmem:s31+$0xB0]  }
0x2c9: {  	[tilespmem:s13+$0x1A0] =	vst v5  }
0x2ca: {  	v5 =	vld [tilespmem:s6+$0xB0];
	[tilespmem:s2+$0x6160] =	vst v2  }
0x2cb: {  	[tilespmem:s2+$0x61E0] =	vst v2  }
0x2cc: {  	[tilespmem:s3+$0x130] =	vst v4;
	v2 =	vld [tilespmem:s4+$0xF0]  }
0x2cd: {  	[tilespmem:s3+$0x1B0] =	vst v4  }
0x2ce: {  	v4 =	vld [tilespmem:s26+$0xC0];
	[tilespmem:s14+$0x6130] =	vst v3  }
0x2cf: {  	[tilespmem:s14+$0x61B0] =	vst v3  }
0x2d0: {  	[tilespmem:s13+$0x130] =	vst v5;
	v3 =	vld [tilespmem:s31+$0xC0]  }
0x2d1: {  	[tilespmem:s2+$0x6170] =	vst v2  }
0x2d2: {  	[tilespmem:s2+$0x61F0] =	vst v2  }
0x2d3: {  	[tilespmem:s13+$0x1B0] =	vst v5;
	v2 =	vld [tilespmem:s4+$0x100]  }
0x2d4: {  	v5 =	vld [tilespmem:s6+$0xC0];
	[tilespmem:s3+$0x140] =	vst v4  }
0x2d5: {  	[tilespmem:s3+$0x1C0] =	vst v4  }
0x2d6: {  	v4 =	vld [tilespmem:s26+$0xD0];
	[tilespmem:s14+$0x6140] =	vst v3  }
0x2d7: {  	[tilespmem:s14+$0x61C0] =	vst v3  }
0x2d8: {  	v3 =	vld [tilespmem:s31+$0xD0];
	[tilespmem:s2+$0x6200] =	vst v2  }
0x2d9: {  	[tilespmem:s2+$0x6280] =	vst v2  }
0x2da: {  	[tilespmem:s13+$0x140] =	vst v5;
	v2 =	vld [tilespmem:s4+$0x110]  }
0x2db: {  	[tilespmem:s13+$0x1C0] =	vst v5  }
0x2dc: {  	v5 =	vld [tilespmem:s6+$0xD0];
	[tilespmem:s3+$0x150] =	vst v4  }
0x2dd: {  	[tilespmem:s3+$0x1D0] =	vst v4  }
0x2de: {  	v4 =	vld [tilespmem:s26+$0xE0];
	[tilespmem:s14+$0x6150] =	vst v3  }
0x2df: {  	[tilespmem:s2+$0x6210] =	vst v2  }
0x2e0: {  	[tilespmem:s2+$0x6290] =	vst v2  }
0x2e1: {  	[tilespmem:s14+$0x61D0] =	vst v3;
	v2 =	vld [tilespmem:s4+$0x120]  }
0x2e2: {  	[tilespmem:s13+$0x150] =	vst v5;
	v3 =	vld [tilespmem:s31+$0xE0]  }
0x2e3: {  	[tilespmem:s13+$0x1D0] =	vst v5  }
0x2e4: {  	v5 =	vld [tilespmem:s6+$0xE0];
	[tilespmem:s3+$0x160] =	vst v4  }
0x2e5: {  	[tilespmem:s3+$0x1E0] =	vst v4  }
0x2e6: {  	v4 =	vld [tilespmem:s26+$0xF0];
	[tilespmem:s2+$0x6220] =	vst v2  }
0x2e7: {  	[tilespmem:s2+$0x62A0] =	vst v2  }
0x2e8: {  	[tilespmem:s14+$0x6160] =	vst v3;
	v2 =	vld [tilespmem:s4+$0x130]  }
0x2e9: {  	[tilespmem:s14+$0x61E0] =	vst v3  }
0x2ea: {  	[tilespmem:s13+$0x160] =	vst v5;
	v3 =	vld [tilespmem:s31+$0xF0]  }
0x2eb: {  	[tilespmem:s13+$0x1E0] =	vst v5  }
0x2ec: {  	v5 =	vld [tilespmem:s6+$0xF0];
	[tilespmem:s3+$0x170] =	vst v4  }
0x2ed: {  	[tilespmem:s2+$0x6230] =	vst v2  }
0x2ee: {  	[tilespmem:s2+$0x62B0] =	vst v2  }
0x2ef: {  	[tilespmem:s3+$0x1F0] =	vst v4;
	v2 =	vld [tilespmem:s4+$0x140]  }
0x2f0: {  	v4 =	vld [tilespmem:s26+$0x100];
	[tilespmem:s14+$0x6170] =	vst v3  }
0x2f1: {  	[tilespmem:s14+$0x61F0] =	vst v3  }
0x2f2: {  	[tilespmem:s13+$0x170] =	vst v5;
	v3 =	vld [tilespmem:s31+$0x100]  }
0x2f3: {  	[tilespmem:s13+$0x1F0] =	vst v5  }
0x2f4: {  	v5 =	vld [tilespmem:s6+$0x100];
	[tilespmem:s2+$0x6240] =	vst v2  }
0x2f5: {  	[tilespmem:s2+$0x62C0] =	vst v2  }
0x2f6: {  	[tilespmem:s3+$0x200] =	vst v4;
	v2 =	vld [tilespmem:s4+$0x150]  }
0x2f7: {  	[tilespmem:s3+$0x280] =	vst v4  }
0x2f8: {  	v4 =	vld [tilespmem:s26+$0x110];
	[tilespmem:s14+$0x6200] =	vst v3  }
0x2f9: {  	[tilespmem:s14+$0x6280] =	vst v3  }
0x2fa: {  	[tilespmem:s13+$0x200] =	vst v5;
	v3 =	vld [tilespmem:s31+$0x110]  }
0x2fb: {  	[tilespmem:s2+$0x6250] =	vst v2  }
0x2fc: {  	[tilespmem:s2+$0x62D0] =	vst v2  }
0x2fd: {  	[tilespmem:s13+$0x280] =	vst v5;
	v2 =	vld [tilespmem:s4+$0x160]  }
0x2fe: {  	v5 =	vld [tilespmem:s6+$0x110];
	[tilespmem:s3+$0x210] =	vst v4  }
0x2ff: {  	[tilespmem:s3+$0x290] =	vst v4  }
0x300: {  	v4 =	vld [tilespmem:s26+$0x120];
	[tilespmem:s14+$0x6210] =	vst v3  }
0x301: {  	[tilespmem:s14+$0x6290] =	vst v3  }
0x302: {  	v3 =	vld [tilespmem:s31+$0x120];
	[tilespmem:s2+$0x6260] =	vst v2  }
0x303: {  	[tilespmem:s2+$0x62E0] =	vst v2  }
0x304: {  	[tilespmem:s13+$0x210] =	vst v5;
	v2 =	vld [tilespmem:s4+$0x170]  }
0x305: {  	[tilespmem:s13+$0x290] =	vst v5  }
0x306: {  	v5 =	vld [tilespmem:s6+$0x120];
	[tilespmem:s3+$0x220] =	vst v4  }
0x307: {  	[tilespmem:s3+$0x2A0] =	vst v4  }
0x308: {  	v4 =	vld [tilespmem:s26+$0x130];
	[tilespmem:s14+$0x6220] =	vst v3  }
0x309: {  	[tilespmem:s2+$0x6270] =	vst v2  }
0x30a: {  	[tilespmem:s2+$0x62F0] =	vst v2  }
0x30b: {  	[tilespmem:s14+$0x62A0] =	vst v3;
	v2 =	vld [tilespmem:s4+$0x180]  }
0x30c: {  	[tilespmem:s13+$0x220] =	vst v5;
	v3 =	vld [tilespmem:s31+$0x130]  }
0x30d: {  	[tilespmem:s13+$0x2A0] =	vst v5  }
0x30e: {  	v5 =	vld [tilespmem:s6+$0x130];
	[tilespmem:s3+$0x230] =	vst v4  }
0x30f: {  	[tilespmem:s3+$0x2B0] =	vst v4  }
0x310: {  	v4 =	vld [tilespmem:s26+$0x140];
	[tilespmem:s2+$0x6300] =	vst v2  }
0x311: {  	[tilespmem:s2+$0x6380] =	vst v2  }
0x312: {  	[tilespmem:s14+$0x6230] =	vst v3;
	v2 =	vld [tilespmem:s4+$0x190]  }
0x313: {  	[tilespmem:s14+$0x62B0] =	vst v3  }
0x314: {  	[tilespmem:s13+$0x230] =	vst v5;
	v3 =	vld [tilespmem:s31+$0x140]  }
0x315: {  	[tilespmem:s13+$0x2B0] =	vst v5  }
0x316: {  	v5 =	vld [tilespmem:s6+$0x140];
	[tilespmem:s3+$0x240] =	vst v4  }
0x317: {  	[tilespmem:s2+$0x6310] =	vst v2  }
0x318: {  	[tilespmem:s2+$0x6390] =	vst v2  }
0x319: {  	[tilespmem:s3+$0x2C0] =	vst v4;
	v2 =	vld [tilespmem:s4+$0x1A0]  }
0x31a: {  	v4 =	vld [tilespmem:s26+$0x150];
	[tilespmem:s14+$0x6240] =	vst v3  }
0x31b: {  	[tilespmem:s14+$0x62C0] =	vst v3  }
0x31c: {  	[tilespmem:s13+$0x240] =	vst v5;
	v3 =	vld [tilespmem:s31+$0x150]  }
0x31d: {  	[tilespmem:s13+$0x2C0] =	vst v5  }
0x31e: {  	v5 =	vld [tilespmem:s6+$0x150];
	[tilespmem:s2+$0x6320] =	vst v2  }
0x31f: {  	[tilespmem:s2+$0x63A0] =	vst v2  }
0x320: {  	[tilespmem:s3+$0x250] =	vst v4;
	v2 =	vld [tilespmem:s4+$0x1B0]  }
0x321: {  	[tilespmem:s3+$0x2D0] =	vst v4  }
0x322: {  	v4 =	vld [tilespmem:s26+$0x160];
	[tilespmem:s14+$0x6250] =	vst v3  }
0x323: {  	[tilespmem:s14+$0x62D0] =	vst v3  }
0x324: {  	[tilespmem:s13+$0x250] =	vst v5;
	v3 =	vld [tilespmem:s31+$0x160]  }
0x325: {  	[tilespmem:s2+$0x6330] =	vst v2  }
0x326: {  	[tilespmem:s2+$0x63B0] =	vst v2  }
0x327: {  	[tilespmem:s13+$0x2D0] =	vst v5;
	v2 =	vld [tilespmem:s4+$0x1C0]  }
0x328: {  	v5 =	vld [tilespmem:s6+$0x160];
	[tilespmem:s3+$0x260] =	vst v4  }
0x329: {  	[tilespmem:s3+$0x2E0] =	vst v4  }
0x32a: {  	v4 =	vld [tilespmem:s26+$0x170];
	[tilespmem:s14+$0x6260] =	vst v3  }
0x32b: {  	[tilespmem:s14+$0x62E0] =	vst v3  }
0x32c: {  	v3 =	vld [tilespmem:s31+$0x170];
	[tilespmem:s2+$0x6340] =	vst v2  }
0x32d: {  	[tilespmem:s2+$0x63C0] =	vst v2  }
0x32e: {  	[tilespmem:s13+$0x260] =	vst v5;
	v2 =	vld [tilespmem:s4+$0x1D0]  }
0x32f: {  	[tilespmem:s13+$0x2E0] =	vst v5  }
0x330: {  	v5 =	vld [tilespmem:s6+$0x170];
	[tilespmem:s3+$0x270] =	vst v4  }
0x331: {  	[tilespmem:s3+$0x2F0] =	vst v4  }
0x332: {  	v4 =	vld [tilespmem:s26+$0x180];
	[tilespmem:s14+$0x6270] =	vst v3  }
0x333: {  	[tilespmem:s2+$0x6350] =	vst v2  }
0x334: {  	[tilespmem:s2+$0x63D0] =	vst v2  }
0x335: {  	[tilespmem:s14+$0x62F0] =	vst v3;
	v2 =	vld [tilespmem:s4+$0x1E0]  }
0x336: {  	[tilespmem:s13+$0x270] =	vst v5;
	v3 =	vld [tilespmem:s31+$0x180]  }
0x337: {  	[tilespmem:s13+$0x2F0] =	vst v5  }
0x338: {  	v5 =	vld [tilespmem:s6+$0x180];
	[tilespmem:s3+$0x300] =	vst v4  }
0x339: {  	[tilespmem:s3+$0x380] =	vst v4  }
0x33a: {  	v4 =	vld [tilespmem:s26+$0x190];
	[tilespmem:s2+$0x6360] =	vst v2  }
0x33b: {  	[tilespmem:s2+$0x63E0] =	vst v2  }
0x33c: {  	[tilespmem:s14+$0x6300] =	vst v3;
	v6 =	vld [tilespmem:s4+$0x1F0]  }
0x33d: {  	[tilespmem:s14+$0x6380] =	vst v3  }
0x33e: {  	[tilespmem:s13+$0x300] =	vst v5;
	v2 =	vld [tilespmem:s31+$0x190]  }
0x33f: {  	[tilespmem:s13+$0x380] =	vst v5  }
0x340: {  	v3 =	vld [tilespmem:s6+$0x190];
	[tilespmem:s3+$0x310] =	vst v4  }
0x341: {  	[tilespmem:s2+$0x63F0] =	vst v6  }
0x342: {  	[tilespmem:s3+$0x390] =	vst v4  }
0x343: {  	v4 =	vld [tilespmem:s26+$0x1A0];
	[tilespmem:s14+$0x6310] =	vst v2  }
0x344: {  	[tilespmem:s14+$0x6390] =	vst v2  }
0x345: {  	[tilespmem:s13+$0x310] =	vst v3;
	v2 =	vld [tilespmem:s31+$0x1A0]  }
0x346: {  	[tilespmem:s13+$0x390] =	vst v3  }
0x347: {  	v3 =	vld [tilespmem:s6+$0x1A0];
	[tilespmem:s7+$0x6370] =	vst v1  }
0x348: {  	[tilespmem:s3+$0x320] =	vst v4  }
0x349: {  	[tilespmem:s3+$0x3A0] =	vst v4  }
0x34a: {  	v4 =	vld [tilespmem:s26+$0x1B0];
	[tilespmem:s14+$0x6320] =	vst v2  }
0x34b: {  	[tilespmem:s14+$0x63A0] =	vst v2  }
0x34c: {  	[tilespmem:s13+$0x320] =	vst v3;
	v2 =	vld [tilespmem:s31+$0x1B0]  }
0x34d: {  	[tilespmem:s13+$0x3A0] =	vst v3  }
0x34e: {  	v5 =	vld [tilespmem:s6+$0x1B0];
	[tilespmem:s7+$0x63F0] =	vst v1;
	s7 =	smov.u32 s14  }
0x34f: {  	[tilespmem:s3+$0x330] =	vst v4  }
0x350: {  	[tilespmem:s3+$0x3B0] =	vst v4  }
0x351: {  	v3 =	vld [tilespmem:s26+$0x1C0];
	[tilespmem:s7+$0x6330] =	vst v2  }
.Ltmp2:
0x352: {  	[tilespmem:s7+$0x63B0] =	vst v2;
	(pc) =	sbr.rel @p1 .LBB2_3-.Ltmp2, $4  }
0x353: {  	[tilespmem:s13+$0x330] =	vst v5;
	v2 =	vld [tilespmem:s31+$0x1C0]  }
0x354: {  	[tilespmem:s13+$0x3B0] =	vst v5  }
0x355: {  	v1 =	vld [tilespmem:s6+$0x1C0];
	[tilespmem:s2+$0x6370] =	vst v6  }
0x356: {  	[tilespmem:s3+$0x340] =	vst v3  }
0x357: {  	[tilespmem:s3+$0x3C0] =	vst v3  }
0x358: {  	v3 =	vld [tilespmem:s26+$0x1D0];
	[tilespmem:s7+$0x6340] =	vst v2  }
0x359: {  	[tilespmem:s7+$0x63C0] =	vst v2  }
0x35a: {  	v2 =	vld [tilespmem:s31+$0x1D0];
	[tilespmem:s13+$0x340] =	vst v1  }
0x35b: {  	[tilespmem:s13+$0x3C0] =	vst v1  }
0x35c: {  	v1 =	vld [tilespmem:s6+$0x1D0]  }
0x35d: {  	[tilespmem:s3+$0x350] =	vst v3  }
0x35e: {  	[tilespmem:s3+$0x3D0] =	vst v3  }
0x35f: {  	v3 =	vld [tilespmem:s26+$0x1E0];
	[tilespmem:s7+$0x6350] =	vst v2  }
0x360: {  	[tilespmem:s7+$0x63D0] =	vst v2  }
0x361: {  	v2 =	vld [tilespmem:s31+$0x1E0];
	[tilespmem:s13+$0x350] =	vst v1  }
0x362: {  	[tilespmem:s13+$0x3D0] =	vst v1  }
0x363: {  	[tilespmem:s1+$0x370] =	vst v0;
	v1 =	vld [tilespmem:s6+$0x1E0]  }
0x364: {  	[tilespmem:s3+$0x360] =	vst v3  }
0x365: {  	[tilespmem:s3+$0x3E0] =	vst v3  }
0x366: {  	v3 =	vld [tilespmem:s26+$0x1F0];
	[tilespmem:s7+$0x6360] =	vst v2  }
0x367: {  	[tilespmem:s7+$0x63E0] =	vst v2  }
0x368: {  	v2 =	vld [tilespmem:s31+$0x1F0];
	[tilespmem:s13+$0x360] =	vst v1  }
0x369: {  	[tilespmem:s13+$0x3E0] =	vst v1  }
0x36a: {  	[tilespmem:s1+$0x3F0] =	vst v0;
	v63 =	vld [tilespmem:s6+$0x1F0]  }
0x36b: {  	[tilespmem:s3+$0x370] =	vst v3  }
0x36c: {  	[tilespmem:s3+$0x3F0] =	vst v3  }
0x36d: {  	s0 =	smul.u32 $0xC000, s30;
	[tilespmem:s7+$0x6370] =	vst v2  }
0x36e: {  	[tilespmem:s7+$0x63F0] =	vst v2  }
0x36f: {  	s10 =	rddreg [dreg:$0x1];
	s0 =	sshrl.u32 s0, $0x3;
	[tilespmem:s13+$0x370] =	vst v63  }
0x370: {  	s2 =	simm.s32 $0x6000;
	s31 =	sadd.s32 s10, s0;
	[tilespmem:s13+$0x3F0] =	vst v63  }
0x371: {  	[hbm4b:s31+s5] =	stream.linear.scatter [tilespmem:s2], [sflag:$0x3], $0x1800, $0x38;
	[tilespmem:$0x12000] =	vst v63  }
0x372: {  	s11 =	rddreg [dreg:$0x5]  }
0x373: {  	s12 =	rddreg [dreg:$0x6];
	s1 =	sadd.s32 s0, s11  }
0x374: {  	[hbm4b:s1+s5] =	stream.linear.scatter [tilespmem:s2], [sflag:$0x3], $0x1800, $0x38;
	[tilespmem:$0x12000] =	vst v63  }
0x375: {  	s13 =	simm.s32 $0x7800;
	s14 =	rddreg [dreg:$0x7];
	s1 =	sadd.s32 s0, s12  }
0x376: {  	[hbm4b:s1+s5] =	stream.linear.scatter [tilespmem:s13], [sflag:$0x3], $0x1800, $0x38;
	[tilespmem:$0x12000] =	vst v63  }
0x377: {  	s16 =	rddreg [dreg:$0x8];
	s1 =	sadd.s32 s0, s14  }
0x378: {  	[hbm4b:s1+s5] =	stream.linear.scatter [tilespmem:s13], [sflag:$0x3], $0x1800, $0x38;
	[tilespmem:$0x12000] =	vst v63  }
0x379: {  	s17 =	simm.s32 $0x9000;
	s18 =	rddreg [dreg:$0x9];
	s1 =	sadd.s32 s0, s16  }
0x37a: {  	[hbm4b:s1+s5] =	stream.linear.scatter [tilespmem:s17], [sflag:$0x3], $0x1800, $0x38;
	[tilespmem:$0x12000] =	vst v63  }
0x37b: {  	p1 =	sne.s32 s29, $0xF;
	s0 =	sadd.s32 s0, s18  }
0x37c: {  	[hbm4b:s0+s5] =	stream.linear.scatter [tilespmem:s17], [sflag:$0x3], $0x1800, $0x38;
	[tilespmem:$0x12000] =	vst v63  }
.Ltmp3:
0x37d: {  	_ = 	snop;
	(pc) =	sbr.rel @p1 .LBB2_6-.Ltmp3, $4  }
0x37e: {  	s26 =	simm.s32 $0xA800;
	s19 =	sadd.s32 $0x1200, s31  }
0x37f: {  	[hbm4b:s19+s5] =	stream.linear.scatter [tilespmem:s26], [sflag:$0x3], $0x1800, $0x38;
	[tilespmem:$0x12000] =	vst v63  }
0x380: {  	s28 =	sadd.s32 $0x1500, s31  }
0x381: {  	[hbm4b:s28+s5] =	stream.linear.scatter [tilespmem:s26], [sflag:$0x3], $0x1800, $0x38;
	[tilespmem:$0x12000] =	vst v63  }
.Ltmp4:
0x382: {  	(pc) =	sbr.rel .LBB2_7-.Ltmp4, $4  }
0x383: {  	_ = 	snop  }
0x384: {  	_ =	swait.ge [sflag:s20], $0x3000  }
0x385: {  	[sflag:s20] =	ssyncset.done $0x0  }
0x386: {  	[sflag:s20] =	ssyncadd.s32 $0xFFFFD000  }
.LBB2_6:
0x387: {  	s0 =	smul.u32 $0x3000, s30;
	_ =	sdelay $0x1  }
0x388: {  	s1 =	rddreg [dreg:$0x0];
	s0 =	sshrl.u32 s0, $0x3  }
0x389: {  	s0 =	sadd.s32 s1, s0  }
.Ltmp5:
0x38a: {  	s0 =	sadd.s32 $0xC00, s0;
	(pc) =	sbr.rel @p0 .LBB2_8-.Ltmp5, $4  }
0x38b: {  	[tilespmem:s5], [sflag:$0x1] =	stream.linear.gather [hbm4b:s0+s5], $0x3000, $0x38;
	[tilespmem:$0x12000] =	vst v63  }
0x38c: {  	_ =	swait.ge [sflag:s20], $0x3000  }
0x38d: {  	[sflag:s20] =	ssyncset.done $0x0  }
0x38e: {  	[sflag:s20] =	ssyncadd.s32 $0xFFFFD000  }
.LBB2_7:
0x38f: {  	_ =	swait.ge [sflag:s21], $0x1800  }
0x390: {  	[sflag:s21] =	ssyncset.done $0x0  }
0x391: {  	[sflag:s21] =	ssyncadd.s32 $0xFFFFE800  }
0x392: {  	_ =	swait.ge [sflag:s21], $0x1800  }
0x393: {  	[sflag:s21] =	ssyncset.done $0x0  }
0x394: {  	[sflag:s21] =	ssyncadd.s32 $0xFFFFE800  }
0x395: {  	_ =	swait.ge [sflag:s21], $0x1800  }
0x396: {  	[sflag:s21] =	ssyncset.done $0x0  }
0x397: {  	[sflag:s21] =	ssyncadd.s32 $0xFFFFE800  }
0x398: {  	_ =	swait.ge [sflag:s21], $0x1800  }
0x399: {  	[sflag:s21] =	ssyncset.done $0x0  }
0x39a: {  	[sflag:s21] =	ssyncadd.s32 $0xFFFFE800  }
0x39b: {  	_ =	swait.ge [sflag:s21], $0x1800  }
0x39c: {  	[sflag:s21] =	ssyncset.done $0x0  }
0x39d: {  	[sflag:s21] =	ssyncadd.s32 $0xFFFFE800  }
0x39e: {  	_ =	swait.ge [sflag:s21], $0x1800  }
0x39f: {  	[sflag:s21] =	ssyncset.done $0x0  }
0x3a0: {  	[sflag:s21] =	ssyncadd.s32 $0xFFFFE800  }
0x3a1: {  	_ =	swait.ge [sflag:s21], $0x1800  }
0x3a2: {  	[sflag:s21] =	ssyncset.done $0x0  }
0x3a3: {  	[sflag:s21] =	ssyncadd.s32 $0xFFFFE800  }
0x3a4: {  	_ =	swait.ge [sflag:s21], $0x1800  }
0x3a5: {  	[sflag:s21] =	ssyncset.done $0x0  }
0x3a6: {  	[sflag:s21] =	ssyncadd.s32 $0xFFFFE800  }
.LBB2_8:
0x3a7: {  	s0 =	simm.s32 $0x0  }
0x3a8: {  	s1 =	sor.u32 $0x3, s0  }
0x3a9: {  	s2 =	sand.u32 $0xFF, s1  }
0x3aa: {  	s4 =	sor.u32 $0x1, s0;
	s2 =	smul.u32 $0xAB, s2  }
0x3ab: {  	s9 =	smul.u32 $0xAB, s0;
	s7 =	sand.u32 $0xFF, s4  }
0x3ac: {  	s6 =	sor.u32 $0x2, s0;
	s7 =	smul.u32 $0xAB, s7;
	s2 =	sshrl.u32 s2, $0xA  }
0x3ad: {  	s8 =	sand.u32 $0xFF, s6;
	s3 =	smul.u32 $0x6, s2  }
0x3ae: {  	s8 =	smul.u32 $0xAB, s8;
	s19 =	sshrl.u32 s9, $0xA  }
0x3af: {  	s9 =	sand.u32 $0x3F, s19;
	s14 =	smul.u32 $0x3000, s2;
	s1 =	ssub.s32 s1, s3  }
0x3b0: {  	s7 =	sshrl.u32 s7, $0xA;
	s26 =	smul.u32 $0x3000, s9;
	s1 =	sand.u32 $0xFF, s1  }
0x3b1: {  	s18 =	smul.u32 $0x6, s7;
	s16 =	sshrl.u32 s14, $0x2;
	s17 =	sshll.u32 s1, $0x9  }
0x3b2: {  	s8 =	sshrl.u32 s8, $0xA;
	s2 =	smul.u32 $0x6000, s2;
	s0 =	sadd.s32 s17, s16  }
0x3b3: {  	s10 =	smul.u32 $0x6, s8;
	v0 =	vld [tilespmem:s0+$0x3000]  }
0x3b4: {  	s2 =	sshrl.u32 s2, $0x2;
	s3 =	ssub.s32 s4, s18;
	s1 =	sshll.u32 s1, $0xA  }
0x3b5: {  	s4 =	sshrl.u32 s26, $0x2;
	s7 =	sadd.s32 s1, s2;
	s1 =	sand.u32 $0xFF, s3  }
0x3b6: {  	s11 =	smul.u32 $0x6, s9;
	s17 =	sadd.s32 $0x3000, s4;
	s16 =	sshll.u32 s1, $0x9  }
0x3b7: {  	s9 =	smul.u32 $0x6000, s9;
	s12 =	ssub.s32 s6, s10;
	s6 =	sadd.s32 s16, s17  }
0x3b8: {  	s14 =	smul.u32 $0x3000, s8;
	v1 =	vld [tilespmem:s6+$0x0];
	[tilespmem:s7+$0xC000] =	vst v0  }
0x3b9: {  	s13 =	ssub.s32 $0x0, s11;
	s11 =	sshrl.u32 s9, $0x2;
	s2 =	sand.u32 $0xFF, s12;
	[tilespmem:s7+$0xC080] =	vst v0  }
0x3ba: {  	s9 =	sadd.s32 $0xC000, s11;
	s19 =	sshrl.u32 s14, $0x2;
	s18 =	sshll.u32 s2, $0x9;
	v0 =	vld [tilespmem:s0+$0x3010]  }
0x3bb: {  	s12 =	sand.u32 $0xFF, s13;
	s1 =	sshll.u32 s1, $0xA;
	s4 =	sadd.s32 s18, s19  }
0x3bc: {  	s26 =	sshll.u32 s12, $0x9;
	s3 =	sadd.s32 s1, s9;
	v2 =	vld [tilespmem:s4+$0x3000]  }
0x3bd: {  	s8 =	smul.u32 $0x6000, s8;
	s14 =	sadd.s32 s26, s17;
	[tilespmem:s3+$0x0] =	vst v1  }
0x3be: {  	v3 =	vld [tilespmem:s14+$0x0];
	[tilespmem:s3+$0x80] =	vst v1  }
0x3bf: {  	s13 =	sshll.u32 s2, $0xA;
	s16 =	sshrl.u32 s8, $0x2;
	[tilespmem:s7+$0xC010] =	vst v0  }
0x3c0: {  	s2 =	sadd.s32 s13, s16;
	v1 =	vld [tilespmem:s6+$0x10];
	[tilespmem:s7+$0xC090] =	vst v0  }
0x3c1: {  	s17 =	sshll.u32 s12, $0xA;
	[tilespmem:s2+$0xC000] =	vst v2;
	v0 =	vld [tilespmem:s0+$0x3020]  }
0x3c2: {  	s1 =	sadd.s32 s17, s9;
	[tilespmem:s2+$0xC080] =	vst v2  }
0x3c3: {  	[tilespmem:s1+$0x0] =	vst v3  }
0x3c4: {  	[tilespmem:s1+$0x80] =	vst v3;
	v2 =	vld [tilespmem:s4+$0x3010]  }
0x3c5: {  	[tilespmem:s3+$0x10] =	vst v1  }
0x3c6: {  	v3 =	vld [tilespmem:s14+$0x10];
	[tilespmem:s7+$0xC020] =	vst v0  }
0x3c7: {  	[tilespmem:s7+$0xC0A0] =	vst v0  }
0x3c8: {  	[tilespmem:s3+$0x90] =	vst v1;
	v0 =	vld [tilespmem:s0+$0x3030]  }
0x3c9: {  	[tilespmem:s2+$0xC010] =	vst v2  }
0x3ca: {  	[tilespmem:s2+$0xC090] =	vst v2;
	v1 =	vld [tilespmem:s6+$0x20]  }
0x3cb: {  	[tilespmem:s1+$0x10] =	vst v3  }
0x3cc: {  	[tilespmem:s1+$0x90] =	vst v3;
	v2 =	vld [tilespmem:s4+$0x3020]  }
0x3cd: {  	[tilespmem:s7+$0xC030] =	vst v0  }
0x3ce: {  	v3 =	vld [tilespmem:s14+$0x20];
	[tilespmem:s7+$0xC0B0] =	vst v0  }
0x3cf: {  	[tilespmem:s3+$0x20] =	vst v1;
	v0 =	vld [tilespmem:s0+$0x3040]  }
0x3d0: {  	[tilespmem:s3+$0xA0] =	vst v1  }
0x3d1: {  	[tilespmem:s2+$0xC020] =	vst v2  }
0x3d2: {  	[tilespmem:s2+$0xC0A0] =	vst v2;
	v1 =	vld [tilespmem:s6+$0x30]  }
0x3d3: {  	[tilespmem:s1+$0x20] =	vst v3  }
0x3d4: {  	v2 =	vld [tilespmem:s4+$0x3030];
	[tilespmem:s7+$0xC040] =	vst v0  }
0x3d5: {  	[tilespmem:s7+$0xC0C0] =	vst v0  }
0x3d6: {  	[tilespmem:s1+$0xA0] =	vst v3;
	v0 =	vld [tilespmem:s0+$0x3050]  }
0x3d7: {  	[tilespmem:s3+$0x30] =	vst v1  }
0x3d8: {  	v3 =	vld [tilespmem:s14+$0x30];
	[tilespmem:s3+$0xB0] =	vst v1  }
0x3d9: {  	[tilespmem:s2+$0xC030] =	vst v2  }
0x3da: {  	[tilespmem:s2+$0xC0B0] =	vst v2;
	v1 =	vld [tilespmem:s6+$0x40]  }
0x3db: {  	[tilespmem:s7+$0xC050] =	vst v0  }
0x3dc: {  	v2 =	vld [tilespmem:s4+$0x3040];
	[tilespmem:s7+$0xC0D0] =	vst v0  }
0x3dd: {  	[tilespmem:s1+$0x30] =	vst v3;
	v0 =	vld [tilespmem:s0+$0x3060]  }
0x3de: {  	[tilespmem:s1+$0xB0] =	vst v3  }
0x3df: {  	[tilespmem:s3+$0x40] =	vst v1  }
0x3e0: {  	v3 =	vld [tilespmem:s14+$0x40];
	[tilespmem:s3+$0xC0] =	vst v1  }
0x3e1: {  	[tilespmem:s2+$0xC040] =	vst v2  }
0x3e2: {  	v1 =	vld [tilespmem:s6+$0x50];
	[tilespmem:s7+$0xC060] =	vst v0  }
0x3e3: {  	[tilespmem:s7+$0xC0E0] =	vst v0  }
0x3e4: {  	[tilespmem:s2+$0xC0C0] =	vst v2;
	v0 =	vld [tilespmem:s0+$0x3070]  }
0x3e5: {  	[tilespmem:s1+$0x40] =	vst v3  }
0x3e6: {  	[tilespmem:s1+$0xC0] =	vst v3;
	v2 =	vld [tilespmem:s4+$0x3050]  }
0x3e7: {  	[tilespmem:s3+$0x50] =	vst v1  }
0x3e8: {  	v3 =	vld [tilespmem:s14+$0x50];
	[tilespmem:s3+$0xD0] =	vst v1  }
0x3e9: {  	[tilespmem:s7+$0xC070] =	vst v0  }
0x3ea: {  	v1 =	vld [tilespmem:s6+$0x60];
	[tilespmem:s7+$0xC0F0] =	vst v0  }
0x3eb: {  	[tilespmem:s2+$0xC050] =	vst v2;
	v0 =	vld [tilespmem:s0+$0x3080]  }
0x3ec: {  	[tilespmem:s2+$0xC0D0] =	vst v2  }
0x3ed: {  	[tilespmem:s1+$0x50] =	vst v3  }
0x3ee: {  	[tilespmem:s1+$0xD0] =	vst v3;
	v2 =	vld [tilespmem:s4+$0x3060]  }
0x3ef: {  	[tilespmem:s3+$0x60] =	vst v1  }
0x3f0: {  	v3 =	vld [tilespmem:s14+$0x60];
	[tilespmem:s7+$0xC100] =	vst v0  }
0x3f1: {  	[tilespmem:s7+$0xC180] =	vst v0  }
0x3f2: {  	[tilespmem:s3+$0xE0] =	vst v1;
	v0 =	vld [tilespmem:s0+$0x3090]  }
0x3f3: {  	[tilespmem:s2+$0xC060] =	vst v2  }
0x3f4: {  	[tilespmem:s2+$0xC0E0] =	vst v2;
	v1 =	vld [tilespmem:s6+$0x70]  }
0x3f5: {  	[tilespmem:s1+$0x60] =	vst v3  }
0x3f6: {  	[tilespmem:s1+$0xE0] =	vst v3;
	v2 =	vld [tilespmem:s4+$0x3070]  }
0x3f7: {  	[tilespmem:s7+$0xC110] =	vst v0  }
0x3f8: {  	v3 =	vld [tilespmem:s14+$0x70];
	[tilespmem:s7+$0xC190] =	vst v0  }
0x3f9: {  	[tilespmem:s3+$0x70] =	vst v1;
	v0 =	vld [tilespmem:s0+$0x30A0]  }
0x3fa: {  	[tilespmem:s3+$0xF0] =	vst v1  }
0x3fb: {  	[tilespmem:s2+$0xC070] =	vst v2  }
0x3fc: {  	[tilespmem:s2+$0xC0F0] =	vst v2;
	v1 =	vld [tilespmem:s6+$0x80]  }
0x3fd: {  	[tilespmem:s1+$0x70] =	vst v3  }
0x3fe: {  	v2 =	vld [tilespmem:s4+$0x3080];
	[tilespmem:s7+$0xC120] =	vst v0  }
0x3ff: {  	[tilespmem:s7+$0xC1A0] =	vst v0  }
0x400: {  	[tilespmem:s1+$0xF0] =	vst v3;
	v0 =	vld [tilespmem:s0+$0x30B0]  }
0x401: {  	[tilespmem:s3+$0x100] =	vst v1  }
0x402: {  	v3 =	vld [tilespmem:s14+$0x80];
	[tilespmem:s3+$0x180] =	vst v1  }
0x403: {  	[tilespmem:s2+$0xC100] =	vst v2  }
0x404: {  	[tilespmem:s2+$0xC180] =	vst v2;
	v1 =	vld [tilespmem:s6+$0x90]  }
0x405: {  	[tilespmem:s7+$0xC130] =	vst v0  }
0x406: {  	v2 =	vld [tilespmem:s4+$0x3090];
	[tilespmem:s7+$0xC1B0] =	vst v0  }
0x407: {  	[tilespmem:s1+$0x100] =	vst v3;
	v0 =	vld [tilespmem:s0+$0x30C0]  }
0x408: {  	[tilespmem:s1+$0x180] =	vst v3  }
0x409: {  	[tilespmem:s3+$0x110] =	vst v1  }
0x40a: {  	v3 =	vld [tilespmem:s14+$0x90];
	[tilespmem:s3+$0x190] =	vst v1  }
0x40b: {  	[tilespmem:s2+$0xC110] =	vst v2  }
0x40c: {  	v1 =	vld [tilespmem:s6+$0xA0];
	[tilespmem:s7+$0xC140] =	vst v0  }
0x40d: {  	[tilespmem:s7+$0xC1C0] =	vst v0  }
0x40e: {  	[tilespmem:s2+$0xC190] =	vst v2;
	v0 =	vld [tilespmem:s0+$0x30D0]  }
0x40f: {  	[tilespmem:s1+$0x110] =	vst v3  }
0x410: {  	[tilespmem:s1+$0x190] =	vst v3;
	v2 =	vld [tilespmem:s4+$0x30A0]  }
0x411: {  	[tilespmem:s3+$0x120] =	vst v1  }
0x412: {  	v3 =	vld [tilespmem:s14+$0xA0];
	[tilespmem:s3+$0x1A0] =	vst v1  }
0x413: {  	[tilespmem:s7+$0xC150] =	vst v0  }
0x414: {  	v1 =	vld [tilespmem:s6+$0xB0];
	[tilespmem:s7+$0xC1D0] =	vst v0  }
0x415: {  	[tilespmem:s2+$0xC120] =	vst v2;
	v0 =	vld [tilespmem:s0+$0x30E0]  }
0x416: {  	[tilespmem:s2+$0xC1A0] =	vst v2  }
0x417: {  	[tilespmem:s1+$0x120] =	vst v3  }
0x418: {  	[tilespmem:s1+$0x1A0] =	vst v3;
	v2 =	vld [tilespmem:s4+$0x30B0]  }
0x419: {  	[tilespmem:s3+$0x130] =	vst v1  }
0x41a: {  	v3 =	vld [tilespmem:s14+$0xB0];
	[tilespmem:s7+$0xC160] =	vst v0  }
0x41b: {  	[tilespmem:s7+$0xC1E0] =	vst v0  }
0x41c: {  	[tilespmem:s3+$0x1B0] =	vst v1;
	v0 =	vld [tilespmem:s0+$0x30F0]  }
0x41d: {  	[tilespmem:s2+$0xC130] =	vst v2  }
0x41e: {  	[tilespmem:s2+$0xC1B0] =	vst v2;
	v1 =	vld [tilespmem:s6+$0xC0]  }
0x41f: {  	[tilespmem:s1+$0x130] =	vst v3  }
0x420: {  	[tilespmem:s1+$0x1B0] =	vst v3;
	v2 =	vld [tilespmem:s4+$0x30C0]  }
0x421: {  	[tilespmem:s7+$0xC170] =	vst v0  }
0x422: {  	v3 =	vld [tilespmem:s14+$0xC0];
	[tilespmem:s7+$0xC1F0] =	vst v0  }
0x423: {  	[tilespmem:s3+$0x140] =	vst v1;
	v0 =	vld [tilespmem:s0+$0x3100]  }
0x424: {  	[tilespmem:s3+$0x1C0] =	vst v1  }
0x425: {  	[tilespmem:s2+$0xC140] =	vst v2  }
0x426: {  	[tilespmem:s2+$0xC1C0] =	vst v2;
	v1 =	vld [tilespmem:s6+$0xD0]  }
0x427: {  	[tilespmem:s1+$0x140] =	vst v3  }
0x428: {  	v2 =	vld [tilespmem:s4+$0x30D0];
	[tilespmem:s7+$0xC200] =	vst v0  }
0x429: {  	[tilespmem:s7+$0xC280] =	vst v0  }
0x42a: {  	[tilespmem:s1+$0x1C0] =	vst v3;
	v0 =	vld [tilespmem:s0+$0x3110]  }
0x42b: {  	[tilespmem:s3+$0x150] =	vst v1  }
0x42c: {  	v3 =	vld [tilespmem:s14+$0xD0];
	[tilespmem:s3+$0x1D0] =	vst v1  }
0x42d: {  	[tilespmem:s2+$0xC150] =	vst v2  }
0x42e: {  	[tilespmem:s2+$0xC1D0] =	vst v2;
	v1 =	vld [tilespmem:s6+$0xE0]  }
0x42f: {  	[tilespmem:s7+$0xC210] =	vst v0  }
0x430: {  	v2 =	vld [tilespmem:s4+$0x30E0];
	[tilespmem:s7+$0xC290] =	vst v0  }
0x431: {  	[tilespmem:s1+$0x150] =	vst v3;
	v0 =	vld [tilespmem:s0+$0x3120]  }
0x432: {  	[tilespmem:s1+$0x1D0] =	vst v3  }
0x433: {  	[tilespmem:s3+$0x160] =	vst v1  }
0x434: {  	v3 =	vld [tilespmem:s14+$0xE0];
	[tilespmem:s3+$0x1E0] =	vst v1  }
0x435: {  	[tilespmem:s2+$0xC160] =	vst v2  }
0x436: {  	v1 =	vld [tilespmem:s6+$0xF0];
	[tilespmem:s7+$0xC220] =	vst v0  }
0x437: {  	[tilespmem:s7+$0xC2A0] =	vst v0  }
0x438: {  	[tilespmem:s2+$0xC1E0] =	vst v2;
	v0 =	vld [tilespmem:s0+$0x3130]  }
0x439: {  	[tilespmem:s1+$0x160] =	vst v3  }
0x43a: {  	[tilespmem:s1+$0x1E0] =	vst v3;
	v2 =	vld [tilespmem:s4+$0x30F0]  }
0x43b: {  	[tilespmem:s3+$0x170] =	vst v1  }
0x43c: {  	v3 =	vld [tilespmem:s14+$0xF0];
	[tilespmem:s3+$0x1F0] =	vst v1  }
0x43d: {  	[tilespmem:s7+$0xC230] =	vst v0  }
0x43e: {  	v1 =	vld [tilespmem:s6+$0x100];
	[tilespmem:s7+$0xC2B0] =	vst v0  }
0x43f: {  	[tilespmem:s2+$0xC170] =	vst v2;
	v0 =	vld [tilespmem:s0+$0x3140]  }
0x440: {  	[tilespmem:s2+$0xC1F0] =	vst v2  }
0x441: {  	[tilespmem:s1+$0x170] =	vst v3  }
0x442: {  	[tilespmem:s1+$0x1F0] =	vst v3;
	v2 =	vld [tilespmem:s4+$0x3100]  }
0x443: {  	[tilespmem:s3+$0x200] =	vst v1  }
0x444: {  	v3 =	vld [tilespmem:s14+$0x100];
	[tilespmem:s7+$0xC240] =	vst v0  }
0x445: {  	[tilespmem:s7+$0xC2C0] =	vst v0  }
0x446: {  	[tilespmem:s3+$0x280] =	vst v1;
	v0 =	vld [tilespmem:s0+$0x3150]  }
0x447: {  	[tilespmem:s2+$0xC200] =	vst v2  }
0x448: {  	[tilespmem:s2+$0xC280] =	vst v2;
	v1 =	vld [tilespmem:s6+$0x110]  }
0x449: {  	[tilespmem:s1+$0x200] =	vst v3  }
0x44a: {  	[tilespmem:s1+$0x280] =	vst v3;
	v2 =	vld [tilespmem:s4+$0x3110]  }
0x44b: {  	[tilespmem:s7+$0xC250] =	vst v0  }
0x44c: {  	v3 =	vld [tilespmem:s14+$0x110];
	[tilespmem:s7+$0xC2D0] =	vst v0  }
0x44d: {  	[tilespmem:s3+$0x210] =	vst v1;
	v0 =	vld [tilespmem:s0+$0x3160]  }
0x44e: {  	[tilespmem:s3+$0x290] =	vst v1  }
0x44f: {  	[tilespmem:s2+$0xC210] =	vst v2  }
0x450: {  	[tilespmem:s2+$0xC290] =	vst v2;
	v1 =	vld [tilespmem:s6+$0x120]  }
0x451: {  	[tilespmem:s1+$0x210] =	vst v3  }
0x452: {  	v2 =	vld [tilespmem:s4+$0x3120];
	[tilespmem:s7+$0xC260] =	vst v0  }
0x453: {  	[tilespmem:s7+$0xC2E0] =	vst v0  }
0x454: {  	v0 =	vld [tilespmem:s0+$0x3170];
	[tilespmem:s1+$0x290] =	vst v3  }
0x455: {  	[tilespmem:s3+$0x220] =	vst v1  }
0x456: {  	[tilespmem:s3+$0x2A0] =	vst v1;
	v3 =	vld [tilespmem:s14+$0x120]  }
0x457: {  	[tilespmem:s2+$0xC220] =	vst v2  }
0x458: {  	[tilespmem:s2+$0xC2A0] =	vst v2;
	v1 =	vld [tilespmem:s6+$0x130]  }
0x459: {  	[tilespmem:s7+$0xC270] =	vst v0  }
0x45a: {  	v2 =	vld [tilespmem:s4+$0x3130];
	[tilespmem:s7+$0xC2F0] =	vst v0  }
0x45b: {  	[tilespmem:s1+$0x220] =	vst v3  }
0x45c: {  	v0 =	vld [tilespmem:s0+$0x3180];
	[tilespmem:s1+$0x2A0] =	vst v3  }
0x45d: {  	[tilespmem:s3+$0x230] =	vst v1  }
0x45e: {  	[tilespmem:s3+$0x2B0] =	vst v1;
	v3 =	vld [tilespmem:s14+$0x130]  }
0x45f: {  	[tilespmem:s2+$0xC230] =	vst v2  }
0x460: {  	[tilespmem:s2+$0xC2B0] =	vst v2;
	v1 =	vld [tilespmem:s6+$0x140]  }
0x461: {  	[tilespmem:s7+$0xC300] =	vst v0  }
0x462: {  	v2 =	vld [tilespmem:s4+$0x3140];
	[tilespmem:s7+$0xC380] =	vst v0  }
0x463: {  	[tilespmem:s1+$0x230] =	vst v3  }
0x464: {  	v0 =	vld [tilespmem:s0+$0x3190];
	[tilespmem:s1+$0x2B0] =	vst v3  }
0x465: {  	[tilespmem:s3+$0x240] =	vst v1  }
0x466: {  	[tilespmem:s3+$0x2C0] =	vst v1;
	v3 =	vld [tilespmem:s14+$0x140]  }
0x467: {  	[tilespmem:s2+$0xC240] =	vst v2  }
0x468: {  	[tilespmem:s2+$0xC2C0] =	vst v2;
	v1 =	vld [tilespmem:s6+$0x150]  }
0x469: {  	[tilespmem:s7+$0xC310] =	vst v0  }
0x46a: {  	v2 =	vld [tilespmem:s4+$0x3150];
	[tilespmem:s7+$0xC390] =	vst v0  }
0x46b: {  	[tilespmem:s1+$0x240] =	vst v3  }
0x46c: {  	v0 =	vld [tilespmem:s0+$0x31A0];
	[tilespmem:s1+$0x2C0] =	vst v3  }
0x46d: {  	[tilespmem:s3+$0x250] =	vst v1  }
0x46e: {  	[tilespmem:s3+$0x2D0] =	vst v1;
	v3 =	vld [tilespmem:s14+$0x150]  }
0x46f: {  	[tilespmem:s2+$0xC250] =	vst v2  }
0x470: {  	[tilespmem:s2+$0xC2D0] =	vst v2;
	v1 =	vld [tilespmem:s6+$0x160]  }
0x471: {  	[tilespmem:s7+$0xC320] =	vst v0  }
0x472: {  	v2 =	vld [tilespmem:s4+$0x3160];
	[tilespmem:s7+$0xC3A0] =	vst v0  }
0x473: {  	[tilespmem:s1+$0x250] =	vst v3  }
0x474: {  	v0 =	vld [tilespmem:s0+$0x31B0];
	[tilespmem:s1+$0x2D0] =	vst v3  }
0x475: {  	[tilespmem:s3+$0x260] =	vst v1  }
0x476: {  	[tilespmem:s3+$0x2E0] =	vst v1;
	v3 =	vld [tilespmem:s14+$0x160]  }
0x477: {  	[tilespmem:s2+$0xC260] =	vst v2  }
0x478: {  	[tilespmem:s2+$0xC2E0] =	vst v2;
	v1 =	vld [tilespmem:s6+$0x170]  }
0x479: {  	[tilespmem:s7+$0xC330] =	vst v0  }
0x47a: {  	v2 =	vld [tilespmem:s4+$0x3170];
	[tilespmem:s7+$0xC3B0] =	vst v0  }
0x47b: {  	[tilespmem:s1+$0x260] =	vst v3  }
0x47c: {  	v0 =	vld [tilespmem:s0+$0x31C0];
	[tilespmem:s1+$0x2E0] =	vst v3  }
0x47d: {  	[tilespmem:s3+$0x270] =	vst v1  }
0x47e: {  	[tilespmem:s3+$0x2F0] =	vst v1;
	v3 =	vld [tilespmem:s14+$0x170]  }
0x47f: {  	[tilespmem:s2+$0xC270] =	vst v2  }
0x480: {  	[tilespmem:s2+$0xC2F0] =	vst v2;
	v1 =	vld [tilespmem:s6+$0x180]  }
0x481: {  	[tilespmem:s7+$0xC340] =	vst v0  }
0x482: {  	[tilespmem:s7+$0xC3C0] =	vst v0;
	v0 =	vld [tilespmem:s4+$0x3180]  }
0x483: {  	[tilespmem:s1+$0x270] =	vst v3  }
0x484: {  	v2 =	vld [tilespmem:s0+$0x31D0];
	[tilespmem:s1+$0x2F0] =	vst v3  }
0x485: {  	[tilespmem:s3+$0x300] =	vst v1  }
0x486: {  	[tilespmem:s3+$0x380] =	vst v1;
	v3 =	vld [tilespmem:s14+$0x180]  }
0x487: {  	[tilespmem:s2+$0xC300] =	vst v0  }
0x488: {  	v1 =	vld [tilespmem:s6+$0x190];
	[tilespmem:s2+$0xC380] =	vst v0  }
0x489: {  	[tilespmem:s7+$0xC350] =	vst v2  }
0x48a: {  	v0 =	vld [tilespmem:s4+$0x3190];
	[tilespmem:s7+$0xC3D0] =	vst v2  }
0x48b: {  	[tilespmem:s1+$0x300] =	vst v3  }
0x48c: {  	[tilespmem:s1+$0x380] =	vst v3;
	v2 =	vld [tilespmem:s0+$0x31E0]  }
0x48d: {  	[tilespmem:s3+$0x310] =	vst v1  }
0x48e: {  	[tilespmem:s3+$0x390] =	vst v1;
	v3 =	vld [tilespmem:s14+$0x190]  }
0x48f: {  	[tilespmem:s2+$0xC310] =	vst v0  }
0x490: {  	v1 =	vld [tilespmem:s6+$0x1A0];
	[tilespmem:s2+$0xC390] =	vst v0  }
0x491: {  	[tilespmem:s7+$0xC360] =	vst v2  }
0x492: {  	v0 =	vld [tilespmem:s4+$0x31A0];
	[tilespmem:s7+$0xC3E0] =	vst v2  }
0x493: {  	[tilespmem:s1+$0x310] =	vst v3  }
0x494: {  	[tilespmem:s1+$0x390] =	vst v3;
	v2 =	vld [tilespmem:s0+$0x31F0]  }
0x495: {  	[tilespmem:s3+$0x320] =	vst v1;
	v3 =	vld [tilespmem:s14+$0x1A0]  }
0x496: {  	[tilespmem:s3+$0x3A0] =	vst v1;
	s0 =	simm.s32 $0x4  }
0x497: {  	v1 =	vld [tilespmem:s6+$0x1B0];
	s18 =	sor.u32 $0x3, s0;
	[tilespmem:s2+$0xC320] =	vst v0  }
0x498: {  	s19 =	sand.u32 $0xFF, s18;
	[tilespmem:s2+$0xC3A0] =	vst v0  }
0x499: {  	s9 =	smul.u32 $0xAB, s19;
	v0 =	vld [tilespmem:s4+$0x31B0];
	[tilespmem:s7+$0xC3F0] =	vst v2  }
0x49a: {  	[tilespmem:s1+$0x320] =	vst v3  }
0x49b: {  	s10 =	sshrl.u32 s9, $0xA;
	[tilespmem:s1+$0x3A0] =	vst v3  }
0x49c: {  	[tilespmem:s3+$0x330] =	vst v1;
	s9 =	smul.u32 $0x6, s10;
	v3 =	vld [tilespmem:s14+$0x1B0]  }
0x49d: {  	[tilespmem:s3+$0x3B0] =	vst v1  }
0x49e: {  	s26 =	smul.u32 $0x3000, s10;
	v1 =	vld [tilespmem:s6+$0x1C0];
	s8 =	ssub.s32 s18, s9;
	[tilespmem:s2+$0xC330] =	vst v0  }
0x49f: {  	s8 =	sand.u32 $0xFF, s8;
	[tilespmem:s2+$0xC3B0] =	vst v0  }
0x4a0: {  	[tilespmem:s7+$0xC370] =	vst v2;
	s9 =	sshrl.u32 s26, $0x2;
	s26 =	sshll.u32 s8, $0x9;
	v0 =	vld [tilespmem:s4+$0x31C0]  }
0x4a1: {  	s9 =	sadd.s32 s26, s9;
	[tilespmem:s1+$0x330] =	vst v3  }
0x4a2: {  	[tilespmem:s1+$0x3B0] =	vst v3;
	v2 =	vld [tilespmem:s9+$0x3000]  }
0x4a3: {  	s10 =	smul.u32 $0x6000, s10;
	[tilespmem:s3+$0x340] =	vst v1  }
0x4a4: {  	[tilespmem:s3+$0x3C0] =	vst v1;
	v3 =	vld [tilespmem:s14+$0x1C0]  }
0x4a5: {  	s10 =	sshrl.u32 s10, $0x2;
	s8 =	sshll.u32 s8, $0xA;
	[tilespmem:s2+$0xC340] =	vst v0  }
0x4a6: {  	s8 =	sadd.s32 s8, s10;
	v1 =	vld [tilespmem:s6+$0x1D0];
	[tilespmem:s2+$0xC3C0] =	vst v0  }
0x4a7: {  	[tilespmem:s8+$0xC000] =	vst v2  }
0x4a8: {  	v0 =	vld [tilespmem:s4+$0x31D0];
	[tilespmem:s8+$0xC080] =	vst v2  }
0x4a9: {  	[tilespmem:s1+$0x340] =	vst v3  }
0x4aa: {  	[tilespmem:s1+$0x3C0] =	vst v3;
	v2 =	vld [tilespmem:s9+$0x3010]  }
0x4ab: {  	s11 =	sor.u32 $0x1, s0;
	[tilespmem:s3+$0x350] =	vst v1  }
0x4ac: {  	s13 =	sand.u32 $0xFF, s11;
	[tilespmem:s3+$0x3D0] =	vst v1;
	v3 =	vld [tilespmem:s14+$0x1D0]  }
0x4ad: {  	s13 =	smul.u32 $0xAB, s13;
	[tilespmem:s2+$0xC350] =	vst v0  }
0x4ae: {  	s17 =	smul.u32 $0xAB, s0;
	v1 =	vld [tilespmem:s6+$0x1E0];
	[tilespmem:s2+$0xC3D0] =	vst v0  }
0x4af: {  	s12 =	sor.u32 $0x2, s0;
	s13 =	sshrl.u32 s13, $0xA;
	[tilespmem:s8+$0xC010] =	vst v2  }
0x4b0: {  	s16 =	sand.u32 $0xFF, s12;
	s19 =	sshrl.u32 s17, $0xA;
	s7 =	smul.u32 $0x6, s13;
	v0 =	vld [tilespmem:s4+$0x31E0];
	[tilespmem:s8+$0xC090] =	vst v2  }
0x4b1: {  	s13 =	sand.u32 $0x3F, s19;
	s18 =	smul.u32 $0xAB, s16;
	[tilespmem:s1+$0x350] =	vst v3  }
0x4b2: {  	s19 =	smul.u32 $0x3000, s13;
	[tilespmem:s1+$0x3D0] =	vst v3;
	v2 =	vld [tilespmem:s9+$0x3020]  }
0x4b3: {  	s17 =	sshrl.u32 s18, $0xA;
	s18 =	smul.u32 $0x6, s13;
	[tilespmem:s3+$0x360] =	vst v1;
	v3 =	vld [tilespmem:s14+$0x1E0]  }
0x4b4: {  	s7 =	ssub.s32 s11, s7;
	s11 =	sshrl.u32 s19, $0x2;
	s26 =	smul.u32 $0x6, s17;
	[tilespmem:s3+$0x3E0] =	vst v1  }
0x4b5: {  	s11 =	sadd.s32 $0x3000, s11;
	s10 =	sand.u32 $0xFF, s7;
	s18 =	ssub.s32 $0x4, s18;
	v1 =	vld [tilespmem:s6+$0x1F0];
	[tilespmem:s2+$0xC360] =	vst v0  }
0x4b6: {  	s19 =	sshll.u32 s10, $0x9;
	s16 =	ssub.s32 s12, s26;
	s12 =	smul.u32 $0x3000, s17;
	[tilespmem:s2+$0xC3E0] =	vst v0  }
0x4b7: {  	s18 =	sand.u32 $0xFF, s18;
	s26 =	sand.u32 $0xFF, s16;
	s6 =	sadd.s32 s19, s11;
	[tilespmem:s8+$0xC020] =	vst v2  }
0x4b8: {  	s16 =	sshll.u32 s26, $0x9;
	s12 =	sshrl.u32 s12, $0x2;
	s19 =	smul.u32 $0x6000, s13;
	v0 =	vld [tilespmem:s6+$0x0];
	[tilespmem:s1+$0x360] =	vst v3  }
0x4b9: {  	s28 =	sshll.u32 s18, $0x9;
	s13 =	sadd.s32 s16, s12;
	[tilespmem:s1+$0x3E0] =	vst v3  }
0x4ba: {  	s7 =	sadd.s32 s28, s11;
	s19 =	sshrl.u32 s19, $0x2;
	[tilespmem:s3+$0x370] =	vst v1;
	v3 =	vld [tilespmem:s13+$0x3000]  }
0x4bb: {  	s12 =	sshll.u32 s10, $0xA;
	s16 =	smul.u32 $0x6000, s17;
	s11 =	sadd.s32 $0xC000, s19;
	[tilespmem:s3+$0x3F0] =	vst v1;
	v1 =	vld [tilespmem:s7+$0x0]  }
0x4bc: {  	s28 =	sadd.s32 s12, s11;
	[tilespmem:s8+$0xC0A0] =	vst v2  }
0x4bd: {  	s17 =	sshll.u32 s26, $0xA;
	s10 =	sshrl.u32 s16, $0x2;
	[tilespmem:s28+$0x0] =	vst v0  }
0x4be: {  	s26 =	sadd.s32 s17, s10;
	s19 =	sshll.u32 s18, $0xA;
	[tilespmem:s28+$0x80] =	vst v0  }
0x4bf: {  	s3 =	sadd.s32 s19, s11;
	v0 =	vld [tilespmem:s6+$0x10];
	[tilespmem:s26+$0xC000] =	vst v3  }
0x4c0: {  	[tilespmem:s3+$0x0] =	vst v1  }
0x4c1: {  	[tilespmem:s3+$0x80] =	vst v1;
	v1 =	vld [tilespmem:s9+$0x3030]  }
0x4c2: {  	[tilespmem:s26+$0xC080] =	vst v3  }
0x4c3: {  	v3 =	vld [tilespmem:s13+$0x3010]  }
0x4c4: {  	[tilespmem:s28+$0x10] =	vst v0  }
0x4c5: {  	v2 =	vld [tilespmem:s7+$0x10];
	[tilespmem:s28+$0x90] =	vst v0  }
0x4c6: {  	[tilespmem:s8+$0xC030] =	vst v1  }
0x4c7: {  	v0 =	vld [tilespmem:s6+$0x20];
	[tilespmem:s8+$0xC0B0] =	vst v1  }
0x4c8: {  	[tilespmem:s26+$0xC010] =	vst v3  }
0x4c9: {  	[tilespmem:s26+$0xC090] =	vst v3;
	v1 =	vld [tilespmem:s9+$0x3040]  }
0x4ca: {  	[tilespmem:s3+$0x10] =	vst v2  }
0x4cb: {  	[tilespmem:s3+$0x90] =	vst v2;
	v3 =	vld [tilespmem:s13+$0x3020]  }
0x4cc: {  	[tilespmem:s28+$0x20] =	vst v0  }
0x4cd: {  	v2 =	vld [tilespmem:s7+$0x20];
	[tilespmem:s28+$0xA0] =	vst v0  }
0x4ce: {  	[tilespmem:s8+$0xC040] =	vst v1  }
0x4cf: {  	v0 =	vld [tilespmem:s6+$0x30];
	[tilespmem:s8+$0xC0C0] =	vst v1  }
0x4d0: {  	[tilespmem:s26+$0xC020] =	vst v3  }
0x4d1: {  	[tilespmem:s26+$0xC0A0] =	vst v3;
	v1 =	vld [tilespmem:s9+$0x3050]  }
0x4d2: {  	[tilespmem:s3+$0x20] =	vst v2  }
0x4d3: {  	[tilespmem:s3+$0xA0] =	vst v2;
	v3 =	vld [tilespmem:s13+$0x3030]  }
0x4d4: {  	[tilespmem:s28+$0x30] =	vst v0  }
0x4d5: {  	v2 =	vld [tilespmem:s7+$0x30];
	[tilespmem:s28+$0xB0] =	vst v0  }
0x4d6: {  	[tilespmem:s8+$0xC050] =	vst v1  }
0x4d7: {  	v0 =	vld [tilespmem:s6+$0x40];
	[tilespmem:s8+$0xC0D0] =	vst v1  }
0x4d8: {  	[tilespmem:s26+$0xC030] =	vst v3  }
0x4d9: {  	v1 =	vld [tilespmem:s9+$0x3060];
	[tilespmem:s26+$0xC0B0] =	vst v3  }
0x4da: {  	[tilespmem:s3+$0x30] =	vst v2  }
0x4db: {  	[tilespmem:s3+$0xB0] =	vst v2;
	v3 =	vld [tilespmem:s13+$0x3040]  }
0x4dc: {  	[tilespmem:s28+$0x40] =	vst v0  }
0x4dd: {  	v2 =	vld [tilespmem:s7+$0x40];
	[tilespmem:s28+$0xC0] =	vst v0  }
0x4de: {  	[tilespmem:s8+$0xC060] =	vst v1  }
0x4df: {  	[tilespmem:s8+$0xC0E0] =	vst v1;
	v1 =	vld [tilespmem:s6+$0x50]  }
0x4e0: {  	[tilespmem:s26+$0xC040] =	vst v3  }
0x4e1: {  	v0 =	vld [tilespmem:s9+$0x3070];
	[tilespmem:s26+$0xC0C0] =	vst v3  }
0x4e2: {  	[tilespmem:s3+$0x40] =	vst v2  }
0x4e3: {  	[tilespmem:s3+$0xC0] =	vst v2;
	v3 =	vld [tilespmem:s13+$0x3050]  }
0x4e4: {  	[tilespmem:s28+$0x50] =	vst v1  }
0x4e5: {  	v2 =	vld [tilespmem:s7+$0x50];
	[tilespmem:s28+$0xD0] =	vst v1  }
0x4e6: {  	[tilespmem:s8+$0xC070] =	vst v0  }
0x4e7: {  	[tilespmem:s8+$0xC0F0] =	vst v0;
	v1 =	vld [tilespmem:s6+$0x60]  }
0x4e8: {  	[tilespmem:s26+$0xC050] =	vst v3  }
0x4e9: {  	v0 =	vld [tilespmem:s9+$0x3080];
	[tilespmem:s26+$0xC0D0] =	vst v3  }
0x4ea: {  	[tilespmem:s3+$0x50] =	vst v2  }
0x4eb: {  	[tilespmem:s3+$0xD0] =	vst v2;
	v3 =	vld [tilespmem:s13+$0x3060]  }
0x4ec: {  	[tilespmem:s28+$0x60] =	vst v1  }
0x4ed: {  	v2 =	vld [tilespmem:s7+$0x60];
	[tilespmem:s28+$0xE0] =	vst v1  }
0x4ee: {  	[tilespmem:s8+$0xC100] =	vst v0  }
0x4ef: {  	[tilespmem:s8+$0xC180] =	vst v0;
	v1 =	vld [tilespmem:s6+$0x70]  }
0x4f0: {  	v0 =	vld [tilespmem:s9+$0x3090];
	[tilespmem:s26+$0xC060] =	vst v3  }
0x4f1: {  	[tilespmem:s26+$0xC0E0] =	vst v3  }
0x4f2: {  	[tilespmem:s3+$0x60] =	vst v2  }
0x4f3: {  	[tilespmem:s3+$0xE0] =	vst v2;
	v3 =	vld [tilespmem:s13+$0x3070]  }
0x4f4: {  	[tilespmem:s28+$0x70] =	vst v1  }
0x4f5: {  	v2 =	vld [tilespmem:s7+$0x70];
	[tilespmem:s8+$0xC110] =	vst v0  }
0x4f6: {  	[tilespmem:s8+$0xC190] =	vst v0  }
0x4f7: {  	[tilespmem:s28+$0xF0] =	vst v1;
	v0 =	vld [tilespmem:s9+$0x30A0]  }
0x4f8: {  	[tilespmem:s26+$0xC070] =	vst v3  }
0x4f9: {  	v1 =	vld [tilespmem:s6+$0x80];
	[tilespmem:s26+$0xC0F0] =	vst v3  }
0x4fa: {  	[tilespmem:s3+$0x70] =	vst v2  }
0x4fb: {  	[tilespmem:s3+$0xF0] =	vst v2;
	v3 =	vld [tilespmem:s13+$0x3080]  }
0x4fc: {  	[tilespmem:s8+$0xC120] =	vst v0  }
0x4fd: {  	v2 =	vld [tilespmem:s7+$0x80];
	[tilespmem:s8+$0xC1A0] =	vst v0  }
0x4fe: {  	[tilespmem:s28+$0x100] =	vst v1;
	v0 =	vld [tilespmem:s9+$0x30B0]  }
0x4ff: {  	[tilespmem:s28+$0x180] =	vst v1  }
0x500: {  	[tilespmem:s26+$0xC100] =	vst v3  }
0x501: {  	v1 =	vld [tilespmem:s6+$0x90];
	[tilespmem:s26+$0xC180] =	vst v3  }
0x502: {  	[tilespmem:s3+$0x100] =	vst v2  }
0x503: {  	v3 =	vld [tilespmem:s13+$0x3090];
	[tilespmem:s8+$0xC130] =	vst v0  }
0x504: {  	[tilespmem:s8+$0xC1B0] =	vst v0  }
0x505: {  	[tilespmem:s3+$0x180] =	vst v2;
	v0 =	vld [tilespmem:s9+$0x30C0]  }
0x506: {  	[tilespmem:s28+$0x110] =	vst v1  }
0x507: {  	v2 =	vld [tilespmem:s7+$0x90];
	[tilespmem:s28+$0x190] =	vst v1  }
0x508: {  	[tilespmem:s26+$0xC110] =	vst v3  }
0x509: {  	v1 =	vld [tilespmem:s6+$0xA0];
	[tilespmem:s26+$0xC190] =	vst v3  }
0x50a: {  	[tilespmem:s8+$0xC140] =	vst v0  }
0x50b: {  	v3 =	vld [tilespmem:s13+$0x30A0];
	[tilespmem:s8+$0xC1C0] =	vst v0  }
0x50c: {  	[tilespmem:s3+$0x110] =	vst v2;
	v0 =	vld [tilespmem:s9+$0x30D0]  }
0x50d: {  	[tilespmem:s3+$0x190] =	vst v2  }
0x50e: {  	[tilespmem:s28+$0x120] =	vst v1  }
0x50f: {  	v2 =	vld [tilespmem:s7+$0xA0];
	[tilespmem:s28+$0x1A0] =	vst v1  }
0x510: {  	[tilespmem:s26+$0xC120] =	vst v3  }
0x511: {  	v1 =	vld [tilespmem:s6+$0xB0];
	[tilespmem:s8+$0xC150] =	vst v0  }
0x512: {  	[tilespmem:s8+$0xC1D0] =	vst v0  }
0x513: {  	[tilespmem:s26+$0xC1A0] =	vst v3;
	v0 =	vld [tilespmem:s9+$0x30E0]  }
0x514: {  	[tilespmem:s3+$0x120] =	vst v2  }
0x515: {  	[tilespmem:s3+$0x1A0] =	vst v2;
	v3 =	vld [tilespmem:s13+$0x30B0]  }
0x516: {  	[tilespmem:s28+$0x130] =	vst v1  }
0x517: {  	v2 =	vld [tilespmem:s7+$0xB0];
	[tilespmem:s28+$0x1B0] =	vst v1  }
0x518: {  	[tilespmem:s8+$0xC160] =	vst v0  }
0x519: {  	v1 =	vld [tilespmem:s6+$0xC0];
	[tilespmem:s8+$0xC1E0] =	vst v0  }
0x51a: {  	[tilespmem:s26+$0xC130] =	vst v3;
	v0 =	vld [tilespmem:s9+$0x30F0]  }
0x51b: {  	[tilespmem:s26+$0xC1B0] =	vst v3  }
0x51c: {  	[tilespmem:s3+$0x130] =	vst v2  }
0x51d: {  	[tilespmem:s3+$0x1B0] =	vst v2;
	v3 =	vld [tilespmem:s13+$0x30C0]  }
0x51e: {  	[tilespmem:s28+$0x140] =	vst v1  }
0x51f: {  	v2 =	vld [tilespmem:s7+$0xC0];
	[tilespmem:s8+$0xC170] =	vst v0  }
0x520: {  	[tilespmem:s8+$0xC1F0] =	vst v0  }
0x521: {  	[tilespmem:s28+$0x1C0] =	vst v1;
	v0 =	vld [tilespmem:s9+$0x3100]  }
0x522: {  	[tilespmem:s26+$0xC140] =	vst v3  }
0x523: {  	v1 =	vld [tilespmem:s6+$0xD0];
	[tilespmem:s26+$0xC1C0] =	vst v3  }
0x524: {  	[tilespmem:s3+$0x140] =	vst v2  }
0x525: {  	[tilespmem:s3+$0x1C0] =	vst v2;
	v3 =	vld [tilespmem:s13+$0x30D0]  }
0x526: {  	[tilespmem:s8+$0xC200] =	vst v0  }
0x527: {  	v2 =	vld [tilespmem:s7+$0xD0];
	[tilespmem:s8+$0xC280] =	vst v0  }
0x528: {  	[tilespmem:s28+$0x150] =	vst v1;
	v0 =	vld [tilespmem:s9+$0x3110]  }
0x529: {  	[tilespmem:s28+$0x1D0] =	vst v1  }
0x52a: {  	[tilespmem:s26+$0xC150] =	vst v3  }
0x52b: {  	v1 =	vld [tilespmem:s6+$0xE0];
	[tilespmem:s26+$0xC1D0] =	vst v3  }
0x52c: {  	[tilespmem:s3+$0x150] =	vst v2  }
0x52d: {  	v3 =	vld [tilespmem:s13+$0x30E0];
	[tilespmem:s8+$0xC210] =	vst v0  }
0x52e: {  	[tilespmem:s8+$0xC290] =	vst v0  }
0x52f: {  	[tilespmem:s3+$0x1D0] =	vst v2;
	v0 =	vld [tilespmem:s9+$0x3120]  }
0x530: {  	[tilespmem:s28+$0x160] =	vst v1  }
0x531: {  	v2 =	vld [tilespmem:s7+$0xE0];
	[tilespmem:s28+$0x1E0] =	vst v1  }
0x532: {  	[tilespmem:s26+$0xC160] =	vst v3  }
0x533: {  	v1 =	vld [tilespmem:s6+$0xF0];
	[tilespmem:s26+$0xC1E0] =	vst v3  }
0x534: {  	[tilespmem:s8+$0xC220] =	vst v0  }
0x535: {  	v3 =	vld [tilespmem:s13+$0x30F0];
	[tilespmem:s8+$0xC2A0] =	vst v0  }
0x536: {  	[tilespmem:s3+$0x160] =	vst v2;
	v0 =	vld [tilespmem:s9+$0x3130]  }
0x537: {  	[tilespmem:s3+$0x1E0] =	vst v2  }
0x538: {  	[tilespmem:s28+$0x170] =	vst v1  }
0x539: {  	v2 =	vld [tilespmem:s7+$0xF0];
	[tilespmem:s28+$0x1F0] =	vst v1  }
0x53a: {  	[tilespmem:s26+$0xC170] =	vst v3  }
0x53b: {  	v1 =	vld [tilespmem:s6+$0x100];
	[tilespmem:s8+$0xC230] =	vst v0  }
0x53c: {  	[tilespmem:s8+$0xC2B0] =	vst v0  }
0x53d: {  	[tilespmem:s26+$0xC1F0] =	vst v3;
	v0 =	vld [tilespmem:s9+$0x3140]  }
0x53e: {  	[tilespmem:s3+$0x170] =	vst v2  }
0x53f: {  	[tilespmem:s3+$0x1F0] =	vst v2;
	v3 =	vld [tilespmem:s13+$0x3100]  }
0x540: {  	[tilespmem:s28+$0x200] =	vst v1  }
0x541: {  	v2 =	vld [tilespmem:s7+$0x100];
	[tilespmem:s28+$0x280] =	vst v1  }
0x542: {  	[tilespmem:s8+$0xC240] =	vst v0  }
0x543: {  	v1 =	vld [tilespmem:s6+$0x110];
	[tilespmem:s8+$0xC2C0] =	vst v0  }
0x544: {  	[tilespmem:s26+$0xC200] =	vst v3;
	v0 =	vld [tilespmem:s9+$0x3150]  }
0x545: {  	[tilespmem:s26+$0xC280] =	vst v3  }
0x546: {  	[tilespmem:s3+$0x200] =	vst v2  }
0x547: {  	[tilespmem:s3+$0x280] =	vst v2;
	v3 =	vld [tilespmem:s13+$0x3110]  }
0x548: {  	[tilespmem:s28+$0x210] =	vst v1  }
0x549: {  	v2 =	vld [tilespmem:s7+$0x110];
	[tilespmem:s8+$0xC250] =	vst v0  }
0x54a: {  	[tilespmem:s8+$0xC2D0] =	vst v0  }
0x54b: {  	[tilespmem:s28+$0x290] =	vst v1;
	v0 =	vld [tilespmem:s9+$0x3160]  }
0x54c: {  	[tilespmem:s26+$0xC210] =	vst v3  }
0x54d: {  	v1 =	vld [tilespmem:s6+$0x120];
	[tilespmem:s26+$0xC290] =	vst v3  }
0x54e: {  	[tilespmem:s3+$0x210] =	vst v2  }
0x54f: {  	[tilespmem:s3+$0x290] =	vst v2;
	v3 =	vld [tilespmem:s13+$0x3120]  }
0x550: {  	[tilespmem:s8+$0xC260] =	vst v0  }
0x551: {  	v2 =	vld [tilespmem:s7+$0x120];
	[tilespmem:s8+$0xC2E0] =	vst v0  }
0x552: {  	[tilespmem:s28+$0x220] =	vst v1;
	v0 =	vld [tilespmem:s9+$0x3170]  }
0x553: {  	[tilespmem:s28+$0x2A0] =	vst v1  }
0x554: {  	[tilespmem:s26+$0xC220] =	vst v3  }
0x555: {  	v1 =	vld [tilespmem:s6+$0x130];
	[tilespmem:s26+$0xC2A0] =	vst v3  }
0x556: {  	[tilespmem:s3+$0x220] =	vst v2  }
0x557: {  	v3 =	vld [tilespmem:s13+$0x3130];
	[tilespmem:s8+$0xC270] =	vst v0  }
0x558: {  	[tilespmem:s8+$0xC2F0] =	vst v0  }
0x559: {  	[tilespmem:s3+$0x2A0] =	vst v2;
	v0 =	vld [tilespmem:s9+$0x3180]  }
0x55a: {  	[tilespmem:s28+$0x230] =	vst v1  }
0x55b: {  	v2 =	vld [tilespmem:s7+$0x130];
	[tilespmem:s28+$0x2B0] =	vst v1  }
0x55c: {  	[tilespmem:s26+$0xC230] =	vst v3  }
0x55d: {  	v1 =	vld [tilespmem:s6+$0x140];
	[tilespmem:s26+$0xC2B0] =	vst v3  }
0x55e: {  	[tilespmem:s8+$0xC300] =	vst v0  }
0x55f: {  	v3 =	vld [tilespmem:s13+$0x3140];
	[tilespmem:s8+$0xC380] =	vst v0  }
0x560: {  	[tilespmem:s3+$0x230] =	vst v2;
	v0 =	vld [tilespmem:s9+$0x3190]  }
0x561: {  	[tilespmem:s3+$0x2B0] =	vst v2  }
0x562: {  	[tilespmem:s28+$0x240] =	vst v1  }
0x563: {  	v2 =	vld [tilespmem:s7+$0x140];
	[tilespmem:s28+$0x2C0] =	vst v1  }
0x564: {  	[tilespmem:s26+$0xC240] =	vst v3  }
0x565: {  	v1 =	vld [tilespmem:s6+$0x150];
	[tilespmem:s8+$0xC310] =	vst v0  }
0x566: {  	[tilespmem:s8+$0xC390] =	vst v0  }
0x567: {  	[tilespmem:s26+$0xC2C0] =	vst v3;
	v0 =	vld [tilespmem:s9+$0x31A0]  }
0x568: {  	[tilespmem:s3+$0x240] =	vst v2  }
0x569: {  	[tilespmem:s3+$0x2C0] =	vst v2;
	v3 =	vld [tilespmem:s13+$0x3150]  }
0x56a: {  	[tilespmem:s28+$0x250] =	vst v1  }
0x56b: {  	v2 =	vld [tilespmem:s7+$0x150];
	[tilespmem:s28+$0x2D0] =	vst v1  }
0x56c: {  	[tilespmem:s8+$0xC320] =	vst v0  }
0x56d: {  	v1 =	vld [tilespmem:s6+$0x160];
	[tilespmem:s8+$0xC3A0] =	vst v0  }
0x56e: {  	[tilespmem:s26+$0xC250] =	vst v3;
	v0 =	vld [tilespmem:s9+$0x31B0]  }
0x56f: {  	[tilespmem:s26+$0xC2D0] =	vst v3  }
0x570: {  	[tilespmem:s3+$0x250] =	vst v2  }
0x571: {  	[tilespmem:s3+$0x2D0] =	vst v2;
	v3 =	vld [tilespmem:s13+$0x3160]  }
0x572: {  	[tilespmem:s28+$0x260] =	vst v1  }
0x573: {  	v2 =	vld [tilespmem:s7+$0x160];
	[tilespmem:s8+$0xC330] =	vst v0  }
0x574: {  	[tilespmem:s8+$0xC3B0] =	vst v0  }
0x575: {  	[tilespmem:s28+$0x2E0] =	vst v1;
	v0 =	vld [tilespmem:s9+$0x31C0]  }
0x576: {  	[tilespmem:s26+$0xC260] =	vst v3  }
0x577: {  	v1 =	vld [tilespmem:s6+$0x170];
	[tilespmem:s26+$0xC2E0] =	vst v3  }
0x578: {  	[tilespmem:s3+$0x260] =	vst v2  }
0x579: {  	[tilespmem:s3+$0x2E0] =	vst v2;
	v3 =	vld [tilespmem:s13+$0x3170]  }
0x57a: {  	[tilespmem:s8+$0xC340] =	vst v0  }
0x57b: {  	v2 =	vld [tilespmem:s7+$0x170];
	[tilespmem:s8+$0xC3C0] =	vst v0  }
0x57c: {  	[tilespmem:s28+$0x270] =	vst v1;
	v0 =	vld [tilespmem:s9+$0x31D0]  }
0x57d: {  	[tilespmem:s28+$0x2F0] =	vst v1  }
0x57e: {  	[tilespmem:s26+$0xC270] =	vst v3  }
0x57f: {  	v1 =	vld [tilespmem:s6+$0x180];
	[tilespmem:s26+$0xC2F0] =	vst v3  }
0x580: {  	[tilespmem:s3+$0x270] =	vst v2;
	v3 =	vld [tilespmem:s13+$0x3180]  }
0x581: {  	[tilespmem:s8+$0xC350] =	vst v0  }
0x582: {  	[tilespmem:s8+$0xC3D0] =	vst v0  }
0x583: {  	[tilespmem:s3+$0x2F0] =	vst v2;
	v0 =	vld [tilespmem:s9+$0x31E0]  }
0x584: {  	[tilespmem:s28+$0x300] =	vst v1  }
0x585: {  	v2 =	vld [tilespmem:s7+$0x180];
	[tilespmem:s26+$0xC300] =	vst v3  }
0x586: {  	[tilespmem:s26+$0xC380] =	vst v3  }
0x587: {  	[tilespmem:s28+$0x380] =	vst v1;
	v1 =	vld [tilespmem:s13+$0x3190]  }
0x588: {  	[tilespmem:s8+$0xC360] =	vst v0  }
0x589: {  	[tilespmem:s8+$0xC3E0] =	vst v0;
	v0 =	vld [tilespmem:s6+$0x190]  }
0x58a: {  	[tilespmem:s3+$0x300] =	vst v2  }
0x58b: {  	[tilespmem:s3+$0x380] =	vst v2  }
0x58c: {  	v2 =	vld [tilespmem:s7+$0x190];
	[tilespmem:s26+$0xC310] =	vst v1  }
0x58d: {  	[tilespmem:s26+$0xC390] =	vst v1  }
0x58e: {  	v1 =	vld [tilespmem:s13+$0x31A0];
	[tilespmem:s28+$0x310] =	vst v0  }
0x58f: {  	[tilespmem:s28+$0x390] =	vst v0  }
0x590: {  	v0 =	vld [tilespmem:s6+$0x1A0]  }
0x591: {  	[tilespmem:s3+$0x310] =	vst v2  }
0x592: {  	v3 =	vld [tilespmem:s4+$0x31F0];
	[tilespmem:s3+$0x390] =	vst v2  }
0x593: {  	v2 =	vld [tilespmem:s7+$0x1A0];
	[tilespmem:s26+$0xC320] =	vst v1  }
0x594: {  	[tilespmem:s26+$0xC3A0] =	vst v1  }
0x595: {  	[tilespmem:s28+$0x320] =	vst v0  }
0x596: {  	v1 =	vld [tilespmem:s13+$0x31B0];
	[tilespmem:s28+$0x3A0] =	vst v0  }
0x597: {  	[tilespmem:s2+$0xC370] =	vst v3;
	v0 =	vld [tilespmem:s6+$0x1B0]  }
0x598: {  	[tilespmem:s3+$0x320] =	vst v2  }
0x599: {  	[tilespmem:s3+$0x3A0] =	vst v2  }
0x59a: {  	[tilespmem:s2+$0xC3F0] =	vst v3;
	v5 =	vld [tilespmem:s7+$0x1B0]  }
0x59b: {  	[tilespmem:s26+$0xC330] =	vst v1  }
0x59c: {  	v4 =	vld [tilespmem:s9+$0x31F0];
	[tilespmem:s28+$0x330] =	vst v0  }
0x59d: {  	[tilespmem:s28+$0x3B0] =	vst v0  }
0x59e: {  	[tilespmem:s26+$0xC3B0] =	vst v1;
	v3 =	vld [tilespmem:s6+$0x1C0]  }
0x59f: {  	[tilespmem:s3+$0x330] =	vst v5  }
0x5a0: {  	[tilespmem:s3+$0x3B0] =	vst v5;
	v2 =	vld [tilespmem:s13+$0x31C0]  }
0x5a1: {  	v1 =	vld [tilespmem:s7+$0x1C0];
	[tilespmem:s8+$0xC3F0] =	vst v4  }
0x5a2: {  	[tilespmem:s8+$0xC370] =	vst v4;
	v0 =	vld [tilespmem:s14+$0x1F0]  }
.LBB2_9:
0x5a3: {  	s0 =	sadd.s32 $0x4, s0;
	[tilespmem:s28+$0x340] =	vst v3  }
0x5a4: {  	s2 =	sor.u32 $0x1, s0;
	s8 =	sor.u32 $0x2, s0;
	s4 =	sor.u32 $0x3, s0;
	[tilespmem:s28+$0x3C0] =	vst v3  }
0x5a5: {  	s9 =	sand.u32 $0xFF, s2;
	s10 =	sand.u32 $0xFF, s8;
	s11 =	sand.u32 $0xFF, s4;
	v3 =	vld [tilespmem:s6+$0x1D0];
	[tilespmem:s26+$0xC340] =	vst v2  }
0x5a6: {  	p0 =	slt.u32 s0, $0x14;
	s11 =	smul.u32 $0xAB, s11;
	[tilespmem:s26+$0xC3C0] =	vst v2  }
0x5a7: {  	s12 =	smul.u32 $0xAB, s0;
	[tilespmem:s3+$0x340] =	vst v1;
	v2 =	vld [tilespmem:s13+$0x31D0]  }
0x5a8: {  	s9 =	smul.u32 $0xAB, s9;
	s11 =	sshrl.u32 s11, $0xA;
	[tilespmem:s3+$0x3C0] =	vst v1  }
0x5a9: {  	s12 =	sshrl.u32 s12, $0xA;
	s14 =	smul.u32 $0x6, s11;
	v1 =	vld [tilespmem:s7+$0x1D0];
	[tilespmem:s1+$0x370] =	vst v0  }
0x5aa: {  	s10 =	smul.u32 $0xAB, s10;
	s12 =	sand.u32 $0x3F, s12;
	s9 =	sshrl.u32 s9, $0xA;
	[tilespmem:s28+$0x350] =	vst v3  }
0x5ab: {  	s4 =	ssub.s32 s4, s14;
	s14 =	smul.u32 $0x3000, s11;
	[tilespmem:s28+$0x3D0] =	vst v3  }
0x5ac: {  	s10 =	sshrl.u32 s10, $0xA;
	s9 =	smul.u32 $0x6, s9;
	s16 =	sand.u32 $0xFF, s4;
	v3 =	vld [tilespmem:s6+$0x1E0];
	[tilespmem:s26+$0xC350] =	vst v2  }
0x5ad: {  	s17 =	smul.u32 $0x6, s10;
	s4 =	sshrl.u32 s14, $0x2;
	s14 =	sshll.u32 s16, $0x9;
	[tilespmem:s26+$0xC3D0] =	vst v2  }
0x5ae: {  	s18 =	smul.u32 $0x6, s12;
	s2 =	ssub.s32 s2, s9;
	s4 =	sadd.s32 s14, s4;
	[tilespmem:s3+$0x350] =	vst v1;
	v2 =	vld [tilespmem:s13+$0x31E0]  }
0x5af: {  	s9 =	smul.u32 $0x3000, s12;
	s14 =	sand.u32 $0xFF, s2;
	s2 =	ssub.s32 s8, s17;
	v4 =	vld [tilespmem:s4+$0x3000];
	[tilespmem:s3+$0x3D0] =	vst v1  }
0x5b0: {  	s8 =	ssub.s32 s0, s18;
	s17 =	sand.u32 $0xFF, s2;
	s2 =	smul.u32 $0x6000, s11;
	v1 =	vld [tilespmem:s7+$0x1E0];
	[tilespmem:s1+$0x3F0] =	vst v0  }
0x5b1: {  	s1 =	sand.u32 $0xFF, s8;
	s8 =	sshrl.u32 s9, $0x2;
	s9 =	smul.u32 $0x3000, s10;
	[tilespmem:s28+$0x360] =	vst v3  }
0x5b2: {  	s16 =	sshll.u32 s16, $0xA;
	s11 =	sshll.u32 s14, $0x9;
	s2 =	sshrl.u32 s2, $0x2;
	[tilespmem:s28+$0x3E0] =	vst v3  }
0x5b3: {  	s19 =	sshll.u32 s17, $0x9;
	s18 =	sshll.u32 s1, $0x9;
	s2 =	sadd.s32 s16, s2;
	v0 =	vld [tilespmem:s6+$0x1F0];
	[tilespmem:s26+$0xC360] =	vst v2  }
0x5b4: {  	s9 =	sshrl.u32 s9, $0x2;
	s6 =	sadd.s32 $0x3000, s8;
	s8 =	smul.u32 $0x6000, s12;
	[tilespmem:s2+$0xC000] =	vst v4  }
0x5b5: {  	s9 =	sadd.s32 s19, s9;
	s12 =	sadd.s32 s18, s6;
	s6 =	sadd.s32 s11, s6;
	[tilespmem:s2+$0xC080] =	vst v4  }
0x5b6: {  	s10 =	smul.u32 $0x6000, s10;
	s11 =	sshll.u32 s14, $0xA;
	s8 =	sshrl.u32 s8, $0x2;
	v3 =	vld [tilespmem:s4+$0x3010];
	[tilespmem:s26+$0xC3E0] =	vst v2  }
0x5b7: {  	s1 =	sshll.u32 s1, $0xA;
	s14 =	sshll.u32 s17, $0xA;
	s8 =	sadd.s32 $0xC000, s8;
	v2 =	vld [tilespmem:s6+$0x0];
	[tilespmem:s3+$0x360] =	vst v1  }
0x5b8: {  	s16 =	sadd.s32 s1, s8;
	s8 =	sadd.s32 s11, s8;
	s1 =	sshrl.u32 s10, $0x2;
	v4 =	vld [tilespmem:s9+$0x3000];
	[tilespmem:s3+$0x3E0] =	vst v1  }
0x5b9: {  	s14 =	sadd.s32 s14, s1;
	s1 =	smov.u32 s3;
	s3 =	smov.u32 s16;
	v5 =	vld [tilespmem:s12+$0x0];
	[tilespmem:s28+$0x370] =	vst v0  }
0x5ba: {  	[tilespmem:s28+$0x3F0] =	vst v0;
	v1 =	vld [tilespmem:s13+$0x31F0];
	s13 =	smov.u32 s9;
	s28 =	smov.u32 s8  }
0x5bb: {  	[tilespmem:s2+$0xC010] =	vst v3;
	v0 =	vld [tilespmem:s7+$0x1F0];
	s7 =	smov.u32 s12  }
0x5bc: {  	[tilespmem:s2+$0xC090] =	vst v3  }
0x5bd: {  	[tilespmem:s28+$0x0] =	vst v2;
	v3 =	vld [tilespmem:s4+$0x3020]  }
0x5be: {  	[tilespmem:s28+$0x80] =	vst v2  }
0x5bf: {  	v2 =	vld [tilespmem:s6+$0x10];
	[tilespmem:s14+$0xC000] =	vst v4  }
0x5c0: {  	[tilespmem:s14+$0xC080] =	vst v4  }
0x5c1: {  	[tilespmem:s3+$0x0] =	vst v5;
	v4 =	vld [tilespmem:s13+$0x3010]  }
0x5c2: {  	[tilespmem:s2+$0xC020] =	vst v3  }
0x5c3: {  	[tilespmem:s2+$0xC0A0] =	vst v3  }
0x5c4: {  	[tilespmem:s3+$0x80] =	vst v5;
	v3 =	vld [tilespmem:s4+$0x3030]  }
0x5c5: {  	v5 =	vld [tilespmem:s7+$0x10];
	[tilespmem:s28+$0x10] =	vst v2  }
0x5c6: {  	[tilespmem:s28+$0x90] =	vst v2  }
0x5c7: {  	v2 =	vld [tilespmem:s6+$0x20];
	[tilespmem:s14+$0xC010] =	vst v4  }
0x5c8: {  	[tilespmem:s14+$0xC090] =	vst v4  }
0x5c9: {  	v4 =	vld [tilespmem:s13+$0x3020];
	[tilespmem:s2+$0xC030] =	vst v3  }
0x5ca: {  	[tilespmem:s2+$0xC0B0] =	vst v3  }
0x5cb: {  	[tilespmem:s3+$0x10] =	vst v5;
	v3 =	vld [tilespmem:s4+$0x3040]  }
0x5cc: {  	[tilespmem:s3+$0x90] =	vst v5  }
0x5cd: {  	v5 =	vld [tilespmem:s7+$0x20];
	[tilespmem:s28+$0x20] =	vst v2  }
0x5ce: {  	[tilespmem:s28+$0xA0] =	vst v2  }
0x5cf: {  	v2 =	vld [tilespmem:s6+$0x30];
	[tilespmem:s14+$0xC020] =	vst v4  }
0x5d0: {  	[tilespmem:s2+$0xC040] =	vst v3  }
0x5d1: {  	[tilespmem:s2+$0xC0C0] =	vst v3  }
0x5d2: {  	[tilespmem:s14+$0xC0A0] =	vst v4;
	v3 =	vld [tilespmem:s4+$0x3050]  }
0x5d3: {  	[tilespmem:s3+$0x20] =	vst v5;
	v4 =	vld [tilespmem:s13+$0x3030]  }
0x5d4: {  	[tilespmem:s3+$0xA0] =	vst v5  }
0x5d5: {  	v5 =	vld [tilespmem:s7+$0x30];
	[tilespmem:s28+$0x30] =	vst v2  }
0x5d6: {  	[tilespmem:s28+$0xB0] =	vst v2  }
0x5d7: {  	v2 =	vld [tilespmem:s6+$0x40];
	[tilespmem:s2+$0xC050] =	vst v3  }
0x5d8: {  	[tilespmem:s2+$0xC0D0] =	vst v3  }
0x5d9: {  	[tilespmem:s14+$0xC030] =	vst v4;
	v3 =	vld [tilespmem:s4+$0x3060]  }
0x5da: {  	[tilespmem:s14+$0xC0B0] =	vst v4  }
0x5db: {  	[tilespmem:s3+$0x30] =	vst v5;
	v4 =	vld [tilespmem:s13+$0x3040]  }
0x5dc: {  	[tilespmem:s3+$0xB0] =	vst v5  }
0x5dd: {  	v5 =	vld [tilespmem:s7+$0x40];
	[tilespmem:s28+$0x40] =	vst v2  }
0x5de: {  	[tilespmem:s2+$0xC060] =	vst v3  }
0x5df: {  	[tilespmem:s2+$0xC0E0] =	vst v3  }
0x5e0: {  	[tilespmem:s28+$0xC0] =	vst v2;
	v2 =	vld [tilespmem:s4+$0x3070]  }
0x5e1: {  	v3 =	vld [tilespmem:s6+$0x50];
	[tilespmem:s14+$0xC040] =	vst v4  }
0x5e2: {  	[tilespmem:s14+$0xC0C0] =	vst v4  }
0x5e3: {  	[tilespmem:s3+$0x40] =	vst v5;
	v4 =	vld [tilespmem:s13+$0x3050]  }
0x5e4: {  	[tilespmem:s3+$0xC0] =	vst v5  }
0x5e5: {  	v5 =	vld [tilespmem:s7+$0x50];
	[tilespmem:s2+$0xC070] =	vst v2  }
0x5e6: {  	[tilespmem:s2+$0xC0F0] =	vst v2  }
0x5e7: {  	[tilespmem:s28+$0x50] =	vst v3;
	v2 =	vld [tilespmem:s4+$0x3080]  }
0x5e8: {  	[tilespmem:s28+$0xD0] =	vst v3  }
0x5e9: {  	v3 =	vld [tilespmem:s6+$0x60];
	[tilespmem:s14+$0xC050] =	vst v4  }
0x5ea: {  	[tilespmem:s14+$0xC0D0] =	vst v4  }
0x5eb: {  	[tilespmem:s3+$0x50] =	vst v5;
	v4 =	vld [tilespmem:s13+$0x3060]  }
0x5ec: {  	[tilespmem:s2+$0xC100] =	vst v2  }
0x5ed: {  	[tilespmem:s2+$0xC180] =	vst v2  }
0x5ee: {  	[tilespmem:s3+$0xD0] =	vst v5;
	v2 =	vld [tilespmem:s4+$0x3090]  }
0x5ef: {  	v5 =	vld [tilespmem:s7+$0x60];
	[tilespmem:s28+$0x60] =	vst v3  }
0x5f0: {  	[tilespmem:s28+$0xE0] =	vst v3  }
0x5f1: {  	v3 =	vld [tilespmem:s6+$0x70];
	[tilespmem:s14+$0xC060] =	vst v4  }
0x5f2: {  	[tilespmem:s14+$0xC0E0] =	vst v4  }
0x5f3: {  	v4 =	vld [tilespmem:s13+$0x3070];
	[tilespmem:s2+$0xC110] =	vst v2  }
0x5f4: {  	[tilespmem:s2+$0xC190] =	vst v2  }
0x5f5: {  	[tilespmem:s3+$0x60] =	vst v5;
	v2 =	vld [tilespmem:s4+$0x30A0]  }
0x5f6: {  	[tilespmem:s3+$0xE0] =	vst v5  }
0x5f7: {  	v5 =	vld [tilespmem:s7+$0x70];
	[tilespmem:s28+$0x70] =	vst v3  }
0x5f8: {  	[tilespmem:s28+$0xF0] =	vst v3  }
0x5f9: {  	v3 =	vld [tilespmem:s6+$0x80];
	[tilespmem:s14+$0xC070] =	vst v4  }
0x5fa: {  	[tilespmem:s2+$0xC120] =	vst v2  }
0x5fb: {  	[tilespmem:s2+$0xC1A0] =	vst v2  }
0x5fc: {  	[tilespmem:s14+$0xC0F0] =	vst v4;
	v2 =	vld [tilespmem:s4+$0x30B0]  }
0x5fd: {  	[tilespmem:s3+$0x70] =	vst v5;
	v4 =	vld [tilespmem:s13+$0x3080]  }
0x5fe: {  	[tilespmem:s3+$0xF0] =	vst v5  }
0x5ff: {  	v5 =	vld [tilespmem:s7+$0x80];
	[tilespmem:s28+$0x100] =	vst v3  }
0x600: {  	[tilespmem:s28+$0x180] =	vst v3  }
0x601: {  	v3 =	vld [tilespmem:s6+$0x90];
	[tilespmem:s2+$0xC130] =	vst v2  }
0x602: {  	[tilespmem:s2+$0xC1B0] =	vst v2  }
0x603: {  	[tilespmem:s14+$0xC100] =	vst v4;
	v2 =	vld [tilespmem:s4+$0x30C0]  }
0x604: {  	[tilespmem:s14+$0xC180] =	vst v4  }
0x605: {  	[tilespmem:s3+$0x100] =	vst v5;
	v4 =	vld [tilespmem:s13+$0x3090]  }
0x606: {  	[tilespmem:s3+$0x180] =	vst v5  }
0x607: {  	v5 =	vld [tilespmem:s7+$0x90];
	[tilespmem:s28+$0x110] =	vst v3  }
0x608: {  	[tilespmem:s2+$0xC140] =	vst v2  }
0x609: {  	[tilespmem:s2+$0xC1C0] =	vst v2  }
0x60a: {  	[tilespmem:s28+$0x190] =	vst v3;
	v2 =	vld [tilespmem:s4+$0x30D0]  }
0x60b: {  	v3 =	vld [tilespmem:s6+$0xA0];
	[tilespmem:s14+$0xC110] =	vst v4  }
0x60c: {  	[tilespmem:s14+$0xC190] =	vst v4  }
0x60d: {  	[tilespmem:s3+$0x110] =	vst v5;
	v4 =	vld [tilespmem:s13+$0x30A0]  }
0x60e: {  	[tilespmem:s3+$0x190] =	vst v5  }
0x60f: {  	v5 =	vld [tilespmem:s7+$0xA0];
	[tilespmem:s2+$0xC150] =	vst v2  }
0x610: {  	[tilespmem:s2+$0xC1D0] =	vst v2  }
0x611: {  	[tilespmem:s28+$0x120] =	vst v3;
	v2 =	vld [tilespmem:s4+$0x30E0]  }
0x612: {  	[tilespmem:s28+$0x1A0] =	vst v3  }
0x613: {  	v3 =	vld [tilespmem:s6+$0xB0];
	[tilespmem:s14+$0xC120] =	vst v4  }
0x614: {  	[tilespmem:s14+$0xC1A0] =	vst v4  }
0x615: {  	[tilespmem:s3+$0x120] =	vst v5;
	v4 =	vld [tilespmem:s13+$0x30B0]  }
0x616: {  	[tilespmem:s2+$0xC160] =	vst v2  }
0x617: {  	[tilespmem:s2+$0xC1E0] =	vst v2  }
0x618: {  	[tilespmem:s3+$0x1A0] =	vst v5;
	v2 =	vld [tilespmem:s4+$0x30F0]  }
0x619: {  	v5 =	vld [tilespmem:s7+$0xB0];
	[tilespmem:s28+$0x130] =	vst v3  }
0x61a: {  	[tilespmem:s28+$0x1B0] =	vst v3  }
0x61b: {  	v3 =	vld [tilespmem:s6+$0xC0];
	[tilespmem:s14+$0xC130] =	vst v4  }
0x61c: {  	[tilespmem:s14+$0xC1B0] =	vst v4  }
0x61d: {  	v4 =	vld [tilespmem:s13+$0x30C0];
	[tilespmem:s2+$0xC170] =	vst v2  }
0x61e: {  	[tilespmem:s2+$0xC1F0] =	vst v2  }
0x61f: {  	[tilespmem:s3+$0x130] =	vst v5;
	v2 =	vld [tilespmem:s4+$0x3100]  }
0x620: {  	[tilespmem:s3+$0x1B0] =	vst v5  }
0x621: {  	v5 =	vld [tilespmem:s7+$0xC0];
	[tilespmem:s28+$0x140] =	vst v3  }
0x622: {  	[tilespmem:s28+$0x1C0] =	vst v3  }
0x623: {  	v3 =	vld [tilespmem:s6+$0xD0];
	[tilespmem:s14+$0xC140] =	vst v4  }
0x624: {  	[tilespmem:s2+$0xC200] =	vst v2  }
0x625: {  	[tilespmem:s2+$0xC280] =	vst v2  }
0x626: {  	[tilespmem:s14+$0xC1C0] =	vst v4;
	v2 =	vld [tilespmem:s4+$0x3110]  }
0x627: {  	[tilespmem:s3+$0x140] =	vst v5;
	v4 =	vld [tilespmem:s13+$0x30D0]  }
0x628: {  	[tilespmem:s3+$0x1C0] =	vst v5  }
0x629: {  	v5 =	vld [tilespmem:s7+$0xD0];
	[tilespmem:s28+$0x150] =	vst v3  }
0x62a: {  	[tilespmem:s28+$0x1D0] =	vst v3  }
0x62b: {  	v3 =	vld [tilespmem:s6+$0xE0];
	[tilespmem:s2+$0xC210] =	vst v2  }
0x62c: {  	[tilespmem:s2+$0xC290] =	vst v2  }
0x62d: {  	[tilespmem:s14+$0xC150] =	vst v4;
	v2 =	vld [tilespmem:s4+$0x3120]  }
0x62e: {  	[tilespmem:s14+$0xC1D0] =	vst v4  }
0x62f: {  	[tilespmem:s3+$0x150] =	vst v5;
	v4 =	vld [tilespmem:s13+$0x30E0]  }
0x630: {  	[tilespmem:s3+$0x1D0] =	vst v5  }
0x631: {  	v5 =	vld [tilespmem:s7+$0xE0];
	[tilespmem:s28+$0x160] =	vst v3  }
0x632: {  	[tilespmem:s2+$0xC220] =	vst v2  }
0x633: {  	[tilespmem:s2+$0xC2A0] =	vst v2  }
0x634: {  	[tilespmem:s28+$0x1E0] =	vst v3;
	v2 =	vld [tilespmem:s4+$0x3130]  }
0x635: {  	v3 =	vld [tilespmem:s6+$0xF0];
	[tilespmem:s14+$0xC160] =	vst v4  }
0x636: {  	[tilespmem:s14+$0xC1E0] =	vst v4  }
0x637: {  	[tilespmem:s3+$0x160] =	vst v5;
	v4 =	vld [tilespmem:s13+$0x30F0]  }
0x638: {  	[tilespmem:s3+$0x1E0] =	vst v5  }
0x639: {  	v5 =	vld [tilespmem:s7+$0xF0];
	[tilespmem:s2+$0xC230] =	vst v2  }
0x63a: {  	[tilespmem:s2+$0xC2B0] =	vst v2  }
0x63b: {  	[tilespmem:s28+$0x170] =	vst v3;
	v2 =	vld [tilespmem:s4+$0x3140]  }
0x63c: {  	[tilespmem:s28+$0x1F0] =	vst v3  }
0x63d: {  	v3 =	vld [tilespmem:s6+$0x100];
	[tilespmem:s14+$0xC170] =	vst v4  }
0x63e: {  	[tilespmem:s14+$0xC1F0] =	vst v4  }
0x63f: {  	[tilespmem:s3+$0x170] =	vst v5;
	v4 =	vld [tilespmem:s13+$0x3100]  }
0x640: {  	[tilespmem:s2+$0xC240] =	vst v2  }
0x641: {  	[tilespmem:s2+$0xC2C0] =	vst v2  }
0x642: {  	[tilespmem:s3+$0x1F0] =	vst v5;
	v2 =	vld [tilespmem:s4+$0x3150]  }
0x643: {  	v5 =	vld [tilespmem:s7+$0x100];
	[tilespmem:s28+$0x200] =	vst v3  }
0x644: {  	[tilespmem:s28+$0x280] =	vst v3  }
0x645: {  	v3 =	vld [tilespmem:s6+$0x110];
	[tilespmem:s14+$0xC200] =	vst v4  }
0x646: {  	[tilespmem:s14+$0xC280] =	vst v4  }
0x647: {  	v4 =	vld [tilespmem:s13+$0x3110];
	[tilespmem:s2+$0xC250] =	vst v2  }
0x648: {  	[tilespmem:s2+$0xC2D0] =	vst v2  }
0x649: {  	[tilespmem:s3+$0x200] =	vst v5;
	v2 =	vld [tilespmem:s4+$0x3160]  }
0x64a: {  	[tilespmem:s3+$0x280] =	vst v5  }
0x64b: {  	v5 =	vld [tilespmem:s7+$0x110];
	[tilespmem:s28+$0x210] =	vst v3  }
0x64c: {  	[tilespmem:s28+$0x290] =	vst v3  }
0x64d: {  	v3 =	vld [tilespmem:s6+$0x120];
	[tilespmem:s14+$0xC210] =	vst v4  }
0x64e: {  	[tilespmem:s2+$0xC260] =	vst v2  }
0x64f: {  	[tilespmem:s2+$0xC2E0] =	vst v2  }
0x650: {  	[tilespmem:s14+$0xC290] =	vst v4;
	v2 =	vld [tilespmem:s4+$0x3170]  }
0x651: {  	[tilespmem:s3+$0x210] =	vst v5;
	v4 =	vld [tilespmem:s13+$0x3120]  }
0x652: {  	[tilespmem:s3+$0x290] =	vst v5  }
0x653: {  	v5 =	vld [tilespmem:s7+$0x120];
	[tilespmem:s28+$0x220] =	vst v3  }
0x654: {  	[tilespmem:s28+$0x2A0] =	vst v3  }
0x655: {  	v3 =	vld [tilespmem:s6+$0x130];
	[tilespmem:s2+$0xC270] =	vst v2  }
0x656: {  	[tilespmem:s2+$0xC2F0] =	vst v2  }
0x657: {  	[tilespmem:s14+$0xC220] =	vst v4;
	v2 =	vld [tilespmem:s4+$0x3180]  }
0x658: {  	[tilespmem:s14+$0xC2A0] =	vst v4  }
0x659: {  	[tilespmem:s3+$0x220] =	vst v5;
	v4 =	vld [tilespmem:s13+$0x3130]  }
0x65a: {  	[tilespmem:s3+$0x2A0] =	vst v5  }
0x65b: {  	v5 =	vld [tilespmem:s7+$0x130];
	[tilespmem:s28+$0x230] =	vst v3  }
0x65c: {  	[tilespmem:s2+$0xC300] =	vst v2  }
0x65d: {  	[tilespmem:s2+$0xC380] =	vst v2  }
0x65e: {  	[tilespmem:s28+$0x2B0] =	vst v3;
	v2 =	vld [tilespmem:s4+$0x3190]  }
0x65f: {  	v3 =	vld [tilespmem:s6+$0x140];
	[tilespmem:s14+$0xC230] =	vst v4  }
0x660: {  	[tilespmem:s14+$0xC2B0] =	vst v4  }
0x661: {  	[tilespmem:s3+$0x230] =	vst v5;
	v4 =	vld [tilespmem:s13+$0x3140]  }
0x662: {  	[tilespmem:s3+$0x2B0] =	vst v5  }
0x663: {  	v5 =	vld [tilespmem:s7+$0x140];
	[tilespmem:s2+$0xC310] =	vst v2  }
0x664: {  	[tilespmem:s2+$0xC390] =	vst v2  }
0x665: {  	[tilespmem:s28+$0x240] =	vst v3;
	v2 =	vld [tilespmem:s4+$0x31A0]  }
0x666: {  	[tilespmem:s28+$0x2C0] =	vst v3  }
0x667: {  	v3 =	vld [tilespmem:s6+$0x150];
	[tilespmem:s14+$0xC240] =	vst v4  }
0x668: {  	[tilespmem:s14+$0xC2C0] =	vst v4  }
0x669: {  	[tilespmem:s3+$0x240] =	vst v5;
	v4 =	vld [tilespmem:s13+$0x3150]  }
0x66a: {  	[tilespmem:s2+$0xC320] =	vst v2  }
0x66b: {  	[tilespmem:s2+$0xC3A0] =	vst v2  }
0x66c: {  	[tilespmem:s3+$0x2C0] =	vst v5;
	v2 =	vld [tilespmem:s4+$0x31B0]  }
0x66d: {  	v5 =	vld [tilespmem:s7+$0x150];
	[tilespmem:s28+$0x250] =	vst v3  }
0x66e: {  	[tilespmem:s28+$0x2D0] =	vst v3  }
0x66f: {  	v3 =	vld [tilespmem:s6+$0x160];
	[tilespmem:s14+$0xC250] =	vst v4  }
0x670: {  	[tilespmem:s14+$0xC2D0] =	vst v4  }
0x671: {  	v4 =	vld [tilespmem:s13+$0x3160];
	[tilespmem:s2+$0xC330] =	vst v2  }
0x672: {  	[tilespmem:s2+$0xC3B0] =	vst v2  }
0x673: {  	[tilespmem:s3+$0x250] =	vst v5;
	v2 =	vld [tilespmem:s4+$0x31C0]  }
0x674: {  	[tilespmem:s3+$0x2D0] =	vst v5  }
0x675: {  	v5 =	vld [tilespmem:s7+$0x160];
	[tilespmem:s28+$0x260] =	vst v3  }
0x676: {  	[tilespmem:s28+$0x2E0] =	vst v3  }
0x677: {  	v3 =	vld [tilespmem:s6+$0x170];
	[tilespmem:s14+$0xC260] =	vst v4  }
0x678: {  	[tilespmem:s2+$0xC340] =	vst v2  }
0x679: {  	[tilespmem:s2+$0xC3C0] =	vst v2  }
0x67a: {  	[tilespmem:s14+$0xC2E0] =	vst v4;
	v2 =	vld [tilespmem:s4+$0x31D0]  }
0x67b: {  	[tilespmem:s3+$0x260] =	vst v5;
	v4 =	vld [tilespmem:s13+$0x3170]  }
0x67c: {  	[tilespmem:s3+$0x2E0] =	vst v5  }
0x67d: {  	v5 =	vld [tilespmem:s7+$0x170];
	[tilespmem:s28+$0x270] =	vst v3  }
0x67e: {  	[tilespmem:s28+$0x2F0] =	vst v3  }
0x67f: {  	v3 =	vld [tilespmem:s6+$0x180];
	[tilespmem:s2+$0xC350] =	vst v2  }
0x680: {  	[tilespmem:s2+$0xC3D0] =	vst v2  }
0x681: {  	[tilespmem:s14+$0xC270] =	vst v4;
	v2 =	vld [tilespmem:s4+$0x31E0]  }
0x682: {  	[tilespmem:s14+$0xC2F0] =	vst v4  }
0x683: {  	[tilespmem:s3+$0x270] =	vst v5;
	v4 =	vld [tilespmem:s13+$0x3180]  }
0x684: {  	[tilespmem:s3+$0x2F0] =	vst v5  }
0x685: {  	v5 =	vld [tilespmem:s7+$0x180];
	[tilespmem:s28+$0x300] =	vst v3  }
0x686: {  	[tilespmem:s2+$0xC360] =	vst v2  }
0x687: {  	[tilespmem:s2+$0xC3E0] =	vst v2  }
0x688: {  	[tilespmem:s28+$0x380] =	vst v3;
	v6 =	vld [tilespmem:s4+$0x31F0]  }
0x689: {  	v2 =	vld [tilespmem:s6+$0x190];
	[tilespmem:s14+$0xC300] =	vst v4  }
0x68a: {  	[tilespmem:s14+$0xC380] =	vst v4  }
0x68b: {  	[tilespmem:s3+$0x300] =	vst v5;
	v3 =	vld [tilespmem:s13+$0x3190]  }
0x68c: {  	[tilespmem:s3+$0x380] =	vst v5  }
0x68d: {  	v4 =	vld [tilespmem:s7+$0x190];
	[tilespmem:s2+$0xC3F0] =	vst v6  }
0x68e: {  	[tilespmem:s28+$0x310] =	vst v2  }
0x68f: {  	[tilespmem:s28+$0x390] =	vst v2  }
0x690: {  	v2 =	vld [tilespmem:s6+$0x1A0];
	[tilespmem:s14+$0xC310] =	vst v3  }
0x691: {  	[tilespmem:s14+$0xC390] =	vst v3  }
0x692: {  	[tilespmem:s3+$0x310] =	vst v4;
	v3 =	vld [tilespmem:s13+$0x31A0]  }
0x693: {  	[tilespmem:s3+$0x390] =	vst v4  }
0x694: {  	v4 =	vld [tilespmem:s7+$0x1A0];
	[tilespmem:s26+$0xC370] =	vst v1  }
0x695: {  	[tilespmem:s28+$0x320] =	vst v2  }
0x696: {  	[tilespmem:s28+$0x3A0] =	vst v2  }
0x697: {  	v2 =	vld [tilespmem:s6+$0x1B0];
	[tilespmem:s14+$0xC320] =	vst v3  }
0x698: {  	[tilespmem:s14+$0xC3A0] =	vst v3  }
0x699: {  	[tilespmem:s3+$0x320] =	vst v4;
	v5 =	vld [tilespmem:s13+$0x31B0]  }
0x69a: {  	[tilespmem:s3+$0x3A0] =	vst v4  }
0x69b: {  	v4 =	vld [tilespmem:s7+$0x1B0];
	[tilespmem:s26+$0xC3F0] =	vst v1;
	s26 =	smov.u32 s14  }
0x69c: {  	[tilespmem:s28+$0x330] =	vst v2  }
0x69d: {  	[tilespmem:s28+$0x3B0] =	vst v2  }
.Ltmp6:
0x69e: {  	v3 =	vld [tilespmem:s6+$0x1C0];
	[tilespmem:s26+$0xC330] =	vst v5;
	(pc) =	sbr.rel @p0 .LBB2_9-.Ltmp6, $4  }
0x69f: {  	[tilespmem:s26+$0xC3B0] =	vst v5  }
0x6a0: {  	[tilespmem:s3+$0x330] =	vst v4;
	v2 =	vld [tilespmem:s13+$0x31C0]  }
0x6a1: {  	[tilespmem:s3+$0x3B0] =	vst v4  }
0x6a2: {  	v1 =	vld [tilespmem:s7+$0x1C0];
	[tilespmem:s2+$0xC370] =	vst v6  }
0x6a3: {  	[tilespmem:s28+$0x340] =	vst v3  }
0x6a4: {  	[tilespmem:s28+$0x3C0] =	vst v3  }
0x6a5: {  	v3 =	vld [tilespmem:s6+$0x1D0];
	[tilespmem:s26+$0xC340] =	vst v2  }
0x6a6: {  	[tilespmem:s26+$0xC3C0] =	vst v2  }
0x6a7: {  	v2 =	vld [tilespmem:s13+$0x31D0];
	[tilespmem:s3+$0x340] =	vst v1  }
0x6a8: {  	[tilespmem:s3+$0x3C0] =	vst v1  }
0x6a9: {  	v1 =	vld [tilespmem:s7+$0x1D0]  }
0x6aa: {  	[tilespmem:s28+$0x350] =	vst v3  }
0x6ab: {  	[tilespmem:s28+$0x3D0] =	vst v3  }
0x6ac: {  	v3 =	vld [tilespmem:s6+$0x1E0];
	[tilespmem:s26+$0xC350] =	vst v2  }
0x6ad: {  	[tilespmem:s26+$0xC3D0] =	vst v2  }
0x6ae: {  	v2 =	vld [tilespmem:s13+$0x31E0];
	[tilespmem:s3+$0x350] =	vst v1  }
0x6af: {  	[tilespmem:s3+$0x3D0] =	vst v1  }
0x6b0: {  	[tilespmem:s1+$0x370] =	vst v0;
	v1 =	vld [tilespmem:s7+$0x1E0]  }
0x6b1: {  	[tilespmem:s28+$0x360] =	vst v3  }
0x6b2: {  	[tilespmem:s28+$0x3E0] =	vst v3  }
0x6b3: {  	v3 =	vld [tilespmem:s6+$0x1F0];
	[tilespmem:s26+$0xC360] =	vst v2  }
0x6b4: {  	[tilespmem:s26+$0xC3E0] =	vst v2  }
0x6b5: {  	v2 =	vld [tilespmem:s13+$0x31F0];
	[tilespmem:s3+$0x360] =	vst v1  }
0x6b6: {  	[tilespmem:s3+$0x3E0] =	vst v1  }
0x6b7: {  	[tilespmem:s1+$0x3F0] =	vst v0;
	v63 =	vld [tilespmem:s7+$0x1F0]  }
0x6b8: {  	[tilespmem:s28+$0x370] =	vst v3  }
0x6b9: {  	[tilespmem:s28+$0x3F0] =	vst v3  }
0x6ba: {  	[tilespmem:s26+$0xC370] =	vst v2  }
0x6bb: {  	[tilespmem:s26+$0xC3F0] =	vst v2  }
0x6bc: {  	[tilespmem:s3+$0x370] =	vst v63  }
0x6bd: {  	s0 =	sadd.s32 $0x1800, s31;
	s14 =	simm.s32 $0xC000;
	[tilespmem:s3+$0x3F0] =	vst v63  }
0x6be: {  	[hbm4b:s0+s5] =	stream.linear.scatter [tilespmem:s14], [sflag:$0x4], $0x1800, $0x38;
	[tilespmem:$0x12000] =	vst v63  }
0x6bf: {  	s16 =	sadd.s32 $0x1B00, s31  }
0x6c0: {  	[hbm4b:s16+s5] =	stream.linear.scatter [tilespmem:s14], [sflag:$0x4], $0x1800, $0x38;
	[tilespmem:$0x12000] =	vst v63  }
0x6c1: {  	s17 =	sadd.s32 $0x1E00, s31  }
0x6c2: {  	[hbm4b:s17+s5] =	stream.linear.scatter [tilespmem:s23], [sflag:$0x4], $0x1800, $0x38;
	[tilespmem:$0x12000] =	vst v63  }
0x6c3: {  	s18 =	sadd.s32 $0x2100, s31  }
0x6c4: {  	[hbm4b:s18+s5] =	stream.linear.scatter [tilespmem:s23], [sflag:$0x4], $0x1800, $0x38;
	[tilespmem:$0x12000] =	vst v63  }
0x6c5: {  	s19 =	sadd.s32 $0x2400, s31  }
0x6c6: {  	[hbm4b:s19+s5] =	stream.linear.scatter [tilespmem:s24], [sflag:$0x4], $0x1800, $0x38;
	[tilespmem:$0x12000] =	vst v63  }
0x6c7: {  	p0 =	seq.s32 s29, $0xF;
	s26 =	sadd.s32 $0x2700, s31  }
0x6c8: {  	[hbm4b:s26+s5] =	stream.linear.scatter [tilespmem:s24], [sflag:$0x4], $0x1800, $0x38;
	[tilespmem:$0x12000] =	vst v63  }
.Ltmp7:
0x6c9: {  	_ = 	snop;
	(pc) =	sbr.rel @p0 .LBB2_12-.Ltmp7, $4  }
0x6ca: {  	s28 =	sadd.s32 $0x2A00, s31  }
0x6cb: {  	[hbm4b:s28+s5] =	stream.linear.scatter [tilespmem:s25], [sflag:$0x4], $0x1800, $0x38;
	[tilespmem:$0x12000] =	vst v63  }
0x6cc: {  	s31 =	sadd.s32 $0x2D00, s31  }
0x6cd: {  	[hbm4b:s31+s5] =	stream.linear.scatter [tilespmem:s25], [sflag:$0x4], $0x1800, $0x38;
	[tilespmem:$0x12000] =	vst v63  }
0x6ce: {  	s0 =	smul.u32 $0x3000, s30  }
.Ltmp8:
0x6cf: {  	_ = 	snop;
	(pc) =	sbr.rel .LBB2_2-.Ltmp8, $4  }
0x6d0: {  	s1 =	rddreg [dreg:$0x0];
	s0 =	sshrl.u32 s0, $0x3  }
0x6d1: {  	s0 =	sadd.s32 s1, s0  }
0x6d2: {  	s31 =	simm.s32 $0x3000;
	s29 =	sadd.s32 $0x1, s29;
	s0 =	sadd.s32 $0x1200, s0  }
0x6d3: {  	[tilespmem:s31], [sflag:$0x2] =	stream.linear.gather [hbm4b:s0+s5], $0x3000, $0x38;
	[tilespmem:$0x12000] =	vst v63  }
.LBB2_13:
0x6d4: {  	_ =	sfence.sel $0x180000  }
0x6d5: {  	[bflag:$0x0] =	sbarrier.arrive $0xFFFF  }
0x6d6: {  	_ =	strace $0x90000047  }
0x6d7: {  	s0 =	stileid.u32;
	[bflag:$0x2] =	sbarrier.arrive $0xFFFF  }
0x6d8: {  	p0 =	sne.s32 s0, $0x0;
	s0 =	rddreg [dreg:$0x2]  }
0x6d9: {  	s0 =	sadd.s32 @!p0 $0x100000, s0  }
0x6da: {  	[sflag:s0] =	ssyncadd.tile.s32 @!p0 $0x1;
	_ =	shalt  }
.Lfunc_end2:
_tile_overlayer_lowered:
.L_overlay_start_2:
0x6db: {  	(tag) =	ssettag $0x2  }
0x6dc: {  	s0 =	rddreg [dreg:$0x0];
	s2 =	stileid.u32  }
0x6dd: {  	s1 =	rddreg [dreg:$0x1];
	p0 =	sne.s32 s2, $0x0  }
0x6de: {  	s3 =	rddreg [dreg:$0x2];
	[bflag:$0x3] =	sbarrier.arrive $0xFFFF;
	s2 =	simm.s32 @!p0 $0x1C05  }
0x6df: {  	[timem:s3], [sflag:s2] =	dma.local @!p0 [hbm:s0], s1  }
0x6e0: {  	s0 =	simm.s32 @!p0 $0x5  }
0x6e1: {  	_ =	swait.ge @!p0 [sflag:s0], s1  }
0x6e2: {  	s1 =	ssub.s32 @!p0 $0x0, s1;
	[sflag:s0] =	ssyncset.done @!p0 $0x0  }
0x6e3: {  	[sflag:s0] =	ssyncadd.s32 @!p0 s1  }
0x6e4: {  	[bflag:$0x3] =	sbarrier.arrive $0xFFFF  }
0x6e5: {  	_ =	shalt  }

</sc_bundles>
